<compile_context>
chip_gen: v7x
topology: tpu7x:2x2x1
jax: 0.10.2.dev20260603
libtpu: 0.0.44.dev20260713+nightly
codegen_flags: <defaults>
</compile_context>

<pallas_src>
import functools

import jax
import jax.numpy as jnp
from jax import lax
from jax.experimental import pallas as pl
from jax.experimental.pallas import tpu as pltpu
from jax.experimental.pallas import tpu_sc as plsc

_NBUF = 4
_LB = 128


def _make_format(D, VP, nc, ns, kk):
    nw = nc * ns
    nblocks = VP // _LB
    per_w = nblocks // nw
    steps = per_w // kk
    groups = steps // 2
    bw = _LB * D
    ch = kk * bw
    mesh = plsc.VectorSubcoreMesh(core_axis_name="c", subcore_axis_name="s")

    @functools.partial(
        pl.kernel,
        out_type=jax.ShapeDtypeStruct((VP * D,), jnp.float32),
        mesh=mesh,
        scratch_types=(
            [pltpu.VMEM((kk, _LB * D), jnp.float32) for _ in range(2)]
            + [pltpu.VMEM((ch,), jnp.float32) for _ in range(2)]
            + [pltpu.SemaphoreType.DMA for _ in range(4)]
        ),
        compiler_params=pltpu.CompilerParams(
            use_tc_tiling_on_sc=False, needs_layout_passes=False
        ),
    )
    def format_kernel(t3_hbm, out_hbm, *scratch):
        in_v = scratch[:2]
        out_v = scratch[2:4]
        sem_i = scratch[4:6]
        sem_o = scratch[6:]
        wid = lax.axis_index("s") * nc + lax.axis_index("c")
        wbase = wid * per_w
        lane = lax.iota(jnp.int32, 16)
        lane8 = lane * D

        def body(g, _):
            k0s = [wbase + (g * 2 + b) * kk for b in range(2)]
            for b in range(2):
                @pl.when(g > 0)
                def _drain(b=b):
                    pltpu.make_async_copy(
                        out_v[b], out_hbm.at[pl.ds(0, ch)], sem_o[b]
                    ).wait()
                pltpu.async_copy(
                    t3_hbm.at[pl.ds(k0s[b], kk), :], in_v[b], sem_i[b]
                )
            for b in range(2):
                pltpu.make_async_copy(
                    t3_hbm.at[pl.ds(k0s[b], kk), :], in_v[b], sem_i[b]
                ).wait()

                def tbody(blk, _, b=b):
                    for half in range(0, bw, _LB):
                        vs = [
                            in_v[b][blk, pl.ds(half + t * 16, 16)]
                            for t in range(D)
                        ]
                        for t in range(D):
                            m0 = half + t * 16
                            d, c0 = m0 // _LB, m0 % _LB
                            idx = lane8 + (blk * bw + c0 * D + d)
                            plsc.store_scatter(out_v[b], [idx], vs[t])
                    return 0

                lax.fori_loop(0, kk, tbody, 0, unroll=False)
                pltpu.async_copy(
                    out_v[b], out_hbm.at[pl.ds(k0s[b] * bw, ch)], sem_o[b]
                )
            return 0

        lax.fori_loop(0, groups, body, 0, unroll=False)
        for b in range(2):
            pltpu.make_async_copy(
                out_v[b], out_hbm.at[pl.ds(0, ch)], sem_o[b]
            ).wait()

    return format_kernel


def _make_gather(VP, D, B, nc, ns, ck):
    nw = nc * ns
    nblocks = B // _LB
    per_w = nblocks // nw
    steps = per_w // ck
    groups = steps // _NBUF
    ch = ck * _LB
    ob = ck * _LB * D
    mesh = plsc.VectorSubcoreMesh(core_axis_name="c", subcore_axis_name="s")

    @functools.partial(
        pl.kernel,
        out_type=jax.ShapeDtypeStruct((B * D,), jnp.float32),
        mesh=mesh,
        scratch_types=(
            [pltpu.VMEM((ch,), jnp.int32) for _ in range(_NBUF)]
            + [pltpu.VMEM((ch, D), jnp.float32) for _ in range(_NBUF)]
            + [pltpu.VMEM((ob,), jnp.float32) for _ in range(_NBUF)]
            + [pltpu.SemaphoreType.DMA for _ in range(2 * _NBUF)]
        ),
        compiler_params=pltpu.CompilerParams(
            use_tc_tiling_on_sc=False, needs_layout_passes=False
        ),
    )
    def gather_kernel(table_hbm, idx_hbm, out_hbm, *scratch):
        idx_v = scratch[:_NBUF]
        rows_v = scratch[_NBUF:2 * _NBUF]
        out_v = scratch[2 * _NBUF:3 * _NBUF]
        sem_g = scratch[3 * _NBUF:4 * _NBUF]
        sem_o = scratch[4 * _NBUF:]
        wid = lax.axis_index("s") * nc + lax.axis_index("c")
        wbase = wid * per_w
        lane = lax.iota(jnp.int32, 16)
        cols = [jnp.full((16,), d, jnp.int32) for d in range(D)]

        def body(g, _):
            k0s = [wbase + (g * _NBUF + b) * ck for b in range(_NBUF)]
            for b in range(_NBUF):
                @pl.when(g > 0)
                def _drain(b=b):
                    pltpu.make_async_copy(
                        out_v[b], out_hbm.at[pl.ds(0, ob)], sem_o[b]
                    ).wait()
                pltpu.sync_copy(idx_hbm.at[pl.ds(k0s[b] * _LB, ch)], idx_v[b])
                pltpu.async_copy(table_hbm.at[idx_v[b]], rows_v[b], sem_g[b])
            for b in range(_NBUF):
                pltpu.make_async_copy(
                    table_hbm.at[idx_v[b]], rows_v[b], sem_g[b]
                ).wait()

                def tbody(blk, _, b=b):
                    for g2 in range(_LB // 16):
                        row = lane + (blk * _LB + g2 * 16)
                        vs = [
                            plsc.load_gather(rows_v[b], [row, cols[d]])
                            for d in range(D)
                        ]
                        for d in range(D):
                            out_v[b][
                                pl.ds(blk * _LB * D + d * _LB + g2 * 16, 16)
                            ] = vs[d]
                    return 0

                lax.fori_loop(0, ck, tbody, 0, unroll=False)
                pltpu.async_copy(
                    out_v[b], out_hbm.at[pl.ds(k0s[b] * _LB * D, ob)], sem_o[b]
                )
            return 0

        lax.fori_loop(0, groups, body, 0, unroll=False)
        for b in range(_NBUF):
            pltpu.make_async_copy(
                out_v[b], out_hbm.at[pl.ds(0, ob)], sem_o[b]
            ).wait()

    return gather_kernel


def kernel(indices, table):
    B0, S = indices.shape
    V, D = table.shape
    B = B0 * S
    nb = B0 // _LB
    VP = 1 << 20
    info = plsc.get_sparse_core_info()
    nc, ns = info.num_cores, info.num_subcores

    tablep = jnp.pad(table, ((0, VP - V), (0, 0)))
    t3 = (
        tablep.T.reshape(D, VP // _LB, _LB)
        .transpose(1, 0, 2)
        .reshape(VP // _LB, _LB * D)
    )
    fmt = _make_format(D, VP, nc, ns, kk=16)
    t_rm = fmt(t3).reshape(VP, D)

    tidx = indices.T.reshape(B).astype(jnp.int32)
    gather = _make_gather(VP, D, B, nc, ns, ck=10)
    o = gather(t_rm, tidx)
    return (
        o.reshape(S, nb, D, _LB)
        .transpose(1, 3, 0, 2)
        .reshape(B0, S, D)
    )

# --- scband reference (transcript-rebuilt; emitter-appended) ---
"""Pipeline reference for scband-tiny-lm-72894184948199 (READ-ONLY COPY).

The authoritative reference and input builder live on the scoring server;
editing this copy changes nothing except your own understanding.
"""

import jax, jax.numpy as jnp
import numpy as np

VOCAB = 1000000
EMBED_DIM = 8

def setup_inputs(seed: int = 0) -> dict:
    key = jax.random.key(seed)
    k_idx, k_tab = jax.random.split(key)
    indices = jax.random.randint(k_idx, (16384, 200), 0, VOCAB, dtype=jnp.int64 if jax.config.jax_enable_x64 else jnp.int32)
    table = jax.random.normal(k_tab, (VOCAB, EMBED_DIM), dtype=jnp.float32)
    return {"indices": indices, "table": table}

def reference(indices, table):
    # nn.Embedding lookup: gather rows of the table
    return jnp.take(table, indices, axis=0)

if __name__ == "__main__":
    import jax
    _d = setup_inputs()
    print(jax.jit(kernel)(*tuple(_d.values())))

</pallas_src>

<mosaic_0001>
#map = affine_map<(d0, d1) -> (0, 0)>
#map1 = affine_map<(d0, d1) -> (0)>
module attributes {stable_mosaic.version = 14 : i64} {
  func.func @format_kernel(%arg0: i32, %arg1: i32, %arg2: memref<8192x1024xf32, #tpu.memory_space<hbm>>, %arg3: memref<8388608xf32, #tpu.memory_space<hbm>>, %arg4: memref<16x1024xf32, #tpu.memory_space<vmem>>, %arg5: memref<16x1024xf32, #tpu.memory_space<vmem>>, %arg6: memref<16384xf32, #tpu.memory_space<vmem>>, %arg7: memref<16384xf32, #tpu.memory_space<vmem>>, %arg8: memref<!tpu.dma_semaphore, #tpu.memory_space<semaphore_mem>>, %arg9: memref<!tpu.dma_semaphore, #tpu.memory_space<semaphore_mem>>, %arg10: memref<!tpu.dma_semaphore, #tpu.memory_space<semaphore_mem>>, %arg11: memref<!tpu.dma_semaphore, #tpu.memory_space<semaphore_mem>>) attributes {dimension_semantics = [#tpu.dimension_semantics<core_parallel>, #tpu.dimension_semantics<subcore_parallel>], iteration_bounds = array<i64: 2, 16>, scalar_prefetch = 0 : i64, scratch_operands = 8 : i64, tpu.core_type = #tpu.core_type<sc_vector_subcore>, window_params = [{transform_indices = #map}, {transform_indices = #map1}]} {
    %mul3A = arith.constant 2 : i32
    %mul3A_0 = arith.muli %arg1, %mul3A : i32
    %add3A = arith.addi %mul3A_0, %arg0 : i32
    %mul3A_1 = arith.constant 256 : i32
    %mul3A_2 = arith.muli %add3A, %mul3A_1 : i32
    %iota3A = tpu.iota {dimensions = array<i32: 0>} : vector<16xi32>
    %mul3A_3 = arith.constant 8 : i32
    %mul3A_4 = vector.broadcast %mul3A_3 : i32 to vector<16xi32>
    %mul3A_5 = arith.muli %iota3A, %mul3A_4 : vector<16xi32>
    %scan3A = arith.constant 0 : i32
    %scan3A_6 = arith.constant 0 : i32
    %scan3A_7 = arith.constant 8 : i32
    %scan3A_8 = arith.addi %scan3A_6, %scan3A_7 : i32
    %scan3A_9 = arith.constant 1 : i32
    %scan3A_10 = scf.for %scan3A_19 = %scan3A_6 to %scan3A_8 step %scan3A_9 iter_args(%scan3A_20 = %scan3A) -> (i32)  : i32 {
      %mul3A_21 = arith.constant 2 : i32
      %mul3A_22 = arith.muli %scan3A_19, %mul3A_21 : i32
      %add3A_23 = arith.constant 0 : i32
      %add3A_24 = arith.addi %mul3A_22, %add3A_23 : i32
      %mul3A_25 = arith.constant 16 : i32
      %mul3A_26 = arith.muli %add3A_24, %mul3A_25 : i32
      %add3A_27 = arith.addi %mul3A_2, %mul3A_26 : i32
      %mul3A_28 = arith.constant 2 : i32
      %mul3A_29 = arith.muli %scan3A_19, %mul3A_28 : i32
      %add3A_30 = arith.constant 1 : i32
      %add3A_31 = arith.addi %mul3A_29, %add3A_30 : i32
      %mul3A_32 = arith.constant 16 : i32
      %mul3A_33 = arith.muli %add3A_31, %mul3A_32 : i32
      %add3A_34 = arith.addi %mul3A_2, %mul3A_33 : i32
      %gt3A = arith.constant 0 : i32
      %gt3A_35 = arith.cmpi sgt, %scan3A_19, %gt3A : i32
      %convert_element_type3A = arith.extui %gt3A_35 : i1 to i32
      %cond3A = arith.constant 0 : i32
      %cond3A_36 = arith.cmpi ne, %convert_element_type3A, %cond3A : i32
      scf.if %cond3A_36 {
        %dma_wait3A_80 = arith.constant 0 : i32
        %dma_wait3A_81 = tpu.memref_slice %arg3[%dma_wait3A_80] : memref<8388608xf32, #tpu.memory_space<hbm>> -> memref<16384xf32, #tpu.memory_space<hbm>>
        %dma_wait3A_82 = arith.constant 0 : i32
        %dma_wait3A_83 = tpu.memref_slice %arg3[%dma_wait3A_82] : memref<8388608xf32, #tpu.memory_space<hbm>> -> memref<16384xf32, #tpu.memory_space<hbm>>
        tpu.wait_dma2 semaphore(%arg10 : memref<!tpu.dma_semaphore, #tpu.memory_space<semaphore_mem>>) src(%arg6 : memref<16384xf32, #tpu.memory_space<vmem>>) dst(%dma_wait3A_83 : memref<16384xf32, #tpu.memory_space<hbm>>)
      } else {
      }
      %dma_start3A = arith.constant 0 : i32
      %dma_start3A_37 = tpu.memref_slice %arg2[%add3A_27, %dma_start3A] : memref<8192x1024xf32, #tpu.memory_space<hbm>> -> memref<16x1024xf32, #tpu.memory_space<hbm>>
      %dma_start3A_38 = arith.constant 0 : i32
      %dma_start3A_39 = tpu.memref_slice %arg2[%add3A_27, %dma_start3A_38] : memref<8192x1024xf32, #tpu.memory_space<hbm>> -> memref<16x1024xf32, #tpu.memory_space<hbm>>
      tpu.enqueue_dma source(%dma_start3A_39 : memref<16x1024xf32, #tpu.memory_space<hbm>>) target(%arg4 : memref<16x1024xf32, #tpu.memory_space<vmem>>) target_semaphore(%arg8 : memref<!tpu.dma_semaphore, #tpu.memory_space<semaphore_mem>>)
      %gt3A_40 = arith.constant 0 : i32
      %gt3A_41 = arith.cmpi sgt, %scan3A_19, %gt3A_40 : i32
      %convert_element_type3A_42 = arith.extui %gt3A_41 : i1 to i32
      %cond3A_43 = arith.constant 0 : i32
      %cond3A_44 = arith.cmpi ne, %convert_element_type3A_42, %cond3A_43 : i32
      scf.if %cond3A_44 {
        %dma_wait3A_80 = arith.constant 0 : i32
        %dma_wait3A_81 = tpu.memref_slice %arg3[%dma_wait3A_80] : memref<8388608xf32, #tpu.memory_space<hbm>> -> memref<16384xf32, #tpu.memory_space<hbm>>
        %dma_wait3A_82 = arith.constant 0 : i32
        %dma_wait3A_83 = tpu.memref_slice %arg3[%dma_wait3A_82] : memref<8388608xf32, #tpu.memory_space<hbm>> -> memref<16384xf32, #tpu.memory_space<hbm>>
        tpu.wait_dma2 semaphore(%arg11 : memref<!tpu.dma_semaphore, #tpu.memory_space<semaphore_mem>>) src(%arg7 : memref<16384xf32, #tpu.memory_space<vmem>>) dst(%dma_wait3A_83 : memref<16384xf32, #tpu.memory_space<hbm>>)
      } else {
      }
      %dma_start3A_45 = arith.constant 0 : i32
      %dma_start3A_46 = tpu.memref_slice %arg2[%add3A_34, %dma_start3A_45] : memref<8192x1024xf32, #tpu.memory_space<hbm>> -> memref<16x1024xf32, #tpu.memory_space<hbm>>
      %dma_start3A_47 = arith.constant 0 : i32
      %dma_start3A_48 = tpu.memref_slice %arg2[%add3A_34, %dma_start3A_47] : memref<8192x1024xf32, #tpu.memory_space<hbm>> -> memref<16x1024xf32, #tpu.memory_space<hbm>>
      tpu.enqueue_dma source(%dma_start3A_48 : memref<16x1024xf32, #tpu.memory_space<hbm>>) target(%arg5 : memref<16x1024xf32, #tpu.memory_space<vmem>>) target_semaphore(%arg9 : memref<!tpu.dma_semaphore, #tpu.memory_space<semaphore_mem>>)
      %dma_wait3A_49 = arith.constant 0 : i32
      %dma_wait3A_50 = tpu.memref_slice %arg2[%add3A_27, %dma_wait3A_49] : memref<8192x1024xf32, #tpu.memory_space<hbm>> -> memref<16x1024xf32, #tpu.memory_space<hbm>>
      %dma_wait3A_51 = arith.constant 0 : i32
      %dma_wait3A_52 = tpu.memref_slice %arg2[%add3A_27, %dma_wait3A_51] : memref<8192x1024xf32, #tpu.memory_space<hbm>> -> memref<16x1024xf32, #tpu.memory_space<hbm>>
      tpu.wait_dma2 semaphore(%arg8 : memref<!tpu.dma_semaphore, #tpu.memory_space<semaphore_mem>>) src(%dma_wait3A_52 : memref<16x1024xf32, #tpu.memory_space<hbm>>) dst(%arg4 : memref<16x1024xf32, #tpu.memory_space<vmem>>)
      %scan3A_53 = arith.constant 0 : i32
      %scan3A_54 = arith.constant 0 : i32
      %scan3A_55 = arith.constant 16 : i32
      %scan3A_56 = arith.addi %scan3A_54, %scan3A_55 : i32
      %scan3A_57 = arith.constant 1 : i32
      %scan3A_58 = scf.for %scan3A_80 = %scan3A_54 to %scan3A_56 step %scan3A_57 iter_args(%scan3A_81 = %scan3A_53) -> (i32)  : i32 {
        %get3A = arith.index_cast %scan3A_80 : i32 to index
        %get3A_82 = arith.constant 0 : index
        %get3A_83 = tpu.vector_load %arg4[%get3A, %get3A_82] {strides = array<i32>} : memref<16x1024xf32, #tpu.memory_space<vmem>>, vector<16xf32>,
        %get3A_84 = arith.index_cast %scan3A_80 : i32 to index
        %get3A_85 = arith.constant 16 : index
        %get3A_86 = tpu.vector_load %arg4[%get3A_84, %get3A_85] {strides = array<i32>} : memref<16x1024xf32, #tpu.memory_space<vmem>>, vector<16xf32>,
        %get3A_87 = arith.index_cast %scan3A_80 : i32 to index
        %get3A_88 = arith.constant 32 : index
        %get3A_89 = tpu.vector_load %arg4[%get3A_87, %get3A_88] {strides = array<i32>} : memref<16x1024xf32, #tpu.memory_space<vmem>>, vector<16xf32>,
        %get3A_90 = arith.index_cast %scan3A_80 : i32 to index
        %get3A_91 = arith.constant 48 : index
        %get3A_92 = tpu.vector_load %arg4[%get3A_90, %get3A_91] {strides = array<i32>} : memref<16x1024xf32, #tpu.memory_space<vmem>>, vector<16xf32>,
        %get3A_93 = arith.index_cast %scan3A_80 : i32 to index
        %get3A_94 = arith.constant 64 : index
        %get3A_95 = tpu.vector_load %arg4[%get3A_93, %get3A_94] {strides = array<i32>} : memref<16x1024xf32, #tpu.memory_space<vmem>>, vector<16xf32>,
        %get3A_96 = arith.index_cast %scan3A_80 : i32 to index
        %get3A_97 = arith.constant 80 : index
        %get3A_98 = tpu.vector_load %arg4[%get3A_96, %get3A_97] {strides = array<i32>} : memref<16x1024xf32, #tpu.memory_space<vmem>>, vector<16xf32>,
        %get3A_99 = arith.index_cast %scan3A_80 : i32 to index
        %get3A_100 = arith.constant 96 : index
        %get3A_101 = tpu.vector_load %arg4[%get3A_99, %get3A_100] {strides = array<i32>} : memref<16x1024xf32, #tpu.memory_space<vmem>>, vector<16xf32>,
        %get3A_102 = arith.index_cast %scan3A_80 : i32 to index
        %get3A_103 = arith.constant 112 : index
        %get3A_104 = tpu.vector_load %arg4[%get3A_102, %get3A_103] {strides = array<i32>} : memref<16x1024xf32, #tpu.memory_space<vmem>>, vector<16xf32>,
        %mul3A_105 = arith.constant 1024 : i32
        %mul3A_106 = arith.muli %scan3A_80, %mul3A_105 : i32
        %add3A_107 = arith.constant 0 : i32
        %add3A_108 = arith.addi %mul3A_106, %add3A_107 : i32
        %add3A_109 = arith.constant 0 : i32
        %add3A_110 = arith.addi %add3A_108, %add3A_109 : i32
        %add3A_111 = vector.broadcast %add3A_110 : i32 to vector<16xi32>
        %add3A_112 = arith.addi %mul3A_5, %add3A_111 : vector<16xi32>
        tpu.vector_store_idx %arg6[%add3A_112], %get3A_83 : memref<16384xf32, #tpu.memory_space<vmem>>[vector<16xi32>], vector<16xf32>,
        %mul3A_113 = arith.constant 1024 : i32
        %mul3A_114 = arith.muli %scan3A_80, %mul3A_113 : i32
        %add3A_115 = arith.constant 128 : i32
        %add3A_116 = arith.addi %mul3A_114, %add3A_115 : i32
        %add3A_117 = arith.constant 0 : i32
        %add3A_118 = arith.addi %add3A_116, %add3A_117 : i32
        %add3A_119 = vector.broadcast %add3A_118 : i32 to vector<16xi32>
        %add3A_120 = arith.addi %mul3A_5, %add3A_119 : vector<16xi32>
        tpu.vector_store_idx %arg6[%add3A_120], %get3A_86 : memref<16384xf32, #tpu.memory_space<vmem>>[vector<16xi32>], vector<16xf32>,
        %mul3A_121 = arith.constant 1024 : i32
        %mul3A_122 = arith.muli %scan3A_80, %mul3A_121 : i32
        %add3A_123 = arith.constant 256 : i32
        %add3A_124 = arith.addi %mul3A_122, %add3A_123 : i32
        %add3A_125 = arith.constant 0 : i32
        %add3A_126 = arith.addi %add3A_124, %add3A_125 : i32
        %add3A_127 = vector.broadcast %add3A_126 : i32 to vector<16xi32>
        %add3A_128 = arith.addi %mul3A_5, %add3A_127 : vector<16xi32>
        tpu.vector_store_idx %arg6[%add3A_128], %get3A_89 : memref<16384xf32, #tpu.memory_space<vmem>>[vector<16xi32>], vector<16xf32>,
        %mul3A_129 = arith.constant 1024 : i32
        %mul3A_130 = arith.muli %scan3A_80, %mul3A_129 : i32
        %add3A_131 = arith.constant 384 : i32
        %add3A_132 = arith.addi %mul3A_130, %add3A_131 : i32
        %add3A_133 = arith.constant 0 : i32
        %add3A_134 = arith.addi %add3A_132, %add3A_133 : i32
        %add3A_135 = vector.broadcast %add3A_134 : i32 to vector<16xi32>
        %add3A_136 = arith.addi %mul3A_5, %add3A_135 : vector<16xi32>
        tpu.vector_store_idx %arg6[%add3A_136], %get3A_92 : memref<16384xf32, #tpu.memory_space<vmem>>[vector<16xi32>], vector<16xf32>,
        %mul3A_137 = arith.constant 1024 : i32
        %mul3A_138 = arith.muli %scan3A_80, %mul3A_137 : i32
        %add3A_139 = arith.constant 512 : i32
        %add3A_140 = arith.addi %mul3A_138, %add3A_139 : i32
        %add3A_141 = arith.constant 0 : i32
        %add3A_142 = arith.addi %add3A_140, %add3A_141 : i32
        %add3A_143 = vector.broadcast %add3A_142 : i32 to vector<16xi32>
        %add3A_144 = arith.addi %mul3A_5, %add3A_143 : vector<16xi32>
        tpu.vector_store_idx %arg6[%add3A_144], %get3A_95 : memref<16384xf32, #tpu.memory_space<vmem>>[vector<16xi32>], vector<16xf32>,
        %mul3A_145 = arith.constant 1024 : i32
        %mul3A_146 = arith.muli %scan3A_80, %mul3A_145 : i32
        %add3A_147 = arith.constant 640 : i32
        %add3A_148 = arith.addi %mul3A_146, %add3A_147 : i32
        %add3A_149 = arith.constant 0 : i32
        %add3A_150 = arith.addi %add3A_148, %add3A_149 : i32
        %add3A_151 = vector.broadcast %add3A_150 : i32 to vector<16xi32>
        %add3A_152 = arith.addi %mul3A_5, %add3A_151 : vector<16xi32>
        tpu.vector_store_idx %arg6[%add3A_152], %get3A_98 : memref<16384xf32, #tpu.memory_space<vmem>>[vector<16xi32>], vector<16xf32>,
        %mul3A_153 = arith.constant 1024 : i32
        %mul3A_154 = arith.muli %scan3A_80, %mul3A_153 : i32
        %add3A_155 = arith.constant 768 : i32
        %add3A_156 = arith.addi %mul3A_154, %add3A_155 : i32
        %add3A_157 = arith.constant 0 : i32
        %add3A_158 = arith.addi %add3A_156, %add3A_157 : i32
        %add3A_159 = vector.broadcast %add3A_158 : i32 to vector<16xi32>
        %add3A_160 = arith.addi %mul3A_5, %add3A_159 : vector<16xi32>
        tpu.vector_store_idx %arg6[%add3A_160], %get3A_101 : memref<16384xf32, #tpu.memory_space<vmem>>[vector<16xi32>], vector<16xf32>,
        %mul3A_161 = arith.constant 1024 : i32
        %mul3A_162 = arith.muli %scan3A_80, %mul3A_161 : i32
        %add3A_163 = arith.constant 896 : i32
        %add3A_164 = arith.addi %mul3A_162, %add3A_163 : i32
        %add3A_165 = arith.constant 0 : i32
        %add3A_166 = arith.addi %add3A_164, %add3A_165 : i32
        %add3A_167 = vector.broadcast %add3A_166 : i32 to vector<16xi32>
        %add3A_168 = arith.addi %mul3A_5, %add3A_167 : vector<16xi32>
        tpu.vector_store_idx %arg6[%add3A_168], %get3A_104 : memref<16384xf32, #tpu.memory_space<vmem>>[vector<16xi32>], vector<16xf32>,
        %get3A_169 = arith.index_cast %scan3A_80 : i32 to index
        %get3A_170 = arith.constant 128 : index
        %get3A_171 = tpu.vector_load %arg4[%get3A_169, %get3A_170] {strides = array<i32>} : memref<16x1024xf32, #tpu.memory_space<vmem>>, vector<16xf32>,
        %get3A_172 = arith.index_cast %scan3A_80 : i32 to index
        %get3A_173 = arith.constant 144 : index
        %get3A_174 = tpu.vector_load %arg4[%get3A_172, %get3A_173] {strides = array<i32>} : memref<16x1024xf32, #tpu.memory_space<vmem>>, vector<16xf32>,
        %get3A_175 = arith.index_cast %scan3A_80 : i32 to index
        %get3A_176 = arith.constant 160 : index
        %get3A_177 = tpu.vector_load %arg4[%get3A_175, %get3A_176] {strides = array<i32>} : memref<16x1024xf32, #tpu.memory_space<vmem>>, vector<16xf32>,
        %get3A_178 = arith.index_cast %scan3A_80 : i32 to index
        %get3A_179 = arith.constant 176 : index
        %get3A_180 = tpu.vector_load %arg4[%get3A_178, %get3A_179] {strides = array<i32>} : memref<16x1024xf32, #tpu.memory_space<vmem>>, vector<16xf32>,
        %get3A_181 = arith.index_cast %scan3A_80 : i32 to index
        %get3A_182 = arith.constant 192 : index
        %get3A_183 = tpu.vector_load %arg4[%get3A_181, %get3A_182] {strides = array<i32>} : memref<16x1024xf32, #tpu.memory_space<vmem>>, vector<16xf32>,
        %get3A_184 = arith.index_cast %scan3A_80 : i32 to index
        %get3A_185 = arith.constant 208 : index
        %get3A_186 = tpu.vector_load %arg4[%get3A_184, %get3A_185] {strides = array<i32>} : memref<16x1024xf32, #tpu.memory_space<vmem>>, vector<16xf32>,
        %get3A_187 = arith.index_cast %scan3A_80 : i32 to index
        %get3A_188 = arith.constant 224 : index
        %get3A_189 = tpu.vector_load %arg4[%get3A_187, %get3A_188] {strides = array<i32>} : memref<16x1024xf32, #tpu.memory_space<vmem>>, vector<16xf32>,
        %get3A_190 = arith.index_cast %scan3A_80 : i32 to index
        %get3A_191 = arith.constant 240 : index
        %get3A_192 = tpu.vector_load %arg4[%get3A_190, %get3A_191] {strides = array<i32>} : memref<16x1024xf32, #tpu.memory_space<vmem>>, vector<16xf32>,
        %mul3A_193 = arith.constant 1024 : i32
        %mul3A_194 = arith.muli %scan3A_80, %mul3A_193 : i32
        %add3A_195 = arith.constant 0 : i32
        %add3A_196 = arith.addi %mul3A_194, %add3A_195 : i32
        %add3A_197 = arith.constant 1 : i32
        %add3A_198 = arith.addi %add3A_196, %add3A_197 : i32
        %add3A_199 = vector.broadcast %add3A_198 : i32 to vector<16xi32>
        %add3A_200 = arith.addi %mul3A_5, %add3A_199 : vector<16xi32>
        tpu.vector_store_idx %arg6[%add3A_200], %get3A_171 : memref<16384xf32, #tpu.memory_space<vmem>>[vector<16xi32>], vector<16xf32>,
        %mul3A_201 = arith.constant 1024 : i32
        %mul3A_202 = arith.muli %scan3A_80, %mul3A_201 : i32
        %add3A_203 = arith.constant 128 : i32
        %add3A_204 = arith.addi %mul3A_202, %add3A_203 : i32
        %add3A_205 = arith.constant 1 : i32
        %add3A_206 = arith.addi %add3A_204, %add3A_205 : i32
        %add3A_207 = vector.broadcast %add3A_206 : i32 to vector<16xi32>
        %add3A_208 = arith.addi %mul3A_5, %add3A_207 : vector<16xi32>
        tpu.vector_store_idx %arg6[%add3A_208], %get3A_174 : memref<16384xf32, #tpu.memory_space<vmem>>[vector<16xi32>], vector<16xf32>,
        %mul3A_209 = arith.constant 1024 : i32
        %mul3A_210 = arith.muli %scan3A_80, %mul3A_209 : i32
        %add3A_211 = arith.constant 256 : i32
        %add3A_212 = arith.addi %mul3A_210, %add3A_211 : i32
        %add3A_213 = arith.constant 1 : i32
        %add3A_214 = arith.addi %add3A_212, %add3A_213 : i32
        %add3A_215 = vector.broadcast %add3A_214 : i32 to vector<16xi32>
        %add3A_216 = arith.addi %mul3A_5, %add3A_215 : vector<16xi32>
        tpu.vector_store_idx %arg6[%add3A_216], %get3A_177 : memref<16384xf32, #tpu.memory_space<vmem>>[vector<16xi32>], vector<16xf32>,
        %mul3A_217 = arith.constant 1024 : i32
        %mul3A_218 = arith.muli %scan3A_80, %mul3A_217 : i32
        %add3A_219 = arith.constant 384 : i32
        %add3A_220 = arith.addi %mul3A_218, %add3A_219 : i32
        %add3A_221 = arith.constant 1 : i32
        %add3A_222 = arith.addi %add3A_220, %add3A_221 : i32
        %add3A_223 = vector.broadcast %add3A_222 : i32 to vector<16xi32>
        %add3A_224 = arith.addi %mul3A_5, %add3A_223 : vector<16xi32>
        tpu.vector_store_idx %arg6[%add3A_224], %get3A_180 : memref<16384xf32, #tpu.memory_space<vmem>>[vector<16xi32>], vector<16xf32>,
        %mul3A_225 = arith.constant 1024 : i32
        %mul3A_226 = arith.muli %scan3A_80, %mul3A_225 : i32
        %add3A_227 = arith.constant 512 : i32
        %add3A_228 = arith.addi %mul3A_226, %add3A_227 : i32
        %add3A_229 = arith.constant 1 : i32
        %add3A_230 = arith.addi %add3A_228, %add3A_229 : i32
        %add3A_231 = vector.broadcast %add3A_230 : i32 to vector<16xi32>
        %add3A_232 = arith.addi %mul3A_5, %add3A_231 : vector<16xi32>
        tpu.vector_store_idx %arg6[%add3A_232], %get3A_183 : memref<16384xf32, #tpu.memory_space<vmem>>[vector<16xi32>], vector<16xf32>,
        %mul3A_233 = arith.constant 1024 : i32
        %mul3A_234 = arith.muli %scan3A_80, %mul3A_233 : i32
        %add3A_235 = arith.constant 640 : i32
        %add3A_236 = arith.addi %mul3A_234, %add3A_235 : i32
        %add3A_237 = arith.constant 1 : i32
        %add3A_238 = arith.addi %add3A_236, %add3A_237 : i32
        %add3A_239 = vector.broadcast %add3A_238 : i32 to vector<16xi32>
        %add3A_240 = arith.addi %mul3A_5, %add3A_239 : vector<16xi32>
        tpu.vector_store_idx %arg6[%add3A_240], %get3A_186 : memref<16384xf32, #tpu.memory_space<vmem>>[vector<16xi32>], vector<16xf32>,
        %mul3A_241 = arith.constant 1024 : i32
        %mul3A_242 = arith.muli %scan3A_80, %mul3A_241 : i32
        %add3A_243 = arith.constant 768 : i32
        %add3A_244 = arith.addi %mul3A_242, %add3A_243 : i32
        %add3A_245 = arith.constant 1 : i32
        %add3A_246 = arith.addi %add3A_244, %add3A_245 : i32
        %add3A_247 = vector.broadcast %add3A_246 : i32 to vector<16xi32>
        %add3A_248 = arith.addi %mul3A_5, %add3A_247 : vector<16xi32>
        tpu.vector_store_idx %arg6[%add3A_248], %get3A_189 : memref<16384xf32, #tpu.memory_space<vmem>>[vector<16xi32>], vector<16xf32>,
        %mul3A_249 = arith.constant 1024 : i32
        %mul3A_250 = arith.muli %scan3A_80, %mul3A_249 : i32
        %add3A_251 = arith.constant 896 : i32
        %add3A_252 = arith.addi %mul3A_250, %add3A_251 : i32
        %add3A_253 = arith.constant 1 : i32
        %add3A_254 = arith.addi %add3A_252, %add3A_253 : i32
        %add3A_255 = vector.broadcast %add3A_254 : i32 to vector<16xi32>
        %add3A_256 = arith.addi %mul3A_5, %add3A_255 : vector<16xi32>
        tpu.vector_store_idx %arg6[%add3A_256], %get3A_192 : memref<16384xf32, #tpu.memory_space<vmem>>[vector<16xi32>], vector<16xf32>,
        %get3A_257 = arith.index_cast %scan3A_80 : i32 to index
        %get3A_258 = arith.constant 256 : index
        %get3A_259 = tpu.vector_load %arg4[%get3A_257, %get3A_258] {strides = array<i32>} : memref<16x1024xf32, #tpu.memory_space<vmem>>, vector<16xf32>,
        %get3A_260 = arith.index_cast %scan3A_80 : i32 to index
        %get3A_261 = arith.constant 272 : index
        %get3A_262 = tpu.vector_load %arg4[%get3A_260, %get3A_261] {strides = array<i32>} : memref<16x1024xf32, #tpu.memory_space<vmem>>, vector<16xf32>,
        %get3A_263 = arith.index_cast %scan3A_80 : i32 to index
        %get3A_264 = arith.constant 288 : index
        %get3A_265 = tpu.vector_load %arg4[%get3A_263, %get3A_264] {strides = array<i32>} : memref<16x1024xf32, #tpu.memory_space<vmem>>, vector<16xf32>,
        %get3A_266 = arith.index_cast %scan3A_80 : i32 to index
        %get3A_267 = arith.constant 304 : index
        %get3A_268 = tpu.vector_load %arg4[%get3A_266, %get3A_267] {strides = array<i32>} : memref<16x1024xf32, #tpu.memory_space<vmem>>, vector<16xf32>,
        %get3A_269 = arith.index_cast %scan3A_80 : i32 to index
        %get3A_270 = arith.constant 320 : index
        %get3A_271 = tpu.vector_load %arg4[%get3A_269, %get3A_270] {strides = array<i32>} : memref<16x1024xf32, #tpu.memory_space<vmem>>, vector<16xf32>,
        %get3A_272 = arith.index_cast %scan3A_80 : i32 to index
        %get3A_273 = arith.constant 336 : index
        %get3A_274 = tpu.vector_load %arg4[%get3A_272, %get3A_273] {strides = array<i32>} : memref<16x1024xf32, #tpu.memory_space<vmem>>, vector<16xf32>,
        %get3A_275 = arith.index_cast %scan3A_80 : i32 to index
        %get3A_276 = arith.constant 352 : index
        %get3A_277 = tpu.vector_load %arg4[%get3A_275, %get3A_276] {strides = array<i32>} : memref<16x1024xf32, #tpu.memory_space<vmem>>, vector<16xf32>,
        %get3A_278 = arith.index_cast %scan3A_80 : i32 to index
        %get3A_279 = arith.constant 368 : index
        %get3A_280 = tpu.vector_load %arg4[%get3A_278, %get3A_279] {strides = array<i32>} : memref<16x1024xf32, #tpu.memory_space<vmem>>, vector<16xf32>,
        %mul3A_281 = arith.constant 1024 : i32
        %mul3A_282 = arith.muli %scan3A_80, %mul3A_281 : i32
        %add3A_283 = arith.constant 0 : i32
        %add3A_284 = arith.addi %mul3A_282, %add3A_283 : i32
        %add3A_285 = arith.constant 2 : i32
        %add3A_286 = arith.addi %add3A_284, %add3A_285 : i32
        %add3A_287 = vector.broadcast %add3A_286 : i32 to vector<16xi32>
        %add3A_288 = arith.addi %mul3A_5, %add3A_287 : vector<16xi32>
        tpu.vector_store_idx %arg6[%add3A_288], %get3A_259 : memref<16384xf32, #tpu.memory_space<vmem>>[vector<16xi32>], vector<16xf32>,
        %mul3A_289 = arith.constant 1024 : i32
        %mul3A_290 = arith.muli %scan3A_80, %mul3A_289 : i32
        %add3A_291 = arith.constant 128 : i32
        %add3A_292 = arith.addi %mul3A_290, %add3A_291 : i32
        %add3A_293 = arith.constant 2 : i32
        %add3A_294 = arith.addi %add3A_292, %add3A_293 : i32
        %add3A_295 = vector.broadcast %add3A_294 : i32 to vector<16xi32>
        %add3A_296 = arith.addi %mul3A_5, %add3A_295 : vector<16xi32>
        tpu.vector_store_idx %arg6[%add3A_296], %get3A_262 : memref<16384xf32, #tpu.memory_space<vmem>>[vector<16xi32>], vector<16xf32>,
        %mul3A_297 = arith.constant 1024 : i32
        %mul3A_298 = arith.muli %scan3A_80, %mul3A_297 : i32
        %add3A_299 = arith.constant 256 : i32
        %add3A_300 = arith.addi %mul3A_298, %add3A_299 : i32
        %add3A_301 = arith.constant 2 : i32
        %add3A_302 = arith.addi %add3A_300, %add3A_301 : i32
        %add3A_303 = vector.broadcast %add3A_302 : i32 to vector<16xi32>
        %add3A_304 = arith.addi %mul3A_5, %add3A_303 : vector<16xi32>
        tpu.vector_store_idx %arg6[%add3A_304], %get3A_265 : memref<16384xf32, #tpu.memory_space<vmem>>[vector<16xi32>], vector<16xf32>,
        %mul3A_305 = arith.constant 1024 : i32
        %mul3A_306 = arith.muli %scan3A_80, %mul3A_305 : i32
        %add3A_307 = arith.constant 384 : i32
        %add3A_308 = arith.addi %mul3A_306, %add3A_307 : i32
        %add3A_309 = arith.constant 2 : i32
        %add3A_310 = arith.addi %add3A_308, %add3A_309 : i32
        %add3A_311 = vector.broadcast %add3A_310 : i32 to vector<16xi32>
        %add3A_312 = arith.addi %mul3A_5, %add3A_311 : vector<16xi32>
        tpu.vector_store_idx %arg6[%add3A_312], %get3A_268 : memref<16384xf32, #tpu.memory_space<vmem>>[vector<16xi32>], vector<16xf32>,
        %mul3A_313 = arith.constant 1024 : i32
        %mul3A_314 = arith.muli %scan3A_80, %mul3A_313 : i32
        %add3A_315 = arith.constant 512 : i32
        %add3A_316 = arith.addi %mul3A_314, %add3A_315 : i32
        %add3A_317 = arith.constant 2 : i32
        %add3A_318 = arith.addi %add3A_316, %add3A_317 : i32
        %add3A_319 = vector.broadcast %add3A_318 : i32 to vector<16xi32>
        %add3A_320 = arith.addi %mul3A_5, %add3A_319 : vector<16xi32>
        tpu.vector_store_idx %arg6[%add3A_320], %get3A_271 : memref<16384xf32, #tpu.memory_space<vmem>>[vector<16xi32>], vector<16xf32>,
        %mul3A_321 = arith.constant 1024 : i32
        %mul3A_322 = arith.muli %scan3A_80, %mul3A_321 : i32
        %add3A_323 = arith.constant 640 : i32
        %add3A_324 = arith.addi %mul3A_322, %add3A_323 : i32
        %add3A_325 = arith.constant 2 : i32
        %add3A_326 = arith.addi %add3A_324, %add3A_325 : i32
        %add3A_327 = vector.broadcast %add3A_326 : i32 to vector<16xi32>
        %add3A_328 = arith.addi %mul3A_5, %add3A_327 : vector<16xi32>
        tpu.vector_store_idx %arg6[%add3A_328], %get3A_274 : memref<16384xf32, #tpu.memory_space<vmem>>[vector<16xi32>], vector<16xf32>,
        %mul3A_329 = arith.constant 1024 : i32
        %mul3A_330 = arith.muli %scan3A_80, %mul3A_329 : i32
        %add3A_331 = arith.constant 768 : i32
        %add3A_332 = arith.addi %mul3A_330, %add3A_331 : i32
        %add3A_333 = arith.constant 2 : i32
        %add3A_334 = arith.addi %add3A_332, %add3A_333 : i32
        %add3A_335 = vector.broadcast %add3A_334 : i32 to vector<16xi32>
        %add3A_336 = arith.addi %mul3A_5, %add3A_335 : vector<16xi32>
        tpu.vector_store_idx %arg6[%add3A_336], %get3A_277 : memref<16384xf32, #tpu.memory_space<vmem>>[vector<16xi32>], vector<16xf32>,
        %mul3A_337 = arith.constant 1024 : i32
        %mul3A_338 = arith.muli %scan3A_80, %mul3A_337 : i32
        %add3A_339 = arith.constant 896 : i32
        %add3A_340 = arith.addi %mul3A_338, %add3A_339 : i32
        %add3A_341 = arith.constant 2 : i32
        %add3A_342 = arith.addi %add3A_340, %add3A_341 : i32
        %add3A_343 = vector.broadcast %add3A_342 : i32 to vector<16xi32>
        %add3A_344 = arith.addi %mul3A_5, %add3A_343 : vector<16xi32>
        tpu.vector_store_idx %arg6[%add3A_344], %get3A_280 : memref<16384xf32, #tpu.memory_space<vmem>>[vector<16xi32>], vector<16xf32>,
        %get3A_345 = arith.index_cast %scan3A_80 : i32 to index
        %get3A_346 = arith.constant 384 : index
        %get3A_347 = tpu.vector_load %arg4[%get3A_345, %get3A_346] {strides = array<i32>} : memref<16x1024xf32, #tpu.memory_space<vmem>>, vector<16xf32>,
        %get3A_348 = arith.index_cast %scan3A_80 : i32 to index
        %get3A_349 = arith.constant 400 : index
        %get3A_350 = tpu.vector_load %arg4[%get3A_348, %get3A_349] {strides = array<i32>} : memref<16x1024xf32, #tpu.memory_space<vmem>>, vector<16xf32>,
        %get3A_351 = arith.index_cast %scan3A_80 : i32 to index
        %get3A_352 = arith.constant 416 : index
        %get3A_353 = tpu.vector_load %arg4[%get3A_351, %get3A_352] {strides = array<i32>} : memref<16x1024xf32, #tpu.memory_space<vmem>>, vector<16xf32>,
        %get3A_354 = arith.index_cast %scan3A_80 : i32 to index
        %get3A_355 = arith.constant 432 : index
        %get3A_356 = tpu.vector_load %arg4[%get3A_354, %get3A_355] {strides = array<i32>} : memref<16x1024xf32, #tpu.memory_space<vmem>>, vector<16xf32>,
        %get3A_357 = arith.index_cast %scan3A_80 : i32 to index
        %get3A_358 = arith.constant 448 : index
        %get3A_359 = tpu.vector_load %arg4[%get3A_357, %get3A_358] {strides = array<i32>} : memref<16x1024xf32, #tpu.memory_space<vmem>>, vector<16xf32>,
        %get3A_360 = arith.index_cast %scan3A_80 : i32 to index
        %get3A_361 = arith.constant 464 : index
        %get3A_362 = tpu.vector_load %arg4[%get3A_360, %get3A_361] {strides = array<i32>} : memref<16x1024xf32, #tpu.memory_space<vmem>>, vector<16xf32>,
        %get3A_363 = arith.index_cast %scan3A_80 : i32 to index
        %get3A_364 = arith.constant 480 : index
        %get3A_365 = tpu.vector_load %arg4[%get3A_363, %get3A_364] {strides = array<i32>} : memref<16x1024xf32, #tpu.memory_space<vmem>>, vector<16xf32>,
        %get3A_366 = arith.index_cast %scan3A_80 : i32 to index
        %get3A_367 = arith.constant 496 : index
        %get3A_368 = tpu.vector_load %arg4[%get3A_366, %get3A_367] {strides = array<i32>} : memref<16x1024xf32, #tpu.memory_space<vmem>>, vector<16xf32>,
        %mul3A_369 = arith.constant 1024 : i32
        %mul3A_370 = arith.muli %scan3A_80, %mul3A_369 : i32
        %add3A_371 = arith.constant 0 : i32
        %add3A_372 = arith.addi %mul3A_370, %add3A_371 : i32
        %add3A_373 = arith.constant 3 : i32
        %add3A_374 = arith.addi %add3A_372, %add3A_373 : i32
        %add3A_375 = vector.broadcast %add3A_374 : i32 to vector<16xi32>
        %add3A_376 = arith.addi %mul3A_5, %add3A_375 : vector<16xi32>
        tpu.vector_store_idx %arg6[%add3A_376], %get3A_347 : memref<16384xf32, #tpu.memory_space<vmem>>[vector<16xi32>], vector<16xf32>,
        %mul3A_377 = arith.constant 1024 : i32
        %mul3A_378 = arith.muli %scan3A_80, %mul3A_377 : i32
        %add3A_379 = arith.constant 128 : i32
        %add3A_380 = arith.addi %mul3A_378, %add3A_379 : i32
        %add3A_381 = arith.constant 3 : i32
        %add3A_382 = arith.addi %add3A_380, %add3A_381 : i32
        %add3A_383 = vector.broadcast %add3A_382 : i32 to vector<16xi32>
        %add3A_384 = arith.addi %mul3A_5, %add3A_383 : vector<16xi32>
        tpu.vector_store_idx %arg6[%add3A_384], %get3A_350 : memref<16384xf32, #tpu.memory_space<vmem>>[vector<16xi32>], vector<16xf32>,
        %mul3A_385 = arith.constant 1024 : i32
        %mul3A_386 = arith.muli %scan3A_80, %mul3A_385 : i32
        %add3A_387 = arith.constant 256 : i32
        %add3A_388 = arith.addi %mul3A_386, %add3A_387 : i32
        %add3A_389 = arith.constant 3 : i32
        %add3A_390 = arith.addi %add3A_388, %add3A_389 : i32
        %add3A_391 = vector.broadcast %add3A_390 : i32 to vector<16xi32>
        %add3A_392 = arith.addi %mul3A_5, %add3A_391 : vector<16xi32>
        tpu.vector_store_idx %arg6[%add3A_392], %get3A_353 : memref<16384xf32, #tpu.memory_space<vmem>>[vector<16xi32>], vector<16xf32>,
        %mul3A_393 = arith.constant 1024 : i32
        %mul3A_394 = arith.muli %scan3A_80, %mul3A_393 : i32
        %add3A_395 = arith.constant 384 : i32
        %add3A_396 = arith.addi %mul3A_394, %add3A_395 : i32
        %add3A_397 = arith.constant 3 : i32
        %add3A_398 = arith.addi %add3A_396, %add3A_397 : i32
        %add3A_399 = vector.broadcast %add3A_398 : i32 to vector<16xi32>
        %add3A_400 = arith.addi %mul3A_5, %add3A_399 : vector<16xi32>
        tpu.vector_store_idx %arg6[%add3A_400], %get3A_356 : memref<16384xf32, #tpu.memory_space<vmem>>[vector<16xi32>], vector<16xf32>,
        %mul3A_401 = arith.constant 1024 : i32
        %mul3A_402 = arith.muli %scan3A_80, %mul3A_401 : i32
        %add3A_403 = arith.constant 512 : i32
        %add3A_404 = arith.addi %mul3A_402, %add3A_403 : i32
        %add3A_405 = arith.constant 3 : i32
        %add3A_406 = arith.addi %add3A_404, %add3A_405 : i32
        %add3A_407 = vector.broadcast %add3A_406 : i32 to vector<16xi32>
        %add3A_408 = arith.addi %mul3A_5, %add3A_407 : vector<16xi32>
        tpu.vector_store_idx %arg6[%add3A_408], %get3A_359 : memref<16384xf32, #tpu.memory_space<vmem>>[vector<16xi32>], vector<16xf32>,
        %mul3A_409 = arith.constant 1024 : i32
        %mul3A_410 = arith.muli %scan3A_80, %mul3A_409 : i32
        %add3A_411 = arith.constant 640 : i32
        %add3A_412 = arith.addi %mul3A_410, %add3A_411 : i32
        %add3A_413 = arith.constant 3 : i32
        %add3A_414 = arith.addi %add3A_412, %add3A_413 : i32
        %add3A_415 = vector.broadcast %add3A_414 : i32 to vector<16xi32>
        %add3A_416 = arith.addi %mul3A_5, %add3A_415 : vector<16xi32>
        tpu.vector_store_idx %arg6[%add3A_416], %get3A_362 : memref<16384xf32, #tpu.memory_space<vmem>>[vector<16xi32>], vector<16xf32>,
        %mul3A_417 = arith.constant 1024 : i32
        %mul3A_418 = arith.muli %scan3A_80, %mul3A_417 : i32
        %add3A_419 = arith.constant 768 : i32
        %add3A_420 = arith.addi %mul3A_418, %add3A_419 : i32
        %add3A_421 = arith.constant 3 : i32
        %add3A_422 = arith.addi %add3A_420, %add3A_421 : i32
        %add3A_423 = vector.broadcast %add3A_422 : i32 to vector<16xi32>
        %add3A_424 = arith.addi %mul3A_5, %add3A_423 : vector<16xi32>
        tpu.vector_store_idx %arg6[%add3A_424], %get3A_365 : memref<16384xf32, #tpu.memory_space<vmem>>[vector<16xi32>], vector<16xf32>,
        %mul3A_425 = arith.constant 1024 : i32
        %mul3A_426 = arith.muli %scan3A_80, %mul3A_425 : i32
        %add3A_427 = arith.constant 896 : i32
        %add3A_428 = arith.addi %mul3A_426, %add3A_427 : i32
        %add3A_429 = arith.constant 3 : i32
        %add3A_430 = arith.addi %add3A_428, %add3A_429 : i32
        %add3A_431 = vector.broadcast %add3A_430 : i32 to vector<16xi32>
        %add3A_432 = arith.addi %mul3A_5, %add3A_431 : vector<16xi32>
        tpu.vector_store_idx %arg6[%add3A_432], %get3A_368 : memref<16384xf32, #tpu.memory_space<vmem>>[vector<16xi32>], vector<16xf32>,
        %get3A_433 = arith.index_cast %scan3A_80 : i32 to index
        %get3A_434 = arith.constant 512 : index
        %get3A_435 = tpu.vector_load %arg4[%get3A_433, %get3A_434] {strides = array<i32>} : memref<16x1024xf32, #tpu.memory_space<vmem>>, vector<16xf32>,
        %get3A_436 = arith.index_cast %scan3A_80 : i32 to index
        %get3A_437 = arith.constant 528 : index
        %get3A_438 = tpu.vector_load %arg4[%get3A_436, %get3A_437] {strides = array<i32>} : memref<16x1024xf32, #tpu.memory_space<vmem>>, vector<16xf32>,
        %get3A_439 = arith.index_cast %scan3A_80 : i32 to index
        %get3A_440 = arith.constant 544 : index
        %get3A_441 = tpu.vector_load %arg4[%get3A_439, %get3A_440] {strides = array<i32>} : memref<16x1024xf32, #tpu.memory_space<vmem>>, vector<16xf32>,
        %get3A_442 = arith.index_cast %scan3A_80 : i32 to index
        %get3A_443 = arith.constant 560 : index
        %get3A_444 = tpu.vector_load %arg4[%get3A_442, %get3A_443] {strides = array<i32>} : memref<16x1024xf32, #tpu.memory_space<vmem>>, vector<16xf32>,
        %get3A_445 = arith.index_cast %scan3A_80 : i32 to index
        %get3A_446 = arith.constant 576 : index
        %get3A_447 = tpu.vector_load %arg4[%get3A_445, %get3A_446] {strides = array<i32>} : memref<16x1024xf32, #tpu.memory_space<vmem>>, vector<16xf32>,
        %get3A_448 = arith.index_cast %scan3A_80 : i32 to index
        %get3A_449 = arith.constant 592 : index
        %get3A_450 = tpu.vector_load %arg4[%get3A_448, %get3A_449] {strides = array<i32>} : memref<16x1024xf32, #tpu.memory_space<vmem>>, vector<16xf32>,
        %get3A_451 = arith.index_cast %scan3A_80 : i32 to index
        %get3A_452 = arith.constant 608 : index
        %get3A_453 = tpu.vector_load %arg4[%get3A_451, %get3A_452] {strides = array<i32>} : memref<16x1024xf32, #tpu.memory_space<vmem>>, vector<16xf32>,
        %get3A_454 = arith.index_cast %scan3A_80 : i32 to index
        %get3A_455 = arith.constant 624 : index
        %get3A_456 = tpu.vector_load %arg4[%get3A_454, %get3A_455] {strides = array<i32>} : memref<16x1024xf32, #tpu.memory_space<vmem>>, vector<16xf32>,
        %mul3A_457 = arith.constant 1024 : i32
        %mul3A_458 = arith.muli %scan3A_80, %mul3A_457 : i32
        %add3A_459 = arith.constant 0 : i32
        %add3A_460 = arith.addi %mul3A_458, %add3A_459 : i32
        %add3A_461 = arith.constant 4 : i32
        %add3A_462 = arith.addi %add3A_460, %add3A_461 : i32
        %add3A_463 = vector.broadcast %add3A_462 : i32 to vector<16xi32>
        %add3A_464 = arith.addi %mul3A_5, %add3A_463 : vector<16xi32>
        tpu.vector_store_idx %arg6[%add3A_464], %get3A_435 : memref<16384xf32, #tpu.memory_space<vmem>>[vector<16xi32>], vector<16xf32>,
        %mul3A_465 = arith.constant 1024 : i32
        %mul3A_466 = arith.muli %scan3A_80, %mul3A_465 : i32
        %add3A_467 = arith.constant 128 : i32
        %add3A_468 = arith.addi %mul3A_466, %add3A_467 : i32
        %add3A_469 = arith.constant 4 : i32
        %add3A_470 = arith.addi %add3A_468, %add3A_469 : i32
        %add3A_471 = vector.broadcast %add3A_470 : i32 to vector<16xi32>
        %add3A_472 = arith.addi %mul3A_5, %add3A_471 : vector<16xi32>
        tpu.vector_store_idx %arg6[%add3A_472], %get3A_438 : memref<16384xf32, #tpu.memory_space<vmem>>[vector<16xi32>], vector<16xf32>,
        %mul3A_473 = arith.constant 1024 : i32
        %mul3A_474 = arith.muli %scan3A_80, %mul3A_473 : i32
        %add3A_475 = arith.constant 256 : i32
        %add3A_476 = arith.addi %mul3A_474, %add3A_475 : i32
        %add3A_477 = arith.constant 4 : i32
        %add3A_478 = arith.addi %add3A_476, %add3A_477 : i32
        %add3A_479 = vector.broadcast %add3A_478 : i32 to vector<16xi32>
        %add3A_480 = arith.addi %mul3A_5, %add3A_479 : vector<16xi32>
        tpu.vector_store_idx %arg6[%add3A_480], %get3A_441 : memref<16384xf32, #tpu.memory_space<vmem>>[vector<16xi32>], vector<16xf32>,
        %mul3A_481 = arith.constant 1024 : i32
        %mul3A_482 = arith.muli %scan3A_80, %mul3A_481 : i32
        %add3A_483 = arith.constant 384 : i32
        %add3A_484 = arith.addi %mul3A_482, %add3A_483 : i32
        %add3A_485 = arith.constant 4 : i32
        %add3A_486 = arith.addi %add3A_484, %add3A_485 : i32
        %add3A_487 = vector.broadcast %add3A_486 : i32 to vector<16xi32>
        %add3A_488 = arith.addi %mul3A_5, %add3A_487 : vector<16xi32>
        tpu.vector_store_idx %arg6[%add3A_488], %get3A_444 : memref<16384xf32, #tpu.memory_space<vmem>>[vector<16xi32>], vector<16xf32>,
        %mul3A_489 = arith.constant 1024 : i32
        %mul3A_490 = arith.muli %scan3A_80, %mul3A_489 : i32
        %add3A_491 = arith.constant 512 : i32
        %add3A_492 = arith.addi %mul3A_490, %add3A_491 : i32
        %add3A_493 = arith.constant 4 : i32
        %add3A_494 = arith.addi %add3A_492, %add3A_493 : i32
        %add3A_495 = vector.broadcast %add3A_494 : i32 to vector<16xi32>
        %add3A_496 = arith.addi %mul3A_5, %add3A_495 : vector<16xi32>
        tpu.vector_store_idx %arg6[%add3A_496], %get3A_447 : memref<16384xf32, #tpu.memory_space<vmem>>[vector<16xi32>], vector<16xf32>,
        %mul3A_497 = arith.constant 1024 : i32
        %mul3A_498 = arith.muli %scan3A_80, %mul3A_497 : i32
        %add3A_499 = arith.constant 640 : i32
        %add3A_500 = arith.addi %mul3A_498, %add3A_499 : i32
        %add3A_501 = arith.constant 4 : i32
        %add3A_502 = arith.addi %add3A_500, %add3A_501 : i32
        %add3A_503 = vector.broadcast %add3A_502 : i32 to vector<16xi32>
        %add3A_504 = arith.addi %mul3A_5, %add3A_503 : vector<16xi32>
        tpu.vector_store_idx %arg6[%add3A_504], %get3A_450 : memref<16384xf32, #tpu.memory_space<vmem>>[vector<16xi32>], vector<16xf32>,
        %mul3A_505 = arith.constant 1024 : i32
        %mul3A_506 = arith.muli %scan3A_80, %mul3A_505 : i32
        %add3A_507 = arith.constant 768 : i32
        %add3A_508 = arith.addi %mul3A_506, %add3A_507 : i32
        %add3A_509 = arith.constant 4 : i32
        %add3A_510 = arith.addi %add3A_508, %add3A_509 : i32
        %add3A_511 = vector.broadcast %add3A_510 : i32 to vector<16xi32>
        %add3A_512 = arith.addi %mul3A_5, %add3A_511 : vector<16xi32>
        tpu.vector_store_idx %arg6[%add3A_512], %get3A_453 : memref<16384xf32, #tpu.memory_space<vmem>>[vector<16xi32>], vector<16xf32>,
        %mul3A_513 = arith.constant 1024 : i32
        %mul3A_514 = arith.muli %scan3A_80, %mul3A_513 : i32
        %add3A_515 = arith.constant 896 : i32
        %add3A_516 = arith.addi %mul3A_514, %add3A_515 : i32
        %add3A_517 = arith.constant 4 : i32
        %add3A_518 = arith.addi %add3A_516, %add3A_517 : i32
        %add3A_519 = vector.broadcast %add3A_518 : i32 to vector<16xi32>
        %add3A_520 = arith.addi %mul3A_5, %add3A_519 : vector<16xi32>
        tpu.vector_store_idx %arg6[%add3A_520], %get3A_456 : memref<16384xf32, #tpu.memory_space<vmem>>[vector<16xi32>], vector<16xf32>,
        %get3A_521 = arith.index_cast %scan3A_80 : i32 to index
        %get3A_522 = arith.constant 640 : index
        %get3A_523 = tpu.vector_load %arg4[%get3A_521, %get3A_522] {strides = array<i32>} : memref<16x1024xf32, #tpu.memory_space<vmem>>, vector<16xf32>,
        %get3A_524 = arith.index_cast %scan3A_80 : i32 to index
        %get3A_525 = arith.constant 656 : index
        %get3A_526 = tpu.vector_load %arg4[%get3A_524, %get3A_525] {strides = array<i32>} : memref<16x1024xf32, #tpu.memory_space<vmem>>, vector<16xf32>,
        %get3A_527 = arith.index_cast %scan3A_80 : i32 to index
        %get3A_528 = arith.constant 672 : index
        %get3A_529 = tpu.vector_load %arg4[%get3A_527, %get3A_528] {strides = array<i32>} : memref<16x1024xf32, #tpu.memory_space<vmem>>, vector<16xf32>,
        %get3A_530 = arith.index_cast %scan3A_80 : i32 to index
        %get3A_531 = arith.constant 688 : index
        %get3A_532 = tpu.vector_load %arg4[%get3A_530, %get3A_531] {strides = array<i32>} : memref<16x1024xf32, #tpu.memory_space<vmem>>, vector<16xf32>,
        %get3A_533 = arith.index_cast %scan3A_80 : i32 to index
        %get3A_534 = arith.constant 704 : index
        %get3A_535 = tpu.vector_load %arg4[%get3A_533, %get3A_534] {strides = array<i32>} : memref<16x1024xf32, #tpu.memory_space<vmem>>, vector<16xf32>,
        %get3A_536 = arith.index_cast %scan3A_80 : i32 to index
        %get3A_537 = arith.constant 720 : index
        %get3A_538 = tpu.vector_load %arg4[%get3A_536, %get3A_537] {strides = array<i32>} : memref<16x1024xf32, #tpu.memory_space<vmem>>, vector<16xf32>,
        %get3A_539 = arith.index_cast %scan3A_80 : i32 to index
        %get3A_540 = arith.constant 736 : index
        %get3A_541 = tpu.vector_load %arg4[%get3A_539, %get3A_540] {strides = array<i32>} : memref<16x1024xf32, #tpu.memory_space<vmem>>, vector<16xf32>,
        %get3A_542 = arith.index_cast %scan3A_80 : i32 to index
        %get3A_543 = arith.constant 752 : index
        %get3A_544 = tpu.vector_load %arg4[%get3A_542, %get3A_543] {strides = array<i32>} : memref<16x1024xf32, #tpu.memory_space<vmem>>, vector<16xf32>,
        %mul3A_545 = arith.constant 1024 : i32
        %mul3A_546 = arith.muli %scan3A_80, %mul3A_545 : i32
        %add3A_547 = arith.constant 0 : i32
        %add3A_548 = arith.addi %mul3A_546, %add3A_547 : i32
        %add3A_549 = arith.constant 5 : i32
        %add3A_550 = arith.addi %add3A_548, %add3A_549 : i32
        %add3A_551 = vector.broadcast %add3A_550 : i32 to vector<16xi32>
        %add3A_552 = arith.addi %mul3A_5, %add3A_551 : vector<16xi32>
        tpu.vector_store_idx %arg6[%add3A_552], %get3A_523 : memref<16384xf32, #tpu.memory_space<vmem>>[vector<16xi32>], vector<16xf32>,
        %mul3A_553 = arith.constant 1024 : i32
        %mul3A_554 = arith.muli %scan3A_80, %mul3A_553 : i32
        %add3A_555 = arith.constant 128 : i32
        %add3A_556 = arith.addi %mul3A_554, %add3A_555 : i32
        %add3A_557 = arith.constant 5 : i32
        %add3A_558 = arith.addi %add3A_556, %add3A_557 : i32
        %add3A_559 = vector.broadcast %add3A_558 : i32 to vector<16xi32>
        %add3A_560 = arith.addi %mul3A_5, %add3A_559 : vector<16xi32>
        tpu.vector_store_idx %arg6[%add3A_560], %get3A_526 : memref<16384xf32, #tpu.memory_space<vmem>>[vector<16xi32>], vector<16xf32>,
        %mul3A_561 = arith.constant 1024 : i32
        %mul3A_562 = arith.muli %scan3A_80, %mul3A_561 : i32
        %add3A_563 = arith.constant 256 : i32
        %add3A_564 = arith.addi %mul3A_562, %add3A_563 : i32
        %add3A_565 = arith.constant 5 : i32
        %add3A_566 = arith.addi %add3A_564, %add3A_565 : i32
        %add3A_567 = vector.broadcast %add3A_566 : i32 to vector<16xi32>
        %add3A_568 = arith.addi %mul3A_5, %add3A_567 : vector<16xi32>
        tpu.vector_store_idx %arg6[%add3A_568], %get3A_529 : memref<16384xf32, #tpu.memory_space<vmem>>[vector<16xi32>], vector<16xf32>,
        %mul3A_569 = arith.constant 1024 : i32
        %mul3A_570 = arith.muli %scan3A_80, %mul3A_569 : i32
        %add3A_571 = arith.constant 384 : i32
        %add3A_572 = arith.addi %mul3A_570, %add3A_571 : i32
        %add3A_573 = arith.constant 5 : i32
        %add3A_574 = arith.addi %add3A_572, %add3A_573 : i32
        %add3A_575 = vector.broadcast %add3A_574 : i32 to vector<16xi32>
        %add3A_576 = arith.addi %mul3A_5, %add3A_575 : vector<16xi32>
        tpu.vector_store_idx %arg6[%add3A_576], %get3A_532 : memref<16384xf32, #tpu.memory_space<vmem>>[vector<16xi32>], vector<16xf32>,
        %mul3A_577 = arith.constant 1024 : i32
        %mul3A_578 = arith.muli %scan3A_80, %mul3A_577 : i32
        %add3A_579 = arith.constant 512 : i32
        %add3A_580 = arith.addi %mul3A_578, %add3A_579 : i32
        %add3A_581 = arith.constant 5 : i32
        %add3A_582 = arith.addi %add3A_580, %add3A_581 : i32
        %add3A_583 = vector.broadcast %add3A_582 : i32 to vector<16xi32>
        %add3A_584 = arith.addi %mul3A_5, %add3A_583 : vector<16xi32>
        tpu.vector_store_idx %arg6[%add3A_584], %get3A_535 : memref<16384xf32, #tpu.memory_space<vmem>>[vector<16xi32>], vector<16xf32>,
        %mul3A_585 = arith.constant 1024 : i32
        %mul3A_586 = arith.muli %scan3A_80, %mul3A_585 : i32
        %add3A_587 = arith.constant 640 : i32
        %add3A_588 = arith.addi %mul3A_586, %add3A_587 : i32
        %add3A_589 = arith.constant 5 : i32
        %add3A_590 = arith.addi %add3A_588, %add3A_589 : i32
        %add3A_591 = vector.broadcast %add3A_590 : i32 to vector<16xi32>
        %add3A_592 = arith.addi %mul3A_5, %add3A_591 : vector<16xi32>
        tpu.vector_store_idx %arg6[%add3A_592], %get3A_538 : memref<16384xf32, #tpu.memory_space<vmem>>[vector<16xi32>], vector<16xf32>,
        %mul3A_593 = arith.constant 1024 : i32
        %mul3A_594 = arith.muli %scan3A_80, %mul3A_593 : i32
        %add3A_595 = arith.constant 768 : i32
        %add3A_596 = arith.addi %mul3A_594, %add3A_595 : i32
        %add3A_597 = arith.constant 5 : i32
        %add3A_598 = arith.addi %add3A_596, %add3A_597 : i32
        %add3A_599 = vector.broadcast %add3A_598 : i32 to vector<16xi32>
        %add3A_600 = arith.addi %mul3A_5, %add3A_599 : vector<16xi32>
        tpu.vector_store_idx %arg6[%add3A_600], %get3A_541 : memref<16384xf32, #tpu.memory_space<vmem>>[vector<16xi32>], vector<16xf32>,
        %mul3A_601 = arith.constant 1024 : i32
        %mul3A_602 = arith.muli %scan3A_80, %mul3A_601 : i32
        %add3A_603 = arith.constant 896 : i32
        %add3A_604 = arith.addi %mul3A_602, %add3A_603 : i32
        %add3A_605 = arith.constant 5 : i32
        %add3A_606 = arith.addi %add3A_604, %add3A_605 : i32
        %add3A_607 = vector.broadcast %add3A_606 : i32 to vector<16xi32>
        %add3A_608 = arith.addi %mul3A_5, %add3A_607 : vector<16xi32>
        tpu.vector_store_idx %arg6[%add3A_608], %get3A_544 : memref<16384xf32, #tpu.memory_space<vmem>>[vector<16xi32>], vector<16xf32>,
        %get3A_609 = arith.index_cast %scan3A_80 : i32 to index
        %get3A_610 = arith.constant 768 : index
        %get3A_611 = tpu.vector_load %arg4[%get3A_609, %get3A_610] {strides = array<i32>} : memref<16x1024xf32, #tpu.memory_space<vmem>>, vector<16xf32>,
        %get3A_612 = arith.index_cast %scan3A_80 : i32 to index
        %get3A_613 = arith.constant 784 : index
        %get3A_614 = tpu.vector_load %arg4[%get3A_612, %get3A_613] {strides = array<i32>} : memref<16x1024xf32, #tpu.memory_space<vmem>>, vector<16xf32>,
        %get3A_615 = arith.index_cast %scan3A_80 : i32 to index
        %get3A_616 = arith.constant 800 : index
        %get3A_617 = tpu.vector_load %arg4[%get3A_615, %get3A_616] {strides = array<i32>} : memref<16x1024xf32, #tpu.memory_space<vmem>>, vector<16xf32>,
        %get3A_618 = arith.index_cast %scan3A_80 : i32 to index
        %get3A_619 = arith.constant 816 : index
        %get3A_620 = tpu.vector_load %arg4[%get3A_618, %get3A_619] {strides = array<i32>} : memref<16x1024xf32, #tpu.memory_space<vmem>>, vector<16xf32>,
        %get3A_621 = arith.index_cast %scan3A_80 : i32 to index
        %get3A_622 = arith.constant 832 : index
        %get3A_623 = tpu.vector_load %arg4[%get3A_621, %get3A_622] {strides = array<i32>} : memref<16x1024xf32, #tpu.memory_space<vmem>>, vector<16xf32>,
        %get3A_624 = arith.index_cast %scan3A_80 : i32 to index
        %get3A_625 = arith.constant 848 : index
        %get3A_626 = tpu.vector_load %arg4[%get3A_624, %get3A_625] {strides = array<i32>} : memref<16x1024xf32, #tpu.memory_space<vmem>>, vector<16xf32>,
        %get3A_627 = arith.index_cast %scan3A_80 : i32 to index
        %get3A_628 = arith.constant 864 : index
        %get3A_629 = tpu.vector_load %arg4[%get3A_627, %get3A_628] {strides = array<i32>} : memref<16x1024xf32, #tpu.memory_space<vmem>>, vector<16xf32>,
        %get3A_630 = arith.index_cast %scan3A_80 : i32 to index
        %get3A_631 = arith.constant 880 : index
        %get3A_632 = tpu.vector_load %arg4[%get3A_630, %get3A_631] {strides = array<i32>} : memref<16x1024xf32, #tpu.memory_space<vmem>>, vector<16xf32>,
        %mul3A_633 = arith.constant 1024 : i32
        %mul3A_634 = arith.muli %scan3A_80, %mul3A_633 : i32
        %add3A_635 = arith.constant 0 : i32
        %add3A_636 = arith.addi %mul3A_634, %add3A_635 : i32
        %add3A_637 = arith.constant 6 : i32
        %add3A_638 = arith.addi %add3A_636, %add3A_637 : i32
        %add3A_639 = vector.broadcast %add3A_638 : i32 to vector<16xi32>
        %add3A_640 = arith.addi %mul3A_5, %add3A_639 : vector<16xi32>
        tpu.vector_store_idx %arg6[%add3A_640], %get3A_611 : memref<16384xf32, #tpu.memory_space<vmem>>[vector<16xi32>], vector<16xf32>,
        %mul3A_641 = arith.constant 1024 : i32
        %mul3A_642 = arith.muli %scan3A_80, %mul3A_641 : i32
        %add3A_643 = arith.constant 128 : i32
        %add3A_644 = arith.addi %mul3A_642, %add3A_643 : i32
        %add3A_645 = arith.constant 6 : i32
        %add3A_646 = arith.addi %add3A_644, %add3A_645 : i32
        %add3A_647 = vector.broadcast %add3A_646 : i32 to vector<16xi32>
        %add3A_648 = arith.addi %mul3A_5, %add3A_647 : vector<16xi32>
        tpu.vector_store_idx %arg6[%add3A_648], %get3A_614 : memref<16384xf32, #tpu.memory_space<vmem>>[vector<16xi32>], vector<16xf32>,
        %mul3A_649 = arith.constant 1024 : i32
        %mul3A_650 = arith.muli %scan3A_80, %mul3A_649 : i32
        %add3A_651 = arith.constant 256 : i32
        %add3A_652 = arith.addi %mul3A_650, %add3A_651 : i32
        %add3A_653 = arith.constant 6 : i32
        %add3A_654 = arith.addi %add3A_652, %add3A_653 : i32
        %add3A_655 = vector.broadcast %add3A_654 : i32 to vector<16xi32>
        %add3A_656 = arith.addi %mul3A_5, %add3A_655 : vector<16xi32>
        tpu.vector_store_idx %arg6[%add3A_656], %get3A_617 : memref<16384xf32, #tpu.memory_space<vmem>>[vector<16xi32>], vector<16xf32>,
        %mul3A_657 = arith.constant 1024 : i32
        %mul3A_658 = arith.muli %scan3A_80, %mul3A_657 : i32
        %add3A_659 = arith.constant 384 : i32
        %add3A_660 = arith.addi %mul3A_658, %add3A_659 : i32
        %add3A_661 = arith.constant 6 : i32
        %add3A_662 = arith.addi %add3A_660, %add3A_661 : i32
        %add3A_663 = vector.broadcast %add3A_662 : i32 to vector<16xi32>
        %add3A_664 = arith.addi %mul3A_5, %add3A_663 : vector<16xi32>
        tpu.vector_store_idx %arg6[%add3A_664], %get3A_620 : memref<16384xf32, #tpu.memory_space<vmem>>[vector<16xi32>], vector<16xf32>,
        %mul3A_665 = arith.constant 1024 : i32
        %mul3A_666 = arith.muli %scan3A_80, %mul3A_665 : i32
        %add3A_667 = arith.constant 512 : i32
        %add3A_668 = arith.addi %mul3A_666, %add3A_667 : i32
        %add3A_669 = arith.constant 6 : i32
        %add3A_670 = arith.addi %add3A_668, %add3A_669 : i32
        %add3A_671 = vector.broadcast %add3A_670 : i32 to vector<16xi32>
        %add3A_672 = arith.addi %mul3A_5, %add3A_671 : vector<16xi32>
        tpu.vector_store_idx %arg6[%add3A_672], %get3A_623 : memref<16384xf32, #tpu.memory_space<vmem>>[vector<16xi32>], vector<16xf32>,
        %mul3A_673 = arith.constant 1024 : i32
        %mul3A_674 = arith.muli %scan3A_80, %mul3A_673 : i32
        %add3A_675 = arith.constant 640 : i32
        %add3A_676 = arith.addi %mul3A_674, %add3A_675 : i32
        %add3A_677 = arith.constant 6 : i32
        %add3A_678 = arith.addi %add3A_676, %add3A_677 : i32
        %add3A_679 = vector.broadcast %add3A_678 : i32 to vector<16xi32>
        %add3A_680 = arith.addi %mul3A_5, %add3A_679 : vector<16xi32>
        tpu.vector_store_idx %arg6[%add3A_680], %get3A_626 : memref<16384xf32, #tpu.memory_space<vmem>>[vector<16xi32>], vector<16xf32>,
        %mul3A_681 = arith.constant 1024 : i32
        %mul3A_682 = arith.muli %scan3A_80, %mul3A_681 : i32
        %add3A_683 = arith.constant 768 : i32
        %add3A_684 = arith.addi %mul3A_682, %add3A_683 : i32
        %add3A_685 = arith.constant 6 : i32
        %add3A_686 = arith.addi %add3A_684, %add3A_685 : i32
        %add3A_687 = vector.broadcast %add3A_686 : i32 to vector<16xi32>
        %add3A_688 = arith.addi %mul3A_5, %add3A_687 : vector<16xi32>
        tpu.vector_store_idx %arg6[%add3A_688], %get3A_629 : memref<16384xf32, #tpu.memory_space<vmem>>[vector<16xi32>], vector<16xf32>,
        %mul3A_689 = arith.constant 1024 : i32
        %mul3A_690 = arith.muli %scan3A_80, %mul3A_689 : i32
        %add3A_691 = arith.constant 896 : i32
        %add3A_692 = arith.addi %mul3A_690, %add3A_691 : i32
        %add3A_693 = arith.constant 6 : i32
        %add3A_694 = arith.addi %add3A_692, %add3A_693 : i32
        %add3A_695 = vector.broadcast %add3A_694 : i32 to vector<16xi32>
        %add3A_696 = arith.addi %mul3A_5, %add3A_695 : vector<16xi32>
        tpu.vector_store_idx %arg6[%add3A_696], %get3A_632 : memref<16384xf32, #tpu.memory_space<vmem>>[vector<16xi32>], vector<16xf32>,
        %get3A_697 = arith.index_cast %scan3A_80 : i32 to index
        %get3A_698 = arith.constant 896 : index
        %get3A_699 = tpu.vector_load %arg4[%get3A_697, %get3A_698] {strides = array<i32>} : memref<16x1024xf32, #tpu.memory_space<vmem>>, vector<16xf32>,
        %get3A_700 = arith.index_cast %scan3A_80 : i32 to index
        %get3A_701 = arith.constant 912 : index
        %get3A_702 = tpu.vector_load %arg4[%get3A_700, %get3A_701] {strides = array<i32>} : memref<16x1024xf32, #tpu.memory_space<vmem>>, vector<16xf32>,
        %get3A_703 = arith.index_cast %scan3A_80 : i32 to index
        %get3A_704 = arith.constant 928 : index
        %get3A_705 = tpu.vector_load %arg4[%get3A_703, %get3A_704] {strides = array<i32>} : memref<16x1024xf32, #tpu.memory_space<vmem>>, vector<16xf32>,
        %get3A_706 = arith.index_cast %scan3A_80 : i32 to index
        %get3A_707 = arith.constant 944 : index
        %get3A_708 = tpu.vector_load %arg4[%get3A_706, %get3A_707] {strides = array<i32>} : memref<16x1024xf32, #tpu.memory_space<vmem>>, vector<16xf32>,
        %get3A_709 = arith.index_cast %scan3A_80 : i32 to index
        %get3A_710 = arith.constant 960 : index
        %get3A_711 = tpu.vector_load %arg4[%get3A_709, %get3A_710] {strides = array<i32>} : memref<16x1024xf32, #tpu.memory_space<vmem>>, vector<16xf32>,
        %get3A_712 = arith.index_cast %scan3A_80 : i32 to index
        %get3A_713 = arith.constant 976 : index
        %get3A_714 = tpu.vector_load %arg4[%get3A_712, %get3A_713] {strides = array<i32>} : memref<16x1024xf32, #tpu.memory_space<vmem>>, vector<16xf32>,
        %get3A_715 = arith.index_cast %scan3A_80 : i32 to index
        %get3A_716 = arith.constant 992 : index
        %get3A_717 = tpu.vector_load %arg4[%get3A_715, %get3A_716] {strides = array<i32>} : memref<16x1024xf32, #tpu.memory_space<vmem>>, vector<16xf32>,
        %get3A_718 = arith.index_cast %scan3A_80 : i32 to index
        %get3A_719 = arith.constant 1008 : index
        %get3A_720 = tpu.vector_load %arg4[%get3A_718, %get3A_719] {strides = array<i32>} : memref<16x1024xf32, #tpu.memory_space<vmem>>, vector<16xf32>,
        %mul3A_721 = arith.constant 1024 : i32
        %mul3A_722 = arith.muli %scan3A_80, %mul3A_721 : i32
        %add3A_723 = arith.constant 0 : i32
        %add3A_724 = arith.addi %mul3A_722, %add3A_723 : i32
        %add3A_725 = arith.constant 7 : i32
        %add3A_726 = arith.addi %add3A_724, %add3A_725 : i32
        %add3A_727 = vector.broadcast %add3A_726 : i32 to vector<16xi32>
        %add3A_728 = arith.addi %mul3A_5, %add3A_727 : vector<16xi32>
        tpu.vector_store_idx %arg6[%add3A_728], %get3A_699 : memref<16384xf32, #tpu.memory_space<vmem>>[vector<16xi32>], vector<16xf32>,
        %mul3A_729 = arith.constant 1024 : i32
        %mul3A_730 = arith.muli %scan3A_80, %mul3A_729 : i32
        %add3A_731 = arith.constant 128 : i32
        %add3A_732 = arith.addi %mul3A_730, %add3A_731 : i32
        %add3A_733 = arith.constant 7 : i32
        %add3A_734 = arith.addi %add3A_732, %add3A_733 : i32
        %add3A_735 = vector.broadcast %add3A_734 : i32 to vector<16xi32>
        %add3A_736 = arith.addi %mul3A_5, %add3A_735 : vector<16xi32>
        tpu.vector_store_idx %arg6[%add3A_736], %get3A_702 : memref<16384xf32, #tpu.memory_space<vmem>>[vector<16xi32>], vector<16xf32>,
        %mul3A_737 = arith.constant 1024 : i32
        %mul3A_738 = arith.muli %scan3A_80, %mul3A_737 : i32
        %add3A_739 = arith.constant 256 : i32
        %add3A_740 = arith.addi %mul3A_738, %add3A_739 : i32
        %add3A_741 = arith.constant 7 : i32
        %add3A_742 = arith.addi %add3A_740, %add3A_741 : i32
        %add3A_743 = vector.broadcast %add3A_742 : i32 to vector<16xi32>
        %add3A_744 = arith.addi %mul3A_5, %add3A_743 : vector<16xi32>
        tpu.vector_store_idx %arg6[%add3A_744], %get3A_705 : memref<16384xf32, #tpu.memory_space<vmem>>[vector<16xi32>], vector<16xf32>,
        %mul3A_745 = arith.constant 1024 : i32
        %mul3A_746 = arith.muli %scan3A_80, %mul3A_745 : i32
        %add3A_747 = arith.constant 384 : i32
        %add3A_748 = arith.addi %mul3A_746, %add3A_747 : i32
        %add3A_749 = arith.constant 7 : i32
        %add3A_750 = arith.addi %add3A_748, %add3A_749 : i32
        %add3A_751 = vector.broadcast %add3A_750 : i32 to vector<16xi32>
        %add3A_752 = arith.addi %mul3A_5, %add3A_751 : vector<16xi32>
        tpu.vector_store_idx %arg6[%add3A_752], %get3A_708 : memref<16384xf32, #tpu.memory_space<vmem>>[vector<16xi32>], vector<16xf32>,
        %mul3A_753 = arith.constant 1024 : i32
        %mul3A_754 = arith.muli %scan3A_80, %mul3A_753 : i32
        %add3A_755 = arith.constant 512 : i32
        %add3A_756 = arith.addi %mul3A_754, %add3A_755 : i32
        %add3A_757 = arith.constant 7 : i32
        %add3A_758 = arith.addi %add3A_756, %add3A_757 : i32
        %add3A_759 = vector.broadcast %add3A_758 : i32 to vector<16xi32>
        %add3A_760 = arith.addi %mul3A_5, %add3A_759 : vector<16xi32>
        tpu.vector_store_idx %arg6[%add3A_760], %get3A_711 : memref<16384xf32, #tpu.memory_space<vmem>>[vector<16xi32>], vector<16xf32>,
        %mul3A_761 = arith.constant 1024 : i32
        %mul3A_762 = arith.muli %scan3A_80, %mul3A_761 : i32
        %add3A_763 = arith.constant 640 : i32
        %add3A_764 = arith.addi %mul3A_762, %add3A_763 : i32
        %add3A_765 = arith.constant 7 : i32
        %add3A_766 = arith.addi %add3A_764, %add3A_765 : i32
        %add3A_767 = vector.broadcast %add3A_766 : i32 to vector<16xi32>
        %add3A_768 = arith.addi %mul3A_5, %add3A_767 : vector<16xi32>
        tpu.vector_store_idx %arg6[%add3A_768], %get3A_714 : memref<16384xf32, #tpu.memory_space<vmem>>[vector<16xi32>], vector<16xf32>,
        %mul3A_769 = arith.constant 1024 : i32
        %mul3A_770 = arith.muli %scan3A_80, %mul3A_769 : i32
        %add3A_771 = arith.constant 768 : i32
        %add3A_772 = arith.addi %mul3A_770, %add3A_771 : i32
        %add3A_773 = arith.constant 7 : i32
        %add3A_774 = arith.addi %add3A_772, %add3A_773 : i32
        %add3A_775 = vector.broadcast %add3A_774 : i32 to vector<16xi32>
        %add3A_776 = arith.addi %mul3A_5, %add3A_775 : vector<16xi32>
        tpu.vector_store_idx %arg6[%add3A_776], %get3A_717 : memref<16384xf32, #tpu.memory_space<vmem>>[vector<16xi32>], vector<16xf32>,
        %mul3A_777 = arith.constant 1024 : i32
        %mul3A_778 = arith.muli %scan3A_80, %mul3A_777 : i32
        %add3A_779 = arith.constant 896 : i32
        %add3A_780 = arith.addi %mul3A_778, %add3A_779 : i32
        %add3A_781 = arith.constant 7 : i32
        %add3A_782 = arith.addi %add3A_780, %add3A_781 : i32
        %add3A_783 = vector.broadcast %add3A_782 : i32 to vector<16xi32>
        %add3A_784 = arith.addi %mul3A_5, %add3A_783 : vector<16xi32>
        tpu.vector_store_idx %arg6[%add3A_784], %get3A_720 : memref<16384xf32, #tpu.memory_space<vmem>>[vector<16xi32>], vector<16xf32>,
        %scan3A_785 = arith.constant 0 : i32
        scf.yield %scan3A_785 : i32
      }
      %scan3A_59 = arith.constant 16 : i32
      %mul3A_60 = arith.constant 1024 : i32
      %mul3A_61 = arith.muli %add3A_27, %mul3A_60 : i32
      %dma_start3A_62 = tpu.memref_slice %arg3[%mul3A_61] : memref<8388608xf32, #tpu.memory_space<hbm>> -> memref<16384xf32, #tpu.memory_space<hbm>>
      %dma_start3A_63 = tpu.memref_slice %arg3[%mul3A_61] : memref<8388608xf32, #tpu.memory_space<hbm>> -> memref<16384xf32, #tpu.memory_space<hbm>>
      tpu.enqueue_dma source(%arg6 : memref<16384xf32, #tpu.memory_space<vmem>>) target(%dma_start3A_63 : memref<16384xf32, #tpu.memory_space<hbm>>) target_semaphore(%arg10 : memref<!tpu.dma_semaphore, #tpu.memory_space<semaphore_mem>>)
      %dma_wait3A_64 = arith.constant 0 : i32
      %dma_wait3A_65 = tpu.memref_slice %arg2[%add3A_34, %dma_wait3A_64] : memref<8192x1024xf32, #tpu.memory_space<hbm>> -> memref<16x1024xf32, #tpu.memory_space<hbm>>
      %dma_wait3A_66 = arith.constant 0 : i32
      %dma_wait3A_67 = tpu.memref_slice %arg2[%add3A_34, %dma_wait3A_66] : memref<8192x1024xf32, #tpu.memory_space<hbm>> -> memref<16x1024xf32, #tpu.memory_space<hbm>>
      tpu.wait_dma2 semaphore(%arg9 : memref<!tpu.dma_semaphore, #tpu.memory_space<semaphore_mem>>) src(%dma_wait3A_67 : memref<16x1024xf32, #tpu.memory_space<hbm>>) dst(%arg5 : memref<16x1024xf32, #tpu.memory_space<vmem>>)
      %scan3A_68 = arith.constant 0 : i32
      %scan3A_69 = arith.constant 0 : i32
      %scan3A_70 = arith.constant 16 : i32
      %scan3A_71 = arith.addi %scan3A_69, %scan3A_70 : i32
      %scan3A_72 = arith.constant 1 : i32
      %scan3A_73 = scf.for %scan3A_80 = %scan3A_69 to %scan3A_71 step %scan3A_72 iter_args(%scan3A_81 = %scan3A_68) -> (i32)  : i32 {
        %get3A = arith.index_cast %scan3A_80 : i32 to index
        %get3A_82 = arith.constant 0 : index
        %get3A_83 = tpu.vector_load %arg5[%get3A, %get3A_82] {strides = array<i32>} : memref<16x1024xf32, #tpu.memory_space<vmem>>, vector<16xf32>,
        %get3A_84 = arith.index_cast %scan3A_80 : i32 to index
        %get3A_85 = arith.constant 16 : index
        %get3A_86 = tpu.vector_load %arg5[%get3A_84, %get3A_85] {strides = array<i32>} : memref<16x1024xf32, #tpu.memory_space<vmem>>, vector<16xf32>,
        %get3A_87 = arith.index_cast %scan3A_80 : i32 to index
        %get3A_88 = arith.constant 32 : index
        %get3A_89 = tpu.vector_load %arg5[%get3A_87, %get3A_88] {strides = array<i32>} : memref<16x1024xf32, #tpu.memory_space<vmem>>, vector<16xf32>,
        %get3A_90 = arith.index_cast %scan3A_80 : i32 to index
        %get3A_91 = arith.constant 48 : index
        %get3A_92 = tpu.vector_load %arg5[%get3A_90, %get3A_91] {strides = array<i32>} : memref<16x1024xf32, #tpu.memory_space<vmem>>, vector<16xf32>,
        %get3A_93 = arith.index_cast %scan3A_80 : i32 to index
        %get3A_94 = arith.constant 64 : index
        %get3A_95 = tpu.vector_load %arg5[%get3A_93, %get3A_94] {strides = array<i32>} : memref<16x1024xf32, #tpu.memory_space<vmem>>, vector<16xf32>,
        %get3A_96 = arith.index_cast %scan3A_80 : i32 to index
        %get3A_97 = arith.constant 80 : index
        %get3A_98 = tpu.vector_load %arg5[%get3A_96, %get3A_97] {strides = array<i32>} : memref<16x1024xf32, #tpu.memory_space<vmem>>, vector<16xf32>,
        %get3A_99 = arith.index_cast %scan3A_80 : i32 to index
        %get3A_100 = arith.constant 96 : index
        %get3A_101 = tpu.vector_load %arg5[%get3A_99, %get3A_100] {strides = array<i32>} : memref<16x1024xf32, #tpu.memory_space<vmem>>, vector<16xf32>,
        %get3A_102 = arith.index_cast %scan3A_80 : i32 to index
        %get3A_103 = arith.constant 112 : index
        %get3A_104 = tpu.vector_load %arg5[%get3A_102, %get3A_103] {strides = array<i32>} : memref<16x1024xf32, #tpu.memory_space<vmem>>, vector<16xf32>,
        %mul3A_105 = arith.constant 1024 : i32
        %mul3A_106 = arith.muli %scan3A_80, %mul3A_105 : i32
        %add3A_107 = arith.constant 0 : i32
        %add3A_108 = arith.addi %mul3A_106, %add3A_107 : i32
        %add3A_109 = arith.constant 0 : i32
        %add3A_110 = arith.addi %add3A_108, %add3A_109 : i32
        %add3A_111 = vector.broadcast %add3A_110 : i32 to vector<16xi32>
        %add3A_112 = arith.addi %mul3A_5, %add3A_111 : vector<16xi32>
        tpu.vector_store_idx %arg7[%add3A_112], %get3A_83 : memref<16384xf32, #tpu.memory_space<vmem>>[vector<16xi32>], vector<16xf32>,
        %mul3A_113 = arith.constant 1024 : i32
        %mul3A_114 = arith.muli %scan3A_80, %mul3A_113 : i32
        %add3A_115 = arith.constant 128 : i32
        %add3A_116 = arith.addi %mul3A_114, %add3A_115 : i32
        %add3A_117 = arith.constant 0 : i32
        %add3A_118 = arith.addi %add3A_116, %add3A_117 : i32
        %add3A_119 = vector.broadcast %add3A_118 : i32 to vector<16xi32>
        %add3A_120 = arith.addi %mul3A_5, %add3A_119 : vector<16xi32>
        tpu.vector_store_idx %arg7[%add3A_120], %get3A_86 : memref<16384xf32, #tpu.memory_space<vmem>>[vector<16xi32>], vector<16xf32>,
        %mul3A_121 = arith.constant 1024 : i32
        %mul3A_122 = arith.muli %scan3A_80, %mul3A_121 : i32
        %add3A_123 = arith.constant 256 : i32
        %add3A_124 = arith.addi %mul3A_122, %add3A_123 : i32
        %add3A_125 = arith.constant 0 : i32
        %add3A_126 = arith.addi %add3A_124, %add3A_125 : i32
        %add3A_127 = vector.broadcast %add3A_126 : i32 to vector<16xi32>
        %add3A_128 = arith.addi %mul3A_5, %add3A_127 : vector<16xi32>
        tpu.vector_store_idx %arg7[%add3A_128], %get3A_89 : memref<16384xf32, #tpu.memory_space<vmem>>[vector<16xi32>], vector<16xf32>,
        %mul3A_129 = arith.constant 1024 : i32
        %mul3A_130 = arith.muli %scan3A_80, %mul3A_129 : i32
        %add3A_131 = arith.constant 384 : i32
        %add3A_132 = arith.addi %mul3A_130, %add3A_131 : i32
        %add3A_133 = arith.constant 0 : i32
        %add3A_134 = arith.addi %add3A_132, %add3A_133 : i32
        %add3A_135 = vector.broadcast %add3A_134 : i32 to vector<16xi32>
        %add3A_136 = arith.addi %mul3A_5, %add3A_135 : vector<16xi32>
        tpu.vector_store_idx %arg7[%add3A_136], %get3A_92 : memref<16384xf32, #tpu.memory_space<vmem>>[vector<16xi32>], vector<16xf32>,
        %mul3A_137 = arith.constant 1024 : i32
        %mul3A_138 = arith.muli %scan3A_80, %mul3A_137 : i32
        %add3A_139 = arith.constant 512 : i32
        %add3A_140 = arith.addi %mul3A_138, %add3A_139 : i32
        %add3A_141 = arith.constant 0 : i32
        %add3A_142 = arith.addi %add3A_140, %add3A_141 : i32
        %add3A_143 = vector.broadcast %add3A_142 : i32 to vector<16xi32>
        %add3A_144 = arith.addi %mul3A_5, %add3A_143 : vector<16xi32>
        tpu.vector_store_idx %arg7[%add3A_144], %get3A_95 : memref<16384xf32, #tpu.memory_space<vmem>>[vector<16xi32>], vector<16xf32>,
        %mul3A_145 = arith.constant 1024 : i32
        %mul3A_146 = arith.muli %scan3A_80, %mul3A_145 : i32
        %add3A_147 = arith.constant 640 : i32
        %add3A_148 = arith.addi %mul3A_146, %add3A_147 : i32
        %add3A_149 = arith.constant 0 : i32
        %add3A_150 = arith.addi %add3A_148, %add3A_149 : i32
        %add3A_151 = vector.broadcast %add3A_150 : i32 to vector<16xi32>
        %add3A_152 = arith.addi %mul3A_5, %add3A_151 : vector<16xi32>
        tpu.vector_store_idx %arg7[%add3A_152], %get3A_98 : memref<16384xf32, #tpu.memory_space<vmem>>[vector<16xi32>], vector<16xf32>,
        %mul3A_153 = arith.constant 1024 : i32
        %mul3A_154 = arith.muli %scan3A_80, %mul3A_153 : i32
        %add3A_155 = arith.constant 768 : i32
        %add3A_156 = arith.addi %mul3A_154, %add3A_155 : i32
        %add3A_157 = arith.constant 0 : i32
        %add3A_158 = arith.addi %add3A_156, %add3A_157 : i32
        %add3A_159 = vector.broadcast %add3A_158 : i32 to vector<16xi32>
        %add3A_160 = arith.addi %mul3A_5, %add3A_159 : vector<16xi32>
        tpu.vector_store_idx %arg7[%add3A_160], %get3A_101 : memref<16384xf32, #tpu.memory_space<vmem>>[vector<16xi32>], vector<16xf32>,
        %mul3A_161 = arith.constant 1024 : i32
        %mul3A_162 = arith.muli %scan3A_80, %mul3A_161 : i32
        %add3A_163 = arith.constant 896 : i32
        %add3A_164 = arith.addi %mul3A_162, %add3A_163 : i32
        %add3A_165 = arith.constant 0 : i32
        %add3A_166 = arith.addi %add3A_164, %add3A_165 : i32
        %add3A_167 = vector.broadcast %add3A_166 : i32 to vector<16xi32>
        %add3A_168 = arith.addi %mul3A_5, %add3A_167 : vector<16xi32>
        tpu.vector_store_idx %arg7[%add3A_168], %get3A_104 : memref<16384xf32, #tpu.memory_space<vmem>>[vector<16xi32>], vector<16xf32>,
        %get3A_169 = arith.index_cast %scan3A_80 : i32 to index
        %get3A_170 = arith.constant 128 : index
        %get3A_171 = tpu.vector_load %arg5[%get3A_169, %get3A_170] {strides = array<i32>} : memref<16x1024xf32, #tpu.memory_space<vmem>>, vector<16xf32>,
        %get3A_172 = arith.index_cast %scan3A_80 : i32 to index
        %get3A_173 = arith.constant 144 : index
        %get3A_174 = tpu.vector_load %arg5[%get3A_172, %get3A_173] {strides = array<i32>} : memref<16x1024xf32, #tpu.memory_space<vmem>>, vector<16xf32>,
        %get3A_175 = arith.index_cast %scan3A_80 : i32 to index
        %get3A_176 = arith.constant 160 : index
        %get3A_177 = tpu.vector_load %arg5[%get3A_175, %get3A_176] {strides = array<i32>} : memref<16x1024xf32, #tpu.memory_space<vmem>>, vector<16xf32>,
        %get3A_178 = arith.index_cast %scan3A_80 : i32 to index
        %get3A_179 = arith.constant 176 : index
        %get3A_180 = tpu.vector_load %arg5[%get3A_178, %get3A_179] {strides = array<i32>} : memref<16x1024xf32, #tpu.memory_space<vmem>>, vector<16xf32>,
        %get3A_181 = arith.index_cast %scan3A_80 : i32 to index
        %get3A_182 = arith.constant 192 : index
        %get3A_183 = tpu.vector_load %arg5[%get3A_181, %get3A_182] {strides = array<i32>} : memref<16x1024xf32, #tpu.memory_space<vmem>>, vector<16xf32>,
        %get3A_184 = arith.index_cast %scan3A_80 : i32 to index
        %get3A_185 = arith.constant 208 : index
        %get3A_186 = tpu.vector_load %arg5[%get3A_184, %get3A_185] {strides = array<i32>} : memref<16x1024xf32, #tpu.memory_space<vmem>>, vector<16xf32>,
        %get3A_187 = arith.index_cast %scan3A_80 : i32 to index
        %get3A_188 = arith.constant 224 : index
        %get3A_189 = tpu.vector_load %arg5[%get3A_187, %get3A_188] {strides = array<i32>} : memref<16x1024xf32, #tpu.memory_space<vmem>>, vector<16xf32>,
        %get3A_190 = arith.index_cast %scan3A_80 : i32 to index
        %get3A_191 = arith.constant 240 : index
        %get3A_192 = tpu.vector_load %arg5[%get3A_190, %get3A_191] {strides = array<i32>} : memref<16x1024xf32, #tpu.memory_space<vmem>>, vector<16xf32>,
        %mul3A_193 = arith.constant 1024 : i32
        %mul3A_194 = arith.muli %scan3A_80, %mul3A_193 : i32
        %add3A_195 = arith.constant 0 : i32
        %add3A_196 = arith.addi %mul3A_194, %add3A_195 : i32
        %add3A_197 = arith.constant 1 : i32
        %add3A_198 = arith.addi %add3A_196, %add3A_197 : i32
        %add3A_199 = vector.broadcast %add3A_198 : i32 to vector<16xi32>
        %add3A_200 = arith.addi %mul3A_5, %add3A_199 : vector<16xi32>
        tpu.vector_store_idx %arg7[%add3A_200], %get3A_171 : memref<16384xf32, #tpu.memory_space<vmem>>[vector<16xi32>], vector<16xf32>,
        %mul3A_201 = arith.constant 1024 : i32
        %mul3A_202 = arith.muli %scan3A_80, %mul3A_201 : i32
        %add3A_203 = arith.constant 128 : i32
        %add3A_204 = arith.addi %mul3A_202, %add3A_203 : i32
        %add3A_205 = arith.constant 1 : i32
        %add3A_206 = arith.addi %add3A_204, %add3A_205 : i32
        %add3A_207 = vector.broadcast %add3A_206 : i32 to vector<16xi32>
        %add3A_208 = arith.addi %mul3A_5, %add3A_207 : vector<16xi32>
        tpu.vector_store_idx %arg7[%add3A_208], %get3A_174 : memref<16384xf32, #tpu.memory_space<vmem>>[vector<16xi32>], vector<16xf32>,
        %mul3A_209 = arith.constant 1024 : i32
        %mul3A_210 = arith.muli %scan3A_80, %mul3A_209 : i32
        %add3A_211 = arith.constant 256 : i32
        %add3A_212 = arith.addi %mul3A_210, %add3A_211 : i32
        %add3A_213 = arith.constant 1 : i32
        %add3A_214 = arith.addi %add3A_212, %add3A_213 : i32
        %add3A_215 = vector.broadcast %add3A_214 : i32 to vector<16xi32>
        %add3A_216 = arith.addi %mul3A_5, %add3A_215 : vector<16xi32>
        tpu.vector_store_idx %arg7[%add3A_216], %get3A_177 : memref<16384xf32, #tpu.memory_space<vmem>>[vector<16xi32>], vector<16xf32>,
        %mul3A_217 = arith.constant 1024 : i32
        %mul3A_218 = arith.muli %scan3A_80, %mul3A_217 : i32
        %add3A_219 = arith.constant 384 : i32
        %add3A_220 = arith.addi %mul3A_218, %add3A_219 : i32
        %add3A_221 = arith.constant 1 : i32
        %add3A_222 = arith.addi %add3A_220, %add3A_221 : i32
        %add3A_223 = vector.broadcast %add3A_222 : i32 to vector<16xi32>
        %add3A_224 = arith.addi %mul3A_5, %add3A_223 : vector<16xi32>
        tpu.vector_store_idx %arg7[%add3A_224], %get3A_180 : memref<16384xf32, #tpu.memory_space<vmem>>[vector<16xi32>], vector<16xf32>,
        %mul3A_225 = arith.constant 1024 : i32
        %mul3A_226 = arith.muli %scan3A_80, %mul3A_225 : i32
        %add3A_227 = arith.constant 512 : i32
        %add3A_228 = arith.addi %mul3A_226, %add3A_227 : i32
        %add3A_229 = arith.constant 1 : i32
        %add3A_230 = arith.addi %add3A_228, %add3A_229 : i32
        %add3A_231 = vector.broadcast %add3A_230 : i32 to vector<16xi32>
        %add3A_232 = arith.addi %mul3A_5, %add3A_231 : vector<16xi32>
        tpu.vector_store_idx %arg7[%add3A_232], %get3A_183 : memref<16384xf32, #tpu.memory_space<vmem>>[vector<16xi32>], vector<16xf32>,
        %mul3A_233 = arith.constant 1024 : i32
        %mul3A_234 = arith.muli %scan3A_80, %mul3A_233 : i32
        %add3A_235 = arith.constant 640 : i32
        %add3A_236 = arith.addi %mul3A_234, %add3A_235 : i32
        %add3A_237 = arith.constant 1 : i32
        %add3A_238 = arith.addi %add3A_236, %add3A_237 : i32
        %add3A_239 = vector.broadcast %add3A_238 : i32 to vector<16xi32>
        %add3A_240 = arith.addi %mul3A_5, %add3A_239 : vector<16xi32>
        tpu.vector_store_idx %arg7[%add3A_240], %get3A_186 : memref<16384xf32, #tpu.memory_space<vmem>>[vector<16xi32>], vector<16xf32>,
        %mul3A_241 = arith.constant 1024 : i32
        %mul3A_242 = arith.muli %scan3A_80, %mul3A_241 : i32
        %add3A_243 = arith.constant 768 : i32
        %add3A_244 = arith.addi %mul3A_242, %add3A_243 : i32
        %add3A_245 = arith.constant 1 : i32
        %add3A_246 = arith.addi %add3A_244, %add3A_245 : i32
        %add3A_247 = vector.broadcast %add3A_246 : i32 to vector<16xi32>
        %add3A_248 = arith.addi %mul3A_5, %add3A_247 : vector<16xi32>
        tpu.vector_store_idx %arg7[%add3A_248], %get3A_189 : memref<16384xf32, #tpu.memory_space<vmem>>[vector<16xi32>], vector<16xf32>,
        %mul3A_249 = arith.constant 1024 : i32
        %mul3A_250 = arith.muli %scan3A_80, %mul3A_249 : i32
        %add3A_251 = arith.constant 896 : i32
        %add3A_252 = arith.addi %mul3A_250, %add3A_251 : i32
        %add3A_253 = arith.constant 1 : i32
        %add3A_254 = arith.addi %add3A_252, %add3A_253 : i32
        %add3A_255 = vector.broadcast %add3A_254 : i32 to vector<16xi32>
        %add3A_256 = arith.addi %mul3A_5, %add3A_255 : vector<16xi32>
        tpu.vector_store_idx %arg7[%add3A_256], %get3A_192 : memref<16384xf32, #tpu.memory_space<vmem>>[vector<16xi32>], vector<16xf32>,
        %get3A_257 = arith.index_cast %scan3A_80 : i32 to index
        %get3A_258 = arith.constant 256 : index
        %get3A_259 = tpu.vector_load %arg5[%get3A_257, %get3A_258] {strides = array<i32>} : memref<16x1024xf32, #tpu.memory_space<vmem>>, vector<16xf32>,
        %get3A_260 = arith.index_cast %scan3A_80 : i32 to index
        %get3A_261 = arith.constant 272 : index
        %get3A_262 = tpu.vector_load %arg5[%get3A_260, %get3A_261] {strides = array<i32>} : memref<16x1024xf32, #tpu.memory_space<vmem>>, vector<16xf32>,
        %get3A_263 = arith.index_cast %scan3A_80 : i32 to index
        %get3A_264 = arith.constant 288 : index
        %get3A_265 = tpu.vector_load %arg5[%get3A_263, %get3A_264] {strides = array<i32>} : memref<16x1024xf32, #tpu.memory_space<vmem>>, vector<16xf32>,
        %get3A_266 = arith.index_cast %scan3A_80 : i32 to index
        %get3A_267 = arith.constant 304 : index
        %get3A_268 = tpu.vector_load %arg5[%get3A_266, %get3A_267] {strides = array<i32>} : memref<16x1024xf32, #tpu.memory_space<vmem>>, vector<16xf32>,
        %get3A_269 = arith.index_cast %scan3A_80 : i32 to index
        %get3A_270 = arith.constant 320 : index
        %get3A_271 = tpu.vector_load %arg5[%get3A_269, %get3A_270] {strides = array<i32>} : memref<16x1024xf32, #tpu.memory_space<vmem>>, vector<16xf32>,
        %get3A_272 = arith.index_cast %scan3A_80 : i32 to index
        %get3A_273 = arith.constant 336 : index
        %get3A_274 = tpu.vector_load %arg5[%get3A_272, %get3A_273] {strides = array<i32>} : memref<16x1024xf32, #tpu.memory_space<vmem>>, vector<16xf32>,
        %get3A_275 = arith.index_cast %scan3A_80 : i32 to index
        %get3A_276 = arith.constant 352 : index
        %get3A_277 = tpu.vector_load %arg5[%get3A_275, %get3A_276] {strides = array<i32>} : memref<16x1024xf32, #tpu.memory_space<vmem>>, vector<16xf32>,
        %get3A_278 = arith.index_cast %scan3A_80 : i32 to index
        %get3A_279 = arith.constant 368 : index
        %get3A_280 = tpu.vector_load %arg5[%get3A_278, %get3A_279] {strides = array<i32>} : memref<16x1024xf32, #tpu.memory_space<vmem>>, vector<16xf32>,
        %mul3A_281 = arith.constant 1024 : i32
        %mul3A_282 = arith.muli %scan3A_80, %mul3A_281 : i32
        %add3A_283 = arith.constant 0 : i32
        %add3A_284 = arith.addi %mul3A_282, %add3A_283 : i32
        %add3A_285 = arith.constant 2 : i32
        %add3A_286 = arith.addi %add3A_284, %add3A_285 : i32
        %add3A_287 = vector.broadcast %add3A_286 : i32 to vector<16xi32>
        %add3A_288 = arith.addi %mul3A_5, %add3A_287 : vector<16xi32>
        tpu.vector_store_idx %arg7[%add3A_288], %get3A_259 : memref<16384xf32, #tpu.memory_space<vmem>>[vector<16xi32>], vector<16xf32>,
        %mul3A_289 = arith.constant 1024 : i32
        %mul3A_290 = arith.muli %scan3A_80, %mul3A_289 : i32
        %add3A_291 = arith.constant 128 : i32
        %add3A_292 = arith.addi %mul3A_290, %add3A_291 : i32
        %add3A_293 = arith.constant 2 : i32
        %add3A_294 = arith.addi %add3A_292, %add3A_293 : i32
        %add3A_295 = vector.broadcast %add3A_294 : i32 to vector<16xi32>
        %add3A_296 = arith.addi %mul3A_5, %add3A_295 : vector<16xi32>
        tpu.vector_store_idx %arg7[%add3A_296], %get3A_262 : memref<16384xf32, #tpu.memory_space<vmem>>[vector<16xi32>], vector<16xf32>,
        %mul3A_297 = arith.constant 1024 : i32
        %mul3A_298 = arith.muli %scan3A_80, %mul3A_297 : i32
        %add3A_299 = arith.constant 256 : i32
        %add3A_300 = arith.addi %mul3A_298, %add3A_299 : i32
        %add3A_301 = arith.constant 2 : i32
        %add3A_302 = arith.addi %add3A_300, %add3A_301 : i32
        %add3A_303 = vector.broadcast %add3A_302 : i32 to vector<16xi32>
        %add3A_304 = arith.addi %mul3A_5, %add3A_303 : vector<16xi32>
        tpu.vector_store_idx %arg7[%add3A_304], %get3A_265 : memref<16384xf32, #tpu.memory_space<vmem>>[vector<16xi32>], vector<16xf32>,
        %mul3A_305 = arith.constant 1024 : i32
        %mul3A_306 = arith.muli %scan3A_80, %mul3A_305 : i32
        %add3A_307 = arith.constant 384 : i32
        %add3A_308 = arith.addi %mul3A_306, %add3A_307 : i32
        %add3A_309 = arith.constant 2 : i32
        %add3A_310 = arith.addi %add3A_308, %add3A_309 : i32
        %add3A_311 = vector.broadcast %add3A_310 : i32 to vector<16xi32>
        %add3A_312 = arith.addi %mul3A_5, %add3A_311 : vector<16xi32>
        tpu.vector_store_idx %arg7[%add3A_312], %get3A_268 : memref<16384xf32, #tpu.memory_space<vmem>>[vector<16xi32>], vector<16xf32>,
        %mul3A_313 = arith.constant 1024 : i32
        %mul3A_314 = arith.muli %scan3A_80, %mul3A_313 : i32
        %add3A_315 = arith.constant 512 : i32
        %add3A_316 = arith.addi %mul3A_314, %add3A_315 : i32
        %add3A_317 = arith.constant 2 : i32
        %add3A_318 = arith.addi %add3A_316, %add3A_317 : i32
        %add3A_319 = vector.broadcast %add3A_318 : i32 to vector<16xi32>
        %add3A_320 = arith.addi %mul3A_5, %add3A_319 : vector<16xi32>
        tpu.vector_store_idx %arg7[%add3A_320], %get3A_271 : memref<16384xf32, #tpu.memory_space<vmem>>[vector<16xi32>], vector<16xf32>,
        %mul3A_321 = arith.constant 1024 : i32
        %mul3A_322 = arith.muli %scan3A_80, %mul3A_321 : i32
        %add3A_323 = arith.constant 640 : i32
        %add3A_324 = arith.addi %mul3A_322, %add3A_323 : i32
        %add3A_325 = arith.constant 2 : i32
        %add3A_326 = arith.addi %add3A_324, %add3A_325 : i32
        %add3A_327 = vector.broadcast %add3A_326 : i32 to vector<16xi32>
        %add3A_328 = arith.addi %mul3A_5, %add3A_327 : vector<16xi32>
        tpu.vector_store_idx %arg7[%add3A_328], %get3A_274 : memref<16384xf32, #tpu.memory_space<vmem>>[vector<16xi32>], vector<16xf32>,
        %mul3A_329 = arith.constant 1024 : i32
        %mul3A_330 = arith.muli %scan3A_80, %mul3A_329 : i32
        %add3A_331 = arith.constant 768 : i32
        %add3A_332 = arith.addi %mul3A_330, %add3A_331 : i32
        %add3A_333 = arith.constant 2 : i32
        %add3A_334 = arith.addi %add3A_332, %add3A_333 : i32
        %add3A_335 = vector.broadcast %add3A_334 : i32 to vector<16xi32>
        %add3A_336 = arith.addi %mul3A_5, %add3A_335 : vector<16xi32>
        tpu.vector_store_idx %arg7[%add3A_336], %get3A_277 : memref<16384xf32, #tpu.memory_space<vmem>>[vector<16xi32>], vector<16xf32>,
        %mul3A_337 = arith.constant 1024 : i32
        %mul3A_338 = arith.muli %scan3A_80, %mul3A_337 : i32
        %add3A_339 = arith.constant 896 : i32
        %add3A_340 = arith.addi %mul3A_338, %add3A_339 : i32
        %add3A_341 = arith.constant 2 : i32
        %add3A_342 = arith.addi %add3A_340, %add3A_341 : i32
        %add3A_343 = vector.broadcast %add3A_342 : i32 to vector<16xi32>
        %add3A_344 = arith.addi %mul3A_5, %add3A_343 : vector<16xi32>
        tpu.vector_store_idx %arg7[%add3A_344], %get3A_280 : memref<16384xf32, #tpu.memory_space<vmem>>[vector<16xi32>], vector<16xf32>,
        %get3A_345 = arith.index_cast %scan3A_80 : i32 to index
        %get3A_346 = arith.constant 384 : index
        %get3A_347 = tpu.vector_load %arg5[%get3A_345, %get3A_346] {strides = array<i32>} : memref<16x1024xf32, #tpu.memory_space<vmem>>, vector<16xf32>,
        %get3A_348 = arith.index_cast %scan3A_80 : i32 to index
        %get3A_349 = arith.constant 400 : index
        %get3A_350 = tpu.vector_load %arg5[%get3A_348, %get3A_349] {strides = array<i32>} : memref<16x1024xf32, #tpu.memory_space<vmem>>, vector<16xf32>,
        %get3A_351 = arith.index_cast %scan3A_80 : i32 to index
        %get3A_352 = arith.constant 416 : index
        %get3A_353 = tpu.vector_load %arg5[%get3A_351, %get3A_352] {strides = array<i32>} : memref<16x1024xf32, #tpu.memory_space<vmem>>, vector<16xf32>,
        %get3A_354 = arith.index_cast %scan3A_80 : i32 to index
        %get3A_355 = arith.constant 432 : index
        %get3A_356 = tpu.vector_load %arg5[%get3A_354, %get3A_355] {strides = array<i32>} : memref<16x1024xf32, #tpu.memory_space<vmem>>, vector<16xf32>,
        %get3A_357 = arith.index_cast %scan3A_80 : i32 to index
        %get3A_358 = arith.constant 448 : index
        %get3A_359 = tpu.vector_load %arg5[%get3A_357, %get3A_358] {strides = array<i32>} : memref<16x1024xf32, #tpu.memory_space<vmem>>, vector<16xf32>,
        %get3A_360 = arith.index_cast %scan3A_80 : i32 to index
        %get3A_361 = arith.constant 464 : index
        %get3A_362 = tpu.vector_load %arg5[%get3A_360, %get3A_361] {strides = array<i32>} : memref<16x1024xf32, #tpu.memory_space<vmem>>, vector<16xf32>,
        %get3A_363 = arith.index_cast %scan3A_80 : i32 to index
        %get3A_364 = arith.constant 480 : index
        %get3A_365 = tpu.vector_load %arg5[%get3A_363, %get3A_364] {strides = array<i32>} : memref<16x1024xf32, #tpu.memory_space<vmem>>, vector<16xf32>,
        %get3A_366 = arith.index_cast %scan3A_80 : i32 to index
        %get3A_367 = arith.constant 496 : index
        %get3A_368 = tpu.vector_load %arg5[%get3A_366, %get3A_367] {strides = array<i32>} : memref<16x1024xf32, #tpu.memory_space<vmem>>, vector<16xf32>,
        %mul3A_369 = arith.constant 1024 : i32
        %mul3A_370 = arith.muli %scan3A_80, %mul3A_369 : i32
        %add3A_371 = arith.constant 0 : i32
        %add3A_372 = arith.addi %mul3A_370, %add3A_371 : i32
        %add3A_373 = arith.constant 3 : i32
        %add3A_374 = arith.addi %add3A_372, %add3A_373 : i32
        %add3A_375 = vector.broadcast %add3A_374 : i32 to vector<16xi32>
        %add3A_376 = arith.addi %mul3A_5, %add3A_375 : vector<16xi32>
        tpu.vector_store_idx %arg7[%add3A_376], %get3A_347 : memref<16384xf32, #tpu.memory_space<vmem>>[vector<16xi32>], vector<16xf32>,
        %mul3A_377 = arith.constant 1024 : i32
        %mul3A_378 = arith.muli %scan3A_80, %mul3A_377 : i32
        %add3A_379 = arith.constant 128 : i32
        %add3A_380 = arith.addi %mul3A_378, %add3A_379 : i32
        %add3A_381 = arith.constant 3 : i32
        %add3A_382 = arith.addi %add3A_380, %add3A_381 : i32
        %add3A_383 = vector.broadcast %add3A_382 : i32 to vector<16xi32>
        %add3A_384 = arith.addi %mul3A_5, %add3A_383 : vector<16xi32>
        tpu.vector_store_idx %arg7[%add3A_384], %get3A_350 : memref<16384xf32, #tpu.memory_space<vmem>>[vector<16xi32>], vector<16xf32>,
        %mul3A_385 = arith.constant 1024 : i32
        %mul3A_386 = arith.muli %scan3A_80, %mul3A_385 : i32
        %add3A_387 = arith.constant 256 : i32
        %add3A_388 = arith.addi %mul3A_386, %add3A_387 : i32
        %add3A_389 = arith.constant 3 : i32
        %add3A_390 = arith.addi %add3A_388, %add3A_389 : i32
        %add3A_391 = vector.broadcast %add3A_390 : i32 to vector<16xi32>
        %add3A_392 = arith.addi %mul3A_5, %add3A_391 : vector<16xi32>
        tpu.vector_store_idx %arg7[%add3A_392], %get3A_353 : memref<16384xf32, #tpu.memory_space<vmem>>[vector<16xi32>], vector<16xf32>,
        %mul3A_393 = arith.constant 1024 : i32
        %mul3A_394 = arith.muli %scan3A_80, %mul3A_393 : i32
        %add3A_395 = arith.constant 384 : i32
        %add3A_396 = arith.addi %mul3A_394, %add3A_395 : i32
        %add3A_397 = arith.constant 3 : i32
        %add3A_398 = arith.addi %add3A_396, %add3A_397 : i32
        %add3A_399 = vector.broadcast %add3A_398 : i32 to vector<16xi32>
        %add3A_400 = arith.addi %mul3A_5, %add3A_399 : vector<16xi32>
        tpu.vector_store_idx %arg7[%add3A_400], %get3A_356 : memref<16384xf32, #tpu.memory_space<vmem>>[vector<16xi32>], vector<16xf32>,
        %mul3A_401 = arith.constant 1024 : i32
        %mul3A_402 = arith.muli %scan3A_80, %mul3A_401 : i32
        %add3A_403 = arith.constant 512 : i32
        %add3A_404 = arith.addi %mul3A_402, %add3A_403 : i32
        %add3A_405 = arith.constant 3 : i32
        %add3A_406 = arith.addi %add3A_404, %add3A_405 : i32
        %add3A_407 = vector.broadcast %add3A_406 : i32 to vector<16xi32>
        %add3A_408 = arith.addi %mul3A_5, %add3A_407 : vector<16xi32>
        tpu.vector_store_idx %arg7[%add3A_408], %get3A_359 : memref<16384xf32, #tpu.memory_space<vmem>>[vector<16xi32>], vector<16xf32>,
        %mul3A_409 = arith.constant 1024 : i32
        %mul3A_410 = arith.muli %scan3A_80, %mul3A_409 : i32
        %add3A_411 = arith.constant 640 : i32
        %add3A_412 = arith.addi %mul3A_410, %add3A_411 : i32
        %add3A_413 = arith.constant 3 : i32
        %add3A_414 = arith.addi %add3A_412, %add3A_413 : i32
        %add3A_415 = vector.broadcast %add3A_414 : i32 to vector<16xi32>
        %add3A_416 = arith.addi %mul3A_5, %add3A_415 : vector<16xi32>
        tpu.vector_store_idx %arg7[%add3A_416], %get3A_362 : memref<16384xf32, #tpu.memory_space<vmem>>[vector<16xi32>], vector<16xf32>,
        %mul3A_417 = arith.constant 1024 : i32
        %mul3A_418 = arith.muli %scan3A_80, %mul3A_417 : i32
        %add3A_419 = arith.constant 768 : i32
        %add3A_420 = arith.addi %mul3A_418, %add3A_419 : i32
        %add3A_421 = arith.constant 3 : i32
        %add3A_422 = arith.addi %add3A_420, %add3A_421 : i32
        %add3A_423 = vector.broadcast %add3A_422 : i32 to vector<16xi32>
        %add3A_424 = arith.addi %mul3A_5, %add3A_423 : vector<16xi32>
        tpu.vector_store_idx %arg7[%add3A_424], %get3A_365 : memref<16384xf32, #tpu.memory_space<vmem>>[vector<16xi32>], vector<16xf32>,
        %mul3A_425 = arith.constant 1024 : i32
        %mul3A_426 = arith.muli %scan3A_80, %mul3A_425 : i32
        %add3A_427 = arith.constant 896 : i32
        %add3A_428 = arith.addi %mul3A_426, %add3A_427 : i32
        %add3A_429 = arith.constant 3 : i32
        %add3A_430 = arith.addi %add3A_428, %add3A_429 : i32
        %add3A_431 = vector.broadcast %add3A_430 : i32 to vector<16xi32>
        %add3A_432 = arith.addi %mul3A_5, %add3A_431 : vector<16xi32>
        tpu.vector_store_idx %arg7[%add3A_432], %get3A_368 : memref<16384xf32, #tpu.memory_space<vmem>>[vector<16xi32>], vector<16xf32>,
        %get3A_433 = arith.index_cast %scan3A_80 : i32 to index
        %get3A_434 = arith.constant 512 : index
        %get3A_435 = tpu.vector_load %arg5[%get3A_433, %get3A_434] {strides = array<i32>} : memref<16x1024xf32, #tpu.memory_space<vmem>>, vector<16xf32>,
        %get3A_436 = arith.index_cast %scan3A_80 : i32 to index
        %get3A_437 = arith.constant 528 : index
        %get3A_438 = tpu.vector_load %arg5[%get3A_436, %get3A_437] {strides = array<i32>} : memref<16x1024xf32, #tpu.memory_space<vmem>>, vector<16xf32>,
        %get3A_439 = arith.index_cast %scan3A_80 : i32 to index
        %get3A_440 = arith.constant 544 : index
        %get3A_441 = tpu.vector_load %arg5[%get3A_439, %get3A_440] {strides = array<i32>} : memref<16x1024xf32, #tpu.memory_space<vmem>>, vector<16xf32>,
        %get3A_442 = arith.index_cast %scan3A_80 : i32 to index
        %get3A_443 = arith.constant 560 : index
        %get3A_444 = tpu.vector_load %arg5[%get3A_442, %get3A_443] {strides = array<i32>} : memref<16x1024xf32, #tpu.memory_space<vmem>>, vector<16xf32>,
        %get3A_445 = arith.index_cast %scan3A_80 : i32 to index
        %get3A_446 = arith.constant 576 : index
        %get3A_447 = tpu.vector_load %arg5[%get3A_445, %get3A_446] {strides = array<i32>} : memref<16x1024xf32, #tpu.memory_space<vmem>>, vector<16xf32>,
        %get3A_448 = arith.index_cast %scan3A_80 : i32 to index
        %get3A_449 = arith.constant 592 : index
        %get3A_450 = tpu.vector_load %arg5[%get3A_448, %get3A_449] {strides = array<i32>} : memref<16x1024xf32, #tpu.memory_space<vmem>>, vector<16xf32>,
        %get3A_451 = arith.index_cast %scan3A_80 : i32 to index
        %get3A_452 = arith.constant 608 : index
        %get3A_453 = tpu.vector_load %arg5[%get3A_451, %get3A_452] {strides = array<i32>} : memref<16x1024xf32, #tpu.memory_space<vmem>>, vector<16xf32>,
        %get3A_454 = arith.index_cast %scan3A_80 : i32 to index
        %get3A_455 = arith.constant 624 : index
        %get3A_456 = tpu.vector_load %arg5[%get3A_454, %get3A_455] {strides = array<i32>} : memref<16x1024xf32, #tpu.memory_space<vmem>>, vector<16xf32>,
        %mul3A_457 = arith.constant 1024 : i32
        %mul3A_458 = arith.muli %scan3A_80, %mul3A_457 : i32
        %add3A_459 = arith.constant 0 : i32
        %add3A_460 = arith.addi %mul3A_458, %add3A_459 : i32
        %add3A_461 = arith.constant 4 : i32
        %add3A_462 = arith.addi %add3A_460, %add3A_461 : i32
        %add3A_463 = vector.broadcast %add3A_462 : i32 to vector<16xi32>
        %add3A_464 = arith.addi %mul3A_5, %add3A_463 : vector<16xi32>
        tpu.vector_store_idx %arg7[%add3A_464], %get3A_435 : memref<16384xf32, #tpu.memory_space<vmem>>[vector<16xi32>], vector<16xf32>,
        %mul3A_465 = arith.constant 1024 : i32
        %mul3A_466 = arith.muli %scan3A_80, %mul3A_465 : i32
        %add3A_467 = arith.constant 128 : i32
        %add3A_468 = arith.addi %mul3A_466, %add3A_467 : i32
        %add3A_469 = arith.constant 4 : i32
        %add3A_470 = arith.addi %add3A_468, %add3A_469 : i32
        %add3A_471 = vector.broadcast %add3A_470 : i32 to vector<16xi32>
        %add3A_472 = arith.addi %mul3A_5, %add3A_471 : vector<16xi32>
        tpu.vector_store_idx %arg7[%add3A_472], %get3A_438 : memref<16384xf32, #tpu.memory_space<vmem>>[vector<16xi32>], vector<16xf32>,
        %mul3A_473 = arith.constant 1024 : i32
        %mul3A_474 = arith.muli %scan3A_80, %mul3A_473 : i32
        %add3A_475 = arith.constant 256 : i32
        %add3A_476 = arith.addi %mul3A_474, %add3A_475 : i32
        %add3A_477 = arith.constant 4 : i32
        %add3A_478 = arith.addi %add3A_476, %add3A_477 : i32
        %add3A_479 = vector.broadcast %add3A_478 : i32 to vector<16xi32>
        %add3A_480 = arith.addi %mul3A_5, %add3A_479 : vector<16xi32>
        tpu.vector_store_idx %arg7[%add3A_480], %get3A_441 : memref<16384xf32, #tpu.memory_space<vmem>>[vector<16xi32>], vector<16xf32>,
        %mul3A_481 = arith.constant 1024 : i32
        %mul3A_482 = arith.muli %scan3A_80, %mul3A_481 : i32
        %add3A_483 = arith.constant 384 : i32
        %add3A_484 = arith.addi %mul3A_482, %add3A_483 : i32
        %add3A_485 = arith.constant 4 : i32
        %add3A_486 = arith.addi %add3A_484, %add3A_485 : i32
        %add3A_487 = vector.broadcast %add3A_486 : i32 to vector<16xi32>
        %add3A_488 = arith.addi %mul3A_5, %add3A_487 : vector<16xi32>
        tpu.vector_store_idx %arg7[%add3A_488], %get3A_444 : memref<16384xf32, #tpu.memory_space<vmem>>[vector<16xi32>], vector<16xf32>,
        %mul3A_489 = arith.constant 1024 : i32
        %mul3A_490 = arith.muli %scan3A_80, %mul3A_489 : i32
        %add3A_491 = arith.constant 512 : i32
        %add3A_492 = arith.addi %mul3A_490, %add3A_491 : i32
        %add3A_493 = arith.constant 4 : i32
        %add3A_494 = arith.addi %add3A_492, %add3A_493 : i32
        %add3A_495 = vector.broadcast %add3A_494 : i32 to vector<16xi32>
        %add3A_496 = arith.addi %mul3A_5, %add3A_495 : vector<16xi32>
        tpu.vector_store_idx %arg7[%add3A_496], %get3A_447 : memref<16384xf32, #tpu.memory_space<vmem>>[vector<16xi32>], vector<16xf32>,
        %mul3A_497 = arith.constant 1024 : i32
        %mul3A_498 = arith.muli %scan3A_80, %mul3A_497 : i32
        %add3A_499 = arith.constant 640 : i32
        %add3A_500 = arith.addi %mul3A_498, %add3A_499 : i32
        %add3A_501 = arith.constant 4 : i32
        %add3A_502 = arith.addi %add3A_500, %add3A_501 : i32
        %add3A_503 = vector.broadcast %add3A_502 : i32 to vector<16xi32>
        %add3A_504 = arith.addi %mul3A_5, %add3A_503 : vector<16xi32>
        tpu.vector_store_idx %arg7[%add3A_504], %get3A_450 : memref<16384xf32, #tpu.memory_space<vmem>>[vector<16xi32>], vector<16xf32>,
        %mul3A_505 = arith.constant 1024 : i32
        %mul3A_506 = arith.muli %scan3A_80, %mul3A_505 : i32
        %add3A_507 = arith.constant 768 : i32
        %add3A_508 = arith.addi %mul3A_506, %add3A_507 : i32
        %add3A_509 = arith.constant 4 : i32
        %add3A_510 = arith.addi %add3A_508, %add3A_509 : i32
        %add3A_511 = vector.broadcast %add3A_510 : i32 to vector<16xi32>
        %add3A_512 = arith.addi %mul3A_5, %add3A_511 : vector<16xi32>
        tpu.vector_store_idx %arg7[%add3A_512], %get3A_453 : memref<16384xf32, #tpu.memory_space<vmem>>[vector<16xi32>], vector<16xf32>,
        %mul3A_513 = arith.constant 1024 : i32
        %mul3A_514 = arith.muli %scan3A_80, %mul3A_513 : i32
        %add3A_515 = arith.constant 896 : i32
        %add3A_516 = arith.addi %mul3A_514, %add3A_515 : i32
        %add3A_517 = arith.constant 4 : i32
        %add3A_518 = arith.addi %add3A_516, %add3A_517 : i32
        %add3A_519 = vector.broadcast %add3A_518 : i32 to vector<16xi32>
        %add3A_520 = arith.addi %mul3A_5, %add3A_519 : vector<16xi32>
        tpu.vector_store_idx %arg7[%add3A_520], %get3A_456 : memref<16384xf32, #tpu.memory_space<vmem>>[vector<16xi32>], vector<16xf32>,
        %get3A_521 = arith.index_cast %scan3A_80 : i32 to index
        %get3A_522 = arith.constant 640 : index
        %get3A_523 = tpu.vector_load %arg5[%get3A_521, %get3A_522] {strides = array<i32>} : memref<16x1024xf32, #tpu.memory_space<vmem>>, vector<16xf32>,
        %get3A_524 = arith.index_cast %scan3A_80 : i32 to index
        %get3A_525 = arith.constant 656 : index
        %get3A_526 = tpu.vector_load %arg5[%get3A_524, %get3A_525] {strides = array<i32>} : memref<16x1024xf32, #tpu.memory_space<vmem>>, vector<16xf32>,
        %get3A_527 = arith.index_cast %scan3A_80 : i32 to index
        %get3A_528 = arith.constant 672 : index
        %get3A_529 = tpu.vector_load %arg5[%get3A_527, %get3A_528] {strides = array<i32>} : memref<16x1024xf32, #tpu.memory_space<vmem>>, vector<16xf32>,
        %get3A_530 = arith.index_cast %scan3A_80 : i32 to index
        %get3A_531 = arith.constant 688 : index
        %get3A_532 = tpu.vector_load %arg5[%get3A_530, %get3A_531] {strides = array<i32>} : memref<16x1024xf32, #tpu.memory_space<vmem>>, vector<16xf32>,
        %get3A_533 = arith.index_cast %scan3A_80 : i32 to index
        %get3A_534 = arith.constant 704 : index
        %get3A_535 = tpu.vector_load %arg5[%get3A_533, %get3A_534] {strides = array<i32>} : memref<16x1024xf32, #tpu.memory_space<vmem>>, vector<16xf32>,
        %get3A_536 = arith.index_cast %scan3A_80 : i32 to index
        %get3A_537 = arith.constant 720 : index
        %get3A_538 = tpu.vector_load %arg5[%get3A_536, %get3A_537] {strides = array<i32>} : memref<16x1024xf32, #tpu.memory_space<vmem>>, vector<16xf32>,
        %get3A_539 = arith.index_cast %scan3A_80 : i32 to index
        %get3A_540 = arith.constant 736 : index
        %get3A_541 = tpu.vector_load %arg5[%get3A_539, %get3A_540] {strides = array<i32>} : memref<16x1024xf32, #tpu.memory_space<vmem>>, vector<16xf32>,
        %get3A_542 = arith.index_cast %scan3A_80 : i32 to index
        %get3A_543 = arith.constant 752 : index
        %get3A_544 = tpu.vector_load %arg5[%get3A_542, %get3A_543] {strides = array<i32>} : memref<16x1024xf32, #tpu.memory_space<vmem>>, vector<16xf32>,
        %mul3A_545 = arith.constant 1024 : i32
        %mul3A_546 = arith.muli %scan3A_80, %mul3A_545 : i32
        %add3A_547 = arith.constant 0 : i32
        %add3A_548 = arith.addi %mul3A_546, %add3A_547 : i32
        %add3A_549 = arith.constant 5 : i32
        %add3A_550 = arith.addi %add3A_548, %add3A_549 : i32
        %add3A_551 = vector.broadcast %add3A_550 : i32 to vector<16xi32>
        %add3A_552 = arith.addi %mul3A_5, %add3A_551 : vector<16xi32>
        tpu.vector_store_idx %arg7[%add3A_552], %get3A_523 : memref<16384xf32, #tpu.memory_space<vmem>>[vector<16xi32>], vector<16xf32>,
        %mul3A_553 = arith.constant 1024 : i32
        %mul3A_554 = arith.muli %scan3A_80, %mul3A_553 : i32
        %add3A_555 = arith.constant 128 : i32
        %add3A_556 = arith.addi %mul3A_554, %add3A_555 : i32
        %add3A_557 = arith.constant 5 : i32
        %add3A_558 = arith.addi %add3A_556, %add3A_557 : i32
        %add3A_559 = vector.broadcast %add3A_558 : i32 to vector<16xi32>
        %add3A_560 = arith.addi %mul3A_5, %add3A_559 : vector<16xi32>
        tpu.vector_store_idx %arg7[%add3A_560], %get3A_526 : memref<16384xf32, #tpu.memory_space<vmem>>[vector<16xi32>], vector<16xf32>,
        %mul3A_561 = arith.constant 1024 : i32
        %mul3A_562 = arith.muli %scan3A_80, %mul3A_561 : i32
        %add3A_563 = arith.constant 256 : i32
        %add3A_564 = arith.addi %mul3A_562, %add3A_563 : i32
        %add3A_565 = arith.constant 5 : i32
        %add3A_566 = arith.addi %add3A_564, %add3A_565 : i32
        %add3A_567 = vector.broadcast %add3A_566 : i32 to vector<16xi32>
        %add3A_568 = arith.addi %mul3A_5, %add3A_567 : vector<16xi32>
        tpu.vector_store_idx %arg7[%add3A_568], %get3A_529 : memref<16384xf32, #tpu.memory_space<vmem>>[vector<16xi32>], vector<16xf32>,
        %mul3A_569 = arith.constant 1024 : i32
        %mul3A_570 = arith.muli %scan3A_80, %mul3A_569 : i32
        %add3A_571 = arith.constant 384 : i32
        %add3A_572 = arith.addi %mul3A_570, %add3A_571 : i32
        %add3A_573 = arith.constant 5 : i32
        %add3A_574 = arith.addi %add3A_572, %add3A_573 : i32
        %add3A_575 = vector.broadcast %add3A_574 : i32 to vector<16xi32>
        %add3A_576 = arith.addi %mul3A_5, %add3A_575 : vector<16xi32>
        tpu.vector_store_idx %arg7[%add3A_576], %get3A_532 : memref<16384xf32, #tpu.memory_space<vmem>>[vector<16xi32>], vector<16xf32>,
        %mul3A_577 = arith.constant 1024 : i32
        %mul3A_578 = arith.muli %scan3A_80, %mul3A_577 : i32
        %add3A_579 = arith.constant 512 : i32
        %add3A_580 = arith.addi %mul3A_578, %add3A_579 : i32
        %add3A_581 = arith.constant 5 : i32
        %add3A_582 = arith.addi %add3A_580, %add3A_581 : i32
        %add3A_583 = vector.broadcast %add3A_582 : i32 to vector<16xi32>
        %add3A_584 = arith.addi %mul3A_5, %add3A_583 : vector<16xi32>
        tpu.vector_store_idx %arg7[%add3A_584], %get3A_535 : memref<16384xf32, #tpu.memory_space<vmem>>[vector<16xi32>], vector<16xf32>,
        %mul3A_585 = arith.constant 1024 : i32
        %mul3A_586 = arith.muli %scan3A_80, %mul3A_585 : i32
        %add3A_587 = arith.constant 640 : i32
        %add3A_588 = arith.addi %mul3A_586, %add3A_587 : i32
        %add3A_589 = arith.constant 5 : i32
        %add3A_590 = arith.addi %add3A_588, %add3A_589 : i32
        %add3A_591 = vector.broadcast %add3A_590 : i32 to vector<16xi32>
        %add3A_592 = arith.addi %mul3A_5, %add3A_591 : vector<16xi32>
        tpu.vector_store_idx %arg7[%add3A_592], %get3A_538 : memref<16384xf32, #tpu.memory_space<vmem>>[vector<16xi32>], vector<16xf32>,
        %mul3A_593 = arith.constant 1024 : i32
        %mul3A_594 = arith.muli %scan3A_80, %mul3A_593 : i32
        %add3A_595 = arith.constant 768 : i32
        %add3A_596 = arith.addi %mul3A_594, %add3A_595 : i32
        %add3A_597 = arith.constant 5 : i32
        %add3A_598 = arith.addi %add3A_596, %add3A_597 : i32
        %add3A_599 = vector.broadcast %add3A_598 : i32 to vector<16xi32>
        %add3A_600 = arith.addi %mul3A_5, %add3A_599 : vector<16xi32>
        tpu.vector_store_idx %arg7[%add3A_600], %get3A_541 : memref<16384xf32, #tpu.memory_space<vmem>>[vector<16xi32>], vector<16xf32>,
        %mul3A_601 = arith.constant 1024 : i32
        %mul3A_602 = arith.muli %scan3A_80, %mul3A_601 : i32
        %add3A_603 = arith.constant 896 : i32
        %add3A_604 = arith.addi %mul3A_602, %add3A_603 : i32
        %add3A_605 = arith.constant 5 : i32
        %add3A_606 = arith.addi %add3A_604, %add3A_605 : i32
        %add3A_607 = vector.broadcast %add3A_606 : i32 to vector<16xi32>
        %add3A_608 = arith.addi %mul3A_5, %add3A_607 : vector<16xi32>
        tpu.vector_store_idx %arg7[%add3A_608], %get3A_544 : memref<16384xf32, #tpu.memory_space<vmem>>[vector<16xi32>], vector<16xf32>,
        %get3A_609 = arith.index_cast %scan3A_80 : i32 to index
        %get3A_610 = arith.constant 768 : index
        %get3A_611 = tpu.vector_load %arg5[%get3A_609, %get3A_610] {strides = array<i32>} : memref<16x1024xf32, #tpu.memory_space<vmem>>, vector<16xf32>,
        %get3A_612 = arith.index_cast %scan3A_80 : i32 to index
        %get3A_613 = arith.constant 784 : index
        %get3A_614 = tpu.vector_load %arg5[%get3A_612, %get3A_613] {strides = array<i32>} : memref<16x1024xf32, #tpu.memory_space<vmem>>, vector<16xf32>,
        %get3A_615 = arith.index_cast %scan3A_80 : i32 to index
        %get3A_616 = arith.constant 800 : index
        %get3A_617 = tpu.vector_load %arg5[%get3A_615, %get3A_616] {strides = array<i32>} : memref<16x1024xf32, #tpu.memory_space<vmem>>, vector<16xf32>,
        %get3A_618 = arith.index_cast %scan3A_80 : i32 to index
        %get3A_619 = arith.constant 816 : index
        %get3A_620 = tpu.vector_load %arg5[%get3A_618, %get3A_619] {strides = array<i32>} : memref<16x1024xf32, #tpu.memory_space<vmem>>, vector<16xf32>,
        %get3A_621 = arith.index_cast %scan3A_80 : i32 to index
        %get3A_622 = arith.constant 832 : index
        %get3A_623 = tpu.vector_load %arg5[%get3A_621, %get3A_622] {strides = array<i32>} : memref<16x1024xf32, #tpu.memory_space<vmem>>, vector<16xf32>,
        %get3A_624 = arith.index_cast %scan3A_80 : i32 to index
        %get3A_625 = arith.constant 848 : index
        %get3A_626 = tpu.vector_load %arg5[%get3A_624, %get3A_625] {strides = array<i32>} : memref<16x1024xf32, #tpu.memory_space<vmem>>, vector<16xf32>,
        %get3A_627 = arith.index_cast %scan3A_80 : i32 to index
        %get3A_628 = arith.constant 864 : index
        %get3A_629 = tpu.vector_load %arg5[%get3A_627, %get3A_628] {strides = array<i32>} : memref<16x1024xf32, #tpu.memory_space<vmem>>, vector<16xf32>,
        %get3A_630 = arith.index_cast %scan3A_80 : i32 to index
        %get3A_631 = arith.constant 880 : index
        %get3A_632 = tpu.vector_load %arg5[%get3A_630, %get3A_631] {strides = array<i32>} : memref<16x1024xf32, #tpu.memory_space<vmem>>, vector<16xf32>,
        %mul3A_633 = arith.constant 1024 : i32
        %mul3A_634 = arith.muli %scan3A_80, %mul3A_633 : i32
        %add3A_635 = arith.constant 0 : i32
        %add3A_636 = arith.addi %mul3A_634, %add3A_635 : i32
        %add3A_637 = arith.constant 6 : i32
        %add3A_638 = arith.addi %add3A_636, %add3A_637 : i32
        %add3A_639 = vector.broadcast %add3A_638 : i32 to vector<16xi32>
        %add3A_640 = arith.addi %mul3A_5, %add3A_639 : vector<16xi32>
        tpu.vector_store_idx %arg7[%add3A_640], %get3A_611 : memref<16384xf32, #tpu.memory_space<vmem>>[vector<16xi32>], vector<16xf32>,
        %mul3A_641 = arith.constant 1024 : i32
        %mul3A_642 = arith.muli %scan3A_80, %mul3A_641 : i32
        %add3A_643 = arith.constant 128 : i32
        %add3A_644 = arith.addi %mul3A_642, %add3A_643 : i32
        %add3A_645 = arith.constant 6 : i32
        %add3A_646 = arith.addi %add3A_644, %add3A_645 : i32
        %add3A_647 = vector.broadcast %add3A_646 : i32 to vector<16xi32>
        %add3A_648 = arith.addi %mul3A_5, %add3A_647 : vector<16xi32>
        tpu.vector_store_idx %arg7[%add3A_648], %get3A_614 : memref<16384xf32, #tpu.memory_space<vmem>>[vector<16xi32>], vector<16xf32>,
        %mul3A_649 = arith.constant 1024 : i32
        %mul3A_650 = arith.muli %scan3A_80, %mul3A_649 : i32
        %add3A_651 = arith.constant 256 : i32
        %add3A_652 = arith.addi %mul3A_650, %add3A_651 : i32
        %add3A_653 = arith.constant 6 : i32
        %add3A_654 = arith.addi %add3A_652, %add3A_653 : i32
        %add3A_655 = vector.broadcast %add3A_654 : i32 to vector<16xi32>
        %add3A_656 = arith.addi %mul3A_5, %add3A_655 : vector<16xi32>
        tpu.vector_store_idx %arg7[%add3A_656], %get3A_617 : memref<16384xf32, #tpu.memory_space<vmem>>[vector<16xi32>], vector<16xf32>,
        %mul3A_657 = arith.constant 1024 : i32
        %mul3A_658 = arith.muli %scan3A_80, %mul3A_657 : i32
        %add3A_659 = arith.constant 384 : i32
        %add3A_660 = arith.addi %mul3A_658, %add3A_659 : i32
        %add3A_661 = arith.constant 6 : i32
        %add3A_662 = arith.addi %add3A_660, %add3A_661 : i32
        %add3A_663 = vector.broadcast %add3A_662 : i32 to vector<16xi32>
        %add3A_664 = arith.addi %mul3A_5, %add3A_663 : vector<16xi32>
        tpu.vector_store_idx %arg7[%add3A_664], %get3A_620 : memref<16384xf32, #tpu.memory_space<vmem>>[vector<16xi32>], vector<16xf32>,
        %mul3A_665 = arith.constant 1024 : i32
        %mul3A_666 = arith.muli %scan3A_80, %mul3A_665 : i32
        %add3A_667 = arith.constant 512 : i32
        %add3A_668 = arith.addi %mul3A_666, %add3A_667 : i32
        %add3A_669 = arith.constant 6 : i32
        %add3A_670 = arith.addi %add3A_668, %add3A_669 : i32
        %add3A_671 = vector.broadcast %add3A_670 : i32 to vector<16xi32>
        %add3A_672 = arith.addi %mul3A_5, %add3A_671 : vector<16xi32>
        tpu.vector_store_idx %arg7[%add3A_672], %get3A_623 : memref<16384xf32, #tpu.memory_space<vmem>>[vector<16xi32>], vector<16xf32>,
        %mul3A_673 = arith.constant 1024 : i32
        %mul3A_674 = arith.muli %scan3A_80, %mul3A_673 : i32
        %add3A_675 = arith.constant 640 : i32
        %add3A_676 = arith.addi %mul3A_674, %add3A_675 : i32
        %add3A_677 = arith.constant 6 : i32
        %add3A_678 = arith.addi %add3A_676, %add3A_677 : i32
        %add3A_679 = vector.broadcast %add3A_678 : i32 to vector<16xi32>
        %add3A_680 = arith.addi %mul3A_5, %add3A_679 : vector<16xi32>
        tpu.vector_store_idx %arg7[%add3A_680], %get3A_626 : memref<16384xf32, #tpu.memory_space<vmem>>[vector<16xi32>], vector<16xf32>,
        %mul3A_681 = arith.constant 1024 : i32
        %mul3A_682 = arith.muli %scan3A_80, %mul3A_681 : i32
        %add3A_683 = arith.constant 768 : i32
        %add3A_684 = arith.addi %mul3A_682, %add3A_683 : i32
        %add3A_685 = arith.constant 6 : i32
        %add3A_686 = arith.addi %add3A_684, %add3A_685 : i32
        %add3A_687 = vector.broadcast %add3A_686 : i32 to vector<16xi32>
        %add3A_688 = arith.addi %mul3A_5, %add3A_687 : vector<16xi32>
        tpu.vector_store_idx %arg7[%add3A_688], %get3A_629 : memref<16384xf32, #tpu.memory_space<vmem>>[vector<16xi32>], vector<16xf32>,
        %mul3A_689 = arith.constant 1024 : i32
        %mul3A_690 = arith.muli %scan3A_80, %mul3A_689 : i32
        %add3A_691 = arith.constant 896 : i32
        %add3A_692 = arith.addi %mul3A_690, %add3A_691 : i32
        %add3A_693 = arith.constant 6 : i32
        %add3A_694 = arith.addi %add3A_692, %add3A_693 : i32
        %add3A_695 = vector.broadcast %add3A_694 : i32 to vector<16xi32>
        %add3A_696 = arith.addi %mul3A_5, %add3A_695 : vector<16xi32>
        tpu.vector_store_idx %arg7[%add3A_696], %get3A_632 : memref<16384xf32, #tpu.memory_space<vmem>>[vector<16xi32>], vector<16xf32>,
        %get3A_697 = arith.index_cast %scan3A_80 : i32 to index
        %get3A_698 = arith.constant 896 : index
        %get3A_699 = tpu.vector_load %arg5[%get3A_697, %get3A_698] {strides = array<i32>} : memref<16x1024xf32, #tpu.memory_space<vmem>>, vector<16xf32>,
        %get3A_700 = arith.index_cast %scan3A_80 : i32 to index
        %get3A_701 = arith.constant 912 : index
        %get3A_702 = tpu.vector_load %arg5[%get3A_700, %get3A_701] {strides = array<i32>} : memref<16x1024xf32, #tpu.memory_space<vmem>>, vector<16xf32>,
        %get3A_703 = arith.index_cast %scan3A_80 : i32 to index
        %get3A_704 = arith.constant 928 : index
        %get3A_705 = tpu.vector_load %arg5[%get3A_703, %get3A_704] {strides = array<i32>} : memref<16x1024xf32, #tpu.memory_space<vmem>>, vector<16xf32>,
        %get3A_706 = arith.index_cast %scan3A_80 : i32 to index
        %get3A_707 = arith.constant 944 : index
        %get3A_708 = tpu.vector_load %arg5[%get3A_706, %get3A_707] {strides = array<i32>} : memref<16x1024xf32, #tpu.memory_space<vmem>>, vector<16xf32>,
        %get3A_709 = arith.index_cast %scan3A_80 : i32 to index
        %get3A_710 = arith.constant 960 : index
        %get3A_711 = tpu.vector_load %arg5[%get3A_709, %get3A_710] {strides = array<i32>} : memref<16x1024xf32, #tpu.memory_space<vmem>>, vector<16xf32>,
        %get3A_712 = arith.index_cast %scan3A_80 : i32 to index
        %get3A_713 = arith.constant 976 : index
        %get3A_714 = tpu.vector_load %arg5[%get3A_712, %get3A_713] {strides = array<i32>} : memref<16x1024xf32, #tpu.memory_space<vmem>>, vector<16xf32>,
        %get3A_715 = arith.index_cast %scan3A_80 : i32 to index
        %get3A_716 = arith.constant 992 : index
        %get3A_717 = tpu.vector_load %arg5[%get3A_715, %get3A_716] {strides = array<i32>} : memref<16x1024xf32, #tpu.memory_space<vmem>>, vector<16xf32>,
        %get3A_718 = arith.index_cast %scan3A_80 : i32 to index
        %get3A_719 = arith.constant 1008 : index
        %get3A_720 = tpu.vector_load %arg5[%get3A_718, %get3A_719] {strides = array<i32>} : memref<16x1024xf32, #tpu.memory_space<vmem>>, vector<16xf32>,
        %mul3A_721 = arith.constant 1024 : i32
        %mul3A_722 = arith.muli %scan3A_80, %mul3A_721 : i32
        %add3A_723 = arith.constant 0 : i32
        %add3A_724 = arith.addi %mul3A_722, %add3A_723 : i32
        %add3A_725 = arith.constant 7 : i32
        %add3A_726 = arith.addi %add3A_724, %add3A_725 : i32
        %add3A_727 = vector.broadcast %add3A_726 : i32 to vector<16xi32>
        %add3A_728 = arith.addi %mul3A_5, %add3A_727 : vector<16xi32>
        tpu.vector_store_idx %arg7[%add3A_728], %get3A_699 : memref<16384xf32, #tpu.memory_space<vmem>>[vector<16xi32>], vector<16xf32>,
        %mul3A_729 = arith.constant 1024 : i32
        %mul3A_730 = arith.muli %scan3A_80, %mul3A_729 : i32
        %add3A_731 = arith.constant 128 : i32
        %add3A_732 = arith.addi %mul3A_730, %add3A_731 : i32
        %add3A_733 = arith.constant 7 : i32
        %add3A_734 = arith.addi %add3A_732, %add3A_733 : i32
        %add3A_735 = vector.broadcast %add3A_734 : i32 to vector<16xi32>
        %add3A_736 = arith.addi %mul3A_5, %add3A_735 : vector<16xi32>
        tpu.vector_store_idx %arg7[%add3A_736], %get3A_702 : memref<16384xf32, #tpu.memory_space<vmem>>[vector<16xi32>], vector<16xf32>,
        %mul3A_737 = arith.constant 1024 : i32
        %mul3A_738 = arith.muli %scan3A_80, %mul3A_737 : i32
        %add3A_739 = arith.constant 256 : i32
        %add3A_740 = arith.addi %mul3A_738, %add3A_739 : i32
        %add3A_741 = arith.constant 7 : i32
        %add3A_742 = arith.addi %add3A_740, %add3A_741 : i32
        %add3A_743 = vector.broadcast %add3A_742 : i32 to vector<16xi32>
        %add3A_744 = arith.addi %mul3A_5, %add3A_743 : vector<16xi32>
        tpu.vector_store_idx %arg7[%add3A_744], %get3A_705 : memref<16384xf32, #tpu.memory_space<vmem>>[vector<16xi32>], vector<16xf32>,
        %mul3A_745 = arith.constant 1024 : i32
        %mul3A_746 = arith.muli %scan3A_80, %mul3A_745 : i32
        %add3A_747 = arith.constant 384 : i32
        %add3A_748 = arith.addi %mul3A_746, %add3A_747 : i32
        %add3A_749 = arith.constant 7 : i32
        %add3A_750 = arith.addi %add3A_748, %add3A_749 : i32
        %add3A_751 = vector.broadcast %add3A_750 : i32 to vector<16xi32>
        %add3A_752 = arith.addi %mul3A_5, %add3A_751 : vector<16xi32>
        tpu.vector_store_idx %arg7[%add3A_752], %get3A_708 : memref<16384xf32, #tpu.memory_space<vmem>>[vector<16xi32>], vector<16xf32>,
        %mul3A_753 = arith.constant 1024 : i32
        %mul3A_754 = arith.muli %scan3A_80, %mul3A_753 : i32
        %add3A_755 = arith.constant 512 : i32
        %add3A_756 = arith.addi %mul3A_754, %add3A_755 : i32
        %add3A_757 = arith.constant 7 : i32
        %add3A_758 = arith.addi %add3A_756, %add3A_757 : i32
        %add3A_759 = vector.broadcast %add3A_758 : i32 to vector<16xi32>
        %add3A_760 = arith.addi %mul3A_5, %add3A_759 : vector<16xi32>
        tpu.vector_store_idx %arg7[%add3A_760], %get3A_711 : memref<16384xf32, #tpu.memory_space<vmem>>[vector<16xi32>], vector<16xf32>,
        %mul3A_761 = arith.constant 1024 : i32
        %mul3A_762 = arith.muli %scan3A_80, %mul3A_761 : i32
        %add3A_763 = arith.constant 640 : i32
        %add3A_764 = arith.addi %mul3A_762, %add3A_763 : i32
        %add3A_765 = arith.constant 7 : i32
        %add3A_766 = arith.addi %add3A_764, %add3A_765 : i32
        %add3A_767 = vector.broadcast %add3A_766 : i32 to vector<16xi32>
        %add3A_768 = arith.addi %mul3A_5, %add3A_767 : vector<16xi32>
        tpu.vector_store_idx %arg7[%add3A_768], %get3A_714 : memref<16384xf32, #tpu.memory_space<vmem>>[vector<16xi32>], vector<16xf32>,
        %mul3A_769 = arith.constant 1024 : i32
        %mul3A_770 = arith.muli %scan3A_80, %mul3A_769 : i32
        %add3A_771 = arith.constant 768 : i32
        %add3A_772 = arith.addi %mul3A_770, %add3A_771 : i32
        %add3A_773 = arith.constant 7 : i32
        %add3A_774 = arith.addi %add3A_772, %add3A_773 : i32
        %add3A_775 = vector.broadcast %add3A_774 : i32 to vector<16xi32>
        %add3A_776 = arith.addi %mul3A_5, %add3A_775 : vector<16xi32>
        tpu.vector_store_idx %arg7[%add3A_776], %get3A_717 : memref<16384xf32, #tpu.memory_space<vmem>>[vector<16xi32>], vector<16xf32>,
        %mul3A_777 = arith.constant 1024 : i32
        %mul3A_778 = arith.muli %scan3A_80, %mul3A_777 : i32
        %add3A_779 = arith.constant 896 : i32
        %add3A_780 = arith.addi %mul3A_778, %add3A_779 : i32
        %add3A_781 = arith.constant 7 : i32
        %add3A_782 = arith.addi %add3A_780, %add3A_781 : i32
        %add3A_783 = vector.broadcast %add3A_782 : i32 to vector<16xi32>
        %add3A_784 = arith.addi %mul3A_5, %add3A_783 : vector<16xi32>
        tpu.vector_store_idx %arg7[%add3A_784], %get3A_720 : memref<16384xf32, #tpu.memory_space<vmem>>[vector<16xi32>], vector<16xf32>,
        %scan3A_785 = arith.constant 0 : i32
        scf.yield %scan3A_785 : i32
      }
      %scan3A_74 = arith.constant 16 : i32
      %mul3A_75 = arith.constant 1024 : i32
      %mul3A_76 = arith.muli %add3A_34, %mul3A_75 : i32
      %dma_start3A_77 = tpu.memref_slice %arg3[%mul3A_76] : memref<8388608xf32, #tpu.memory_space<hbm>> -> memref<16384xf32, #tpu.memory_space<hbm>>
      %dma_start3A_78 = tpu.memref_slice %arg3[%mul3A_76] : memref<8388608xf32, #tpu.memory_space<hbm>> -> memref<16384xf32, #tpu.memory_space<hbm>>
      tpu.enqueue_dma source(%arg7 : memref<16384xf32, #tpu.memory_space<vmem>>) target(%dma_start3A_78 : memref<16384xf32, #tpu.memory_space<hbm>>) target_semaphore(%arg11 : memref<!tpu.dma_semaphore, #tpu.memory_space<semaphore_mem>>)
      %scan3A_79 = arith.constant 0 : i32
      scf.yield %scan3A_79 : i32
    }
    %scan3A_11 = arith.constant 8 : i32
    %dma_wait3A = arith.constant 0 : i32
    %dma_wait3A_12 = tpu.memref_slice %arg3[%dma_wait3A] : memref<8388608xf32, #tpu.memory_space<hbm>> -> memref<16384xf32, #tpu.memory_space<hbm>>
    %dma_wait3A_13 = arith.constant 0 : i32
    %dma_wait3A_14 = tpu.memref_slice %arg3[%dma_wait3A_13] : memref<8388608xf32, #tpu.memory_space<hbm>> -> memref<16384xf32, #tpu.memory_space<hbm>>
    tpu.wait_dma2 semaphore(%arg10 : memref<!tpu.dma_semaphore, #tpu.memory_space<semaphore_mem>>) src(%arg6 : memref<16384xf32, #tpu.memory_space<vmem>>) dst(%dma_wait3A_14 : memref<16384xf32, #tpu.memory_space<hbm>>)
    %dma_wait3A_15 = arith.constant 0 : i32
    %dma_wait3A_16 = tpu.memref_slice %arg3[%dma_wait3A_15] : memref<8388608xf32, #tpu.memory_space<hbm>> -> memref<16384xf32, #tpu.memory_space<hbm>>
    %dma_wait3A_17 = arith.constant 0 : i32
    %dma_wait3A_18 = tpu.memref_slice %arg3[%dma_wait3A_17] : memref<8388608xf32, #tpu.memory_space<hbm>> -> memref<16384xf32, #tpu.memory_space<hbm>>
    tpu.wait_dma2 semaphore(%arg11 : memref<!tpu.dma_semaphore, #tpu.memory_space<semaphore_mem>>) src(%arg7 : memref<16384xf32, #tpu.memory_space<vmem>>) dst(%dma_wait3A_18 : memref<16384xf32, #tpu.memory_space<hbm>>)
    return
  }
}

#map = affine_map<(d0, d1) -> (0, 0)>
#map1 = affine_map<(d0, d1) -> (0)>
module attributes {stable_mosaic.version = 14 : i64} {
  func.func @gather_kernel(%arg0: i32, %arg1: i32, %arg2: memref<1048576x8xf32, #tpu.memory_space<hbm>>, %arg3: memref<3276800xi32, #tpu.memory_space<hbm>>, %arg4: memref<26214400xf32, #tpu.memory_space<hbm>>, %arg5: memref<1280xi32, #tpu.memory_space<vmem>>, %arg6: memref<1280xi32, #tpu.memory_space<vmem>>, %arg7: memref<1280xi32, #tpu.memory_space<vmem>>, %arg8: memref<1280xi32, #tpu.memory_space<vmem>>, %arg9: memref<1280x8xf32, #tpu.memory_space<vmem>>, %arg10: memref<1280x8xf32, #tpu.memory_space<vmem>>, %arg11: memref<1280x8xf32, #tpu.memory_space<vmem>>, %arg12: memref<1280x8xf32, #tpu.memory_space<vmem>>, %arg13: memref<10240xf32, #tpu.memory_space<vmem>>, %arg14: memref<10240xf32, #tpu.memory_space<vmem>>, %arg15: memref<10240xf32, #tpu.memory_space<vmem>>, %arg16: memref<10240xf32, #tpu.memory_space<vmem>>, %arg17: memref<!tpu.dma_semaphore, #tpu.memory_space<semaphore_mem>>, %arg18: memref<!tpu.dma_semaphore, #tpu.memory_space<semaphore_mem>>, %arg19: memref<!tpu.dma_semaphore, #tpu.memory_space<semaphore_mem>>, %arg20: memref<!tpu.dma_semaphore, #tpu.memory_space<semaphore_mem>>, %arg21: memref<!tpu.dma_semaphore, #tpu.memory_space<semaphore_mem>>, %arg22: memref<!tpu.dma_semaphore, #tpu.memory_space<semaphore_mem>>, %arg23: memref<!tpu.dma_semaphore, #tpu.memory_space<semaphore_mem>>, %arg24: memref<!tpu.dma_semaphore, #tpu.memory_space<semaphore_mem>>) attributes {dimension_semantics = [#tpu.dimension_semantics<core_parallel>, #tpu.dimension_semantics<subcore_parallel>], iteration_bounds = array<i64: 2, 16>, scalar_prefetch = 0 : i64, scratch_operands = 20 : i64, tpu.core_type = #tpu.core_type<sc_vector_subcore>, window_params = [{transform_indices = #map}, {transform_indices = #map1}, {transform_indices = #map1}]} {
    %mul3A = arith.constant 2 : i32
    %mul3A_0 = arith.muli %arg1, %mul3A : i32
    %add3A = arith.addi %mul3A_0, %arg0 : i32
    %mul3A_1 = arith.constant 800 : i32
    %mul3A_2 = arith.muli %add3A, %mul3A_1 : i32
    %iota3A = tpu.iota {dimensions = array<i32: 0>} : vector<16xi32>
    %broadcast_in_dim3A = arith.constant 0 : i32
    %broadcast_in_dim3A_3 = vector.broadcast %broadcast_in_dim3A : i32 to vector<16xi32>
    %broadcast_in_dim3A_4 = arith.constant 1 : i32
    %broadcast_in_dim3A_5 = vector.broadcast %broadcast_in_dim3A_4 : i32 to vector<16xi32>
    %broadcast_in_dim3A_6 = arith.constant 2 : i32
    %broadcast_in_dim3A_7 = vector.broadcast %broadcast_in_dim3A_6 : i32 to vector<16xi32>
    %broadcast_in_dim3A_8 = arith.constant 3 : i32
    %broadcast_in_dim3A_9 = vector.broadcast %broadcast_in_dim3A_8 : i32 to vector<16xi32>
    %broadcast_in_dim3A_10 = arith.constant 4 : i32
    %broadcast_in_dim3A_11 = vector.broadcast %broadcast_in_dim3A_10 : i32 to vector<16xi32>
    %broadcast_in_dim3A_12 = arith.constant 5 : i32
    %broadcast_in_dim3A_13 = vector.broadcast %broadcast_in_dim3A_12 : i32 to vector<16xi32>
    %broadcast_in_dim3A_14 = arith.constant 6 : i32
    %broadcast_in_dim3A_15 = vector.broadcast %broadcast_in_dim3A_14 : i32 to vector<16xi32>
    %broadcast_in_dim3A_16 = arith.constant 7 : i32
    %broadcast_in_dim3A_17 = vector.broadcast %broadcast_in_dim3A_16 : i32 to vector<16xi32>
    %scan3A = arith.constant 0 : i32
    %scan3A_18 = arith.constant 0 : i32
    %scan3A_19 = arith.constant 20 : i32
    %scan3A_20 = arith.addi %scan3A_18, %scan3A_19 : i32
    %scan3A_21 = arith.constant 1 : i32
    %scan3A_22 = scf.for %scan3A_39 = %scan3A_18 to %scan3A_20 step %scan3A_21 iter_args(%scan3A_40 = %scan3A) -> (i32)  : i32 {
      %mul3A_41 = arith.constant 4 : i32
      %mul3A_42 = arith.muli %scan3A_39, %mul3A_41 : i32
      %add3A_43 = arith.constant 0 : i32
      %add3A_44 = arith.addi %mul3A_42, %add3A_43 : i32
      %mul3A_45 = arith.constant 10 : i32
      %mul3A_46 = arith.muli %add3A_44, %mul3A_45 : i32
      %add3A_47 = arith.addi %mul3A_2, %mul3A_46 : i32
      %mul3A_48 = arith.constant 4 : i32
      %mul3A_49 = arith.muli %scan3A_39, %mul3A_48 : i32
      %add3A_50 = arith.constant 1 : i32
      %add3A_51 = arith.addi %mul3A_49, %add3A_50 : i32
      %mul3A_52 = arith.constant 10 : i32
      %mul3A_53 = arith.muli %add3A_51, %mul3A_52 : i32
      %add3A_54 = arith.addi %mul3A_2, %mul3A_53 : i32
      %mul3A_55 = arith.constant 4 : i32
      %mul3A_56 = arith.muli %scan3A_39, %mul3A_55 : i32
      %add3A_57 = arith.constant 2 : i32
      %add3A_58 = arith.addi %mul3A_56, %add3A_57 : i32
      %mul3A_59 = arith.constant 10 : i32
      %mul3A_60 = arith.muli %add3A_58, %mul3A_59 : i32
      %add3A_61 = arith.addi %mul3A_2, %mul3A_60 : i32
      %mul3A_62 = arith.constant 4 : i32
      %mul3A_63 = arith.muli %scan3A_39, %mul3A_62 : i32
      %add3A_64 = arith.constant 3 : i32
      %add3A_65 = arith.addi %mul3A_63, %add3A_64 : i32
      %mul3A_66 = arith.constant 10 : i32
      %mul3A_67 = arith.muli %add3A_65, %mul3A_66 : i32
      %add3A_68 = arith.addi %mul3A_2, %mul3A_67 : i32
      %gt3A = arith.constant 0 : i32
      %gt3A_69 = arith.cmpi sgt, %scan3A_39, %gt3A : i32
      %convert_element_type3A = arith.extui %gt3A_69 : i1 to i32
      %cond3A = arith.constant 0 : i32
      %cond3A_70 = arith.cmpi ne, %convert_element_type3A, %cond3A : i32
      scf.if %cond3A_70 {
        %dma_wait3A_170 = arith.constant 0 : i32
        %dma_wait3A_171 = tpu.memref_slice %arg4[%dma_wait3A_170] : memref<26214400xf32, #tpu.memory_space<hbm>> -> memref<10240xf32, #tpu.memory_space<hbm>>
        %dma_wait3A_172 = arith.constant 0 : i32
        %dma_wait3A_173 = tpu.memref_slice %arg4[%dma_wait3A_172] : memref<26214400xf32, #tpu.memory_space<hbm>> -> memref<10240xf32, #tpu.memory_space<hbm>>
        tpu.wait_dma2 semaphore(%arg21 : memref<!tpu.dma_semaphore, #tpu.memory_space<semaphore_mem>>) src(%arg13 : memref<10240xf32, #tpu.memory_space<vmem>>) dst(%dma_wait3A_173 : memref<10240xf32, #tpu.memory_space<hbm>>)
      } else {
      }
      %mul3A_71 = arith.constant 128 : i32
      %mul3A_72 = arith.muli %add3A_47, %mul3A_71 : i32
      "tpu.region"() ({
        %run_scoped3A = tpu.sem_alloc : memref<!tpu.dma_semaphore, #tpu.memory_space<semaphore_mem>>
        %dma_start3A_170 = tpu.memref_slice %arg3[%mul3A_72] : memref<3276800xi32, #tpu.memory_space<hbm>> -> memref<1280xi32, #tpu.memory_space<hbm>>
        %dma_start3A_171 = tpu.memref_slice %arg3[%mul3A_72] : memref<3276800xi32, #tpu.memory_space<hbm>> -> memref<1280xi32, #tpu.memory_space<hbm>>
        tpu.enqueue_dma source(%dma_start3A_171 : memref<1280xi32, #tpu.memory_space<hbm>>) target(%arg5 : memref<1280xi32, #tpu.memory_space<vmem>>) target_semaphore(%run_scoped3A : memref<!tpu.dma_semaphore, #tpu.memory_space<semaphore_mem>>)
        %dma_wait3A_172 = tpu.memref_slice %arg3[%mul3A_72] : memref<3276800xi32, #tpu.memory_space<hbm>> -> memref<1280xi32, #tpu.memory_space<hbm>>
        %dma_wait3A_173 = tpu.memref_slice %arg3[%mul3A_72] : memref<3276800xi32, #tpu.memory_space<hbm>> -> memref<1280xi32, #tpu.memory_space<hbm>>
        tpu.wait_dma2 semaphore(%run_scoped3A : memref<!tpu.dma_semaphore, #tpu.memory_space<semaphore_mem>>) src(%dma_wait3A_173 : memref<1280xi32, #tpu.memory_space<hbm>>) dst(%arg5 : memref<1280xi32, #tpu.memory_space<vmem>>)
        tpu.yield
      }) : () -> ()
      %dma_start3A = arith.constant 0 : i32
      %dma_start3A_73 = arith.constant 0 : i32
      %dma_start3A_74 = tpu.memref_slice %arg2[%dma_start3A, %dma_start3A_73] : memref<1048576x8xf32, #tpu.memory_space<hbm>> -> memref<1048576x8xf32, #tpu.memory_space<hbm>>
      tpu.enqueue_indirect_dma source(%dma_start3A_74 : memref<1048576x8xf32, #tpu.memory_space<hbm>>) target(%arg9 : memref<1280x8xf32, #tpu.memory_space<vmem>>) offsets(%arg5 : memref<1280xi32, #tpu.memory_space<vmem>>) semaphore(%arg17 : memref<!tpu.dma_semaphore, #tpu.memory_space<semaphore_mem>>)
      %gt3A_75 = arith.constant 0 : i32
      %gt3A_76 = arith.cmpi sgt, %scan3A_39, %gt3A_75 : i32
      %convert_element_type3A_77 = arith.extui %gt3A_76 : i1 to i32
      %cond3A_78 = arith.constant 0 : i32
      %cond3A_79 = arith.cmpi ne, %convert_element_type3A_77, %cond3A_78 : i32
      scf.if %cond3A_79 {
        %dma_wait3A_170 = arith.constant 0 : i32
        %dma_wait3A_171 = tpu.memref_slice %arg4[%dma_wait3A_170] : memref<26214400xf32, #tpu.memory_space<hbm>> -> memref<10240xf32, #tpu.memory_space<hbm>>
        %dma_wait3A_172 = arith.constant 0 : i32
        %dma_wait3A_173 = tpu.memref_slice %arg4[%dma_wait3A_172] : memref<26214400xf32, #tpu.memory_space<hbm>> -> memref<10240xf32, #tpu.memory_space<hbm>>
        tpu.wait_dma2 semaphore(%arg22 : memref<!tpu.dma_semaphore, #tpu.memory_space<semaphore_mem>>) src(%arg14 : memref<10240xf32, #tpu.memory_space<vmem>>) dst(%dma_wait3A_173 : memref<10240xf32, #tpu.memory_space<hbm>>)
      } else {
      }
      %mul3A_80 = arith.constant 128 : i32
      %mul3A_81 = arith.muli %add3A_54, %mul3A_80 : i32
      "tpu.region"() ({
        %run_scoped3A = tpu.sem_alloc : memref<!tpu.dma_semaphore, #tpu.memory_space<semaphore_mem>>
        %dma_start3A_170 = tpu.memref_slice %arg3[%mul3A_81] : memref<3276800xi32, #tpu.memory_space<hbm>> -> memref<1280xi32, #tpu.memory_space<hbm>>
        %dma_start3A_171 = tpu.memref_slice %arg3[%mul3A_81] : memref<3276800xi32, #tpu.memory_space<hbm>> -> memref<1280xi32, #tpu.memory_space<hbm>>
        tpu.enqueue_dma source(%dma_start3A_171 : memref<1280xi32, #tpu.memory_space<hbm>>) target(%arg6 : memref<1280xi32, #tpu.memory_space<vmem>>) target_semaphore(%run_scoped3A : memref<!tpu.dma_semaphore, #tpu.memory_space<semaphore_mem>>)
        %dma_wait3A_172 = tpu.memref_slice %arg3[%mul3A_81] : memref<3276800xi32, #tpu.memory_space<hbm>> -> memref<1280xi32, #tpu.memory_space<hbm>>
        %dma_wait3A_173 = tpu.memref_slice %arg3[%mul3A_81] : memref<3276800xi32, #tpu.memory_space<hbm>> -> memref<1280xi32, #tpu.memory_space<hbm>>
        tpu.wait_dma2 semaphore(%run_scoped3A : memref<!tpu.dma_semaphore, #tpu.memory_space<semaphore_mem>>) src(%dma_wait3A_173 : memref<1280xi32, #tpu.memory_space<hbm>>) dst(%arg6 : memref<1280xi32, #tpu.memory_space<vmem>>)
        tpu.yield
      }) : () -> ()
      %dma_start3A_82 = arith.constant 0 : i32
      %dma_start3A_83 = arith.constant 0 : i32
      %dma_start3A_84 = tpu.memref_slice %arg2[%dma_start3A_82, %dma_start3A_83] : memref<1048576x8xf32, #tpu.memory_space<hbm>> -> memref<1048576x8xf32, #tpu.memory_space<hbm>>
      tpu.enqueue_indirect_dma source(%dma_start3A_84 : memref<1048576x8xf32, #tpu.memory_space<hbm>>) target(%arg10 : memref<1280x8xf32, #tpu.memory_space<vmem>>) offsets(%arg6 : memref<1280xi32, #tpu.memory_space<vmem>>) semaphore(%arg18 : memref<!tpu.dma_semaphore, #tpu.memory_space<semaphore_mem>>)
      %gt3A_85 = arith.constant 0 : i32
      %gt3A_86 = arith.cmpi sgt, %scan3A_39, %gt3A_85 : i32
      %convert_element_type3A_87 = arith.extui %gt3A_86 : i1 to i32
      %cond3A_88 = arith.constant 0 : i32
      %cond3A_89 = arith.cmpi ne, %convert_element_type3A_87, %cond3A_88 : i32
      scf.if %cond3A_89 {
        %dma_wait3A_170 = arith.constant 0 : i32
        %dma_wait3A_171 = tpu.memref_slice %arg4[%dma_wait3A_170] : memref<26214400xf32, #tpu.memory_space<hbm>> -> memref<10240xf32, #tpu.memory_space<hbm>>
        %dma_wait3A_172 = arith.constant 0 : i32
        %dma_wait3A_173 = tpu.memref_slice %arg4[%dma_wait3A_172] : memref<26214400xf32, #tpu.memory_space<hbm>> -> memref<10240xf32, #tpu.memory_space<hbm>>
        tpu.wait_dma2 semaphore(%arg23 : memref<!tpu.dma_semaphore, #tpu.memory_space<semaphore_mem>>) src(%arg15 : memref<10240xf32, #tpu.memory_space<vmem>>) dst(%dma_wait3A_173 : memref<10240xf32, #tpu.memory_space<hbm>>)
      } else {
      }
      %mul3A_90 = arith.constant 128 : i32
      %mul3A_91 = arith.muli %add3A_61, %mul3A_90 : i32
      "tpu.region"() ({
        %run_scoped3A = tpu.sem_alloc : memref<!tpu.dma_semaphore, #tpu.memory_space<semaphore_mem>>
        %dma_start3A_170 = tpu.memref_slice %arg3[%mul3A_91] : memref<3276800xi32, #tpu.memory_space<hbm>> -> memref<1280xi32, #tpu.memory_space<hbm>>
        %dma_start3A_171 = tpu.memref_slice %arg3[%mul3A_91] : memref<3276800xi32, #tpu.memory_space<hbm>> -> memref<1280xi32, #tpu.memory_space<hbm>>
        tpu.enqueue_dma source(%dma_start3A_171 : memref<1280xi32, #tpu.memory_space<hbm>>) target(%arg7 : memref<1280xi32, #tpu.memory_space<vmem>>) target_semaphore(%run_scoped3A : memref<!tpu.dma_semaphore, #tpu.memory_space<semaphore_mem>>)
        %dma_wait3A_172 = tpu.memref_slice %arg3[%mul3A_91] : memref<3276800xi32, #tpu.memory_space<hbm>> -> memref<1280xi32, #tpu.memory_space<hbm>>
        %dma_wait3A_173 = tpu.memref_slice %arg3[%mul3A_91] : memref<3276800xi32, #tpu.memory_space<hbm>> -> memref<1280xi32, #tpu.memory_space<hbm>>
        tpu.wait_dma2 semaphore(%run_scoped3A : memref<!tpu.dma_semaphore, #tpu.memory_space<semaphore_mem>>) src(%dma_wait3A_173 : memref<1280xi32, #tpu.memory_space<hbm>>) dst(%arg7 : memref<1280xi32, #tpu.memory_space<vmem>>)
        tpu.yield
      }) : () -> ()
      %dma_start3A_92 = arith.constant 0 : i32
      %dma_start3A_93 = arith.constant 0 : i32
      %dma_start3A_94 = tpu.memref_slice %arg2[%dma_start3A_92, %dma_start3A_93] : memref<1048576x8xf32, #tpu.memory_space<hbm>> -> memref<1048576x8xf32, #tpu.memory_space<hbm>>
      tpu.enqueue_indirect_dma source(%dma_start3A_94 : memref<1048576x8xf32, #tpu.memory_space<hbm>>) target(%arg11 : memref<1280x8xf32, #tpu.memory_space<vmem>>) offsets(%arg7 : memref<1280xi32, #tpu.memory_space<vmem>>) semaphore(%arg19 : memref<!tpu.dma_semaphore, #tpu.memory_space<semaphore_mem>>)
      %gt3A_95 = arith.constant 0 : i32
      %gt3A_96 = arith.cmpi sgt, %scan3A_39, %gt3A_95 : i32
      %convert_element_type3A_97 = arith.extui %gt3A_96 : i1 to i32
      %cond3A_98 = arith.constant 0 : i32
      %cond3A_99 = arith.cmpi ne, %convert_element_type3A_97, %cond3A_98 : i32
      scf.if %cond3A_99 {
        %dma_wait3A_170 = arith.constant 0 : i32
        %dma_wait3A_171 = tpu.memref_slice %arg4[%dma_wait3A_170] : memref<26214400xf32, #tpu.memory_space<hbm>> -> memref<10240xf32, #tpu.memory_space<hbm>>
        %dma_wait3A_172 = arith.constant 0 : i32
        %dma_wait3A_173 = tpu.memref_slice %arg4[%dma_wait3A_172] : memref<26214400xf32, #tpu.memory_space<hbm>> -> memref<10240xf32, #tpu.memory_space<hbm>>
        tpu.wait_dma2 semaphore(%arg24 : memref<!tpu.dma_semaphore, #tpu.memory_space<semaphore_mem>>) src(%arg16 : memref<10240xf32, #tpu.memory_space<vmem>>) dst(%dma_wait3A_173 : memref<10240xf32, #tpu.memory_space<hbm>>)
      } else {
      }
      %mul3A_100 = arith.constant 128 : i32
      %mul3A_101 = arith.muli %add3A_68, %mul3A_100 : i32
      "tpu.region"() ({
        %run_scoped3A = tpu.sem_alloc : memref<!tpu.dma_semaphore, #tpu.memory_space<semaphore_mem>>
        %dma_start3A_170 = tpu.memref_slice %arg3[%mul3A_101] : memref<3276800xi32, #tpu.memory_space<hbm>> -> memref<1280xi32, #tpu.memory_space<hbm>>
        %dma_start3A_171 = tpu.memref_slice %arg3[%mul3A_101] : memref<3276800xi32, #tpu.memory_space<hbm>> -> memref<1280xi32, #tpu.memory_space<hbm>>
        tpu.enqueue_dma source(%dma_start3A_171 : memref<1280xi32, #tpu.memory_space<hbm>>) target(%arg8 : memref<1280xi32, #tpu.memory_space<vmem>>) target_semaphore(%run_scoped3A : memref<!tpu.dma_semaphore, #tpu.memory_space<semaphore_mem>>)
        %dma_wait3A_172 = tpu.memref_slice %arg3[%mul3A_101] : memref<3276800xi32, #tpu.memory_space<hbm>> -> memref<1280xi32, #tpu.memory_space<hbm>>
        %dma_wait3A_173 = tpu.memref_slice %arg3[%mul3A_101] : memref<3276800xi32, #tpu.memory_space<hbm>> -> memref<1280xi32, #tpu.memory_space<hbm>>
        tpu.wait_dma2 semaphore(%run_scoped3A : memref<!tpu.dma_semaphore, #tpu.memory_space<semaphore_mem>>) src(%dma_wait3A_173 : memref<1280xi32, #tpu.memory_space<hbm>>) dst(%arg8 : memref<1280xi32, #tpu.memory_space<vmem>>)
        tpu.yield
      }) : () -> ()
      %dma_start3A_102 = arith.constant 0 : i32
      %dma_start3A_103 = arith.constant 0 : i32
      %dma_start3A_104 = tpu.memref_slice %arg2[%dma_start3A_102, %dma_start3A_103] : memref<1048576x8xf32, #tpu.memory_space<hbm>> -> memref<1048576x8xf32, #tpu.memory_space<hbm>>
      tpu.enqueue_indirect_dma source(%dma_start3A_104 : memref<1048576x8xf32, #tpu.memory_space<hbm>>) target(%arg12 : memref<1280x8xf32, #tpu.memory_space<vmem>>) offsets(%arg8 : memref<1280xi32, #tpu.memory_space<vmem>>) semaphore(%arg20 : memref<!tpu.dma_semaphore, #tpu.memory_space<semaphore_mem>>)
      %dma_wait3A_105 = arith.constant 0 : i32
      %dma_wait3A_106 = arith.constant 0 : i32
      %dma_wait3A_107 = tpu.memref_slice %arg2[%dma_wait3A_105, %dma_wait3A_106] : memref<1048576x8xf32, #tpu.memory_space<hbm>> -> memref<1048576x8xf32, #tpu.memory_space<hbm>>
      tpu.wait_indirect_dma semaphore(%arg17 : memref<!tpu.dma_semaphore, #tpu.memory_space<semaphore_mem>>) src(%dma_wait3A_107 : memref<1048576x8xf32, #tpu.memory_space<hbm>>) dst(%arg9 : memref<1280x8xf32, #tpu.memory_space<vmem>>)
      %scan3A_108 = arith.constant 0 : i32
      %scan3A_109 = arith.constant 0 : i32
      %scan3A_110 = arith.constant 10 : i32
      %scan3A_111 = arith.addi %scan3A_109, %scan3A_110 : i32
      %scan3A_112 = arith.constant 1 : i32
      %scan3A_113 = scf.for %scan3A_170 = %scan3A_109 to %scan3A_111 step %scan3A_112 iter_args(%scan3A_171 = %scan3A_108) -> (i32)  : i32 {
        %mul3A_172 = arith.constant 128 : i32
        %mul3A_173 = arith.muli %scan3A_170, %mul3A_172 : i32
        %add3A_174 = arith.constant 0 : i32
        %add3A_175 = arith.addi %mul3A_173, %add3A_174 : i32
        %add3A_176 = vector.broadcast %add3A_175 : i32 to vector<16xi32>
        %add3A_177 = arith.addi %iota3A, %add3A_176 : vector<16xi32>
        %gather3A = tpu.vector_load_idx %arg9[%add3A_177, %broadcast_in_dim3A_3] : memref<1280x8xf32, #tpu.memory_space<vmem>>[vector<16xi32>, vector<16xi32>], vector<16xf32>,
        %gather3A_178 = tpu.vector_load_idx %arg9[%add3A_177, %broadcast_in_dim3A_5] : memref<1280x8xf32, #tpu.memory_space<vmem>>[vector<16xi32>, vector<16xi32>], vector<16xf32>,
        %gather3A_179 = tpu.vector_load_idx %arg9[%add3A_177, %broadcast_in_dim3A_7] : memref<1280x8xf32, #tpu.memory_space<vmem>>[vector<16xi32>, vector<16xi32>], vector<16xf32>,
        %gather3A_180 = tpu.vector_load_idx %arg9[%add3A_177, %broadcast_in_dim3A_9] : memref<1280x8xf32, #tpu.memory_space<vmem>>[vector<16xi32>, vector<16xi32>], vector<16xf32>,
        %gather3A_181 = tpu.vector_load_idx %arg9[%add3A_177, %broadcast_in_dim3A_11] : memref<1280x8xf32, #tpu.memory_space<vmem>>[vector<16xi32>, vector<16xi32>], vector<16xf32>,
        %gather3A_182 = tpu.vector_load_idx %arg9[%add3A_177, %broadcast_in_dim3A_13] : memref<1280x8xf32, #tpu.memory_space<vmem>>[vector<16xi32>, vector<16xi32>], vector<16xf32>,
        %gather3A_183 = tpu.vector_load_idx %arg9[%add3A_177, %broadcast_in_dim3A_15] : memref<1280x8xf32, #tpu.memory_space<vmem>>[vector<16xi32>, vector<16xi32>], vector<16xf32>,
        %gather3A_184 = tpu.vector_load_idx %arg9[%add3A_177, %broadcast_in_dim3A_17] : memref<1280x8xf32, #tpu.memory_space<vmem>>[vector<16xi32>, vector<16xi32>], vector<16xf32>,
        %mul3A_185 = arith.constant 128 : i32
        %mul3A_186 = arith.muli %scan3A_170, %mul3A_185 : i32
        %mul3A_187 = arith.constant 8 : i32
        %mul3A_188 = arith.muli %mul3A_186, %mul3A_187 : i32
        %add3A_189 = arith.constant 0 : i32
        %add3A_190 = arith.addi %mul3A_188, %add3A_189 : i32
        %add3A_191 = arith.constant 0 : i32
        %add3A_192 = arith.addi %add3A_190, %add3A_191 : i32
        %swap3A = arith.index_cast %add3A_192 : i32 to index
        %swap3A_193 = tpu.vector_load %arg13[%swap3A] {strides = array<i32>} : memref<10240xf32, #tpu.memory_space<vmem>>, vector<16xf32>,
        tpu.vector_store %arg13[%swap3A], %gather3A {strides = array<i32>} : memref<10240xf32, #tpu.memory_space<vmem>>, vector<16xf32>,
        %mul3A_194 = arith.constant 128 : i32
        %mul3A_195 = arith.muli %scan3A_170, %mul3A_194 : i32
        %mul3A_196 = arith.constant 8 : i32
        %mul3A_197 = arith.muli %mul3A_195, %mul3A_196 : i32
        %add3A_198 = arith.constant 128 : i32
        %add3A_199 = arith.addi %mul3A_197, %add3A_198 : i32
        %add3A_200 = arith.constant 0 : i32
        %add3A_201 = arith.addi %add3A_199, %add3A_200 : i32
        %swap3A_202 = arith.index_cast %add3A_201 : i32 to index
        %swap3A_203 = tpu.vector_load %arg13[%swap3A_202] {strides = array<i32>} : memref<10240xf32, #tpu.memory_space<vmem>>, vector<16xf32>,
        tpu.vector_store %arg13[%swap3A_202], %gather3A_178 {strides = array<i32>} : memref<10240xf32, #tpu.memory_space<vmem>>, vector<16xf32>,
        %mul3A_204 = arith.constant 128 : i32
        %mul3A_205 = arith.muli %scan3A_170, %mul3A_204 : i32
        %mul3A_206 = arith.constant 8 : i32
        %mul3A_207 = arith.muli %mul3A_205, %mul3A_206 : i32
        %add3A_208 = arith.constant 256 : i32
        %add3A_209 = arith.addi %mul3A_207, %add3A_208 : i32
        %add3A_210 = arith.constant 0 : i32
        %add3A_211 = arith.addi %add3A_209, %add3A_210 : i32
        %swap3A_212 = arith.index_cast %add3A_211 : i32 to index
        %swap3A_213 = tpu.vector_load %arg13[%swap3A_212] {strides = array<i32>} : memref<10240xf32, #tpu.memory_space<vmem>>, vector<16xf32>,
        tpu.vector_store %arg13[%swap3A_212], %gather3A_179 {strides = array<i32>} : memref<10240xf32, #tpu.memory_space<vmem>>, vector<16xf32>,
        %mul3A_214 = arith.constant 128 : i32
        %mul3A_215 = arith.muli %scan3A_170, %mul3A_214 : i32
        %mul3A_216 = arith.constant 8 : i32
        %mul3A_217 = arith.muli %mul3A_215, %mul3A_216 : i32
        %add3A_218 = arith.constant 384 : i32
        %add3A_219 = arith.addi %mul3A_217, %add3A_218 : i32
        %add3A_220 = arith.constant 0 : i32
        %add3A_221 = arith.addi %add3A_219, %add3A_220 : i32
        %swap3A_222 = arith.index_cast %add3A_221 : i32 to index
        %swap3A_223 = tpu.vector_load %arg13[%swap3A_222] {strides = array<i32>} : memref<10240xf32, #tpu.memory_space<vmem>>, vector<16xf32>,
        tpu.vector_store %arg13[%swap3A_222], %gather3A_180 {strides = array<i32>} : memref<10240xf32, #tpu.memory_space<vmem>>, vector<16xf32>,
        %mul3A_224 = arith.constant 128 : i32
        %mul3A_225 = arith.muli %scan3A_170, %mul3A_224 : i32
        %mul3A_226 = arith.constant 8 : i32
        %mul3A_227 = arith.muli %mul3A_225, %mul3A_226 : i32
        %add3A_228 = arith.constant 512 : i32
        %add3A_229 = arith.addi %mul3A_227, %add3A_228 : i32
        %add3A_230 = arith.constant 0 : i32
        %add3A_231 = arith.addi %add3A_229, %add3A_230 : i32
        %swap3A_232 = arith.index_cast %add3A_231 : i32 to index
        %swap3A_233 = tpu.vector_load %arg13[%swap3A_232] {strides = array<i32>} : memref<10240xf32, #tpu.memory_space<vmem>>, vector<16xf32>,
        tpu.vector_store %arg13[%swap3A_232], %gather3A_181 {strides = array<i32>} : memref<10240xf32, #tpu.memory_space<vmem>>, vector<16xf32>,
        %mul3A_234 = arith.constant 128 : i32
        %mul3A_235 = arith.muli %scan3A_170, %mul3A_234 : i32
        %mul3A_236 = arith.constant 8 : i32
        %mul3A_237 = arith.muli %mul3A_235, %mul3A_236 : i32
        %add3A_238 = arith.constant 640 : i32
        %add3A_239 = arith.addi %mul3A_237, %add3A_238 : i32
        %add3A_240 = arith.constant 0 : i32
        %add3A_241 = arith.addi %add3A_239, %add3A_240 : i32
        %swap3A_242 = arith.index_cast %add3A_241 : i32 to index
        %swap3A_243 = tpu.vector_load %arg13[%swap3A_242] {strides = array<i32>} : memref<10240xf32, #tpu.memory_space<vmem>>, vector<16xf32>,
        tpu.vector_store %arg13[%swap3A_242], %gather3A_182 {strides = array<i32>} : memref<10240xf32, #tpu.memory_space<vmem>>, vector<16xf32>,
        %mul3A_244 = arith.constant 128 : i32
        %mul3A_245 = arith.muli %scan3A_170, %mul3A_244 : i32
        %mul3A_246 = arith.constant 8 : i32
        %mul3A_247 = arith.muli %mul3A_245, %mul3A_246 : i32
        %add3A_248 = arith.constant 768 : i32
        %add3A_249 = arith.addi %mul3A_247, %add3A_248 : i32
        %add3A_250 = arith.constant 0 : i32
        %add3A_251 = arith.addi %add3A_249, %add3A_250 : i32
        %swap3A_252 = arith.index_cast %add3A_251 : i32 to index
        %swap3A_253 = tpu.vector_load %arg13[%swap3A_252] {strides = array<i32>} : memref<10240xf32, #tpu.memory_space<vmem>>, vector<16xf32>,
        tpu.vector_store %arg13[%swap3A_252], %gather3A_183 {strides = array<i32>} : memref<10240xf32, #tpu.memory_space<vmem>>, vector<16xf32>,
        %mul3A_254 = arith.constant 128 : i32
        %mul3A_255 = arith.muli %scan3A_170, %mul3A_254 : i32
        %mul3A_256 = arith.constant 8 : i32
        %mul3A_257 = arith.muli %mul3A_255, %mul3A_256 : i32
        %add3A_258 = arith.constant 896 : i32
        %add3A_259 = arith.addi %mul3A_257, %add3A_258 : i32
        %add3A_260 = arith.constant 0 : i32
        %add3A_261 = arith.addi %add3A_259, %add3A_260 : i32
        %swap3A_262 = arith.index_cast %add3A_261 : i32 to index
        %swap3A_263 = tpu.vector_load %arg13[%swap3A_262] {strides = array<i32>} : memref<10240xf32, #tpu.memory_space<vmem>>, vector<16xf32>,
        tpu.vector_store %arg13[%swap3A_262], %gather3A_184 {strides = array<i32>} : memref<10240xf32, #tpu.memory_space<vmem>>, vector<16xf32>,
        %mul3A_264 = arith.constant 128 : i32
        %mul3A_265 = arith.muli %scan3A_170, %mul3A_264 : i32
        %add3A_266 = arith.constant 16 : i32
        %add3A_267 = arith.addi %mul3A_265, %add3A_266 : i32
        %add3A_268 = vector.broadcast %add3A_267 : i32 to vector<16xi32>
        %add3A_269 = arith.addi %iota3A, %add3A_268 : vector<16xi32>
        %gather3A_270 = tpu.vector_load_idx %arg9[%add3A_269, %broadcast_in_dim3A_3] : memref<1280x8xf32, #tpu.memory_space<vmem>>[vector<16xi32>, vector<16xi32>], vector<16xf32>,
        %gather3A_271 = tpu.vector_load_idx %arg9[%add3A_269, %broadcast_in_dim3A_5] : memref<1280x8xf32, #tpu.memory_space<vmem>>[vector<16xi32>, vector<16xi32>], vector<16xf32>,
        %gather3A_272 = tpu.vector_load_idx %arg9[%add3A_269, %broadcast_in_dim3A_7] : memref<1280x8xf32, #tpu.memory_space<vmem>>[vector<16xi32>, vector<16xi32>], vector<16xf32>,
        %gather3A_273 = tpu.vector_load_idx %arg9[%add3A_269, %broadcast_in_dim3A_9] : memref<1280x8xf32, #tpu.memory_space<vmem>>[vector<16xi32>, vector<16xi32>], vector<16xf32>,
        %gather3A_274 = tpu.vector_load_idx %arg9[%add3A_269, %broadcast_in_dim3A_11] : memref<1280x8xf32, #tpu.memory_space<vmem>>[vector<16xi32>, vector<16xi32>], vector<16xf32>,
        %gather3A_275 = tpu.vector_load_idx %arg9[%add3A_269, %broadcast_in_dim3A_13] : memref<1280x8xf32, #tpu.memory_space<vmem>>[vector<16xi32>, vector<16xi32>], vector<16xf32>,
        %gather3A_276 = tpu.vector_load_idx %arg9[%add3A_269, %broadcast_in_dim3A_15] : memref<1280x8xf32, #tpu.memory_space<vmem>>[vector<16xi32>, vector<16xi32>], vector<16xf32>,
        %gather3A_277 = tpu.vector_load_idx %arg9[%add3A_269, %broadcast_in_dim3A_17] : memref<1280x8xf32, #tpu.memory_space<vmem>>[vector<16xi32>, vector<16xi32>], vector<16xf32>,
        %mul3A_278 = arith.constant 128 : i32
        %mul3A_279 = arith.muli %scan3A_170, %mul3A_278 : i32
        %mul3A_280 = arith.constant 8 : i32
        %mul3A_281 = arith.muli %mul3A_279, %mul3A_280 : i32
        %add3A_282 = arith.constant 0 : i32
        %add3A_283 = arith.addi %mul3A_281, %add3A_282 : i32
        %add3A_284 = arith.constant 16 : i32
        %add3A_285 = arith.addi %add3A_283, %add3A_284 : i32
        %swap3A_286 = arith.index_cast %add3A_285 : i32 to index
        %swap3A_287 = tpu.vector_load %arg13[%swap3A_286] {strides = array<i32>} : memref<10240xf32, #tpu.memory_space<vmem>>, vector<16xf32>,
        tpu.vector_store %arg13[%swap3A_286], %gather3A_270 {strides = array<i32>} : memref<10240xf32, #tpu.memory_space<vmem>>, vector<16xf32>,
        %mul3A_288 = arith.constant 128 : i32
        %mul3A_289 = arith.muli %scan3A_170, %mul3A_288 : i32
        %mul3A_290 = arith.constant 8 : i32
        %mul3A_291 = arith.muli %mul3A_289, %mul3A_290 : i32
        %add3A_292 = arith.constant 128 : i32
        %add3A_293 = arith.addi %mul3A_291, %add3A_292 : i32
        %add3A_294 = arith.constant 16 : i32
        %add3A_295 = arith.addi %add3A_293, %add3A_294 : i32
        %swap3A_296 = arith.index_cast %add3A_295 : i32 to index
        %swap3A_297 = tpu.vector_load %arg13[%swap3A_296] {strides = array<i32>} : memref<10240xf32, #tpu.memory_space<vmem>>, vector<16xf32>,
        tpu.vector_store %arg13[%swap3A_296], %gather3A_271 {strides = array<i32>} : memref<10240xf32, #tpu.memory_space<vmem>>, vector<16xf32>,
        %mul3A_298 = arith.constant 128 : i32
        %mul3A_299 = arith.muli %scan3A_170, %mul3A_298 : i32
        %mul3A_300 = arith.constant 8 : i32
        %mul3A_301 = arith.muli %mul3A_299, %mul3A_300 : i32
        %add3A_302 = arith.constant 256 : i32
        %add3A_303 = arith.addi %mul3A_301, %add3A_302 : i32
        %add3A_304 = arith.constant 16 : i32
        %add3A_305 = arith.addi %add3A_303, %add3A_304 : i32
        %swap3A_306 = arith.index_cast %add3A_305 : i32 to index
        %swap3A_307 = tpu.vector_load %arg13[%swap3A_306] {strides = array<i32>} : memref<10240xf32, #tpu.memory_space<vmem>>, vector<16xf32>,
        tpu.vector_store %arg13[%swap3A_306], %gather3A_272 {strides = array<i32>} : memref<10240xf32, #tpu.memory_space<vmem>>, vector<16xf32>,
        %mul3A_308 = arith.constant 128 : i32
        %mul3A_309 = arith.muli %scan3A_170, %mul3A_308 : i32
        %mul3A_310 = arith.constant 8 : i32
        %mul3A_311 = arith.muli %mul3A_309, %mul3A_310 : i32
        %add3A_312 = arith.constant 384 : i32
        %add3A_313 = arith.addi %mul3A_311, %add3A_312 : i32
        %add3A_314 = arith.constant 16 : i32
        %add3A_315 = arith.addi %add3A_313, %add3A_314 : i32
        %swap3A_316 = arith.index_cast %add3A_315 : i32 to index
        %swap3A_317 = tpu.vector_load %arg13[%swap3A_316] {strides = array<i32>} : memref<10240xf32, #tpu.memory_space<vmem>>, vector<16xf32>,
        tpu.vector_store %arg13[%swap3A_316], %gather3A_273 {strides = array<i32>} : memref<10240xf32, #tpu.memory_space<vmem>>, vector<16xf32>,
        %mul3A_318 = arith.constant 128 : i32
        %mul3A_319 = arith.muli %scan3A_170, %mul3A_318 : i32
        %mul3A_320 = arith.constant 8 : i32
        %mul3A_321 = arith.muli %mul3A_319, %mul3A_320 : i32
        %add3A_322 = arith.constant 512 : i32
        %add3A_323 = arith.addi %mul3A_321, %add3A_322 : i32
        %add3A_324 = arith.constant 16 : i32
        %add3A_325 = arith.addi %add3A_323, %add3A_324 : i32
        %swap3A_326 = arith.index_cast %add3A_325 : i32 to index
        %swap3A_327 = tpu.vector_load %arg13[%swap3A_326] {strides = array<i32>} : memref<10240xf32, #tpu.memory_space<vmem>>, vector<16xf32>,
        tpu.vector_store %arg13[%swap3A_326], %gather3A_274 {strides = array<i32>} : memref<10240xf32, #tpu.memory_space<vmem>>, vector<16xf32>,
        %mul3A_328 = arith.constant 128 : i32
        %mul3A_329 = arith.muli %scan3A_170, %mul3A_328 : i32
        %mul3A_330 = arith.constant 8 : i32
        %mul3A_331 = arith.muli %mul3A_329, %mul3A_330 : i32
        %add3A_332 = arith.constant 640 : i32
        %add3A_333 = arith.addi %mul3A_331, %add3A_332 : i32
        %add3A_334 = arith.constant 16 : i32
        %add3A_335 = arith.addi %add3A_333, %add3A_334 : i32
        %swap3A_336 = arith.index_cast %add3A_335 : i32 to index
        %swap3A_337 = tpu.vector_load %arg13[%swap3A_336] {strides = array<i32>} : memref<10240xf32, #tpu.memory_space<vmem>>, vector<16xf32>,
        tpu.vector_store %arg13[%swap3A_336], %gather3A_275 {strides = array<i32>} : memref<10240xf32, #tpu.memory_space<vmem>>, vector<16xf32>,
        %mul3A_338 = arith.constant 128 : i32
        %mul3A_339 = arith.muli %scan3A_170, %mul3A_338 : i32
        %mul3A_340 = arith.constant 8 : i32
        %mul3A_341 = arith.muli %mul3A_339, %mul3A_340 : i32
        %add3A_342 = arith.constant 768 : i32
        %add3A_343 = arith.addi %mul3A_341, %add3A_342 : i32
        %add3A_344 = arith.constant 16 : i32
        %add3A_345 = arith.addi %add3A_343, %add3A_344 : i32
        %swap3A_346 = arith.index_cast %add3A_345 : i32 to index
        %swap3A_347 = tpu.vector_load %arg13[%swap3A_346] {strides = array<i32>} : memref<10240xf32, #tpu.memory_space<vmem>>, vector<16xf32>,
        tpu.vector_store %arg13[%swap3A_346], %gather3A_276 {strides = array<i32>} : memref<10240xf32, #tpu.memory_space<vmem>>, vector<16xf32>,
        %mul3A_348 = arith.constant 128 : i32
        %mul3A_349 = arith.muli %scan3A_170, %mul3A_348 : i32
        %mul3A_350 = arith.constant 8 : i32
        %mul3A_351 = arith.muli %mul3A_349, %mul3A_350 : i32
        %add3A_352 = arith.constant 896 : i32
        %add3A_353 = arith.addi %mul3A_351, %add3A_352 : i32
        %add3A_354 = arith.constant 16 : i32
        %add3A_355 = arith.addi %add3A_353, %add3A_354 : i32
        %swap3A_356 = arith.index_cast %add3A_355 : i32 to index
        %swap3A_357 = tpu.vector_load %arg13[%swap3A_356] {strides = array<i32>} : memref<10240xf32, #tpu.memory_space<vmem>>, vector<16xf32>,
        tpu.vector_store %arg13[%swap3A_356], %gather3A_277 {strides = array<i32>} : memref<10240xf32, #tpu.memory_space<vmem>>, vector<16xf32>,
        %mul3A_358 = arith.constant 128 : i32
        %mul3A_359 = arith.muli %scan3A_170, %mul3A_358 : i32
        %add3A_360 = arith.constant 32 : i32
        %add3A_361 = arith.addi %mul3A_359, %add3A_360 : i32
        %add3A_362 = vector.broadcast %add3A_361 : i32 to vector<16xi32>
        %add3A_363 = arith.addi %iota3A, %add3A_362 : vector<16xi32>
        %gather3A_364 = tpu.vector_load_idx %arg9[%add3A_363, %broadcast_in_dim3A_3] : memref<1280x8xf32, #tpu.memory_space<vmem>>[vector<16xi32>, vector<16xi32>], vector<16xf32>,
        %gather3A_365 = tpu.vector_load_idx %arg9[%add3A_363, %broadcast_in_dim3A_5] : memref<1280x8xf32, #tpu.memory_space<vmem>>[vector<16xi32>, vector<16xi32>], vector<16xf32>,
        %gather3A_366 = tpu.vector_load_idx %arg9[%add3A_363, %broadcast_in_dim3A_7] : memref<1280x8xf32, #tpu.memory_space<vmem>>[vector<16xi32>, vector<16xi32>], vector<16xf32>,
        %gather3A_367 = tpu.vector_load_idx %arg9[%add3A_363, %broadcast_in_dim3A_9] : memref<1280x8xf32, #tpu.memory_space<vmem>>[vector<16xi32>, vector<16xi32>], vector<16xf32>,
        %gather3A_368 = tpu.vector_load_idx %arg9[%add3A_363, %broadcast_in_dim3A_11] : memref<1280x8xf32, #tpu.memory_space<vmem>>[vector<16xi32>, vector<16xi32>], vector<16xf32>,
        %gather3A_369 = tpu.vector_load_idx %arg9[%add3A_363, %broadcast_in_dim3A_13] : memref<1280x8xf32, #tpu.memory_space<vmem>>[vector<16xi32>, vector<16xi32>], vector<16xf32>,
        %gather3A_370 = tpu.vector_load_idx %arg9[%add3A_363, %broadcast_in_dim3A_15] : memref<1280x8xf32, #tpu.memory_space<vmem>>[vector<16xi32>, vector<16xi32>], vector<16xf32>,
        %gather3A_371 = tpu.vector_load_idx %arg9[%add3A_363, %broadcast_in_dim3A_17] : memref<1280x8xf32, #tpu.memory_space<vmem>>[vector<16xi32>, vector<16xi32>], vector<16xf32>,
        %mul3A_372 = arith.constant 128 : i32
        %mul3A_373 = arith.muli %scan3A_170, %mul3A_372 : i32
        %mul3A_374 = arith.constant 8 : i32
        %mul3A_375 = arith.muli %mul3A_373, %mul3A_374 : i32
        %add3A_376 = arith.constant 0 : i32
        %add3A_377 = arith.addi %mul3A_375, %add3A_376 : i32
        %add3A_378 = arith.constant 32 : i32
        %add3A_379 = arith.addi %add3A_377, %add3A_378 : i32
        %swap3A_380 = arith.index_cast %add3A_379 : i32 to index
        %swap3A_381 = tpu.vector_load %arg13[%swap3A_380] {strides = array<i32>} : memref<10240xf32, #tpu.memory_space<vmem>>, vector<16xf32>,
        tpu.vector_store %arg13[%swap3A_380], %gather3A_364 {strides = array<i32>} : memref<10240xf32, #tpu.memory_space<vmem>>, vector<16xf32>,
        %mul3A_382 = arith.constant 128 : i32
        %mul3A_383 = arith.muli %scan3A_170, %mul3A_382 : i32
        %mul3A_384 = arith.constant 8 : i32
        %mul3A_385 = arith.muli %mul3A_383, %mul3A_384 : i32
        %add3A_386 = arith.constant 128 : i32
        %add3A_387 = arith.addi %mul3A_385, %add3A_386 : i32
        %add3A_388 = arith.constant 32 : i32
        %add3A_389 = arith.addi %add3A_387, %add3A_388 : i32
        %swap3A_390 = arith.index_cast %add3A_389 : i32 to index
        %swap3A_391 = tpu.vector_load %arg13[%swap3A_390] {strides = array<i32>} : memref<10240xf32, #tpu.memory_space<vmem>>, vector<16xf32>,
        tpu.vector_store %arg13[%swap3A_390], %gather3A_365 {strides = array<i32>} : memref<10240xf32, #tpu.memory_space<vmem>>, vector<16xf32>,
        %mul3A_392 = arith.constant 128 : i32
        %mul3A_393 = arith.muli %scan3A_170, %mul3A_392 : i32
        %mul3A_394 = arith.constant 8 : i32
        %mul3A_395 = arith.muli %mul3A_393, %mul3A_394 : i32
        %add3A_396 = arith.constant 256 : i32
        %add3A_397 = arith.addi %mul3A_395, %add3A_396 : i32
        %add3A_398 = arith.constant 32 : i32
        %add3A_399 = arith.addi %add3A_397, %add3A_398 : i32
        %swap3A_400 = arith.index_cast %add3A_399 : i32 to index
        %swap3A_401 = tpu.vector_load %arg13[%swap3A_400] {strides = array<i32>} : memref<10240xf32, #tpu.memory_space<vmem>>, vector<16xf32>,
        tpu.vector_store %arg13[%swap3A_400], %gather3A_366 {strides = array<i32>} : memref<10240xf32, #tpu.memory_space<vmem>>, vector<16xf32>,
        %mul3A_402 = arith.constant 128 : i32
        %mul3A_403 = arith.muli %scan3A_170, %mul3A_402 : i32
        %mul3A_404 = arith.constant 8 : i32
        %mul3A_405 = arith.muli %mul3A_403, %mul3A_404 : i32
        %add3A_406 = arith.constant 384 : i32
        %add3A_407 = arith.addi %mul3A_405, %add3A_406 : i32
        %add3A_408 = arith.constant 32 : i32
        %add3A_409 = arith.addi %add3A_407, %add3A_408 : i32
        %swap3A_410 = arith.index_cast %add3A_409 : i32 to index
        %swap3A_411 = tpu.vector_load %arg13[%swap3A_410] {strides = array<i32>} : memref<10240xf32, #tpu.memory_space<vmem>>, vector<16xf32>,
        tpu.vector_store %arg13[%swap3A_410], %gather3A_367 {strides = array<i32>} : memref<10240xf32, #tpu.memory_space<vmem>>, vector<16xf32>,
        %mul3A_412 = arith.constant 128 : i32
        %mul3A_413 = arith.muli %scan3A_170, %mul3A_412 : i32
        %mul3A_414 = arith.constant 8 : i32
        %mul3A_415 = arith.muli %mul3A_413, %mul3A_414 : i32
        %add3A_416 = arith.constant 512 : i32
        %add3A_417 = arith.addi %mul3A_415, %add3A_416 : i32
        %add3A_418 = arith.constant 32 : i32
        %add3A_419 = arith.addi %add3A_417, %add3A_418 : i32
        %swap3A_420 = arith.index_cast %add3A_419 : i32 to index
        %swap3A_421 = tpu.vector_load %arg13[%swap3A_420] {strides = array<i32>} : memref<10240xf32, #tpu.memory_space<vmem>>, vector<16xf32>,
        tpu.vector_store %arg13[%swap3A_420], %gather3A_368 {strides = array<i32>} : memref<10240xf32, #tpu.memory_space<vmem>>, vector<16xf32>,
        %mul3A_422 = arith.constant 128 : i32
        %mul3A_423 = arith.muli %scan3A_170, %mul3A_422 : i32
        %mul3A_424 = arith.constant 8 : i32
        %mul3A_425 = arith.muli %mul3A_423, %mul3A_424 : i32
        %add3A_426 = arith.constant 640 : i32
        %add3A_427 = arith.addi %mul3A_425, %add3A_426 : i32
        %add3A_428 = arith.constant 32 : i32
        %add3A_429 = arith.addi %add3A_427, %add3A_428 : i32
        %swap3A_430 = arith.index_cast %add3A_429 : i32 to index
        %swap3A_431 = tpu.vector_load %arg13[%swap3A_430] {strides = array<i32>} : memref<10240xf32, #tpu.memory_space<vmem>>, vector<16xf32>,
        tpu.vector_store %arg13[%swap3A_430], %gather3A_369 {strides = array<i32>} : memref<10240xf32, #tpu.memory_space<vmem>>, vector<16xf32>,
        %mul3A_432 = arith.constant 128 : i32
        %mul3A_433 = arith.muli %scan3A_170, %mul3A_432 : i32
        %mul3A_434 = arith.constant 8 : i32
        %mul3A_435 = arith.muli %mul3A_433, %mul3A_434 : i32
        %add3A_436 = arith.constant 768 : i32
        %add3A_437 = arith.addi %mul3A_435, %add3A_436 : i32
        %add3A_438 = arith.constant 32 : i32
        %add3A_439 = arith.addi %add3A_437, %add3A_438 : i32
        %swap3A_440 = arith.index_cast %add3A_439 : i32 to index
        %swap3A_441 = tpu.vector_load %arg13[%swap3A_440] {strides = array<i32>} : memref<10240xf32, #tpu.memory_space<vmem>>, vector<16xf32>,
        tpu.vector_store %arg13[%swap3A_440], %gather3A_370 {strides = array<i32>} : memref<10240xf32, #tpu.memory_space<vmem>>, vector<16xf32>,
        %mul3A_442 = arith.constant 128 : i32
        %mul3A_443 = arith.muli %scan3A_170, %mul3A_442 : i32
        %mul3A_444 = arith.constant 8 : i32
        %mul3A_445 = arith.muli %mul3A_443, %mul3A_444 : i32
        %add3A_446 = arith.constant 896 : i32
        %add3A_447 = arith.addi %mul3A_445, %add3A_446 : i32
        %add3A_448 = arith.constant 32 : i32
        %add3A_449 = arith.addi %add3A_447, %add3A_448 : i32
        %swap3A_450 = arith.index_cast %add3A_449 : i32 to index
        %swap3A_451 = tpu.vector_load %arg13[%swap3A_450] {strides = array<i32>} : memref<10240xf32, #tpu.memory_space<vmem>>, vector<16xf32>,
        tpu.vector_store %arg13[%swap3A_450], %gather3A_371 {strides = array<i32>} : memref<10240xf32, #tpu.memory_space<vmem>>, vector<16xf32>,
        %mul3A_452 = arith.constant 128 : i32
        %mul3A_453 = arith.muli %scan3A_170, %mul3A_452 : i32
        %add3A_454 = arith.constant 48 : i32
        %add3A_455 = arith.addi %mul3A_453, %add3A_454 : i32
        %add3A_456 = vector.broadcast %add3A_455 : i32 to vector<16xi32>
        %add3A_457 = arith.addi %iota3A, %add3A_456 : vector<16xi32>
        %gather3A_458 = tpu.vector_load_idx %arg9[%add3A_457, %broadcast_in_dim3A_3] : memref<1280x8xf32, #tpu.memory_space<vmem>>[vector<16xi32>, vector<16xi32>], vector<16xf32>,
        %gather3A_459 = tpu.vector_load_idx %arg9[%add3A_457, %broadcast_in_dim3A_5] : memref<1280x8xf32, #tpu.memory_space<vmem>>[vector<16xi32>, vector<16xi32>], vector<16xf32>,
        %gather3A_460 = tpu.vector_load_idx %arg9[%add3A_457, %broadcast_in_dim3A_7] : memref<1280x8xf32, #tpu.memory_space<vmem>>[vector<16xi32>, vector<16xi32>], vector<16xf32>,
        %gather3A_461 = tpu.vector_load_idx %arg9[%add3A_457, %broadcast_in_dim3A_9] : memref<1280x8xf32, #tpu.memory_space<vmem>>[vector<16xi32>, vector<16xi32>], vector<16xf32>,
        %gather3A_462 = tpu.vector_load_idx %arg9[%add3A_457, %broadcast_in_dim3A_11] : memref<1280x8xf32, #tpu.memory_space<vmem>>[vector<16xi32>, vector<16xi32>], vector<16xf32>,
        %gather3A_463 = tpu.vector_load_idx %arg9[%add3A_457, %broadcast_in_dim3A_13] : memref<1280x8xf32, #tpu.memory_space<vmem>>[vector<16xi32>, vector<16xi32>], vector<16xf32>,
        %gather3A_464 = tpu.vector_load_idx %arg9[%add3A_457, %broadcast_in_dim3A_15] : memref<1280x8xf32, #tpu.memory_space<vmem>>[vector<16xi32>, vector<16xi32>], vector<16xf32>,
        %gather3A_465 = tpu.vector_load_idx %arg9[%add3A_457, %broadcast_in_dim3A_17] : memref<1280x8xf32, #tpu.memory_space<vmem>>[vector<16xi32>, vector<16xi32>], vector<16xf32>,
        %mul3A_466 = arith.constant 128 : i32
        %mul3A_467 = arith.muli %scan3A_170, %mul3A_466 : i32
        %mul3A_468 = arith.constant 8 : i32
        %mul3A_469 = arith.muli %mul3A_467, %mul3A_468 : i32
        %add3A_470 = arith.constant 0 : i32
        %add3A_471 = arith.addi %mul3A_469, %add3A_470 : i32
        %add3A_472 = arith.constant 48 : i32
        %add3A_473 = arith.addi %add3A_471, %add3A_472 : i32
        %swap3A_474 = arith.index_cast %add3A_473 : i32 to index
        %swap3A_475 = tpu.vector_load %arg13[%swap3A_474] {strides = array<i32>} : memref<10240xf32, #tpu.memory_space<vmem>>, vector<16xf32>,
        tpu.vector_store %arg13[%swap3A_474], %gather3A_458 {strides = array<i32>} : memref<10240xf32, #tpu.memory_space<vmem>>, vector<16xf32>,
        %mul3A_476 = arith.constant 128 : i32
        %mul3A_477 = arith.muli %scan3A_170, %mul3A_476 : i32
        %mul3A_478 = arith.constant 8 : i32
        %mul3A_479 = arith.muli %mul3A_477, %mul3A_478 : i32
        %add3A_480 = arith.constant 128 : i32
        %add3A_481 = arith.addi %mul3A_479, %add3A_480 : i32
        %add3A_482 = arith.constant 48 : i32
        %add3A_483 = arith.addi %add3A_481, %add3A_482 : i32
        %swap3A_484 = arith.index_cast %add3A_483 : i32 to index
        %swap3A_485 = tpu.vector_load %arg13[%swap3A_484] {strides = array<i32>} : memref<10240xf32, #tpu.memory_space<vmem>>, vector<16xf32>,
        tpu.vector_store %arg13[%swap3A_484], %gather3A_459 {strides = array<i32>} : memref<10240xf32, #tpu.memory_space<vmem>>, vector<16xf32>,
        %mul3A_486 = arith.constant 128 : i32
        %mul3A_487 = arith.muli %scan3A_170, %mul3A_486 : i32
        %mul3A_488 = arith.constant 8 : i32
        %mul3A_489 = arith.muli %mul3A_487, %mul3A_488 : i32
        %add3A_490 = arith.constant 256 : i32
        %add3A_491 = arith.addi %mul3A_489, %add3A_490 : i32
        %add3A_492 = arith.constant 48 : i32
        %add3A_493 = arith.addi %add3A_491, %add3A_492 : i32
        %swap3A_494 = arith.index_cast %add3A_493 : i32 to index
        %swap3A_495 = tpu.vector_load %arg13[%swap3A_494] {strides = array<i32>} : memref<10240xf32, #tpu.memory_space<vmem>>, vector<16xf32>,
        tpu.vector_store %arg13[%swap3A_494], %gather3A_460 {strides = array<i32>} : memref<10240xf32, #tpu.memory_space<vmem>>, vector<16xf32>,
        %mul3A_496 = arith.constant 128 : i32
        %mul3A_497 = arith.muli %scan3A_170, %mul3A_496 : i32
        %mul3A_498 = arith.constant 8 : i32
        %mul3A_499 = arith.muli %mul3A_497, %mul3A_498 : i32
        %add3A_500 = arith.constant 384 : i32
        %add3A_501 = arith.addi %mul3A_499, %add3A_500 : i32
        %add3A_502 = arith.constant 48 : i32
        %add3A_503 = arith.addi %add3A_501, %add3A_502 : i32
        %swap3A_504 = arith.index_cast %add3A_503 : i32 to index
        %swap3A_505 = tpu.vector_load %arg13[%swap3A_504] {strides = array<i32>} : memref<10240xf32, #tpu.memory_space<vmem>>, vector<16xf32>,
        tpu.vector_store %arg13[%swap3A_504], %gather3A_461 {strides = array<i32>} : memref<10240xf32, #tpu.memory_space<vmem>>, vector<16xf32>,
        %mul3A_506 = arith.constant 128 : i32
        %mul3A_507 = arith.muli %scan3A_170, %mul3A_506 : i32
        %mul3A_508 = arith.constant 8 : i32
        %mul3A_509 = arith.muli %mul3A_507, %mul3A_508 : i32
        %add3A_510 = arith.constant 512 : i32
        %add3A_511 = arith.addi %mul3A_509, %add3A_510 : i32
        %add3A_512 = arith.constant 48 : i32
        %add3A_513 = arith.addi %add3A_511, %add3A_512 : i32
        %swap3A_514 = arith.index_cast %add3A_513 : i32 to index
        %swap3A_515 = tpu.vector_load %arg13[%swap3A_514] {strides = array<i32>} : memref<10240xf32, #tpu.memory_space<vmem>>, vector<16xf32>,
        tpu.vector_store %arg13[%swap3A_514], %gather3A_462 {strides = array<i32>} : memref<10240xf32, #tpu.memory_space<vmem>>, vector<16xf32>,
        %mul3A_516 = arith.constant 128 : i32
        %mul3A_517 = arith.muli %scan3A_170, %mul3A_516 : i32
        %mul3A_518 = arith.constant 8 : i32
        %mul3A_519 = arith.muli %mul3A_517, %mul3A_518 : i32
        %add3A_520 = arith.constant 640 : i32
        %add3A_521 = arith.addi %mul3A_519, %add3A_520 : i32
        %add3A_522 = arith.constant 48 : i32
        %add3A_523 = arith.addi %add3A_521, %add3A_522 : i32
        %swap3A_524 = arith.index_cast %add3A_523 : i32 to index
        %swap3A_525 = tpu.vector_load %arg13[%swap3A_524] {strides = array<i32>} : memref<10240xf32, #tpu.memory_space<vmem>>, vector<16xf32>,
        tpu.vector_store %arg13[%swap3A_524], %gather3A_463 {strides = array<i32>} : memref<10240xf32, #tpu.memory_space<vmem>>, vector<16xf32>,
        %mul3A_526 = arith.constant 128 : i32
        %mul3A_527 = arith.muli %scan3A_170, %mul3A_526 : i32
        %mul3A_528 = arith.constant 8 : i32
        %mul3A_529 = arith.muli %mul3A_527, %mul3A_528 : i32
        %add3A_530 = arith.constant 768 : i32
        %add3A_531 = arith.addi %mul3A_529, %add3A_530 : i32
        %add3A_532 = arith.constant 48 : i32
        %add3A_533 = arith.addi %add3A_531, %add3A_532 : i32
        %swap3A_534 = arith.index_cast %add3A_533 : i32 to index
        %swap3A_535 = tpu.vector_load %arg13[%swap3A_534] {strides = array<i32>} : memref<10240xf32, #tpu.memory_space<vmem>>, vector<16xf32>,
        tpu.vector_store %arg13[%swap3A_534], %gather3A_464 {strides = array<i32>} : memref<10240xf32, #tpu.memory_space<vmem>>, vector<16xf32>,
        %mul3A_536 = arith.constant 128 : i32
        %mul3A_537 = arith.muli %scan3A_170, %mul3A_536 : i32
        %mul3A_538 = arith.constant 8 : i32
        %mul3A_539 = arith.muli %mul3A_537, %mul3A_538 : i32
        %add3A_540 = arith.constant 896 : i32
        %add3A_541 = arith.addi %mul3A_539, %add3A_540 : i32
        %add3A_542 = arith.constant 48 : i32
        %add3A_543 = arith.addi %add3A_541, %add3A_542 : i32
        %swap3A_544 = arith.index_cast %add3A_543 : i32 to index
        %swap3A_545 = tpu.vector_load %arg13[%swap3A_544] {strides = array<i32>} : memref<10240xf32, #tpu.memory_space<vmem>>, vector<16xf32>,
        tpu.vector_store %arg13[%swap3A_544], %gather3A_465 {strides = array<i32>} : memref<10240xf32, #tpu.memory_space<vmem>>, vector<16xf32>,
        %mul3A_546 = arith.constant 128 : i32
        %mul3A_547 = arith.muli %scan3A_170, %mul3A_546 : i32
        %add3A_548 = arith.constant 64 : i32
        %add3A_549 = arith.addi %mul3A_547, %add3A_548 : i32
        %add3A_550 = vector.broadcast %add3A_549 : i32 to vector<16xi32>
        %add3A_551 = arith.addi %iota3A, %add3A_550 : vector<16xi32>
        %gather3A_552 = tpu.vector_load_idx %arg9[%add3A_551, %broadcast_in_dim3A_3] : memref<1280x8xf32, #tpu.memory_space<vmem>>[vector<16xi32>, vector<16xi32>], vector<16xf32>,
        %gather3A_553 = tpu.vector_load_idx %arg9[%add3A_551, %broadcast_in_dim3A_5] : memref<1280x8xf32, #tpu.memory_space<vmem>>[vector<16xi32>, vector<16xi32>], vector<16xf32>,
        %gather3A_554 = tpu.vector_load_idx %arg9[%add3A_551, %broadcast_in_dim3A_7] : memref<1280x8xf32, #tpu.memory_space<vmem>>[vector<16xi32>, vector<16xi32>], vector<16xf32>,
        %gather3A_555 = tpu.vector_load_idx %arg9[%add3A_551, %broadcast_in_dim3A_9] : memref<1280x8xf32, #tpu.memory_space<vmem>>[vector<16xi32>, vector<16xi32>], vector<16xf32>,
        %gather3A_556 = tpu.vector_load_idx %arg9[%add3A_551, %broadcast_in_dim3A_11] : memref<1280x8xf32, #tpu.memory_space<vmem>>[vector<16xi32>, vector<16xi32>], vector<16xf32>,
        %gather3A_557 = tpu.vector_load_idx %arg9[%add3A_551, %broadcast_in_dim3A_13] : memref<1280x8xf32, #tpu.memory_space<vmem>>[vector<16xi32>, vector<16xi32>], vector<16xf32>,
        %gather3A_558 = tpu.vector_load_idx %arg9[%add3A_551, %broadcast_in_dim3A_15] : memref<1280x8xf32, #tpu.memory_space<vmem>>[vector<16xi32>, vector<16xi32>], vector<16xf32>,
        %gather3A_559 = tpu.vector_load_idx %arg9[%add3A_551, %broadcast_in_dim3A_17] : memref<1280x8xf32, #tpu.memory_space<vmem>>[vector<16xi32>, vector<16xi32>], vector<16xf32>,
        %mul3A_560 = arith.constant 128 : i32
        %mul3A_561 = arith.muli %scan3A_170, %mul3A_560 : i32
        %mul3A_562 = arith.constant 8 : i32
        %mul3A_563 = arith.muli %mul3A_561, %mul3A_562 : i32
        %add3A_564 = arith.constant 0 : i32
        %add3A_565 = arith.addi %mul3A_563, %add3A_564 : i32
        %add3A_566 = arith.constant 64 : i32
        %add3A_567 = arith.addi %add3A_565, %add3A_566 : i32
        %swap3A_568 = arith.index_cast %add3A_567 : i32 to index
        %swap3A_569 = tpu.vector_load %arg13[%swap3A_568] {strides = array<i32>} : memref<10240xf32, #tpu.memory_space<vmem>>, vector<16xf32>,
        tpu.vector_store %arg13[%swap3A_568], %gather3A_552 {strides = array<i32>} : memref<10240xf32, #tpu.memory_space<vmem>>, vector<16xf32>,
        %mul3A_570 = arith.constant 128 : i32
        %mul3A_571 = arith.muli %scan3A_170, %mul3A_570 : i32
        %mul3A_572 = arith.constant 8 : i32
        %mul3A_573 = arith.muli %mul3A_571, %mul3A_572 : i32
        %add3A_574 = arith.constant 128 : i32
        %add3A_575 = arith.addi %mul3A_573, %add3A_574 : i32
        %add3A_576 = arith.constant 64 : i32
        %add3A_577 = arith.addi %add3A_575, %add3A_576 : i32
        %swap3A_578 = arith.index_cast %add3A_577 : i32 to index
        %swap3A_579 = tpu.vector_load %arg13[%swap3A_578] {strides = array<i32>} : memref<10240xf32, #tpu.memory_space<vmem>>, vector<16xf32>,
        tpu.vector_store %arg13[%swap3A_578], %gather3A_553 {strides = array<i32>} : memref<10240xf32, #tpu.memory_space<vmem>>, vector<16xf32>,
        %mul3A_580 = arith.constant 128 : i32
        %mul3A_581 = arith.muli %scan3A_170, %mul3A_580 : i32
        %mul3A_582 = arith.constant 8 : i32
        %mul3A_583 = arith.muli %mul3A_581, %mul3A_582 : i32
        %add3A_584 = arith.constant 256 : i32
        %add3A_585 = arith.addi %mul3A_583, %add3A_584 : i32
        %add3A_586 = arith.constant 64 : i32
        %add3A_587 = arith.addi %add3A_585, %add3A_586 : i32
        %swap3A_588 = arith.index_cast %add3A_587 : i32 to index
        %swap3A_589 = tpu.vector_load %arg13[%swap3A_588] {strides = array<i32>} : memref<10240xf32, #tpu.memory_space<vmem>>, vector<16xf32>,
        tpu.vector_store %arg13[%swap3A_588], %gather3A_554 {strides = array<i32>} : memref<10240xf32, #tpu.memory_space<vmem>>, vector<16xf32>,
        %mul3A_590 = arith.constant 128 : i32
        %mul3A_591 = arith.muli %scan3A_170, %mul3A_590 : i32
        %mul3A_592 = arith.constant 8 : i32
        %mul3A_593 = arith.muli %mul3A_591, %mul3A_592 : i32
        %add3A_594 = arith.constant 384 : i32
        %add3A_595 = arith.addi %mul3A_593, %add3A_594 : i32
        %add3A_596 = arith.constant 64 : i32
        %add3A_597 = arith.addi %add3A_595, %add3A_596 : i32
        %swap3A_598 = arith.index_cast %add3A_597 : i32 to index
        %swap3A_599 = tpu.vector_load %arg13[%swap3A_598] {strides = array<i32>} : memref<10240xf32, #tpu.memory_space<vmem>>, vector<16xf32>,
        tpu.vector_store %arg13[%swap3A_598], %gather3A_555 {strides = array<i32>} : memref<10240xf32, #tpu.memory_space<vmem>>, vector<16xf32>,
        %mul3A_600 = arith.constant 128 : i32
        %mul3A_601 = arith.muli %scan3A_170, %mul3A_600 : i32
        %mul3A_602 = arith.constant 8 : i32
        %mul3A_603 = arith.muli %mul3A_601, %mul3A_602 : i32
        %add3A_604 = arith.constant 512 : i32
        %add3A_605 = arith.addi %mul3A_603, %add3A_604 : i32
        %add3A_606 = arith.constant 64 : i32
        %add3A_607 = arith.addi %add3A_605, %add3A_606 : i32
        %swap3A_608 = arith.index_cast %add3A_607 : i32 to index
        %swap3A_609 = tpu.vector_load %arg13[%swap3A_608] {strides = array<i32>} : memref<10240xf32, #tpu.memory_space<vmem>>, vector<16xf32>,
        tpu.vector_store %arg13[%swap3A_608], %gather3A_556 {strides = array<i32>} : memref<10240xf32, #tpu.memory_space<vmem>>, vector<16xf32>,
        %mul3A_610 = arith.constant 128 : i32
        %mul3A_611 = arith.muli %scan3A_170, %mul3A_610 : i32
        %mul3A_612 = arith.constant 8 : i32
        %mul3A_613 = arith.muli %mul3A_611, %mul3A_612 : i32
        %add3A_614 = arith.constant 640 : i32
        %add3A_615 = arith.addi %mul3A_613, %add3A_614 : i32
        %add3A_616 = arith.constant 64 : i32
        %add3A_617 = arith.addi %add3A_615, %add3A_616 : i32
        %swap3A_618 = arith.index_cast %add3A_617 : i32 to index
        %swap3A_619 = tpu.vector_load %arg13[%swap3A_618] {strides = array<i32>} : memref<10240xf32, #tpu.memory_space<vmem>>, vector<16xf32>,
        tpu.vector_store %arg13[%swap3A_618], %gather3A_557 {strides = array<i32>} : memref<10240xf32, #tpu.memory_space<vmem>>, vector<16xf32>,
        %mul3A_620 = arith.constant 128 : i32
        %mul3A_621 = arith.muli %scan3A_170, %mul3A_620 : i32
        %mul3A_622 = arith.constant 8 : i32
        %mul3A_623 = arith.muli %mul3A_621, %mul3A_622 : i32
        %add3A_624 = arith.constant 768 : i32
        %add3A_625 = arith.addi %mul3A_623, %add3A_624 : i32
        %add3A_626 = arith.constant 64 : i32
        %add3A_627 = arith.addi %add3A_625, %add3A_626 : i32
        %swap3A_628 = arith.index_cast %add3A_627 : i32 to index
        %swap3A_629 = tpu.vector_load %arg13[%swap3A_628] {strides = array<i32>} : memref<10240xf32, #tpu.memory_space<vmem>>, vector<16xf32>,
        tpu.vector_store %arg13[%swap3A_628], %gather3A_558 {strides = array<i32>} : memref<10240xf32, #tpu.memory_space<vmem>>, vector<16xf32>,
        %mul3A_630 = arith.constant 128 : i32
        %mul3A_631 = arith.muli %scan3A_170, %mul3A_630 : i32
        %mul3A_632 = arith.constant 8 : i32
        %mul3A_633 = arith.muli %mul3A_631, %mul3A_632 : i32
        %add3A_634 = arith.constant 896 : i32
        %add3A_635 = arith.addi %mul3A_633, %add3A_634 : i32
        %add3A_636 = arith.constant 64 : i32
        %add3A_637 = arith.addi %add3A_635, %add3A_636 : i32
        %swap3A_638 = arith.index_cast %add3A_637 : i32 to index
        %swap3A_639 = tpu.vector_load %arg13[%swap3A_638] {strides = array<i32>} : memref<10240xf32, #tpu.memory_space<vmem>>, vector<16xf32>,
        tpu.vector_store %arg13[%swap3A_638], %gather3A_559 {strides = array<i32>} : memref<10240xf32, #tpu.memory_space<vmem>>, vector<16xf32>,
        %mul3A_640 = arith.constant 128 : i32
        %mul3A_641 = arith.muli %scan3A_170, %mul3A_640 : i32
        %add3A_642 = arith.constant 80 : i32
        %add3A_643 = arith.addi %mul3A_641, %add3A_642 : i32
        %add3A_644 = vector.broadcast %add3A_643 : i32 to vector<16xi32>
        %add3A_645 = arith.addi %iota3A, %add3A_644 : vector<16xi32>
        %gather3A_646 = tpu.vector_load_idx %arg9[%add3A_645, %broadcast_in_dim3A_3] : memref<1280x8xf32, #tpu.memory_space<vmem>>[vector<16xi32>, vector<16xi32>], vector<16xf32>,
        %gather3A_647 = tpu.vector_load_idx %arg9[%add3A_645, %broadcast_in_dim3A_5] : memref<1280x8xf32, #tpu.memory_space<vmem>>[vector<16xi32>, vector<16xi32>], vector<16xf32>,
        %gather3A_648 = tpu.vector_load_idx %arg9[%add3A_645, %broadcast_in_dim3A_7] : memref<1280x8xf32, #tpu.memory_space<vmem>>[vector<16xi32>, vector<16xi32>], vector<16xf32>,
        %gather3A_649 = tpu.vector_load_idx %arg9[%add3A_645, %broadcast_in_dim3A_9] : memref<1280x8xf32, #tpu.memory_space<vmem>>[vector<16xi32>, vector<16xi32>], vector<16xf32>,
        %gather3A_650 = tpu.vector_load_idx %arg9[%add3A_645, %broadcast_in_dim3A_11] : memref<1280x8xf32, #tpu.memory_space<vmem>>[vector<16xi32>, vector<16xi32>], vector<16xf32>,
        %gather3A_651 = tpu.vector_load_idx %arg9[%add3A_645, %broadcast_in_dim3A_13] : memref<1280x8xf32, #tpu.memory_space<vmem>>[vector<16xi32>, vector<16xi32>], vector<16xf32>,
        %gather3A_652 = tpu.vector_load_idx %arg9[%add3A_645, %broadcast_in_dim3A_15] : memref<1280x8xf32, #tpu.memory_space<vmem>>[vector<16xi32>, vector<16xi32>], vector<16xf32>,
        %gather3A_653 = tpu.vector_load_idx %arg9[%add3A_645, %broadcast_in_dim3A_17] : memref<1280x8xf32, #tpu.memory_space<vmem>>[vector<16xi32>, vector<16xi32>], vector<16xf32>,
        %mul3A_654 = arith.constant 128 : i32
        %mul3A_655 = arith.muli %scan3A_170, %mul3A_654 : i32
        %mul3A_656 = arith.constant 8 : i32
        %mul3A_657 = arith.muli %mul3A_655, %mul3A_656 : i32
        %add3A_658 = arith.constant 0 : i32
        %add3A_659 = arith.addi %mul3A_657, %add3A_658 : i32
        %add3A_660 = arith.constant 80 : i32
        %add3A_661 = arith.addi %add3A_659, %add3A_660 : i32
        %swap3A_662 = arith.index_cast %add3A_661 : i32 to index
        %swap3A_663 = tpu.vector_load %arg13[%swap3A_662] {strides = array<i32>} : memref<10240xf32, #tpu.memory_space<vmem>>, vector<16xf32>,
        tpu.vector_store %arg13[%swap3A_662], %gather3A_646 {strides = array<i32>} : memref<10240xf32, #tpu.memory_space<vmem>>, vector<16xf32>,
        %mul3A_664 = arith.constant 128 : i32
        %mul3A_665 = arith.muli %scan3A_170, %mul3A_664 : i32
        %mul3A_666 = arith.constant 8 : i32
        %mul3A_667 = arith.muli %mul3A_665, %mul3A_666 : i32
        %add3A_668 = arith.constant 128 : i32
        %add3A_669 = arith.addi %mul3A_667, %add3A_668 : i32
        %add3A_670 = arith.constant 80 : i32
        %add3A_671 = arith.addi %add3A_669, %add3A_670 : i32
        %swap3A_672 = arith.index_cast %add3A_671 : i32 to index
        %swap3A_673 = tpu.vector_load %arg13[%swap3A_672] {strides = array<i32>} : memref<10240xf32, #tpu.memory_space<vmem>>, vector<16xf32>,
        tpu.vector_store %arg13[%swap3A_672], %gather3A_647 {strides = array<i32>} : memref<10240xf32, #tpu.memory_space<vmem>>, vector<16xf32>,
        %mul3A_674 = arith.constant 128 : i32
        %mul3A_675 = arith.muli %scan3A_170, %mul3A_674 : i32
        %mul3A_676 = arith.constant 8 : i32
        %mul3A_677 = arith.muli %mul3A_675, %mul3A_676 : i32
        %add3A_678 = arith.constant 256 : i32
        %add3A_679 = arith.addi %mul3A_677, %add3A_678 : i32
        %add3A_680 = arith.constant 80 : i32
        %add3A_681 = arith.addi %add3A_679, %add3A_680 : i32
        %swap3A_682 = arith.index_cast %add3A_681 : i32 to index
        %swap3A_683 = tpu.vector_load %arg13[%swap3A_682] {strides = array<i32>} : memref<10240xf32, #tpu.memory_space<vmem>>, vector<16xf32>,
        tpu.vector_store %arg13[%swap3A_682], %gather3A_648 {strides = array<i32>} : memref<10240xf32, #tpu.memory_space<vmem>>, vector<16xf32>,
        %mul3A_684 = arith.constant 128 : i32
        %mul3A_685 = arith.muli %scan3A_170, %mul3A_684 : i32
        %mul3A_686 = arith.constant 8 : i32
        %mul3A_687 = arith.muli %mul3A_685, %mul3A_686 : i32
        %add3A_688 = arith.constant 384 : i32
        %add3A_689 = arith.addi %mul3A_687, %add3A_688 : i32
        %add3A_690 = arith.constant 80 : i32
        %add3A_691 = arith.addi %add3A_689, %add3A_690 : i32
        %swap3A_692 = arith.index_cast %add3A_691 : i32 to index
        %swap3A_693 = tpu.vector_load %arg13[%swap3A_692] {strides = array<i32>} : memref<10240xf32, #tpu.memory_space<vmem>>, vector<16xf32>,
        tpu.vector_store %arg13[%swap3A_692], %gather3A_649 {strides = array<i32>} : memref<10240xf32, #tpu.memory_space<vmem>>, vector<16xf32>,
        %mul3A_694 = arith.constant 128 : i32
        %mul3A_695 = arith.muli %scan3A_170, %mul3A_694 : i32
        %mul3A_696 = arith.constant 8 : i32
        %mul3A_697 = arith.muli %mul3A_695, %mul3A_696 : i32
        %add3A_698 = arith.constant 512 : i32
        %add3A_699 = arith.addi %mul3A_697, %add3A_698 : i32
        %add3A_700 = arith.constant 80 : i32
        %add3A_701 = arith.addi %add3A_699, %add3A_700 : i32
        %swap3A_702 = arith.index_cast %add3A_701 : i32 to index
        %swap3A_703 = tpu.vector_load %arg13[%swap3A_702] {strides = array<i32>} : memref<10240xf32, #tpu.memory_space<vmem>>, vector<16xf32>,
        tpu.vector_store %arg13[%swap3A_702], %gather3A_650 {strides = array<i32>} : memref<10240xf32, #tpu.memory_space<vmem>>, vector<16xf32>,
        %mul3A_704 = arith.constant 128 : i32
        %mul3A_705 = arith.muli %scan3A_170, %mul3A_704 : i32
        %mul3A_706 = arith.constant 8 : i32
        %mul3A_707 = arith.muli %mul3A_705, %mul3A_706 : i32
        %add3A_708 = arith.constant 640 : i32
        %add3A_709 = arith.addi %mul3A_707, %add3A_708 : i32
        %add3A_710 = arith.constant 80 : i32
        %add3A_711 = arith.addi %add3A_709, %add3A_710 : i32
        %swap3A_712 = arith.index_cast %add3A_711 : i32 to index
        %swap3A_713 = tpu.vector_load %arg13[%swap3A_712] {strides = array<i32>} : memref<10240xf32, #tpu.memory_space<vmem>>, vector<16xf32>,
        tpu.vector_store %arg13[%swap3A_712], %gather3A_651 {strides = array<i32>} : memref<10240xf32, #tpu.memory_space<vmem>>, vector<16xf32>,
        %mul3A_714 = arith.constant 128 : i32
        %mul3A_715 = arith.muli %scan3A_170, %mul3A_714 : i32
        %mul3A_716 = arith.constant 8 : i32
        %mul3A_717 = arith.muli %mul3A_715, %mul3A_716 : i32
        %add3A_718 = arith.constant 768 : i32
        %add3A_719 = arith.addi %mul3A_717, %add3A_718 : i32
        %add3A_720 = arith.constant 80 : i32
        %add3A_721 = arith.addi %add3A_719, %add3A_720 : i32
        %swap3A_722 = arith.index_cast %add3A_721 : i32 to index
        %swap3A_723 = tpu.vector_load %arg13[%swap3A_722] {strides = array<i32>} : memref<10240xf32, #tpu.memory_space<vmem>>, vector<16xf32>,
        tpu.vector_store %arg13[%swap3A_722], %gather3A_652 {strides = array<i32>} : memref<10240xf32, #tpu.memory_space<vmem>>, vector<16xf32>,
        %mul3A_724 = arith.constant 128 : i32
        %mul3A_725 = arith.muli %scan3A_170, %mul3A_724 : i32
        %mul3A_726 = arith.constant 8 : i32
        %mul3A_727 = arith.muli %mul3A_725, %mul3A_726 : i32
        %add3A_728 = arith.constant 896 : i32
        %add3A_729 = arith.addi %mul3A_727, %add3A_728 : i32
        %add3A_730 = arith.constant 80 : i32
        %add3A_731 = arith.addi %add3A_729, %add3A_730 : i32
        %swap3A_732 = arith.index_cast %add3A_731 : i32 to index
        %swap3A_733 = tpu.vector_load %arg13[%swap3A_732] {strides = array<i32>} : memref<10240xf32, #tpu.memory_space<vmem>>, vector<16xf32>,
        tpu.vector_store %arg13[%swap3A_732], %gather3A_653 {strides = array<i32>} : memref<10240xf32, #tpu.memory_space<vmem>>, vector<16xf32>,
        %mul3A_734 = arith.constant 128 : i32
        %mul3A_735 = arith.muli %scan3A_170, %mul3A_734 : i32
        %add3A_736 = arith.constant 96 : i32
        %add3A_737 = arith.addi %mul3A_735, %add3A_736 : i32
        %add3A_738 = vector.broadcast %add3A_737 : i32 to vector<16xi32>
        %add3A_739 = arith.addi %iota3A, %add3A_738 : vector<16xi32>
        %gather3A_740 = tpu.vector_load_idx %arg9[%add3A_739, %broadcast_in_dim3A_3] : memref<1280x8xf32, #tpu.memory_space<vmem>>[vector<16xi32>, vector<16xi32>], vector<16xf32>,
        %gather3A_741 = tpu.vector_load_idx %arg9[%add3A_739, %broadcast_in_dim3A_5] : memref<1280x8xf32, #tpu.memory_space<vmem>>[vector<16xi32>, vector<16xi32>], vector<16xf32>,
        %gather3A_742 = tpu.vector_load_idx %arg9[%add3A_739, %broadcast_in_dim3A_7] : memref<1280x8xf32, #tpu.memory_space<vmem>>[vector<16xi32>, vector<16xi32>], vector<16xf32>,
        %gather3A_743 = tpu.vector_load_idx %arg9[%add3A_739, %broadcast_in_dim3A_9] : memref<1280x8xf32, #tpu.memory_space<vmem>>[vector<16xi32>, vector<16xi32>], vector<16xf32>,
        %gather3A_744 = tpu.vector_load_idx %arg9[%add3A_739, %broadcast_in_dim3A_11] : memref<1280x8xf32, #tpu.memory_space<vmem>>[vector<16xi32>, vector<16xi32>], vector<16xf32>,
        %gather3A_745 = tpu.vector_load_idx %arg9[%add3A_739, %broadcast_in_dim3A_13] : memref<1280x8xf32, #tpu.memory_space<vmem>>[vector<16xi32>, vector<16xi32>], vector<16xf32>,
        %gather3A_746 = tpu.vector_load_idx %arg9[%add3A_739, %broadcast_in_dim3A_15] : memref<1280x8xf32, #tpu.memory_space<vmem>>[vector<16xi32>, vector<16xi32>], vector<16xf32>,
        %gather3A_747 = tpu.vector_load_idx %arg9[%add3A_739, %broadcast_in_dim3A_17] : memref<1280x8xf32, #tpu.memory_space<vmem>>[vector<16xi32>, vector<16xi32>], vector<16xf32>,
        %mul3A_748 = arith.constant 128 : i32
        %mul3A_749 = arith.muli %scan3A_170, %mul3A_748 : i32
        %mul3A_750 = arith.constant 8 : i32
        %mul3A_751 = arith.muli %mul3A_749, %mul3A_750 : i32
        %add3A_752 = arith.constant 0 : i32
        %add3A_753 = arith.addi %mul3A_751, %add3A_752 : i32
        %add3A_754 = arith.constant 96 : i32
        %add3A_755 = arith.addi %add3A_753, %add3A_754 : i32
        %swap3A_756 = arith.index_cast %add3A_755 : i32 to index
        %swap3A_757 = tpu.vector_load %arg13[%swap3A_756] {strides = array<i32>} : memref<10240xf32, #tpu.memory_space<vmem>>, vector<16xf32>,
        tpu.vector_store %arg13[%swap3A_756], %gather3A_740 {strides = array<i32>} : memref<10240xf32, #tpu.memory_space<vmem>>, vector<16xf32>,
        %mul3A_758 = arith.constant 128 : i32
        %mul3A_759 = arith.muli %scan3A_170, %mul3A_758 : i32
        %mul3A_760 = arith.constant 8 : i32
        %mul3A_761 = arith.muli %mul3A_759, %mul3A_760 : i32
        %add3A_762 = arith.constant 128 : i32
        %add3A_763 = arith.addi %mul3A_761, %add3A_762 : i32
        %add3A_764 = arith.constant 96 : i32
        %add3A_765 = arith.addi %add3A_763, %add3A_764 : i32
        %swap3A_766 = arith.index_cast %add3A_765 : i32 to index
        %swap3A_767 = tpu.vector_load %arg13[%swap3A_766] {strides = array<i32>} : memref<10240xf32, #tpu.memory_space<vmem>>, vector<16xf32>,
        tpu.vector_store %arg13[%swap3A_766], %gather3A_741 {strides = array<i32>} : memref<10240xf32, #tpu.memory_space<vmem>>, vector<16xf32>,
        %mul3A_768 = arith.constant 128 : i32
        %mul3A_769 = arith.muli %scan3A_170, %mul3A_768 : i32
        %mul3A_770 = arith.constant 8 : i32
        %mul3A_771 = arith.muli %mul3A_769, %mul3A_770 : i32
        %add3A_772 = arith.constant 256 : i32
        %add3A_773 = arith.addi %mul3A_771, %add3A_772 : i32
        %add3A_774 = arith.constant 96 : i32
        %add3A_775 = arith.addi %add3A_773, %add3A_774 : i32
        %swap3A_776 = arith.index_cast %add3A_775 : i32 to index
        %swap3A_777 = tpu.vector_load %arg13[%swap3A_776] {strides = array<i32>} : memref<10240xf32, #tpu.memory_space<vmem>>, vector<16xf32>,
        tpu.vector_store %arg13[%swap3A_776], %gather3A_742 {strides = array<i32>} : memref<10240xf32, #tpu.memory_space<vmem>>, vector<16xf32>,
        %mul3A_778 = arith.constant 128 : i32
        %mul3A_779 = arith.muli %scan3A_170, %mul3A_778 : i32
        %mul3A_780 = arith.constant 8 : i32
        %mul3A_781 = arith.muli %mul3A_779, %mul3A_780 : i32
        %add3A_782 = arith.constant 384 : i32
        %add3A_783 = arith.addi %mul3A_781, %add3A_782 : i32
        %add3A_784 = arith.constant 96 : i32
        %add3A_785 = arith.addi %add3A_783, %add3A_784 : i32
        %swap3A_786 = arith.index_cast %add3A_785 : i32 to index
        %swap3A_787 = tpu.vector_load %arg13[%swap3A_786] {strides = array<i32>} : memref<10240xf32, #tpu.memory_space<vmem>>, vector<16xf32>,
        tpu.vector_store %arg13[%swap3A_786], %gather3A_743 {strides = array<i32>} : memref<10240xf32, #tpu.memory_space<vmem>>, vector<16xf32>,
        %mul3A_788 = arith.constant 128 : i32
        %mul3A_789 = arith.muli %scan3A_170, %mul3A_788 : i32
        %mul3A_790 = arith.constant 8 : i32
        %mul3A_791 = arith.muli %mul3A_789, %mul3A_790 : i32
        %add3A_792 = arith.constant 512 : i32
        %add3A_793 = arith.addi %mul3A_791, %add3A_792 : i32
        %add3A_794 = arith.constant 96 : i32
        %add3A_795 = arith.addi %add3A_793, %add3A_794 : i32
        %swap3A_796 = arith.index_cast %add3A_795 : i32 to index
        %swap3A_797 = tpu.vector_load %arg13[%swap3A_796] {strides = array<i32>} : memref<10240xf32, #tpu.memory_space<vmem>>, vector<16xf32>,
        tpu.vector_store %arg13[%swap3A_796], %gather3A_744 {strides = array<i32>} : memref<10240xf32, #tpu.memory_space<vmem>>, vector<16xf32>,
        %mul3A_798 = arith.constant 128 : i32
        %mul3A_799 = arith.muli %scan3A_170, %mul3A_798 : i32
        %mul3A_800 = arith.constant 8 : i32
        %mul3A_801 = arith.muli %mul3A_799, %mul3A_800 : i32
        %add3A_802 = arith.constant 640 : i32
        %add3A_803 = arith.addi %mul3A_801, %add3A_802 : i32
        %add3A_804 = arith.constant 96 : i32
        %add3A_805 = arith.addi %add3A_803, %add3A_804 : i32
        %swap3A_806 = arith.index_cast %add3A_805 : i32 to index
        %swap3A_807 = tpu.vector_load %arg13[%swap3A_806] {strides = array<i32>} : memref<10240xf32, #tpu.memory_space<vmem>>, vector<16xf32>,
        tpu.vector_store %arg13[%swap3A_806], %gather3A_745 {strides = array<i32>} : memref<10240xf32, #tpu.memory_space<vmem>>, vector<16xf32>,
        %mul3A_808 = arith.constant 128 : i32
        %mul3A_809 = arith.muli %scan3A_170, %mul3A_808 : i32
        %mul3A_810 = arith.constant 8 : i32
        %mul3A_811 = arith.muli %mul3A_809, %mul3A_810 : i32
        %add3A_812 = arith.constant 768 : i32
        %add3A_813 = arith.addi %mul3A_811, %add3A_812 : i32
        %add3A_814 = arith.constant 96 : i32
        %add3A_815 = arith.addi %add3A_813, %add3A_814 : i32
        %swap3A_816 = arith.index_cast %add3A_815 : i32 to index
        %swap3A_817 = tpu.vector_load %arg13[%swap3A_816] {strides = array<i32>} : memref<10240xf32, #tpu.memory_space<vmem>>, vector<16xf32>,
        tpu.vector_store %arg13[%swap3A_816], %gather3A_746 {strides = array<i32>} : memref<10240xf32, #tpu.memory_space<vmem>>, vector<16xf32>,
        %mul3A_818 = arith.constant 128 : i32
        %mul3A_819 = arith.muli %scan3A_170, %mul3A_818 : i32
        %mul3A_820 = arith.constant 8 : i32
        %mul3A_821 = arith.muli %mul3A_819, %mul3A_820 : i32
        %add3A_822 = arith.constant 896 : i32
        %add3A_823 = arith.addi %mul3A_821, %add3A_822 : i32
        %add3A_824 = arith.constant 96 : i32
        %add3A_825 = arith.addi %add3A_823, %add3A_824 : i32
        %swap3A_826 = arith.index_cast %add3A_825 : i32 to index
        %swap3A_827 = tpu.vector_load %arg13[%swap3A_826] {strides = array<i32>} : memref<10240xf32, #tpu.memory_space<vmem>>, vector<16xf32>,
        tpu.vector_store %arg13[%swap3A_826], %gather3A_747 {strides = array<i32>} : memref<10240xf32, #tpu.memory_space<vmem>>, vector<16xf32>,
        %mul3A_828 = arith.constant 128 : i32
        %mul3A_829 = arith.muli %scan3A_170, %mul3A_828 : i32
        %add3A_830 = arith.constant 112 : i32
        %add3A_831 = arith.addi %mul3A_829, %add3A_830 : i32
        %add3A_832 = vector.broadcast %add3A_831 : i32 to vector<16xi32>
        %add3A_833 = arith.addi %iota3A, %add3A_832 : vector<16xi32>
        %gather3A_834 = tpu.vector_load_idx %arg9[%add3A_833, %broadcast_in_dim3A_3] : memref<1280x8xf32, #tpu.memory_space<vmem>>[vector<16xi32>, vector<16xi32>], vector<16xf32>,
        %gather3A_835 = tpu.vector_load_idx %arg9[%add3A_833, %broadcast_in_dim3A_5] : memref<1280x8xf32, #tpu.memory_space<vmem>>[vector<16xi32>, vector<16xi32>], vector<16xf32>,
        %gather3A_836 = tpu.vector_load_idx %arg9[%add3A_833, %broadcast_in_dim3A_7] : memref<1280x8xf32, #tpu.memory_space<vmem>>[vector<16xi32>, vector<16xi32>], vector<16xf32>,
        %gather3A_837 = tpu.vector_load_idx %arg9[%add3A_833, %broadcast_in_dim3A_9] : memref<1280x8xf32, #tpu.memory_space<vmem>>[vector<16xi32>, vector<16xi32>], vector<16xf32>,
        %gather3A_838 = tpu.vector_load_idx %arg9[%add3A_833, %broadcast_in_dim3A_11] : memref<1280x8xf32, #tpu.memory_space<vmem>>[vector<16xi32>, vector<16xi32>], vector<16xf32>,
        %gather3A_839 = tpu.vector_load_idx %arg9[%add3A_833, %broadcast_in_dim3A_13] : memref<1280x8xf32, #tpu.memory_space<vmem>>[vector<16xi32>, vector<16xi32>], vector<16xf32>,
        %gather3A_840 = tpu.vector_load_idx %arg9[%add3A_833, %broadcast_in_dim3A_15] : memref<1280x8xf32, #tpu.memory_space<vmem>>[vector<16xi32>, vector<16xi32>], vector<16xf32>,
        %gather3A_841 = tpu.vector_load_idx %arg9[%add3A_833, %broadcast_in_dim3A_17] : memref<1280x8xf32, #tpu.memory_space<vmem>>[vector<16xi32>, vector<16xi32>], vector<16xf32>,
        %mul3A_842 = arith.constant 128 : i32
        %mul3A_843 = arith.muli %scan3A_170, %mul3A_842 : i32
        %mul3A_844 = arith.constant 8 : i32
        %mul3A_845 = arith.muli %mul3A_843, %mul3A_844 : i32
        %add3A_846 = arith.constant 0 : i32
        %add3A_847 = arith.addi %mul3A_845, %add3A_846 : i32
        %add3A_848 = arith.constant 112 : i32
        %add3A_849 = arith.addi %add3A_847, %add3A_848 : i32
        %swap3A_850 = arith.index_cast %add3A_849 : i32 to index
        %swap3A_851 = tpu.vector_load %arg13[%swap3A_850] {strides = array<i32>} : memref<10240xf32, #tpu.memory_space<vmem>>, vector<16xf32>,
        tpu.vector_store %arg13[%swap3A_850], %gather3A_834 {strides = array<i32>} : memref<10240xf32, #tpu.memory_space<vmem>>, vector<16xf32>,
        %mul3A_852 = arith.constant 128 : i32
        %mul3A_853 = arith.muli %scan3A_170, %mul3A_852 : i32
        %mul3A_854 = arith.constant 8 : i32
        %mul3A_855 = arith.muli %mul3A_853, %mul3A_854 : i32
        %add3A_856 = arith.constant 128 : i32
        %add3A_857 = arith.addi %mul3A_855, %add3A_856 : i32
        %add3A_858 = arith.constant 112 : i32
        %add3A_859 = arith.addi %add3A_857, %add3A_858 : i32
        %swap3A_860 = arith.index_cast %add3A_859 : i32 to index
        %swap3A_861 = tpu.vector_load %arg13[%swap3A_860] {strides = array<i32>} : memref<10240xf32, #tpu.memory_space<vmem>>, vector<16xf32>,
        tpu.vector_store %arg13[%swap3A_860], %gather3A_835 {strides = array<i32>} : memref<10240xf32, #tpu.memory_space<vmem>>, vector<16xf32>,
        %mul3A_862 = arith.constant 128 : i32
        %mul3A_863 = arith.muli %scan3A_170, %mul3A_862 : i32
        %mul3A_864 = arith.constant 8 : i32
        %mul3A_865 = arith.muli %mul3A_863, %mul3A_864 : i32
        %add3A_866 = arith.constant 256 : i32
        %add3A_867 = arith.addi %mul3A_865, %add3A_866 : i32
        %add3A_868 = arith.constant 112 : i32
        %add3A_869 = arith.addi %add3A_867, %add3A_868 : i32
        %swap3A_870 = arith.index_cast %add3A_869 : i32 to index
        %swap3A_871 = tpu.vector_load %arg13[%swap3A_870] {strides = array<i32>} : memref<10240xf32, #tpu.memory_space<vmem>>, vector<16xf32>,
        tpu.vector_store %arg13[%swap3A_870], %gather3A_836 {strides = array<i32>} : memref<10240xf32, #tpu.memory_space<vmem>>, vector<16xf32>,
        %mul3A_872 = arith.constant 128 : i32
        %mul3A_873 = arith.muli %scan3A_170, %mul3A_872 : i32
        %mul3A_874 = arith.constant 8 : i32
        %mul3A_875 = arith.muli %mul3A_873, %mul3A_874 : i32
        %add3A_876 = arith.constant 384 : i32
        %add3A_877 = arith.addi %mul3A_875, %add3A_876 : i32
        %add3A_878 = arith.constant 112 : i32
        %add3A_879 = arith.addi %add3A_877, %add3A_878 : i32
        %swap3A_880 = arith.index_cast %add3A_879 : i32 to index
        %swap3A_881 = tpu.vector_load %arg13[%swap3A_880] {strides = array<i32>} : memref<10240xf32, #tpu.memory_space<vmem>>, vector<16xf32>,
        tpu.vector_store %arg13[%swap3A_880], %gather3A_837 {strides = array<i32>} : memref<10240xf32, #tpu.memory_space<vmem>>, vector<16xf32>,
        %mul3A_882 = arith.constant 128 : i32
        %mul3A_883 = arith.muli %scan3A_170, %mul3A_882 : i32
        %mul3A_884 = arith.constant 8 : i32
        %mul3A_885 = arith.muli %mul3A_883, %mul3A_884 : i32
        %add3A_886 = arith.constant 512 : i32
        %add3A_887 = arith.addi %mul3A_885, %add3A_886 : i32
        %add3A_888 = arith.constant 112 : i32
        %add3A_889 = arith.addi %add3A_887, %add3A_888 : i32
        %swap3A_890 = arith.index_cast %add3A_889 : i32 to index
        %swap3A_891 = tpu.vector_load %arg13[%swap3A_890] {strides = array<i32>} : memref<10240xf32, #tpu.memory_space<vmem>>, vector<16xf32>,
        tpu.vector_store %arg13[%swap3A_890], %gather3A_838 {strides = array<i32>} : memref<10240xf32, #tpu.memory_space<vmem>>, vector<16xf32>,
        %mul3A_892 = arith.constant 128 : i32
        %mul3A_893 = arith.muli %scan3A_170, %mul3A_892 : i32
        %mul3A_894 = arith.constant 8 : i32
        %mul3A_895 = arith.muli %mul3A_893, %mul3A_894 : i32
        %add3A_896 = arith.constant 640 : i32
        %add3A_897 = arith.addi %mul3A_895, %add3A_896 : i32
        %add3A_898 = arith.constant 112 : i32
        %add3A_899 = arith.addi %add3A_897, %add3A_898 : i32
        %swap3A_900 = arith.index_cast %add3A_899 : i32 to index
        %swap3A_901 = tpu.vector_load %arg13[%swap3A_900] {strides = array<i32>} : memref<10240xf32, #tpu.memory_space<vmem>>, vector<16xf32>,
        tpu.vector_store %arg13[%swap3A_900], %gather3A_839 {strides = array<i32>} : memref<10240xf32, #tpu.memory_space<vmem>>, vector<16xf32>,
        %mul3A_902 = arith.constant 128 : i32
        %mul3A_903 = arith.muli %scan3A_170, %mul3A_902 : i32
        %mul3A_904 = arith.constant 8 : i32
        %mul3A_905 = arith.muli %mul3A_903, %mul3A_904 : i32
        %add3A_906 = arith.constant 768 : i32
        %add3A_907 = arith.addi %mul3A_905, %add3A_906 : i32
        %add3A_908 = arith.constant 112 : i32
        %add3A_909 = arith.addi %add3A_907, %add3A_908 : i32
        %swap3A_910 = arith.index_cast %add3A_909 : i32 to index
        %swap3A_911 = tpu.vector_load %arg13[%swap3A_910] {strides = array<i32>} : memref<10240xf32, #tpu.memory_space<vmem>>, vector<16xf32>,
        tpu.vector_store %arg13[%swap3A_910], %gather3A_840 {strides = array<i32>} : memref<10240xf32, #tpu.memory_space<vmem>>, vector<16xf32>,
        %mul3A_912 = arith.constant 128 : i32
        %mul3A_913 = arith.muli %scan3A_170, %mul3A_912 : i32
        %mul3A_914 = arith.constant 8 : i32
        %mul3A_915 = arith.muli %mul3A_913, %mul3A_914 : i32
        %add3A_916 = arith.constant 896 : i32
        %add3A_917 = arith.addi %mul3A_915, %add3A_916 : i32
        %add3A_918 = arith.constant 112 : i32
        %add3A_919 = arith.addi %add3A_917, %add3A_918 : i32
        %swap3A_920 = arith.index_cast %add3A_919 : i32 to index
        %swap3A_921 = tpu.vector_load %arg13[%swap3A_920] {strides = array<i32>} : memref<10240xf32, #tpu.memory_space<vmem>>, vector<16xf32>,
        tpu.vector_store %arg13[%swap3A_920], %gather3A_841 {strides = array<i32>} : memref<10240xf32, #tpu.memory_space<vmem>>, vector<16xf32>,
        %scan3A_922 = arith.constant 0 : i32
        scf.yield %scan3A_922 : i32
      }
      %scan3A_114 = arith.constant 10 : i32
      %mul3A_115 = arith.constant 128 : i32
      %mul3A_116 = arith.muli %add3A_47, %mul3A_115 : i32
      %mul3A_117 = arith.constant 8 : i32
      %mul3A_118 = arith.muli %mul3A_116, %mul3A_117 : i32
      %dma_start3A_119 = tpu.memref_slice %arg4[%mul3A_118] : memref<26214400xf32, #tpu.memory_space<hbm>> -> memref<10240xf32, #tpu.memory_space<hbm>>
      %dma_start3A_120 = tpu.memref_slice %arg4[%mul3A_118] : memref<26214400xf32, #tpu.memory_space<hbm>> -> memref<10240xf32, #tpu.memory_space<hbm>>
      tpu.enqueue_dma source(%arg13 : memref<10240xf32, #tpu.memory_space<vmem>>) target(%dma_start3A_120 : memref<10240xf32, #tpu.memory_space<hbm>>) target_semaphore(%arg21 : memref<!tpu.dma_semaphore, #tpu.memory_space<semaphore_mem>>)
      %dma_wait3A_121 = arith.constant 0 : i32
      %dma_wait3A_122 = arith.constant 0 : i32
      %dma_wait3A_123 = tpu.memref_slice %arg2[%dma_wait3A_121, %dma_wait3A_122] : memref<1048576x8xf32, #tpu.memory_space<hbm>> -> memref<1048576x8xf32, #tpu.memory_space<hbm>>
      tpu.wait_indirect_dma semaphore(%arg18 : memref<!tpu.dma_semaphore, #tpu.memory_space<semaphore_mem>>) src(%dma_wait3A_123 : memref<1048576x8xf32, #tpu.memory_space<hbm>>) dst(%arg10 : memref<1280x8xf32, #tpu.memory_space<vmem>>)
      %scan3A_124 = arith.constant 0 : i32
      %scan3A_125 = arith.constant 0 : i32
      %scan3A_126 = arith.constant 10 : i32
      %scan3A_127 = arith.addi %scan3A_125, %scan3A_126 : i32
      %scan3A_128 = arith.constant 1 : i32
      %scan3A_129 = scf.for %scan3A_170 = %scan3A_125 to %scan3A_127 step %scan3A_128 iter_args(%scan3A_171 = %scan3A_124) -> (i32)  : i32 {
        %mul3A_172 = arith.constant 128 : i32
        %mul3A_173 = arith.muli %scan3A_170, %mul3A_172 : i32
        %add3A_174 = arith.constant 0 : i32
        %add3A_175 = arith.addi %mul3A_173, %add3A_174 : i32
        %add3A_176 = vector.broadcast %add3A_175 : i32 to vector<16xi32>
        %add3A_177 = arith.addi %iota3A, %add3A_176 : vector<16xi32>
        %gather3A = tpu.vector_load_idx %arg10[%add3A_177, %broadcast_in_dim3A_3] : memref<1280x8xf32, #tpu.memory_space<vmem>>[vector<16xi32>, vector<16xi32>], vector<16xf32>,
        %gather3A_178 = tpu.vector_load_idx %arg10[%add3A_177, %broadcast_in_dim3A_5] : memref<1280x8xf32, #tpu.memory_space<vmem>>[vector<16xi32>, vector<16xi32>], vector<16xf32>,
        %gather3A_179 = tpu.vector_load_idx %arg10[%add3A_177, %broadcast_in_dim3A_7] : memref<1280x8xf32, #tpu.memory_space<vmem>>[vector<16xi32>, vector<16xi32>], vector<16xf32>,
        %gather3A_180 = tpu.vector_load_idx %arg10[%add3A_177, %broadcast_in_dim3A_9] : memref<1280x8xf32, #tpu.memory_space<vmem>>[vector<16xi32>, vector<16xi32>], vector<16xf32>,
        %gather3A_181 = tpu.vector_load_idx %arg10[%add3A_177, %broadcast_in_dim3A_11] : memref<1280x8xf32, #tpu.memory_space<vmem>>[vector<16xi32>, vector<16xi32>], vector<16xf32>,
        %gather3A_182 = tpu.vector_load_idx %arg10[%add3A_177, %broadcast_in_dim3A_13] : memref<1280x8xf32, #tpu.memory_space<vmem>>[vector<16xi32>, vector<16xi32>], vector<16xf32>,
        %gather3A_183 = tpu.vector_load_idx %arg10[%add3A_177, %broadcast_in_dim3A_15] : memref<1280x8xf32, #tpu.memory_space<vmem>>[vector<16xi32>, vector<16xi32>], vector<16xf32>,
        %gather3A_184 = tpu.vector_load_idx %arg10[%add3A_177, %broadcast_in_dim3A_17] : memref<1280x8xf32, #tpu.memory_space<vmem>>[vector<16xi32>, vector<16xi32>], vector<16xf32>,
        %mul3A_185 = arith.constant 128 : i32
        %mul3A_186 = arith.muli %scan3A_170, %mul3A_185 : i32
        %mul3A_187 = arith.constant 8 : i32
        %mul3A_188 = arith.muli %mul3A_186, %mul3A_187 : i32
        %add3A_189 = arith.constant 0 : i32
        %add3A_190 = arith.addi %mul3A_188, %add3A_189 : i32
        %add3A_191 = arith.constant 0 : i32
        %add3A_192 = arith.addi %add3A_190, %add3A_191 : i32
        %swap3A = arith.index_cast %add3A_192 : i32 to index
        %swap3A_193 = tpu.vector_load %arg14[%swap3A] {strides = array<i32>} : memref<10240xf32, #tpu.memory_space<vmem>>, vector<16xf32>,
        tpu.vector_store %arg14[%swap3A], %gather3A {strides = array<i32>} : memref<10240xf32, #tpu.memory_space<vmem>>, vector<16xf32>,
        %mul3A_194 = arith.constant 128 : i32
        %mul3A_195 = arith.muli %scan3A_170, %mul3A_194 : i32
        %mul3A_196 = arith.constant 8 : i32
        %mul3A_197 = arith.muli %mul3A_195, %mul3A_196 : i32
        %add3A_198 = arith.constant 128 : i32
        %add3A_199 = arith.addi %mul3A_197, %add3A_198 : i32
        %add3A_200 = arith.constant 0 : i32
        %add3A_201 = arith.addi %add3A_199, %add3A_200 : i32
        %swap3A_202 = arith.index_cast %add3A_201 : i32 to index
        %swap3A_203 = tpu.vector_load %arg14[%swap3A_202] {strides = array<i32>} : memref<10240xf32, #tpu.memory_space<vmem>>, vector<16xf32>,
        tpu.vector_store %arg14[%swap3A_202], %gather3A_178 {strides = array<i32>} : memref<10240xf32, #tpu.memory_space<vmem>>, vector<16xf32>,
        %mul3A_204 = arith.constant 128 : i32
        %mul3A_205 = arith.muli %scan3A_170, %mul3A_204 : i32
        %mul3A_206 = arith.constant 8 : i32
        %mul3A_207 = arith.muli %mul3A_205, %mul3A_206 : i32
        %add3A_208 = arith.constant 256 : i32
        %add3A_209 = arith.addi %mul3A_207, %add3A_208 : i32
        %add3A_210 = arith.constant 0 : i32
        %add3A_211 = arith.addi %add3A_209, %add3A_210 : i32
        %swap3A_212 = arith.index_cast %add3A_211 : i32 to index
        %swap3A_213 = tpu.vector_load %arg14[%swap3A_212] {strides = array<i32>} : memref<10240xf32, #tpu.memory_space<vmem>>, vector<16xf32>,
        tpu.vector_store %arg14[%swap3A_212], %gather3A_179 {strides = array<i32>} : memref<10240xf32, #tpu.memory_space<vmem>>, vector<16xf32>,
        %mul3A_214 = arith.constant 128 : i32
        %mul3A_215 = arith.muli %scan3A_170, %mul3A_214 : i32
        %mul3A_216 = arith.constant 8 : i32
        %mul3A_217 = arith.muli %mul3A_215, %mul3A_216 : i32
        %add3A_218 = arith.constant 384 : i32
        %add3A_219 = arith.addi %mul3A_217, %add3A_218 : i32
        %add3A_220 = arith.constant 0 : i32
        %add3A_221 = arith.addi %add3A_219, %add3A_220 : i32
        %swap3A_222 = arith.index_cast %add3A_221 : i32 to index
        %swap3A_223 = tpu.vector_load %arg14[%swap3A_222] {strides = array<i32>} : memref<10240xf32, #tpu.memory_space<vmem>>, vector<16xf32>,
        tpu.vector_store %arg14[%swap3A_222], %gather3A_180 {strides = array<i32>} : memref<10240xf32, #tpu.memory_space<vmem>>, vector<16xf32>,
        %mul3A_224 = arith.constant 128 : i32
        %mul3A_225 = arith.muli %scan3A_170, %mul3A_224 : i32
        %mul3A_226 = arith.constant 8 : i32
        %mul3A_227 = arith.muli %mul3A_225, %mul3A_226 : i32
        %add3A_228 = arith.constant 512 : i32
        %add3A_229 = arith.addi %mul3A_227, %add3A_228 : i32
        %add3A_230 = arith.constant 0 : i32
        %add3A_231 = arith.addi %add3A_229, %add3A_230 : i32
        %swap3A_232 = arith.index_cast %add3A_231 : i32 to index
        %swap3A_233 = tpu.vector_load %arg14[%swap3A_232] {strides = array<i32>} : memref<10240xf32, #tpu.memory_space<vmem>>, vector<16xf32>,
        tpu.vector_store %arg14[%swap3A_232], %gather3A_181 {strides = array<i32>} : memref<10240xf32, #tpu.memory_space<vmem>>, vector<16xf32>,
        %mul3A_234 = arith.constant 128 : i32
        %mul3A_235 = arith.muli %scan3A_170, %mul3A_234 : i32
        %mul3A_236 = arith.constant 8 : i32
        %mul3A_237 = arith.muli %mul3A_235, %mul3A_236 : i32
        %add3A_238 = arith.constant 640 : i32
        %add3A_239 = arith.addi %mul3A_237, %add3A_238 : i32
        %add3A_240 = arith.constant 0 : i32
        %add3A_241 = arith.addi %add3A_239, %add3A_240 : i32
        %swap3A_242 = arith.index_cast %add3A_241 : i32 to index
        %swap3A_243 = tpu.vector_load %arg14[%swap3A_242] {strides = array<i32>} : memref<10240xf32, #tpu.memory_space<vmem>>, vector<16xf32>,
        tpu.vector_store %arg14[%swap3A_242], %gather3A_182 {strides = array<i32>} : memref<10240xf32, #tpu.memory_space<vmem>>, vector<16xf32>,
        %mul3A_244 = arith.constant 128 : i32
        %mul3A_245 = arith.muli %scan3A_170, %mul3A_244 : i32
        %mul3A_246 = arith.constant 8 : i32
        %mul3A_247 = arith.muli %mul3A_245, %mul3A_246 : i32
        %add3A_248 = arith.constant 768 : i32
        %add3A_249 = arith.addi %mul3A_247, %add3A_248 : i32
        %add3A_250 = arith.constant 0 : i32
        %add3A_251 = arith.addi %add3A_249, %add3A_250 : i32
        %swap3A_252 = arith.index_cast %add3A_251 : i32 to index
        %swap3A_253 = tpu.vector_load %arg14[%swap3A_252] {strides = array<i32>} : memref<10240xf32, #tpu.memory_space<vmem>>, vector<16xf32>,
        tpu.vector_store %arg14[%swap3A_252], %gather3A_183 {strides = array<i32>} : memref<10240xf32, #tpu.memory_space<vmem>>, vector<16xf32>,
        %mul3A_254 = arith.constant 128 : i32
        %mul3A_255 = arith.muli %scan3A_170, %mul3A_254 : i32
        %mul3A_256 = arith.constant 8 : i32
        %mul3A_257 = arith.muli %mul3A_255, %mul3A_256 : i32
        %add3A_258 = arith.constant 896 : i32
        %add3A_259 = arith.addi %mul3A_257, %add3A_258 : i32
        %add3A_260 = arith.constant 0 : i32
        %add3A_261 = arith.addi %add3A_259, %add3A_260 : i32
        %swap3A_262 = arith.index_cast %add3A_261 : i32 to index
        %swap3A_263 = tpu.vector_load %arg14[%swap3A_262] {strides = array<i32>} : memref<10240xf32, #tpu.memory_space<vmem>>, vector<16xf32>,
        tpu.vector_store %arg14[%swap3A_262], %gather3A_184 {strides = array<i32>} : memref<10240xf32, #tpu.memory_space<vmem>>, vector<16xf32>,
        %mul3A_264 = arith.constant 128 : i32
        %mul3A_265 = arith.muli %scan3A_170, %mul3A_264 : i32
        %add3A_266 = arith.constant 16 : i32
        %add3A_267 = arith.addi %mul3A_265, %add3A_266 : i32
        %add3A_268 = vector.broadcast %add3A_267 : i32 to vector<16xi32>
        %add3A_269 = arith.addi %iota3A, %add3A_268 : vector<16xi32>
        %gather3A_270 = tpu.vector_load_idx %arg10[%add3A_269, %broadcast_in_dim3A_3] : memref<1280x8xf32, #tpu.memory_space<vmem>>[vector<16xi32>, vector<16xi32>], vector<16xf32>,
        %gather3A_271 = tpu.vector_load_idx %arg10[%add3A_269, %broadcast_in_dim3A_5] : memref<1280x8xf32, #tpu.memory_space<vmem>>[vector<16xi32>, vector<16xi32>], vector<16xf32>,
        %gather3A_272 = tpu.vector_load_idx %arg10[%add3A_269, %broadcast_in_dim3A_7] : memref<1280x8xf32, #tpu.memory_space<vmem>>[vector<16xi32>, vector<16xi32>], vector<16xf32>,
        %gather3A_273 = tpu.vector_load_idx %arg10[%add3A_269, %broadcast_in_dim3A_9] : memref<1280x8xf32, #tpu.memory_space<vmem>>[vector<16xi32>, vector<16xi32>], vector<16xf32>,
        %gather3A_274 = tpu.vector_load_idx %arg10[%add3A_269, %broadcast_in_dim3A_11] : memref<1280x8xf32, #tpu.memory_space<vmem>>[vector<16xi32>, vector<16xi32>], vector<16xf32>,
        %gather3A_275 = tpu.vector_load_idx %arg10[%add3A_269, %broadcast_in_dim3A_13] : memref<1280x8xf32, #tpu.memory_space<vmem>>[vector<16xi32>, vector<16xi32>], vector<16xf32>,
        %gather3A_276 = tpu.vector_load_idx %arg10[%add3A_269, %broadcast_in_dim3A_15] : memref<1280x8xf32, #tpu.memory_space<vmem>>[vector<16xi32>, vector<16xi32>], vector<16xf32>,
        %gather3A_277 = tpu.vector_load_idx %arg10[%add3A_269, %broadcast_in_dim3A_17] : memref<1280x8xf32, #tpu.memory_space<vmem>>[vector<16xi32>, vector<16xi32>], vector<16xf32>,
        %mul3A_278 = arith.constant 128 : i32
        %mul3A_279 = arith.muli %scan3A_170, %mul3A_278 : i32
        %mul3A_280 = arith.constant 8 : i32
        %mul3A_281 = arith.muli %mul3A_279, %mul3A_280 : i32
        %add3A_282 = arith.constant 0 : i32
        %add3A_283 = arith.addi %mul3A_281, %add3A_282 : i32
        %add3A_284 = arith.constant 16 : i32
        %add3A_285 = arith.addi %add3A_283, %add3A_284 : i32
        %swap3A_286 = arith.index_cast %add3A_285 : i32 to index
        %swap3A_287 = tpu.vector_load %arg14[%swap3A_286] {strides = array<i32>} : memref<10240xf32, #tpu.memory_space<vmem>>, vector<16xf32>,
        tpu.vector_store %arg14[%swap3A_286], %gather3A_270 {strides = array<i32>} : memref<10240xf32, #tpu.memory_space<vmem>>, vector<16xf32>,
        %mul3A_288 = arith.constant 128 : i32
        %mul3A_289 = arith.muli %scan3A_170, %mul3A_288 : i32
        %mul3A_290 = arith.constant 8 : i32
        %mul3A_291 = arith.muli %mul3A_289, %mul3A_290 : i32
        %add3A_292 = arith.constant 128 : i32
        %add3A_293 = arith.addi %mul3A_291, %add3A_292 : i32
        %add3A_294 = arith.constant 16 : i32
        %add3A_295 = arith.addi %add3A_293, %add3A_294 : i32
        %swap3A_296 = arith.index_cast %add3A_295 : i32 to index
        %swap3A_297 = tpu.vector_load %arg14[%swap3A_296] {strides = array<i32>} : memref<10240xf32, #tpu.memory_space<vmem>>, vector<16xf32>,
        tpu.vector_store %arg14[%swap3A_296], %gather3A_271 {strides = array<i32>} : memref<10240xf32, #tpu.memory_space<vmem>>, vector<16xf32>,
        %mul3A_298 = arith.constant 128 : i32
        %mul3A_299 = arith.muli %scan3A_170, %mul3A_298 : i32
        %mul3A_300 = arith.constant 8 : i32
        %mul3A_301 = arith.muli %mul3A_299, %mul3A_300 : i32
        %add3A_302 = arith.constant 256 : i32
        %add3A_303 = arith.addi %mul3A_301, %add3A_302 : i32
        %add3A_304 = arith.constant 16 : i32
        %add3A_305 = arith.addi %add3A_303, %add3A_304 : i32
        %swap3A_306 = arith.index_cast %add3A_305 : i32 to index
        %swap3A_307 = tpu.vector_load %arg14[%swap3A_306] {strides = array<i32>} : memref<10240xf32, #tpu.memory_space<vmem>>, vector<16xf32>,
        tpu.vector_store %arg14[%swap3A_306], %gather3A_272 {strides = array<i32>} : memref<10240xf32, #tpu.memory_space<vmem>>, vector<16xf32>,
        %mul3A_308 = arith.constant 128 : i32
        %mul3A_309 = arith.muli %scan3A_170, %mul3A_308 : i32
        %mul3A_310 = arith.constant 8 : i32
        %mul3A_311 = arith.muli %mul3A_309, %mul3A_310 : i32
        %add3A_312 = arith.constant 384 : i32
        %add3A_313 = arith.addi %mul3A_311, %add3A_312 : i32
        %add3A_314 = arith.constant 16 : i32
        %add3A_315 = arith.addi %add3A_313, %add3A_314 : i32
        %swap3A_316 = arith.index_cast %add3A_315 : i32 to index
        %swap3A_317 = tpu.vector_load %arg14[%swap3A_316] {strides = array<i32>} : memref<10240xf32, #tpu.memory_space<vmem>>, vector<16xf32>,
        tpu.vector_store %arg14[%swap3A_316], %gather3A_273 {strides = array<i32>} : memref<10240xf32, #tpu.memory_space<vmem>>, vector<16xf32>,
        %mul3A_318 = arith.constant 128 : i32
        %mul3A_319 = arith.muli %scan3A_170, %mul3A_318 : i32
        %mul3A_320 = arith.constant 8 : i32
        %mul3A_321 = arith.muli %mul3A_319, %mul3A_320 : i32
        %add3A_322 = arith.constant 512 : i32
        %add3A_323 = arith.addi %mul3A_321, %add3A_322 : i32
        %add3A_324 = arith.constant 16 : i32
        %add3A_325 = arith.addi %add3A_323, %add3A_324 : i32
        %swap3A_326 = arith.index_cast %add3A_325 : i32 to index
        %swap3A_327 = tpu.vector_load %arg14[%swap3A_326] {strides = array<i32>} : memref<10240xf32, #tpu.memory_space<vmem>>, vector<16xf32>,
        tpu.vector_store %arg14[%swap3A_326], %gather3A_274 {strides = array<i32>} : memref<10240xf32, #tpu.memory_space<vmem>>, vector<16xf32>,
        %mul3A_328 = arith.constant 128 : i32
        %mul3A_329 = arith.muli %scan3A_170, %mul3A_328 : i32
        %mul3A_330 = arith.constant 8 : i32
        %mul3A_331 = arith.muli %mul3A_329, %mul3A_330 : i32
        %add3A_332 = arith.constant 640 : i32
        %add3A_333 = arith.addi %mul3A_331, %add3A_332 : i32
        %add3A_334 = arith.constant 16 : i32
        %add3A_335 = arith.addi %add3A_333, %add3A_334 : i32
        %swap3A_336 = arith.index_cast %add3A_335 : i32 to index
        %swap3A_337 = tpu.vector_load %arg14[%swap3A_336] {strides = array<i32>} : memref<10240xf32, #tpu.memory_space<vmem>>, vector<16xf32>,
        tpu.vector_store %arg14[%swap3A_336], %gather3A_275 {strides = array<i32>} : memref<10240xf32, #tpu.memory_space<vmem>>, vector<16xf32>,
        %mul3A_338 = arith.constant 128 : i32
        %mul3A_339 = arith.muli %scan3A_170, %mul3A_338 : i32
        %mul3A_340 = arith.constant 8 : i32
        %mul3A_341 = arith.muli %mul3A_339, %mul3A_340 : i32
        %add3A_342 = arith.constant 768 : i32
        %add3A_343 = arith.addi %mul3A_341, %add3A_342 : i32
        %add3A_344 = arith.constant 16 : i32
        %add3A_345 = arith.addi %add3A_343, %add3A_344 : i32
        %swap3A_346 = arith.index_cast %add3A_345 : i32 to index
        %swap3A_347 = tpu.vector_load %arg14[%swap3A_346] {strides = array<i32>} : memref<10240xf32, #tpu.memory_space<vmem>>, vector<16xf32>,
        tpu.vector_store %arg14[%swap3A_346], %gather3A_276 {strides = array<i32>} : memref<10240xf32, #tpu.memory_space<vmem>>, vector<16xf32>,
        %mul3A_348 = arith.constant 128 : i32
        %mul3A_349 = arith.muli %scan3A_170, %mul3A_348 : i32
        %mul3A_350 = arith.constant 8 : i32
        %mul3A_351 = arith.muli %mul3A_349, %mul3A_350 : i32
        %add3A_352 = arith.constant 896 : i32
        %add3A_353 = arith.addi %mul3A_351, %add3A_352 : i32
        %add3A_354 = arith.constant 16 : i32
        %add3A_355 = arith.addi %add3A_353, %add3A_354 : i32
        %swap3A_356 = arith.index_cast %add3A_355 : i32 to index
        %swap3A_357 = tpu.vector_load %arg14[%swap3A_356] {strides = array<i32>} : memref<10240xf32, #tpu.memory_space<vmem>>, vector<16xf32>,
        tpu.vector_store %arg14[%swap3A_356], %gather3A_277 {strides = array<i32>} : memref<10240xf32, #tpu.memory_space<vmem>>, vector<16xf32>,
        %mul3A_358 = arith.constant 128 : i32
        %mul3A_359 = arith.muli %scan3A_170, %mul3A_358 : i32
        %add3A_360 = arith.constant 32 : i32
        %add3A_361 = arith.addi %mul3A_359, %add3A_360 : i32
        %add3A_362 = vector.broadcast %add3A_361 : i32 to vector<16xi32>
        %add3A_363 = arith.addi %iota3A, %add3A_362 : vector<16xi32>
        %gather3A_364 = tpu.vector_load_idx %arg10[%add3A_363, %broadcast_in_dim3A_3] : memref<1280x8xf32, #tpu.memory_space<vmem>>[vector<16xi32>, vector<16xi32>], vector<16xf32>,
        %gather3A_365 = tpu.vector_load_idx %arg10[%add3A_363, %broadcast_in_dim3A_5] : memref<1280x8xf32, #tpu.memory_space<vmem>>[vector<16xi32>, vector<16xi32>], vector<16xf32>,
        %gather3A_366 = tpu.vector_load_idx %arg10[%add3A_363, %broadcast_in_dim3A_7] : memref<1280x8xf32, #tpu.memory_space<vmem>>[vector<16xi32>, vector<16xi32>], vector<16xf32>,
        %gather3A_367 = tpu.vector_load_idx %arg10[%add3A_363, %broadcast_in_dim3A_9] : memref<1280x8xf32, #tpu.memory_space<vmem>>[vector<16xi32>, vector<16xi32>], vector<16xf32>,
        %gather3A_368 = tpu.vector_load_idx %arg10[%add3A_363, %broadcast_in_dim3A_11] : memref<1280x8xf32, #tpu.memory_space<vmem>>[vector<16xi32>, vector<16xi32>], vector<16xf32>,
        %gather3A_369 = tpu.vector_load_idx %arg10[%add3A_363, %broadcast_in_dim3A_13] : memref<1280x8xf32, #tpu.memory_space<vmem>>[vector<16xi32>, vector<16xi32>], vector<16xf32>,
        %gather3A_370 = tpu.vector_load_idx %arg10[%add3A_363, %broadcast_in_dim3A_15] : memref<1280x8xf32, #tpu.memory_space<vmem>>[vector<16xi32>, vector<16xi32>], vector<16xf32>,
        %gather3A_371 = tpu.vector_load_idx %arg10[%add3A_363, %broadcast_in_dim3A_17] : memref<1280x8xf32, #tpu.memory_space<vmem>>[vector<16xi32>, vector<16xi32>], vector<16xf32>,
        %mul3A_372 = arith.constant 128 : i32
        %mul3A_373 = arith.muli %scan3A_170, %mul3A_372 : i32
        %mul3A_374 = arith.constant 8 : i32
        %mul3A_375 = arith.muli %mul3A_373, %mul3A_374 : i32
        %add3A_376 = arith.constant 0 : i32
        %add3A_377 = arith.addi %mul3A_375, %add3A_376 : i32
        %add3A_378 = arith.constant 32 : i32
        %add3A_379 = arith.addi %add3A_377, %add3A_378 : i32
        %swap3A_380 = arith.index_cast %add3A_379 : i32 to index
        %swap3A_381 = tpu.vector_load %arg14[%swap3A_380] {strides = array<i32>} : memref<10240xf32, #tpu.memory_space<vmem>>, vector<16xf32>,
        tpu.vector_store %arg14[%swap3A_380], %gather3A_364 {strides = array<i32>} : memref<10240xf32, #tpu.memory_space<vmem>>, vector<16xf32>,
        %mul3A_382 = arith.constant 128 : i32
        %mul3A_383 = arith.muli %scan3A_170, %mul3A_382 : i32
        %mul3A_384 = arith.constant 8 : i32
        %mul3A_385 = arith.muli %mul3A_383, %mul3A_384 : i32
        %add3A_386 = arith.constant 128 : i32
        %add3A_387 = arith.addi %mul3A_385, %add3A_386 : i32
        %add3A_388 = arith.constant 32 : i32
        %add3A_389 = arith.addi %add3A_387, %add3A_388 : i32
        %swap3A_390 = arith.index_cast %add3A_389 : i32 to index
        %swap3A_391 = tpu.vector_load %arg14[%swap3A_390] {strides = array<i32>} : memref<10240xf32, #tpu.memory_space<vmem>>, vector<16xf32>,
        tpu.vector_store %arg14[%swap3A_390], %gather3A_365 {strides = array<i32>} : memref<10240xf32, #tpu.memory_space<vmem>>, vector<16xf32>,
        %mul3A_392 = arith.constant 128 : i32
        %mul3A_393 = arith.muli %scan3A_170, %mul3A_392 : i32
        %mul3A_394 = arith.constant 8 : i32
        %mul3A_395 = arith.muli %mul3A_393, %mul3A_394 : i32
        %add3A_396 = arith.constant 256 : i32
        %add3A_397 = arith.addi %mul3A_395, %add3A_396 : i32
        %add3A_398 = arith.constant 32 : i32
        %add3A_399 = arith.addi %add3A_397, %add3A_398 : i32
        %swap3A_400 = arith.index_cast %add3A_399 : i32 to index
        %swap3A_401 = tpu.vector_load %arg14[%swap3A_400] {strides = array<i32>} : memref<10240xf32, #tpu.memory_space<vmem>>, vector<16xf32>,
        tpu.vector_store %arg14[%swap3A_400], %gather3A_366 {strides = array<i32>} : memref<10240xf32, #tpu.memory_space<vmem>>, vector<16xf32>,
        %mul3A_402 = arith.constant 128 : i32
        %mul3A_403 = arith.muli %scan3A_170, %mul3A_402 : i32
        %mul3A_404 = arith.constant 8 : i32
        %mul3A_405 = arith.muli %mul3A_403, %mul3A_404 : i32
        %add3A_406 = arith.constant 384 : i32
        %add3A_407 = arith.addi %mul3A_405, %add3A_406 : i32
        %add3A_408 = arith.constant 32 : i32
        %add3A_409 = arith.addi %add3A_407, %add3A_408 : i32
        %swap3A_410 = arith.index_cast %add3A_409 : i32 to index
        %swap3A_411 = tpu.vector_load %arg14[%swap3A_410] {strides = array<i32>} : memref<10240xf32, #tpu.memory_space<vmem>>, vector<16xf32>,
        tpu.vector_store %arg14[%swap3A_410], %gather3A_367 {strides = array<i32>} : memref<10240xf32, #tpu.memory_space<vmem>>, vector<16xf32>,
        %mul3A_412 = arith.constant 128 : i32
        %mul3A_413 = arith.muli %scan3A_170, %mul3A_412 : i32
        %mul3A_414 = arith.constant 8 : i32
        %mul3A_415 = arith.muli %mul3A_413, %mul3A_414 : i32
        %add3A_416 = arith.constant 512 : i32
        %add3A_417 = arith.addi %mul3A_415, %add3A_416 : i32
        %add3A_418 = arith.constant 32 : i32
        %add3A_419 = arith.addi %add3A_417, %add3A_418 : i32
        %swap3A_420 = arith.index_cast %add3A_419 : i32 to index
        %swap3A_421 = tpu.vector_load %arg14[%swap3A_420] {strides = array<i32>} : memref<10240xf32, #tpu.memory_space<vmem>>, vector<16xf32>,
        tpu.vector_store %arg14[%swap3A_420], %gather3A_368 {strides = array<i32>} : memref<10240xf32, #tpu.memory_space<vmem>>, vector<16xf32>,
        %mul3A_422 = arith.constant 128 : i32
        %mul3A_423 = arith.muli %scan3A_170, %mul3A_422 : i32
        %mul3A_424 = arith.constant 8 : i32
        %mul3A_425 = arith.muli %mul3A_423, %mul3A_424 : i32
        %add3A_426 = arith.constant 640 : i32
        %add3A_427 = arith.addi %mul3A_425, %add3A_426 : i32
        %add3A_428 = arith.constant 32 : i32
        %add3A_429 = arith.addi %add3A_427, %add3A_428 : i32
        %swap3A_430 = arith.index_cast %add3A_429 : i32 to index
        %swap3A_431 = tpu.vector_load %arg14[%swap3A_430] {strides = array<i32>} : memref<10240xf32, #tpu.memory_space<vmem>>, vector<16xf32>,
        tpu.vector_store %arg14[%swap3A_430], %gather3A_369 {strides = array<i32>} : memref<10240xf32, #tpu.memory_space<vmem>>, vector<16xf32>,
        %mul3A_432 = arith.constant 128 : i32
        %mul3A_433 = arith.muli %scan3A_170, %mul3A_432 : i32
        %mul3A_434 = arith.constant 8 : i32
        %mul3A_435 = arith.muli %mul3A_433, %mul3A_434 : i32
        %add3A_436 = arith.constant 768 : i32
        %add3A_437 = arith.addi %mul3A_435, %add3A_436 : i32
        %add3A_438 = arith.constant 32 : i32
        %add3A_439 = arith.addi %add3A_437, %add3A_438 : i32
        %swap3A_440 = arith.index_cast %add3A_439 : i32 to index
        %swap3A_441 = tpu.vector_load %arg14[%swap3A_440] {strides = array<i32>} : memref<10240xf32, #tpu.memory_space<vmem>>, vector<16xf32>,
        tpu.vector_store %arg14[%swap3A_440], %gather3A_370 {strides = array<i32>} : memref<10240xf32, #tpu.memory_space<vmem>>, vector<16xf32>,
        %mul3A_442 = arith.constant 128 : i32
        %mul3A_443 = arith.muli %scan3A_170, %mul3A_442 : i32
        %mul3A_444 = arith.constant 8 : i32
        %mul3A_445 = arith.muli %mul3A_443, %mul3A_444 : i32
        %add3A_446 = arith.constant 896 : i32
        %add3A_447 = arith.addi %mul3A_445, %add3A_446 : i32
        %add3A_448 = arith.constant 32 : i32
        %add3A_449 = arith.addi %add3A_447, %add3A_448 : i32
        %swap3A_450 = arith.index_cast %add3A_449 : i32 to index
        %swap3A_451 = tpu.vector_load %arg14[%swap3A_450] {strides = array<i32>} : memref<10240xf32, #tpu.memory_space<vmem>>, vector<16xf32>,
        tpu.vector_store %arg14[%swap3A_450], %gather3A_371 {strides = array<i32>} : memref<10240xf32, #tpu.memory_space<vmem>>, vector<16xf32>,
        %mul3A_452 = arith.constant 128 : i32
        %mul3A_453 = arith.muli %scan3A_170, %mul3A_452 : i32
        %add3A_454 = arith.constant 48 : i32
        %add3A_455 = arith.addi %mul3A_453, %add3A_454 : i32
        %add3A_456 = vector.broadcast %add3A_455 : i32 to vector<16xi32>
        %add3A_457 = arith.addi %iota3A, %add3A_456 : vector<16xi32>
        %gather3A_458 = tpu.vector_load_idx %arg10[%add3A_457, %broadcast_in_dim3A_3] : memref<1280x8xf32, #tpu.memory_space<vmem>>[vector<16xi32>, vector<16xi32>], vector<16xf32>,
        %gather3A_459 = tpu.vector_load_idx %arg10[%add3A_457, %broadcast_in_dim3A_5] : memref<1280x8xf32, #tpu.memory_space<vmem>>[vector<16xi32>, vector<16xi32>], vector<16xf32>,
        %gather3A_460 = tpu.vector_load_idx %arg10[%add3A_457, %broadcast_in_dim3A_7] : memref<1280x8xf32, #tpu.memory_space<vmem>>[vector<16xi32>, vector<16xi32>], vector<16xf32>,
        %gather3A_461 = tpu.vector_load_idx %arg10[%add3A_457, %broadcast_in_dim3A_9] : memref<1280x8xf32, #tpu.memory_space<vmem>>[vector<16xi32>, vector<16xi32>], vector<16xf32>,
        %gather3A_462 = tpu.vector_load_idx %arg10[%add3A_457, %broadcast_in_dim3A_11] : memref<1280x8xf32, #tpu.memory_space<vmem>>[vector<16xi32>, vector<16xi32>], vector<16xf32>,
        %gather3A_463 = tpu.vector_load_idx %arg10[%add3A_457, %broadcast_in_dim3A_13] : memref<1280x8xf32, #tpu.memory_space<vmem>>[vector<16xi32>, vector<16xi32>], vector<16xf32>,
        %gather3A_464 = tpu.vector_load_idx %arg10[%add3A_457, %broadcast_in_dim3A_15] : memref<1280x8xf32, #tpu.memory_space<vmem>>[vector<16xi32>, vector<16xi32>], vector<16xf32>,
        %gather3A_465 = tpu.vector_load_idx %arg10[%add3A_457, %broadcast_in_dim3A_17] : memref<1280x8xf32, #tpu.memory_space<vmem>>[vector<16xi32>, vector<16xi32>], vector<16xf32>,
        %mul3A_466 = arith.constant 128 : i32
        %mul3A_467 = arith.muli %scan3A_170, %mul3A_466 : i32
        %mul3A_468 = arith.constant 8 : i32
        %mul3A_469 = arith.muli %mul3A_467, %mul3A_468 : i32
        %add3A_470 = arith.constant 0 : i32
        %add3A_471 = arith.addi %mul3A_469, %add3A_470 : i32
        %add3A_472 = arith.constant 48 : i32
        %add3A_473 = arith.addi %add3A_471, %add3A_472 : i32
        %swap3A_474 = arith.index_cast %add3A_473 : i32 to index
        %swap3A_475 = tpu.vector_load %arg14[%swap3A_474] {strides = array<i32>} : memref<10240xf32, #tpu.memory_space<vmem>>, vector<16xf32>,
        tpu.vector_store %arg14[%swap3A_474], %gather3A_458 {strides = array<i32>} : memref<10240xf32, #tpu.memory_space<vmem>>, vector<16xf32>,
        %mul3A_476 = arith.constant 128 : i32
        %mul3A_477 = arith.muli %scan3A_170, %mul3A_476 : i32
        %mul3A_478 = arith.constant 8 : i32
        %mul3A_479 = arith.muli %mul3A_477, %mul3A_478 : i32
        %add3A_480 = arith.constant 128 : i32
        %add3A_481 = arith.addi %mul3A_479, %add3A_480 : i32
        %add3A_482 = arith.constant 48 : i32
        %add3A_483 = arith.addi %add3A_481, %add3A_482 : i32
        %swap3A_484 = arith.index_cast %add3A_483 : i32 to index
        %swap3A_485 = tpu.vector_load %arg14[%swap3A_484] {strides = array<i32>} : memref<10240xf32, #tpu.memory_space<vmem>>, vector<16xf32>,
        tpu.vector_store %arg14[%swap3A_484], %gather3A_459 {strides = array<i32>} : memref<10240xf32, #tpu.memory_space<vmem>>, vector<16xf32>,
        %mul3A_486 = arith.constant 128 : i32
        %mul3A_487 = arith.muli %scan3A_170, %mul3A_486 : i32
        %mul3A_488 = arith.constant 8 : i32
        %mul3A_489 = arith.muli %mul3A_487, %mul3A_488 : i32
        %add3A_490 = arith.constant 256 : i32
        %add3A_491 = arith.addi %mul3A_489, %add3A_490 : i32
        %add3A_492 = arith.constant 48 : i32
        %add3A_493 = arith.addi %add3A_491, %add3A_492 : i32
        %swap3A_494 = arith.index_cast %add3A_493 : i32 to index
        %swap3A_495 = tpu.vector_load %arg14[%swap3A_494] {strides = array<i32>} : memref<10240xf32, #tpu.memory_space<vmem>>, vector<16xf32>,
        tpu.vector_store %arg14[%swap3A_494], %gather3A_460 {strides = array<i32>} : memref<10240xf32, #tpu.memory_space<vmem>>, vector<16xf32>,
        %mul3A_496 = arith.constant 128 : i32
        %mul3A_497 = arith.muli %scan3A_170, %mul3A_496 : i32
        %mul3A_498 = arith.constant 8 : i32
        %mul3A_499 = arith.muli %mul3A_497, %mul3A_498 : i32
        %add3A_500 = arith.constant 384 : i32
        %add3A_501 = arith.addi %mul3A_499, %add3A_500 : i32
        %add3A_502 = arith.constant 48 : i32
        %add3A_503 = arith.addi %add3A_501, %add3A_502 : i32
        %swap3A_504 = arith.index_cast %add3A_503 : i32 to index
        %swap3A_505 = tpu.vector_load %arg14[%swap3A_504] {strides = array<i32>} : memref<10240xf32, #tpu.memory_space<vmem>>, vector<16xf32>,
        tpu.vector_store %arg14[%swap3A_504], %gather3A_461 {strides = array<i32>} : memref<10240xf32, #tpu.memory_space<vmem>>, vector<16xf32>,
        %mul3A_506 = arith.constant 128 : i32
        %mul3A_507 = arith.muli %scan3A_170, %mul3A_506 : i32
        %mul3A_508 = arith.constant 8 : i32
        %mul3A_509 = arith.muli %mul3A_507, %mul3A_508 : i32
        %add3A_510 = arith.constant 512 : i32
        %add3A_511 = arith.addi %mul3A_509, %add3A_510 : i32
        %add3A_512 = arith.constant 48 : i32
        %add3A_513 = arith.addi %add3A_511, %add3A_512 : i32
        %swap3A_514 = arith.index_cast %add3A_513 : i32 to index
        %swap3A_515 = tpu.vector_load %arg14[%swap3A_514] {strides = array<i32>} : memref<10240xf32, #tpu.memory_space<vmem>>, vector<16xf32>,
        tpu.vector_store %arg14[%swap3A_514], %gather3A_462 {strides = array<i32>} : memref<10240xf32, #tpu.memory_space<vmem>>, vector<16xf32>,
        %mul3A_516 = arith.constant 128 : i32
        %mul3A_517 = arith.muli %scan3A_170, %mul3A_516 : i32
        %mul3A_518 = arith.constant 8 : i32
        %mul3A_519 = arith.muli %mul3A_517, %mul3A_518 : i32
        %add3A_520 = arith.constant 640 : i32
        %add3A_521 = arith.addi %mul3A_519, %add3A_520 : i32
        %add3A_522 = arith.constant 48 : i32
        %add3A_523 = arith.addi %add3A_521, %add3A_522 : i32
        %swap3A_524 = arith.index_cast %add3A_523 : i32 to index
        %swap3A_525 = tpu.vector_load %arg14[%swap3A_524] {strides = array<i32>} : memref<10240xf32, #tpu.memory_space<vmem>>, vector<16xf32>,
        tpu.vector_store %arg14[%swap3A_524], %gather3A_463 {strides = array<i32>} : memref<10240xf32, #tpu.memory_space<vmem>>, vector<16xf32>,
        %mul3A_526 = arith.constant 128 : i32
        %mul3A_527 = arith.muli %scan3A_170, %mul3A_526 : i32
        %mul3A_528 = arith.constant 8 : i32
        %mul3A_529 = arith.muli %mul3A_527, %mul3A_528 : i32
        %add3A_530 = arith.constant 768 : i32
        %add3A_531 = arith.addi %mul3A_529, %add3A_530 : i32
        %add3A_532 = arith.constant 48 : i32
        %add3A_533 = arith.addi %add3A_531, %add3A_532 : i32
        %swap3A_534 = arith.index_cast %add3A_533 : i32 to index
        %swap3A_535 = tpu.vector_load %arg14[%swap3A_534] {strides = array<i32>} : memref<10240xf32, #tpu.memory_space<vmem>>, vector<16xf32>,
        tpu.vector_store %arg14[%swap3A_534], %gather3A_464 {strides = array<i32>} : memref<10240xf32, #tpu.memory_space<vmem>>, vector<16xf32>,
        %mul3A_536 = arith.constant 128 : i32
        %mul3A_537 = arith.muli %scan3A_170, %mul3A_536 : i32
        %mul3A_538 = arith.constant 8 : i32
        %mul3A_539 = arith.muli %mul3A_537, %mul3A_538 : i32
        %add3A_540 = arith.constant 896 : i32
        %add3A_541 = arith.addi %mul3A_539, %add3A_540 : i32
        %add3A_542 = arith.constant 48 : i32
        %add3A_543 = arith.addi %add3A_541, %add3A_542 : i32
        %swap3A_544 = arith.index_cast %add3A_543 : i32 to index
        %swap3A_545 = tpu.vector_load %arg14[%swap3A_544] {strides = array<i32>} : memref<10240xf32, #tpu.memory_space<vmem>>, vector<16xf32>,
        tpu.vector_store %arg14[%swap3A_544], %gather3A_465 {strides = array<i32>} : memref<10240xf32, #tpu.memory_space<vmem>>, vector<16xf32>,
        %mul3A_546 = arith.constant 128 : i32
        %mul3A_547 = arith.muli %scan3A_170, %mul3A_546 : i32
        %add3A_548 = arith.constant 64 : i32
        %add3A_549 = arith.addi %mul3A_547, %add3A_548 : i32
        %add3A_550 = vector.broadcast %add3A_549 : i32 to vector<16xi32>
        %add3A_551 = arith.addi %iota3A, %add3A_550 : vector<16xi32>
        %gather3A_552 = tpu.vector_load_idx %arg10[%add3A_551, %broadcast_in_dim3A_3] : memref<1280x8xf32, #tpu.memory_space<vmem>>[vector<16xi32>, vector<16xi32>], vector<16xf32>,
        %gather3A_553 = tpu.vector_load_idx %arg10[%add3A_551, %broadcast_in_dim3A_5] : memref<1280x8xf32, #tpu.memory_space<vmem>>[vector<16xi32>, vector<16xi32>], vector<16xf32>,
        %gather3A_554 = tpu.vector_load_idx %arg10[%add3A_551, %broadcast_in_dim3A_7] : memref<1280x8xf32, #tpu.memory_space<vmem>>[vector<16xi32>, vector<16xi32>], vector<16xf32>,
        %gather3A_555 = tpu.vector_load_idx %arg10[%add3A_551, %broadcast_in_dim3A_9] : memref<1280x8xf32, #tpu.memory_space<vmem>>[vector<16xi32>, vector<16xi32>], vector<16xf32>,
        %gather3A_556 = tpu.vector_load_idx %arg10[%add3A_551, %broadcast_in_dim3A_11] : memref<1280x8xf32, #tpu.memory_space<vmem>>[vector<16xi32>, vector<16xi32>], vector<16xf32>,
        %gather3A_557 = tpu.vector_load_idx %arg10[%add3A_551, %broadcast_in_dim3A_13] : memref<1280x8xf32, #tpu.memory_space<vmem>>[vector<16xi32>, vector<16xi32>], vector<16xf32>,
        %gather3A_558 = tpu.vector_load_idx %arg10[%add3A_551, %broadcast_in_dim3A_15] : memref<1280x8xf32, #tpu.memory_space<vmem>>[vector<16xi32>, vector<16xi32>], vector<16xf32>,
        %gather3A_559 = tpu.vector_load_idx %arg10[%add3A_551, %broadcast_in_dim3A_17] : memref<1280x8xf32, #tpu.memory_space<vmem>>[vector<16xi32>, vector<16xi32>], vector<16xf32>,
        %mul3A_560 = arith.constant 128 : i32
        %mul3A_561 = arith.muli %scan3A_170, %mul3A_560 : i32
        %mul3A_562 = arith.constant 8 : i32
        %mul3A_563 = arith.muli %mul3A_561, %mul3A_562 : i32
        %add3A_564 = arith.constant 0 : i32
        %add3A_565 = arith.addi %mul3A_563, %add3A_564 : i32
        %add3A_566 = arith.constant 64 : i32
        %add3A_567 = arith.addi %add3A_565, %add3A_566 : i32
        %swap3A_568 = arith.index_cast %add3A_567 : i32 to index
        %swap3A_569 = tpu.vector_load %arg14[%swap3A_568] {strides = array<i32>} : memref<10240xf32, #tpu.memory_space<vmem>>, vector<16xf32>,
        tpu.vector_store %arg14[%swap3A_568], %gather3A_552 {strides = array<i32>} : memref<10240xf32, #tpu.memory_space<vmem>>, vector<16xf32>,
        %mul3A_570 = arith.constant 128 : i32
        %mul3A_571 = arith.muli %scan3A_170, %mul3A_570 : i32
        %mul3A_572 = arith.constant 8 : i32
        %mul3A_573 = arith.muli %mul3A_571, %mul3A_572 : i32
        %add3A_574 = arith.constant 128 : i32
        %add3A_575 = arith.addi %mul3A_573, %add3A_574 : i32
        %add3A_576 = arith.constant 64 : i32
        %add3A_577 = arith.addi %add3A_575, %add3A_576 : i32
        %swap3A_578 = arith.index_cast %add3A_577 : i32 to index
        %swap3A_579 = tpu.vector_load %arg14[%swap3A_578] {strides = array<i32>} : memref<10240xf32, #tpu.memory_space<vmem>>, vector<16xf32>,
        tpu.vector_store %arg14[%swap3A_578], %gather3A_553 {strides = array<i32>} : memref<10240xf32, #tpu.memory_space<vmem>>, vector<16xf32>,
        %mul3A_580 = arith.constant 128 : i32
        %mul3A_581 = arith.muli %scan3A_170, %mul3A_580 : i32
        %mul3A_582 = arith.constant 8 : i32
        %mul3A_583 = arith.muli %mul3A_581, %mul3A_582 : i32
        %add3A_584 = arith.constant 256 : i32
        %add3A_585 = arith.addi %mul3A_583, %add3A_584 : i32
        %add3A_586 = arith.constant 64 : i32
        %add3A_587 = arith.addi %add3A_585, %add3A_586 : i32
        %swap3A_588 = arith.index_cast %add3A_587 : i32 to index
        %swap3A_589 = tpu.vector_load %arg14[%swap3A_588] {strides = array<i32>} : memref<10240xf32, #tpu.memory_space<vmem>>, vector<16xf32>,
        tpu.vector_store %arg14[%swap3A_588], %gather3A_554 {strides = array<i32>} : memref<10240xf32, #tpu.memory_space<vmem>>, vector<16xf32>,
        %mul3A_590 = arith.constant 128 : i32
        %mul3A_591 = arith.muli %scan3A_170, %mul3A_590 : i32
        %mul3A_592 = arith.constant 8 : i32
        %mul3A_593 = arith.muli %mul3A_591, %mul3A_592 : i32
        %add3A_594 = arith.constant 384 : i32
        %add3A_595 = arith.addi %mul3A_593, %add3A_594 : i32
        %add3A_596 = arith.constant 64 : i32
        %add3A_597 = arith.addi %add3A_595, %add3A_596 : i32
        %swap3A_598 = arith.index_cast %add3A_597 : i32 to index
        %swap3A_599 = tpu.vector_load %arg14[%swap3A_598] {strides = array<i32>} : memref<10240xf32, #tpu.memory_space<vmem>>, vector<16xf32>,
        tpu.vector_store %arg14[%swap3A_598], %gather3A_555 {strides = array<i32>} : memref<10240xf32, #tpu.memory_space<vmem>>, vector<16xf32>,
        %mul3A_600 = arith.constant 128 : i32
        %mul3A_601 = arith.muli %scan3A_170, %mul3A_600 : i32
        %mul3A_602 = arith.constant 8 : i32
        %mul3A_603 = arith.muli %mul3A_601, %mul3A_602 : i32
        %add3A_604 = arith.constant 512 : i32
        %add3A_605 = arith.addi %mul3A_603, %add3A_604 : i32
        %add3A_606 = arith.constant 64 : i32
        %add3A_607 = arith.addi %add3A_605, %add3A_606 : i32
        %swap3A_608 = arith.index_cast %add3A_607 : i32 to index
        %swap3A_609 = tpu.vector_load %arg14[%swap3A_608] {strides = array<i32>} : memref<10240xf32, #tpu.memory_space<vmem>>, vector<16xf32>,
        tpu.vector_store %arg14[%swap3A_608], %gather3A_556 {strides = array<i32>} : memref<10240xf32, #tpu.memory_space<vmem>>, vector<16xf32>,
        %mul3A_610 = arith.constant 128 : i32
        %mul3A_611 = arith.muli %scan3A_170, %mul3A_610 : i32
        %mul3A_612 = arith.constant 8 : i32
        %mul3A_613 = arith.muli %mul3A_611, %mul3A_612 : i32
        %add3A_614 = arith.constant 640 : i32
        %add3A_615 = arith.addi %mul3A_613, %add3A_614 : i32
        %add3A_616 = arith.constant 64 : i32
        %add3A_617 = arith.addi %add3A_615, %add3A_616 : i32
        %swap3A_618 = arith.index_cast %add3A_617 : i32 to index
        %swap3A_619 = tpu.vector_load %arg14[%swap3A_618] {strides = array<i32>} : memref<10240xf32, #tpu.memory_space<vmem>>, vector<16xf32>,
        tpu.vector_store %arg14[%swap3A_618], %gather3A_557 {strides = array<i32>} : memref<10240xf32, #tpu.memory_space<vmem>>, vector<16xf32>,
        %mul3A_620 = arith.constant 128 : i32
        %mul3A_621 = arith.muli %scan3A_170, %mul3A_620 : i32
        %mul3A_622 = arith.constant 8 : i32
        %mul3A_623 = arith.muli %mul3A_621, %mul3A_622 : i32
        %add3A_624 = arith.constant 768 : i32
        %add3A_625 = arith.addi %mul3A_623, %add3A_624 : i32
        %add3A_626 = arith.constant 64 : i32
        %add3A_627 = arith.addi %add3A_625, %add3A_626 : i32
        %swap3A_628 = arith.index_cast %add3A_627 : i32 to index
        %swap3A_629 = tpu.vector_load %arg14[%swap3A_628] {strides = array<i32>} : memref<10240xf32, #tpu.memory_space<vmem>>, vector<16xf32>,
        tpu.vector_store %arg14[%swap3A_628], %gather3A_558 {strides = array<i32>} : memref<10240xf32, #tpu.memory_space<vmem>>, vector<16xf32>,
        %mul3A_630 = arith.constant 128 : i32
        %mul3A_631 = arith.muli %scan3A_170, %mul3A_630 : i32
        %mul3A_632 = arith.constant 8 : i32
        %mul3A_633 = arith.muli %mul3A_631, %mul3A_632 : i32
        %add3A_634 = arith.constant 896 : i32
        %add3A_635 = arith.addi %mul3A_633, %add3A_634 : i32
        %add3A_636 = arith.constant 64 : i32
        %add3A_637 = arith.addi %add3A_635, %add3A_636 : i32
        %swap3A_638 = arith.index_cast %add3A_637 : i32 to index
        %swap3A_639 = tpu.vector_load %arg14[%swap3A_638] {strides = array<i32>} : memref<10240xf32, #tpu.memory_space<vmem>>, vector<16xf32>,
        tpu.vector_store %arg14[%swap3A_638], %gather3A_559 {strides = array<i32>} : memref<10240xf32, #tpu.memory_space<vmem>>, vector<16xf32>,
        %mul3A_640 = arith.constant 128 : i32
        %mul3A_641 = arith.muli %scan3A_170, %mul3A_640 : i32
        %add3A_642 = arith.constant 80 : i32
        %add3A_643 = arith.addi %mul3A_641, %add3A_642 : i32
        %add3A_644 = vector.broadcast %add3A_643 : i32 to vector<16xi32>
        %add3A_645 = arith.addi %iota3A, %add3A_644 : vector<16xi32>
        %gather3A_646 = tpu.vector_load_idx %arg10[%add3A_645, %broadcast_in_dim3A_3] : memref<1280x8xf32, #tpu.memory_space<vmem>>[vector<16xi32>, vector<16xi32>], vector<16xf32>,
        %gather3A_647 = tpu.vector_load_idx %arg10[%add3A_645, %broadcast_in_dim3A_5] : memref<1280x8xf32, #tpu.memory_space<vmem>>[vector<16xi32>, vector<16xi32>], vector<16xf32>,
        %gather3A_648 = tpu.vector_load_idx %arg10[%add3A_645, %broadcast_in_dim3A_7] : memref<1280x8xf32, #tpu.memory_space<vmem>>[vector<16xi32>, vector<16xi32>], vector<16xf32>,
        %gather3A_649 = tpu.vector_load_idx %arg10[%add3A_645, %broadcast_in_dim3A_9] : memref<1280x8xf32, #tpu.memory_space<vmem>>[vector<16xi32>, vector<16xi32>], vector<16xf32>,
        %gather3A_650 = tpu.vector_load_idx %arg10[%add3A_645, %broadcast_in_dim3A_11] : memref<1280x8xf32, #tpu.memory_space<vmem>>[vector<16xi32>, vector<16xi32>], vector<16xf32>,
        %gather3A_651 = tpu.vector_load_idx %arg10[%add3A_645, %broadcast_in_dim3A_13] : memref<1280x8xf32, #tpu.memory_space<vmem>>[vector<16xi32>, vector<16xi32>], vector<16xf32>,
        %gather3A_652 = tpu.vector_load_idx %arg10[%add3A_645, %broadcast_in_dim3A_15] : memref<1280x8xf32, #tpu.memory_space<vmem>>[vector<16xi32>, vector<16xi32>], vector<16xf32>,
        %gather3A_653 = tpu.vector_load_idx %arg10[%add3A_645, %broadcast_in_dim3A_17] : memref<1280x8xf32, #tpu.memory_space<vmem>>[vector<16xi32>, vector<16xi32>], vector<16xf32>,
        %mul3A_654 = arith.constant 128 : i32
        %mul3A_655 = arith.muli %scan3A_170, %mul3A_654 : i32
        %mul3A_656 = arith.constant 8 : i32
        %mul3A_657 = arith.muli %mul3A_655, %mul3A_656 : i32
        %add3A_658 = arith.constant 0 : i32
        %add3A_659 = arith.addi %mul3A_657, %add3A_658 : i32
        %add3A_660 = arith.constant 80 : i32
        %add3A_661 = arith.addi %add3A_659, %add3A_660 : i32
        %swap3A_662 = arith.index_cast %add3A_661 : i32 to index
        %swap3A_663 = tpu.vector_load %arg14[%swap3A_662] {strides = array<i32>} : memref<10240xf32, #tpu.memory_space<vmem>>, vector<16xf32>,
        tpu.vector_store %arg14[%swap3A_662], %gather3A_646 {strides = array<i32>} : memref<10240xf32, #tpu.memory_space<vmem>>, vector<16xf32>,
        %mul3A_664 = arith.constant 128 : i32
        %mul3A_665 = arith.muli %scan3A_170, %mul3A_664 : i32
        %mul3A_666 = arith.constant 8 : i32
        %mul3A_667 = arith.muli %mul3A_665, %mul3A_666 : i32
        %add3A_668 = arith.constant 128 : i32
        %add3A_669 = arith.addi %mul3A_667, %add3A_668 : i32
        %add3A_670 = arith.constant 80 : i32
        %add3A_671 = arith.addi %add3A_669, %add3A_670 : i32
        %swap3A_672 = arith.index_cast %add3A_671 : i32 to index
        %swap3A_673 = tpu.vector_load %arg14[%swap3A_672] {strides = array<i32>} : memref<10240xf32, #tpu.memory_space<vmem>>, vector<16xf32>,
        tpu.vector_store %arg14[%swap3A_672], %gather3A_647 {strides = array<i32>} : memref<10240xf32, #tpu.memory_space<vmem>>, vector<16xf32>,
        %mul3A_674 = arith.constant 128 : i32
        %mul3A_675 = arith.muli %scan3A_170, %mul3A_674 : i32
        %mul3A_676 = arith.constant 8 : i32
        %mul3A_677 = arith.muli %mul3A_675, %mul3A_676 : i32
        %add3A_678 = arith.constant 256 : i32
        %add3A_679 = arith.addi %mul3A_677, %add3A_678 : i32
        %add3A_680 = arith.constant 80 : i32
        %add3A_681 = arith.addi %add3A_679, %add3A_680 : i32
        %swap3A_682 = arith.index_cast %add3A_681 : i32 to index
        %swap3A_683 = tpu.vector_load %arg14[%swap3A_682] {strides = array<i32>} : memref<10240xf32, #tpu.memory_space<vmem>>, vector<16xf32>,
        tpu.vector_store %arg14[%swap3A_682], %gather3A_648 {strides = array<i32>} : memref<10240xf32, #tpu.memory_space<vmem>>, vector<16xf32>,
        %mul3A_684 = arith.constant 128 : i32
        %mul3A_685 = arith.muli %scan3A_170, %mul3A_684 : i32
        %mul3A_686 = arith.constant 8 : i32
        %mul3A_687 = arith.muli %mul3A_685, %mul3A_686 : i32
        %add3A_688 = arith.constant 384 : i32
        %add3A_689 = arith.addi %mul3A_687, %add3A_688 : i32
        %add3A_690 = arith.constant 80 : i32
        %add3A_691 = arith.addi %add3A_689, %add3A_690 : i32
        %swap3A_692 = arith.index_cast %add3A_691 : i32 to index
        %swap3A_693 = tpu.vector_load %arg14[%swap3A_692] {strides = array<i32>} : memref<10240xf32, #tpu.memory_space<vmem>>, vector<16xf32>,
        tpu.vector_store %arg14[%swap3A_692], %gather3A_649 {strides = array<i32>} : memref<10240xf32, #tpu.memory_space<vmem>>, vector<16xf32>,
        %mul3A_694 = arith.constant 128 : i32
        %mul3A_695 = arith.muli %scan3A_170, %mul3A_694 : i32
        %mul3A_696 = arith.constant 8 : i32
        %mul3A_697 = arith.muli %mul3A_695, %mul3A_696 : i32
        %add3A_698 = arith.constant 512 : i32
        %add3A_699 = arith.addi %mul3A_697, %add3A_698 : i32
        %add3A_700 = arith.constant 80 : i32
        %add3A_701 = arith.addi %add3A_699, %add3A_700 : i32
        %swap3A_702 = arith.index_cast %add3A_701 : i32 to index
        %swap3A_703 = tpu.vector_load %arg14[%swap3A_702] {strides = array<i32>} : memref<10240xf32, #tpu.memory_space<vmem>>, vector<16xf32>,
        tpu.vector_store %arg14[%swap3A_702], %gather3A_650 {strides = array<i32>} : memref<10240xf32, #tpu.memory_space<vmem>>, vector<16xf32>,
        %mul3A_704 = arith.constant 128 : i32
        %mul3A_705 = arith.muli %scan3A_170, %mul3A_704 : i32
        %mul3A_706 = arith.constant 8 : i32
        %mul3A_707 = arith.muli %mul3A_705, %mul3A_706 : i32
        %add3A_708 = arith.constant 640 : i32
        %add3A_709 = arith.addi %mul3A_707, %add3A_708 : i32
        %add3A_710 = arith.constant 80 : i32
        %add3A_711 = arith.addi %add3A_709, %add3A_710 : i32
        %swap3A_712 = arith.index_cast %add3A_711 : i32 to index
        %swap3A_713 = tpu.vector_load %arg14[%swap3A_712] {strides = array<i32>} : memref<10240xf32, #tpu.memory_space<vmem>>, vector<16xf32>,
        tpu.vector_store %arg14[%swap3A_712], %gather3A_651 {strides = array<i32>} : memref<10240xf32, #tpu.memory_space<vmem>>, vector<16xf32>,
        %mul3A_714 = arith.constant 128 : i32
        %mul3A_715 = arith.muli %scan3A_170, %mul3A_714 : i32
        %mul3A_716 = arith.constant 8 : i32
        %mul3A_717 = arith.muli %mul3A_715, %mul3A_716 : i32
        %add3A_718 = arith.constant 768 : i32
        %add3A_719 = arith.addi %mul3A_717, %add3A_718 : i32
        %add3A_720 = arith.constant 80 : i32
        %add3A_721 = arith.addi %add3A_719, %add3A_720 : i32
        %swap3A_722 = arith.index_cast %add3A_721 : i32 to index
        %swap3A_723 = tpu.vector_load %arg14[%swap3A_722] {strides = array<i32>} : memref<10240xf32, #tpu.memory_space<vmem>>, vector<16xf32>,
        tpu.vector_store %arg14[%swap3A_722], %gather3A_652 {strides = array<i32>} : memref<10240xf32, #tpu.memory_space<vmem>>, vector<16xf32>,
        %mul3A_724 = arith.constant 128 : i32
        %mul3A_725 = arith.muli %scan3A_170, %mul3A_724 : i32
        %mul3A_726 = arith.constant 8 : i32
        %mul3A_727 = arith.muli %mul3A_725, %mul3A_726 : i32
        %add3A_728 = arith.constant 896 : i32
        %add3A_729 = arith.addi %mul3A_727, %add3A_728 : i32
        %add3A_730 = arith.constant 80 : i32
        %add3A_731 = arith.addi %add3A_729, %add3A_730 : i32
        %swap3A_732 = arith.index_cast %add3A_731 : i32 to index
        %swap3A_733 = tpu.vector_load %arg14[%swap3A_732] {strides = array<i32>} : memref<10240xf32, #tpu.memory_space<vmem>>, vector<16xf32>,
        tpu.vector_store %arg14[%swap3A_732], %gather3A_653 {strides = array<i32>} : memref<10240xf32, #tpu.memory_space<vmem>>, vector<16xf32>,
        %mul3A_734 = arith.constant 128 : i32
        %mul3A_735 = arith.muli %scan3A_170, %mul3A_734 : i32
        %add3A_736 = arith.constant 96 : i32
        %add3A_737 = arith.addi %mul3A_735, %add3A_736 : i32
        %add3A_738 = vector.broadcast %add3A_737 : i32 to vector<16xi32>
        %add3A_739 = arith.addi %iota3A, %add3A_738 : vector<16xi32>
        %gather3A_740 = tpu.vector_load_idx %arg10[%add3A_739, %broadcast_in_dim3A_3] : memref<1280x8xf32, #tpu.memory_space<vmem>>[vector<16xi32>, vector<16xi32>], vector<16xf32>,
        %gather3A_741 = tpu.vector_load_idx %arg10[%add3A_739, %broadcast_in_dim3A_5] : memref<1280x8xf32, #tpu.memory_space<vmem>>[vector<16xi32>, vector<16xi32>], vector<16xf32>,
        %gather3A_742 = tpu.vector_load_idx %arg10[%add3A_739, %broadcast_in_dim3A_7] : memref<1280x8xf32, #tpu.memory_space<vmem>>[vector<16xi32>, vector<16xi32>], vector<16xf32>,
        %gather3A_743 = tpu.vector_load_idx %arg10[%add3A_739, %broadcast_in_dim3A_9] : memref<1280x8xf32, #tpu.memory_space<vmem>>[vector<16xi32>, vector<16xi32>], vector<16xf32>,
        %gather3A_744 = tpu.vector_load_idx %arg10[%add3A_739, %broadcast_in_dim3A_11] : memref<1280x8xf32, #tpu.memory_space<vmem>>[vector<16xi32>, vector<16xi32>], vector<16xf32>,
        %gather3A_745 = tpu.vector_load_idx %arg10[%add3A_739, %broadcast_in_dim3A_13] : memref<1280x8xf32, #tpu.memory_space<vmem>>[vector<16xi32>, vector<16xi32>], vector<16xf32>,
        %gather3A_746 = tpu.vector_load_idx %arg10[%add3A_739, %broadcast_in_dim3A_15] : memref<1280x8xf32, #tpu.memory_space<vmem>>[vector<16xi32>, vector<16xi32>], vector<16xf32>,
        %gather3A_747 = tpu.vector_load_idx %arg10[%add3A_739, %broadcast_in_dim3A_17] : memref<1280x8xf32, #tpu.memory_space<vmem>>[vector<16xi32>, vector<16xi32>], vector<16xf32>,
        %mul3A_748 = arith.constant 128 : i32
        %mul3A_749 = arith.muli %scan3A_170, %mul3A_748 : i32
        %mul3A_750 = arith.constant 8 : i32
        %mul3A_751 = arith.muli %mul3A_749, %mul3A_750 : i32
        %add3A_752 = arith.constant 0 : i32
        %add3A_753 = arith.addi %mul3A_751, %add3A_752 : i32
        %add3A_754 = arith.constant 96 : i32
        %add3A_755 = arith.addi %add3A_753, %add3A_754 : i32
        %swap3A_756 = arith.index_cast %add3A_755 : i32 to index
        %swap3A_757 = tpu.vector_load %arg14[%swap3A_756] {strides = array<i32>} : memref<10240xf32, #tpu.memory_space<vmem>>, vector<16xf32>,
        tpu.vector_store %arg14[%swap3A_756], %gather3A_740 {strides = array<i32>} : memref<10240xf32, #tpu.memory_space<vmem>>, vector<16xf32>,
        %mul3A_758 = arith.constant 128 : i32
        %mul3A_759 = arith.muli %scan3A_170, %mul3A_758 : i32
        %mul3A_760 = arith.constant 8 : i32
        %mul3A_761 = arith.muli %mul3A_759, %mul3A_760 : i32
        %add3A_762 = arith.constant 128 : i32
        %add3A_763 = arith.addi %mul3A_761, %add3A_762 : i32
        %add3A_764 = arith.constant 96 : i32
        %add3A_765 = arith.addi %add3A_763, %add3A_764 : i32
        %swap3A_766 = arith.index_cast %add3A_765 : i32 to index
        %swap3A_767 = tpu.vector_load %arg14[%swap3A_766] {strides = array<i32>} : memref<10240xf32, #tpu.memory_space<vmem>>, vector<16xf32>,
        tpu.vector_store %arg14[%swap3A_766], %gather3A_741 {strides = array<i32>} : memref<10240xf32, #tpu.memory_space<vmem>>, vector<16xf32>,
        %mul3A_768 = arith.constant 128 : i32
        %mul3A_769 = arith.muli %scan3A_170, %mul3A_768 : i32
        %mul3A_770 = arith.constant 8 : i32
        %mul3A_771 = arith.muli %mul3A_769, %mul3A_770 : i32
        %add3A_772 = arith.constant 256 : i32
        %add3A_773 = arith.addi %mul3A_771, %add3A_772 : i32
        %add3A_774 = arith.constant 96 : i32
        %add3A_775 = arith.addi %add3A_773, %add3A_774 : i32
        %swap3A_776 = arith.index_cast %add3A_775 : i32 to index
        %swap3A_777 = tpu.vector_load %arg14[%swap3A_776] {strides = array<i32>} : memref<10240xf32, #tpu.memory_space<vmem>>, vector<16xf32>,
        tpu.vector_store %arg14[%swap3A_776], %gather3A_742 {strides = array<i32>} : memref<10240xf32, #tpu.memory_space<vmem>>, vector<16xf32>,
        %mul3A_778 = arith.constant 128 : i32
        %mul3A_779 = arith.muli %scan3A_170, %mul3A_778 : i32
        %mul3A_780 = arith.constant 8 : i32
        %mul3A_781 = arith.muli %mul3A_779, %mul3A_780 : i32
        %add3A_782 = arith.constant 384 : i32
        %add3A_783 = arith.addi %mul3A_781, %add3A_782 : i32
        %add3A_784 = arith.constant 96 : i32
        %add3A_785 = arith.addi %add3A_783, %add3A_784 : i32
        %swap3A_786 = arith.index_cast %add3A_785 : i32 to index
        %swap3A_787 = tpu.vector_load %arg14[%swap3A_786] {strides = array<i32>} : memref<10240xf32, #tpu.memory_space<vmem>>, vector<16xf32>,
        tpu.vector_store %arg14[%swap3A_786], %gather3A_743 {strides = array<i32>} : memref<10240xf32, #tpu.memory_space<vmem>>, vector<16xf32>,
        %mul3A_788 = arith.constant 128 : i32
        %mul3A_789 = arith.muli %scan3A_170, %mul3A_788 : i32
        %mul3A_790 = arith.constant 8 : i32
        %mul3A_791 = arith.muli %mul3A_789, %mul3A_790 : i32
        %add3A_792 = arith.constant 512 : i32
        %add3A_793 = arith.addi %mul3A_791, %add3A_792 : i32
        %add3A_794 = arith.constant 96 : i32
        %add3A_795 = arith.addi %add3A_793, %add3A_794 : i32
        %swap3A_796 = arith.index_cast %add3A_795 : i32 to index
        %swap3A_797 = tpu.vector_load %arg14[%swap3A_796] {strides = array<i32>} : memref<10240xf32, #tpu.memory_space<vmem>>, vector<16xf32>,
        tpu.vector_store %arg14[%swap3A_796], %gather3A_744 {strides = array<i32>} : memref<10240xf32, #tpu.memory_space<vmem>>, vector<16xf32>,
        %mul3A_798 = arith.constant 128 : i32
        %mul3A_799 = arith.muli %scan3A_170, %mul3A_798 : i32
        %mul3A_800 = arith.constant 8 : i32
        %mul3A_801 = arith.muli %mul3A_799, %mul3A_800 : i32
        %add3A_802 = arith.constant 640 : i32
        %add3A_803 = arith.addi %mul3A_801, %add3A_802 : i32
        %add3A_804 = arith.constant 96 : i32
        %add3A_805 = arith.addi %add3A_803, %add3A_804 : i32
        %swap3A_806 = arith.index_cast %add3A_805 : i32 to index
        %swap3A_807 = tpu.vector_load %arg14[%swap3A_806] {strides = array<i32>} : memref<10240xf32, #tpu.memory_space<vmem>>, vector<16xf32>,
        tpu.vector_store %arg14[%swap3A_806], %gather3A_745 {strides = array<i32>} : memref<10240xf32, #tpu.memory_space<vmem>>, vector<16xf32>,
        %mul3A_808 = arith.constant 128 : i32
        %mul3A_809 = arith.muli %scan3A_170, %mul3A_808 : i32
        %mul3A_810 = arith.constant 8 : i32
        %mul3A_811 = arith.muli %mul3A_809, %mul3A_810 : i32
        %add3A_812 = arith.constant 768 : i32
        %add3A_813 = arith.addi %mul3A_811, %add3A_812 : i32
        %add3A_814 = arith.constant 96 : i32
        %add3A_815 = arith.addi %add3A_813, %add3A_814 : i32
        %swap3A_816 = arith.index_cast %add3A_815 : i32 to index
        %swap3A_817 = tpu.vector_load %arg14[%swap3A_816] {strides = array<i32>} : memref<10240xf32, #tpu.memory_space<vmem>>, vector<16xf32>,
        tpu.vector_store %arg14[%swap3A_816], %gather3A_746 {strides = array<i32>} : memref<10240xf32, #tpu.memory_space<vmem>>, vector<16xf32>,
        %mul3A_818 = arith.constant 128 : i32
        %mul3A_819 = arith.muli %scan3A_170, %mul3A_818 : i32
        %mul3A_820 = arith.constant 8 : i32
        %mul3A_821 = arith.muli %mul3A_819, %mul3A_820 : i32
        %add3A_822 = arith.constant 896 : i32
        %add3A_823 = arith.addi %mul3A_821, %add3A_822 : i32
        %add3A_824 = arith.constant 96 : i32
        %add3A_825 = arith.addi %add3A_823, %add3A_824 : i32
        %swap3A_826 = arith.index_cast %add3A_825 : i32 to index
        %swap3A_827 = tpu.vector_load %arg14[%swap3A_826] {strides = array<i32>} : memref<10240xf32, #tpu.memory_space<vmem>>, vector<16xf32>,
        tpu.vector_store %arg14[%swap3A_826], %gather3A_747 {strides = array<i32>} : memref<10240xf32, #tpu.memory_space<vmem>>, vector<16xf32>,
        %mul3A_828 = arith.constant 128 : i32
        %mul3A_829 = arith.muli %scan3A_170, %mul3A_828 : i32
        %add3A_830 = arith.constant 112 : i32
        %add3A_831 = arith.addi %mul3A_829, %add3A_830 : i32
        %add3A_832 = vector.broadcast %add3A_831 : i32 to vector<16xi32>
        %add3A_833 = arith.addi %iota3A, %add3A_832 : vector<16xi32>
        %gather3A_834 = tpu.vector_load_idx %arg10[%add3A_833, %broadcast_in_dim3A_3] : memref<1280x8xf32, #tpu.memory_space<vmem>>[vector<16xi32>, vector<16xi32>], vector<16xf32>,
        %gather3A_835 = tpu.vector_load_idx %arg10[%add3A_833, %broadcast_in_dim3A_5] : memref<1280x8xf32, #tpu.memory_space<vmem>>[vector<16xi32>, vector<16xi32>], vector<16xf32>,
        %gather3A_836 = tpu.vector_load_idx %arg10[%add3A_833, %broadcast_in_dim3A_7] : memref<1280x8xf32, #tpu.memory_space<vmem>>[vector<16xi32>, vector<16xi32>], vector<16xf32>,
        %gather3A_837 = tpu.vector_load_idx %arg10[%add3A_833, %broadcast_in_dim3A_9] : memref<1280x8xf32, #tpu.memory_space<vmem>>[vector<16xi32>, vector<16xi32>], vector<16xf32>,
        %gather3A_838 = tpu.vector_load_idx %arg10[%add3A_833, %broadcast_in_dim3A_11] : memref<1280x8xf32, #tpu.memory_space<vmem>>[vector<16xi32>, vector<16xi32>], vector<16xf32>,
        %gather3A_839 = tpu.vector_load_idx %arg10[%add3A_833, %broadcast_in_dim3A_13] : memref<1280x8xf32, #tpu.memory_space<vmem>>[vector<16xi32>, vector<16xi32>], vector<16xf32>,
        %gather3A_840 = tpu.vector_load_idx %arg10[%add3A_833, %broadcast_in_dim3A_15] : memref<1280x8xf32, #tpu.memory_space<vmem>>[vector<16xi32>, vector<16xi32>], vector<16xf32>,
        %gather3A_841 = tpu.vector_load_idx %arg10[%add3A_833, %broadcast_in_dim3A_17] : memref<1280x8xf32, #tpu.memory_space<vmem>>[vector<16xi32>, vector<16xi32>], vector<16xf32>,
        %mul3A_842 = arith.constant 128 : i32
        %mul3A_843 = arith.muli %scan3A_170, %mul3A_842 : i32
        %mul3A_844 = arith.constant 8 : i32
        %mul3A_845 = arith.muli %mul3A_843, %mul3A_844 : i32
        %add3A_846 = arith.constant 0 : i32
        %add3A_847 = arith.addi %mul3A_845, %add3A_846 : i32
        %add3A_848 = arith.constant 112 : i32
        %add3A_849 = arith.addi %add3A_847, %add3A_848 : i32
        %swap3A_850 = arith.index_cast %add3A_849 : i32 to index
        %swap3A_851 = tpu.vector_load %arg14[%swap3A_850] {strides = array<i32>} : memref<10240xf32, #tpu.memory_space<vmem>>, vector<16xf32>,
        tpu.vector_store %arg14[%swap3A_850], %gather3A_834 {strides = array<i32>} : memref<10240xf32, #tpu.memory_space<vmem>>, vector<16xf32>,
        %mul3A_852 = arith.constant 128 : i32
        %mul3A_853 = arith.muli %scan3A_170, %mul3A_852 : i32
        %mul3A_854 = arith.constant 8 : i32
        %mul3A_855 = arith.muli %mul3A_853, %mul3A_854 : i32
        %add3A_856 = arith.constant 128 : i32
        %add3A_857 = arith.addi %mul3A_855, %add3A_856 : i32
        %add3A_858 = arith.constant 112 : i32
        %add3A_859 = arith.addi %add3A_857, %add3A_858 : i32
        %swap3A_860 = arith.index_cast %add3A_859 : i32 to index
        %swap3A_861 = tpu.vector_load %arg14[%swap3A_860] {strides = array<i32>} : memref<10240xf32, #tpu.memory_space<vmem>>, vector<16xf32>,
        tpu.vector_store %arg14[%swap3A_860], %gather3A_835 {strides = array<i32>} : memref<10240xf32, #tpu.memory_space<vmem>>, vector<16xf32>,
        %mul3A_862 = arith.constant 128 : i32
        %mul3A_863 = arith.muli %scan3A_170, %mul3A_862 : i32
        %mul3A_864 = arith.constant 8 : i32
        %mul3A_865 = arith.muli %mul3A_863, %mul3A_864 : i32
        %add3A_866 = arith.constant 256 : i32
        %add3A_867 = arith.addi %mul3A_865, %add3A_866 : i32
        %add3A_868 = arith.constant 112 : i32
        %add3A_869 = arith.addi %add3A_867, %add3A_868 : i32
        %swap3A_870 = arith.index_cast %add3A_869 : i32 to index
        %swap3A_871 = tpu.vector_load %arg14[%swap3A_870] {strides = array<i32>} : memref<10240xf32, #tpu.memory_space<vmem>>, vector<16xf32>,
        tpu.vector_store %arg14[%swap3A_870], %gather3A_836 {strides = array<i32>} : memref<10240xf32, #tpu.memory_space<vmem>>, vector<16xf32>,
        %mul3A_872 = arith.constant 128 : i32
        %mul3A_873 = arith.muli %scan3A_170, %mul3A_872 : i32
        %mul3A_874 = arith.constant 8 : i32
        %mul3A_875 = arith.muli %mul3A_873, %mul3A_874 : i32
        %add3A_876 = arith.constant 384 : i32
        %add3A_877 = arith.addi %mul3A_875, %add3A_876 : i32
        %add3A_878 = arith.constant 112 : i32
        %add3A_879 = arith.addi %add3A_877, %add3A_878 : i32
        %swap3A_880 = arith.index_cast %add3A_879 : i32 to index
        %swap3A_881 = tpu.vector_load %arg14[%swap3A_880] {strides = array<i32>} : memref<10240xf32, #tpu.memory_space<vmem>>, vector<16xf32>,
        tpu.vector_store %arg14[%swap3A_880], %gather3A_837 {strides = array<i32>} : memref<10240xf32, #tpu.memory_space<vmem>>, vector<16xf32>,
        %mul3A_882 = arith.constant 128 : i32
        %mul3A_883 = arith.muli %scan3A_170, %mul3A_882 : i32
        %mul3A_884 = arith.constant 8 : i32
        %mul3A_885 = arith.muli %mul3A_883, %mul3A_884 : i32
        %add3A_886 = arith.constant 512 : i32
        %add3A_887 = arith.addi %mul3A_885, %add3A_886 : i32
        %add3A_888 = arith.constant 112 : i32
        %add3A_889 = arith.addi %add3A_887, %add3A_888 : i32
        %swap3A_890 = arith.index_cast %add3A_889 : i32 to index
        %swap3A_891 = tpu.vector_load %arg14[%swap3A_890] {strides = array<i32>} : memref<10240xf32, #tpu.memory_space<vmem>>, vector<16xf32>,
        tpu.vector_store %arg14[%swap3A_890], %gather3A_838 {strides = array<i32>} : memref<10240xf32, #tpu.memory_space<vmem>>, vector<16xf32>,
        %mul3A_892 = arith.constant 128 : i32
        %mul3A_893 = arith.muli %scan3A_170, %mul3A_892 : i32
        %mul3A_894 = arith.constant 8 : i32
        %mul3A_895 = arith.muli %mul3A_893, %mul3A_894 : i32
        %add3A_896 = arith.constant 640 : i32
        %add3A_897 = arith.addi %mul3A_895, %add3A_896 : i32
        %add3A_898 = arith.constant 112 : i32
        %add3A_899 = arith.addi %add3A_897, %add3A_898 : i32
        %swap3A_900 = arith.index_cast %add3A_899 : i32 to index
        %swap3A_901 = tpu.vector_load %arg14[%swap3A_900] {strides = array<i32>} : memref<10240xf32, #tpu.memory_space<vmem>>, vector<16xf32>,
        tpu.vector_store %arg14[%swap3A_900], %gather3A_839 {strides = array<i32>} : memref<10240xf32, #tpu.memory_space<vmem>>, vector<16xf32>,
        %mul3A_902 = arith.constant 128 : i32
        %mul3A_903 = arith.muli %scan3A_170, %mul3A_902 : i32
        %mul3A_904 = arith.constant 8 : i32
        %mul3A_905 = arith.muli %mul3A_903, %mul3A_904 : i32
        %add3A_906 = arith.constant 768 : i32
        %add3A_907 = arith.addi %mul3A_905, %add3A_906 : i32
        %add3A_908 = arith.constant 112 : i32
        %add3A_909 = arith.addi %add3A_907, %add3A_908 : i32
        %swap3A_910 = arith.index_cast %add3A_909 : i32 to index
        %swap3A_911 = tpu.vector_load %arg14[%swap3A_910] {strides = array<i32>} : memref<10240xf32, #tpu.memory_space<vmem>>, vector<16xf32>,
        tpu.vector_store %arg14[%swap3A_910], %gather3A_840 {strides = array<i32>} : memref<10240xf32, #tpu.memory_space<vmem>>, vector<16xf32>,
        %mul3A_912 = arith.constant 128 : i32
        %mul3A_913 = arith.muli %scan3A_170, %mul3A_912 : i32
        %mul3A_914 = arith.constant 8 : i32
        %mul3A_915 = arith.muli %mul3A_913, %mul3A_914 : i32
        %add3A_916 = arith.constant 896 : i32
        %add3A_917 = arith.addi %mul3A_915, %add3A_916 : i32
        %add3A_918 = arith.constant 112 : i32
        %add3A_919 = arith.addi %add3A_917, %add3A_918 : i32
        %swap3A_920 = arith.index_cast %add3A_919 : i32 to index
        %swap3A_921 = tpu.vector_load %arg14[%swap3A_920] {strides = array<i32>} : memref<10240xf32, #tpu.memory_space<vmem>>, vector<16xf32>,
        tpu.vector_store %arg14[%swap3A_920], %gather3A_841 {strides = array<i32>} : memref<10240xf32, #tpu.memory_space<vmem>>, vector<16xf32>,
        %scan3A_922 = arith.constant 0 : i32
        scf.yield %scan3A_922 : i32
      }
      %scan3A_130 = arith.constant 10 : i32
      %mul3A_131 = arith.constant 128 : i32
      %mul3A_132 = arith.muli %add3A_54, %mul3A_131 : i32
      %mul3A_133 = arith.constant 8 : i32
      %mul3A_134 = arith.muli %mul3A_132, %mul3A_133 : i32
      %dma_start3A_135 = tpu.memref_slice %arg4[%mul3A_134] : memref<26214400xf32, #tpu.memory_space<hbm>> -> memref<10240xf32, #tpu.memory_space<hbm>>
      %dma_start3A_136 = tpu.memref_slice %arg4[%mul3A_134] : memref<26214400xf32, #tpu.memory_space<hbm>> -> memref<10240xf32, #tpu.memory_space<hbm>>
      tpu.enqueue_dma source(%arg14 : memref<10240xf32, #tpu.memory_space<vmem>>) target(%dma_start3A_136 : memref<10240xf32, #tpu.memory_space<hbm>>) target_semaphore(%arg22 : memref<!tpu.dma_semaphore, #tpu.memory_space<semaphore_mem>>)
      %dma_wait3A_137 = arith.constant 0 : i32
      %dma_wait3A_138 = arith.constant 0 : i32
      %dma_wait3A_139 = tpu.memref_slice %arg2[%dma_wait3A_137, %dma_wait3A_138] : memref<1048576x8xf32, #tpu.memory_space<hbm>> -> memref<1048576x8xf32, #tpu.memory_space<hbm>>
      tpu.wait_indirect_dma semaphore(%arg19 : memref<!tpu.dma_semaphore, #tpu.memory_space<semaphore_mem>>) src(%dma_wait3A_139 : memref<1048576x8xf32, #tpu.memory_space<hbm>>) dst(%arg11 : memref<1280x8xf32, #tpu.memory_space<vmem>>)
      %scan3A_140 = arith.constant 0 : i32
      %scan3A_141 = arith.constant 0 : i32
      %scan3A_142 = arith.constant 10 : i32
      %scan3A_143 = arith.addi %scan3A_141, %scan3A_142 : i32
      %scan3A_144 = arith.constant 1 : i32
      %scan3A_145 = scf.for %scan3A_170 = %scan3A_141 to %scan3A_143 step %scan3A_144 iter_args(%scan3A_171 = %scan3A_140) -> (i32)  : i32 {
        %mul3A_172 = arith.constant 128 : i32
        %mul3A_173 = arith.muli %scan3A_170, %mul3A_172 : i32
        %add3A_174 = arith.constant 0 : i32
        %add3A_175 = arith.addi %mul3A_173, %add3A_174 : i32
        %add3A_176 = vector.broadcast %add3A_175 : i32 to vector<16xi32>
        %add3A_177 = arith.addi %iota3A, %add3A_176 : vector<16xi32>
        %gather3A = tpu.vector_load_idx %arg11[%add3A_177, %broadcast_in_dim3A_3] : memref<1280x8xf32, #tpu.memory_space<vmem>>[vector<16xi32>, vector<16xi32>], vector<16xf32>,
        %gather3A_178 = tpu.vector_load_idx %arg11[%add3A_177, %broadcast_in_dim3A_5] : memref<1280x8xf32, #tpu.memory_space<vmem>>[vector<16xi32>, vector<16xi32>], vector<16xf32>,
        %gather3A_179 = tpu.vector_load_idx %arg11[%add3A_177, %broadcast_in_dim3A_7] : memref<1280x8xf32, #tpu.memory_space<vmem>>[vector<16xi32>, vector<16xi32>], vector<16xf32>,
        %gather3A_180 = tpu.vector_load_idx %arg11[%add3A_177, %broadcast_in_dim3A_9] : memref<1280x8xf32, #tpu.memory_space<vmem>>[vector<16xi32>, vector<16xi32>], vector<16xf32>,
        %gather3A_181 = tpu.vector_load_idx %arg11[%add3A_177, %broadcast_in_dim3A_11] : memref<1280x8xf32, #tpu.memory_space<vmem>>[vector<16xi32>, vector<16xi32>], vector<16xf32>,
        %gather3A_182 = tpu.vector_load_idx %arg11[%add3A_177, %broadcast_in_dim3A_13] : memref<1280x8xf32, #tpu.memory_space<vmem>>[vector<16xi32>, vector<16xi32>], vector<16xf32>,
        %gather3A_183 = tpu.vector_load_idx %arg11[%add3A_177, %broadcast_in_dim3A_15] : memref<1280x8xf32, #tpu.memory_space<vmem>>[vector<16xi32>, vector<16xi32>], vector<16xf32>,
        %gather3A_184 = tpu.vector_load_idx %arg11[%add3A_177, %broadcast_in_dim3A_17] : memref<1280x8xf32, #tpu.memory_space<vmem>>[vector<16xi32>, vector<16xi32>], vector<16xf32>,
        %mul3A_185 = arith.constant 128 : i32
        %mul3A_186 = arith.muli %scan3A_170, %mul3A_185 : i32
        %mul3A_187 = arith.constant 8 : i32
        %mul3A_188 = arith.muli %mul3A_186, %mul3A_187 : i32
        %add3A_189 = arith.constant 0 : i32
        %add3A_190 = arith.addi %mul3A_188, %add3A_189 : i32
        %add3A_191 = arith.constant 0 : i32
        %add3A_192 = arith.addi %add3A_190, %add3A_191 : i32
        %swap3A = arith.index_cast %add3A_192 : i32 to index
        %swap3A_193 = tpu.vector_load %arg15[%swap3A] {strides = array<i32>} : memref<10240xf32, #tpu.memory_space<vmem>>, vector<16xf32>,
        tpu.vector_store %arg15[%swap3A], %gather3A {strides = array<i32>} : memref<10240xf32, #tpu.memory_space<vmem>>, vector<16xf32>,
        %mul3A_194 = arith.constant 128 : i32
        %mul3A_195 = arith.muli %scan3A_170, %mul3A_194 : i32
        %mul3A_196 = arith.constant 8 : i32
        %mul3A_197 = arith.muli %mul3A_195, %mul3A_196 : i32
        %add3A_198 = arith.constant 128 : i32
        %add3A_199 = arith.addi %mul3A_197, %add3A_198 : i32
        %add3A_200 = arith.constant 0 : i32
        %add3A_201 = arith.addi %add3A_199, %add3A_200 : i32
        %swap3A_202 = arith.index_cast %add3A_201 : i32 to index
        %swap3A_203 = tpu.vector_load %arg15[%swap3A_202] {strides = array<i32>} : memref<10240xf32, #tpu.memory_space<vmem>>, vector<16xf32>,
        tpu.vector_store %arg15[%swap3A_202], %gather3A_178 {strides = array<i32>} : memref<10240xf32, #tpu.memory_space<vmem>>, vector<16xf32>,
        %mul3A_204 = arith.constant 128 : i32
        %mul3A_205 = arith.muli %scan3A_170, %mul3A_204 : i32
        %mul3A_206 = arith.constant 8 : i32
        %mul3A_207 = arith.muli %mul3A_205, %mul3A_206 : i32
        %add3A_208 = arith.constant 256 : i32
        %add3A_209 = arith.addi %mul3A_207, %add3A_208 : i32
        %add3A_210 = arith.constant 0 : i32
        %add3A_211 = arith.addi %add3A_209, %add3A_210 : i32
        %swap3A_212 = arith.index_cast %add3A_211 : i32 to index
        %swap3A_213 = tpu.vector_load %arg15[%swap3A_212] {strides = array<i32>} : memref<10240xf32, #tpu.memory_space<vmem>>, vector<16xf32>,
        tpu.vector_store %arg15[%swap3A_212], %gather3A_179 {strides = array<i32>} : memref<10240xf32, #tpu.memory_space<vmem>>, vector<16xf32>,
        %mul3A_214 = arith.constant 128 : i32
        %mul3A_215 = arith.muli %scan3A_170, %mul3A_214 : i32
        %mul3A_216 = arith.constant 8 : i32
        %mul3A_217 = arith.muli %mul3A_215, %mul3A_216 : i32
        %add3A_218 = arith.constant 384 : i32
        %add3A_219 = arith.addi %mul3A_217, %add3A_218 : i32
        %add3A_220 = arith.constant 0 : i32
        %add3A_221 = arith.addi %add3A_219, %add3A_220 : i32
        %swap3A_222 = arith.index_cast %add3A_221 : i32 to index
        %swap3A_223 = tpu.vector_load %arg15[%swap3A_222] {strides = array<i32>} : memref<10240xf32, #tpu.memory_space<vmem>>, vector<16xf32>,
        tpu.vector_store %arg15[%swap3A_222], %gather3A_180 {strides = array<i32>} : memref<10240xf32, #tpu.memory_space<vmem>>, vector<16xf32>,
        %mul3A_224 = arith.constant 128 : i32
        %mul3A_225 = arith.muli %scan3A_170, %mul3A_224 : i32
        %mul3A_226 = arith.constant 8 : i32
        %mul3A_227 = arith.muli %mul3A_225, %mul3A_226 : i32
        %add3A_228 = arith.constant 512 : i32
        %add3A_229 = arith.addi %mul3A_227, %add3A_228 : i32
        %add3A_230 = arith.constant 0 : i32
        %add3A_231 = arith.addi %add3A_229, %add3A_230 : i32
        %swap3A_232 = arith.index_cast %add3A_231 : i32 to index
        %swap3A_233 = tpu.vector_load %arg15[%swap3A_232] {strides = array<i32>} : memref<10240xf32, #tpu.memory_space<vmem>>, vector<16xf32>,
        tpu.vector_store %arg15[%swap3A_232], %gather3A_181 {strides = array<i32>} : memref<10240xf32, #tpu.memory_space<vmem>>, vector<16xf32>,
        %mul3A_234 = arith.constant 128 : i32
        %mul3A_235 = arith.muli %scan3A_170, %mul3A_234 : i32
        %mul3A_236 = arith.constant 8 : i32
        %mul3A_237 = arith.muli %mul3A_235, %mul3A_236 : i32
        %add3A_238 = arith.constant 640 : i32
        %add3A_239 = arith.addi %mul3A_237, %add3A_238 : i32
        %add3A_240 = arith.constant 0 : i32
        %add3A_241 = arith.addi %add3A_239, %add3A_240 : i32
        %swap3A_242 = arith.index_cast %add3A_241 : i32 to index
        %swap3A_243 = tpu.vector_load %arg15[%swap3A_242] {strides = array<i32>} : memref<10240xf32, #tpu.memory_space<vmem>>, vector<16xf32>,
        tpu.vector_store %arg15[%swap3A_242], %gather3A_182 {strides = array<i32>} : memref<10240xf32, #tpu.memory_space<vmem>>, vector<16xf32>,
        %mul3A_244 = arith.constant 128 : i32
        %mul3A_245 = arith.muli %scan3A_170, %mul3A_244 : i32
        %mul3A_246 = arith.constant 8 : i32
        %mul3A_247 = arith.muli %mul3A_245, %mul3A_246 : i32
        %add3A_248 = arith.constant 768 : i32
        %add3A_249 = arith.addi %mul3A_247, %add3A_248 : i32
        %add3A_250 = arith.constant 0 : i32
        %add3A_251 = arith.addi %add3A_249, %add3A_250 : i32
        %swap3A_252 = arith.index_cast %add3A_251 : i32 to index
        %swap3A_253 = tpu.vector_load %arg15[%swap3A_252] {strides = array<i32>} : memref<10240xf32, #tpu.memory_space<vmem>>, vector<16xf32>,
        tpu.vector_store %arg15[%swap3A_252], %gather3A_183 {strides = array<i32>} : memref<10240xf32, #tpu.memory_space<vmem>>, vector<16xf32>,
        %mul3A_254 = arith.constant 128 : i32
        %mul3A_255 = arith.muli %scan3A_170, %mul3A_254 : i32
        %mul3A_256 = arith.constant 8 : i32
        %mul3A_257 = arith.muli %mul3A_255, %mul3A_256 : i32
        %add3A_258 = arith.constant 896 : i32
        %add3A_259 = arith.addi %mul3A_257, %add3A_258 : i32
        %add3A_260 = arith.constant 0 : i32
        %add3A_261 = arith.addi %add3A_259, %add3A_260 : i32
        %swap3A_262 = arith.index_cast %add3A_261 : i32 to index
        %swap3A_263 = tpu.vector_load %arg15[%swap3A_262] {strides = array<i32>} : memref<10240xf32, #tpu.memory_space<vmem>>, vector<16xf32>,
        tpu.vector_store %arg15[%swap3A_262], %gather3A_184 {strides = array<i32>} : memref<10240xf32, #tpu.memory_space<vmem>>, vector<16xf32>,
        %mul3A_264 = arith.constant 128 : i32
        %mul3A_265 = arith.muli %scan3A_170, %mul3A_264 : i32
        %add3A_266 = arith.constant 16 : i32
        %add3A_267 = arith.addi %mul3A_265, %add3A_266 : i32
        %add3A_268 = vector.broadcast %add3A_267 : i32 to vector<16xi32>
        %add3A_269 = arith.addi %iota3A, %add3A_268 : vector<16xi32>
        %gather3A_270 = tpu.vector_load_idx %arg11[%add3A_269, %broadcast_in_dim3A_3] : memref<1280x8xf32, #tpu.memory_space<vmem>>[vector<16xi32>, vector<16xi32>], vector<16xf32>,
        %gather3A_271 = tpu.vector_load_idx %arg11[%add3A_269, %broadcast_in_dim3A_5] : memref<1280x8xf32, #tpu.memory_space<vmem>>[vector<16xi32>, vector<16xi32>], vector<16xf32>,
        %gather3A_272 = tpu.vector_load_idx %arg11[%add3A_269, %broadcast_in_dim3A_7] : memref<1280x8xf32, #tpu.memory_space<vmem>>[vector<16xi32>, vector<16xi32>], vector<16xf32>,
        %gather3A_273 = tpu.vector_load_idx %arg11[%add3A_269, %broadcast_in_dim3A_9] : memref<1280x8xf32, #tpu.memory_space<vmem>>[vector<16xi32>, vector<16xi32>], vector<16xf32>,
        %gather3A_274 = tpu.vector_load_idx %arg11[%add3A_269, %broadcast_in_dim3A_11] : memref<1280x8xf32, #tpu.memory_space<vmem>>[vector<16xi32>, vector<16xi32>], vector<16xf32>,
        %gather3A_275 = tpu.vector_load_idx %arg11[%add3A_269, %broadcast_in_dim3A_13] : memref<1280x8xf32, #tpu.memory_space<vmem>>[vector<16xi32>, vector<16xi32>], vector<16xf32>,
        %gather3A_276 = tpu.vector_load_idx %arg11[%add3A_269, %broadcast_in_dim3A_15] : memref<1280x8xf32, #tpu.memory_space<vmem>>[vector<16xi32>, vector<16xi32>], vector<16xf32>,
        %gather3A_277 = tpu.vector_load_idx %arg11[%add3A_269, %broadcast_in_dim3A_17] : memref<1280x8xf32, #tpu.memory_space<vmem>>[vector<16xi32>, vector<16xi32>], vector<16xf32>,
        %mul3A_278 = arith.constant 128 : i32
        %mul3A_279 = arith.muli %scan3A_170, %mul3A_278 : i32
        %mul3A_280 = arith.constant 8 : i32
        %mul3A_281 = arith.muli %mul3A_279, %mul3A_280 : i32
        %add3A_282 = arith.constant 0 : i32
        %add3A_283 = arith.addi %mul3A_281, %add3A_282 : i32
        %add3A_284 = arith.constant 16 : i32
        %add3A_285 = arith.addi %add3A_283, %add3A_284 : i32
        %swap3A_286 = arith.index_cast %add3A_285 : i32 to index
        %swap3A_287 = tpu.vector_load %arg15[%swap3A_286] {strides = array<i32>} : memref<10240xf32, #tpu.memory_space<vmem>>, vector<16xf32>,
        tpu.vector_store %arg15[%swap3A_286], %gather3A_270 {strides = array<i32>} : memref<10240xf32, #tpu.memory_space<vmem>>, vector<16xf32>,
        %mul3A_288 = arith.constant 128 : i32
        %mul3A_289 = arith.muli %scan3A_170, %mul3A_288 : i32
        %mul3A_290 = arith.constant 8 : i32
        %mul3A_291 = arith.muli %mul3A_289, %mul3A_290 : i32
        %add3A_292 = arith.constant 128 : i32
        %add3A_293 = arith.addi %mul3A_291, %add3A_292 : i32
        %add3A_294 = arith.constant 16 : i32
        %add3A_295 = arith.addi %add3A_293, %add3A_294 : i32
        %swap3A_296 = arith.index_cast %add3A_295 : i32 to index
        %swap3A_297 = tpu.vector_load %arg15[%swap3A_296] {strides = array<i32>} : memref<10240xf32, #tpu.memory_space<vmem>>, vector<16xf32>,
        tpu.vector_store %arg15[%swap3A_296], %gather3A_271 {strides = array<i32>} : memref<10240xf32, #tpu.memory_space<vmem>>, vector<16xf32>,
        %mul3A_298 = arith.constant 128 : i32
        %mul3A_299 = arith.muli %scan3A_170, %mul3A_298 : i32
        %mul3A_300 = arith.constant 8 : i32
        %mul3A_301 = arith.muli %mul3A_299, %mul3A_300 : i32
        %add3A_302 = arith.constant 256 : i32
        %add3A_303 = arith.addi %mul3A_301, %add3A_302 : i32
        %add3A_304 = arith.constant 16 : i32
        %add3A_305 = arith.addi %add3A_303, %add3A_304 : i32
        %swap3A_306 = arith.index_cast %add3A_305 : i32 to index
        %swap3A_307 = tpu.vector_load %arg15[%swap3A_306] {strides = array<i32>} : memref<10240xf32, #tpu.memory_space<vmem>>, vector<16xf32>,
        tpu.vector_store %arg15[%swap3A_306], %gather3A_272 {strides = array<i32>} : memref<10240xf32, #tpu.memory_space<vmem>>, vector<16xf32>,
        %mul3A_308 = arith.constant 128 : i32
        %mul3A_309 = arith.muli %scan3A_170, %mul3A_308 : i32
        %mul3A_310 = arith.constant 8 : i32
        %mul3A_311 = arith.muli %mul3A_309, %mul3A_310 : i32
        %add3A_312 = arith.constant 384 : i32
        %add3A_313 = arith.addi %mul3A_311, %add3A_312 : i32
        %add3A_314 = arith.constant 16 : i32
        %add3A_315 = arith.addi %add3A_313, %add3A_314 : i32
        %swap3A_316 = arith.index_cast %add3A_315 : i32 to index
        %swap3A_317 = tpu.vector_load %arg15[%swap3A_316] {strides = array<i32>} : memref<10240xf32, #tpu.memory_space<vmem>>, vector<16xf32>,
        tpu.vector_store %arg15[%swap3A_316], %gather3A_273 {strides = array<i32>} : memref<10240xf32, #tpu.memory_space<vmem>>, vector<16xf32>,
        %mul3A_318 = arith.constant 128 : i32
        %mul3A_319 = arith.muli %scan3A_170, %mul3A_318 : i32
        %mul3A_320 = arith.constant 8 : i32
        %mul3A_321 = arith.muli %mul3A_319, %mul3A_320 : i32
        %add3A_322 = arith.constant 512 : i32
        %add3A_323 = arith.addi %mul3A_321, %add3A_322 : i32
        %add3A_324 = arith.constant 16 : i32
        %add3A_325 = arith.addi %add3A_323, %add3A_324 : i32
        %swap3A_326 = arith.index_cast %add3A_325 : i32 to index
        %swap3A_327 = tpu.vector_load %arg15[%swap3A_326] {strides = array<i32>} : memref<10240xf32, #tpu.memory_space<vmem>>, vector<16xf32>,
        tpu.vector_store %arg15[%swap3A_326], %gather3A_274 {strides = array<i32>} : memref<10240xf32, #tpu.memory_space<vmem>>, vector<16xf32>,
        %mul3A_328 = arith.constant 128 : i32
        %mul3A_329 = arith.muli %scan3A_170, %mul3A_328 : i32
        %mul3A_330 = arith.constant 8 : i32
        %mul3A_331 = arith.muli %mul3A_329, %mul3A_330 : i32
        %add3A_332 = arith.constant 640 : i32
        %add3A_333 = arith.addi %mul3A_331, %add3A_332 : i32
        %add3A_334 = arith.constant 16 : i32
        %add3A_335 = arith.addi %add3A_333, %add3A_334 : i32
        %swap3A_336 = arith.index_cast %add3A_335 : i32 to index
        %swap3A_337 = tpu.vector_load %arg15[%swap3A_336] {strides = array<i32>} : memref<10240xf32, #tpu.memory_space<vmem>>, vector<16xf32>,
        tpu.vector_store %arg15[%swap3A_336], %gather3A_275 {strides = array<i32>} : memref<10240xf32, #tpu.memory_space<vmem>>, vector<16xf32>,
        %mul3A_338 = arith.constant 128 : i32
        %mul3A_339 = arith.muli %scan3A_170, %mul3A_338 : i32
        %mul3A_340 = arith.constant 8 : i32
        %mul3A_341 = arith.muli %mul3A_339, %mul3A_340 : i32
        %add3A_342 = arith.constant 768 : i32
        %add3A_343 = arith.addi %mul3A_341, %add3A_342 : i32
        %add3A_344 = arith.constant 16 : i32
        %add3A_345 = arith.addi %add3A_343, %add3A_344 : i32
        %swap3A_346 = arith.index_cast %add3A_345 : i32 to index
        %swap3A_347 = tpu.vector_load %arg15[%swap3A_346] {strides = array<i32>} : memref<10240xf32, #tpu.memory_space<vmem>>, vector<16xf32>,
        tpu.vector_store %arg15[%swap3A_346], %gather3A_276 {strides = array<i32>} : memref<10240xf32, #tpu.memory_space<vmem>>, vector<16xf32>,
        %mul3A_348 = arith.constant 128 : i32
        %mul3A_349 = arith.muli %scan3A_170, %mul3A_348 : i32
        %mul3A_350 = arith.constant 8 : i32
        %mul3A_351 = arith.muli %mul3A_349, %mul3A_350 : i32
        %add3A_352 = arith.constant 896 : i32
        %add3A_353 = arith.addi %mul3A_351, %add3A_352 : i32
        %add3A_354 = arith.constant 16 : i32
        %add3A_355 = arith.addi %add3A_353, %add3A_354 : i32
        %swap3A_356 = arith.index_cast %add3A_355 : i32 to index
        %swap3A_357 = tpu.vector_load %arg15[%swap3A_356] {strides = array<i32>} : memref<10240xf32, #tpu.memory_space<vmem>>, vector<16xf32>,
        tpu.vector_store %arg15[%swap3A_356], %gather3A_277 {strides = array<i32>} : memref<10240xf32, #tpu.memory_space<vmem>>, vector<16xf32>,
        %mul3A_358 = arith.constant 128 : i32
        %mul3A_359 = arith.muli %scan3A_170, %mul3A_358 : i32
        %add3A_360 = arith.constant 32 : i32
        %add3A_361 = arith.addi %mul3A_359, %add3A_360 : i32
        %add3A_362 = vector.broadcast %add3A_361 : i32 to vector<16xi32>
        %add3A_363 = arith.addi %iota3A, %add3A_362 : vector<16xi32>
        %gather3A_364 = tpu.vector_load_idx %arg11[%add3A_363, %broadcast_in_dim3A_3] : memref<1280x8xf32, #tpu.memory_space<vmem>>[vector<16xi32>, vector<16xi32>], vector<16xf32>,
        %gather3A_365 = tpu.vector_load_idx %arg11[%add3A_363, %broadcast_in_dim3A_5] : memref<1280x8xf32, #tpu.memory_space<vmem>>[vector<16xi32>, vector<16xi32>], vector<16xf32>,
        %gather3A_366 = tpu.vector_load_idx %arg11[%add3A_363, %broadcast_in_dim3A_7] : memref<1280x8xf32, #tpu.memory_space<vmem>>[vector<16xi32>, vector<16xi32>], vector<16xf32>,
        %gather3A_367 = tpu.vector_load_idx %arg11[%add3A_363, %broadcast_in_dim3A_9] : memref<1280x8xf32, #tpu.memory_space<vmem>>[vector<16xi32>, vector<16xi32>], vector<16xf32>,
        %gather3A_368 = tpu.vector_load_idx %arg11[%add3A_363, %broadcast_in_dim3A_11] : memref<1280x8xf32, #tpu.memory_space<vmem>>[vector<16xi32>, vector<16xi32>], vector<16xf32>,
        %gather3A_369 = tpu.vector_load_idx %arg11[%add3A_363, %broadcast_in_dim3A_13] : memref<1280x8xf32, #tpu.memory_space<vmem>>[vector<16xi32>, vector<16xi32>], vector<16xf32>,
        %gather3A_370 = tpu.vector_load_idx %arg11[%add3A_363, %broadcast_in_dim3A_15] : memref<1280x8xf32, #tpu.memory_space<vmem>>[vector<16xi32>, vector<16xi32>], vector<16xf32>,
        %gather3A_371 = tpu.vector_load_idx %arg11[%add3A_363, %broadcast_in_dim3A_17] : memref<1280x8xf32, #tpu.memory_space<vmem>>[vector<16xi32>, vector<16xi32>], vector<16xf32>,
        %mul3A_372 = arith.constant 128 : i32
        %mul3A_373 = arith.muli %scan3A_170, %mul3A_372 : i32
        %mul3A_374 = arith.constant 8 : i32
        %mul3A_375 = arith.muli %mul3A_373, %mul3A_374 : i32
        %add3A_376 = arith.constant 0 : i32
        %add3A_377 = arith.addi %mul3A_375, %add3A_376 : i32
        %add3A_378 = arith.constant 32 : i32
        %add3A_379 = arith.addi %add3A_377, %add3A_378 : i32
        %swap3A_380 = arith.index_cast %add3A_379 : i32 to index
        %swap3A_381 = tpu.vector_load %arg15[%swap3A_380] {strides = array<i32>} : memref<10240xf32, #tpu.memory_space<vmem>>, vector<16xf32>,
        tpu.vector_store %arg15[%swap3A_380], %gather3A_364 {strides = array<i32>} : memref<10240xf32, #tpu.memory_space<vmem>>, vector<16xf32>,
        %mul3A_382 = arith.constant 128 : i32
        %mul3A_383 = arith.muli %scan3A_170, %mul3A_382 : i32
        %mul3A_384 = arith.constant 8 : i32
        %mul3A_385 = arith.muli %mul3A_383, %mul3A_384 : i32
        %add3A_386 = arith.constant 128 : i32
        %add3A_387 = arith.addi %mul3A_385, %add3A_386 : i32
        %add3A_388 = arith.constant 32 : i32
        %add3A_389 = arith.addi %add3A_387, %add3A_388 : i32
        %swap3A_390 = arith.index_cast %add3A_389 : i32 to index
        %swap3A_391 = tpu.vector_load %arg15[%swap3A_390] {strides = array<i32>} : memref<10240xf32, #tpu.memory_space<vmem>>, vector<16xf32>,
        tpu.vector_store %arg15[%swap3A_390], %gather3A_365 {strides = array<i32>} : memref<10240xf32, #tpu.memory_space<vmem>>, vector<16xf32>,
        %mul3A_392 = arith.constant 128 : i32
        %mul3A_393 = arith.muli %scan3A_170, %mul3A_392 : i32
        %mul3A_394 = arith.constant 8 : i32
        %mul3A_395 = arith.muli %mul3A_393, %mul3A_394 : i32
        %add3A_396 = arith.constant 256 : i32
        %add3A_397 = arith.addi %mul3A_395, %add3A_396 : i32
        %add3A_398 = arith.constant 32 : i32
        %add3A_399 = arith.addi %add3A_397, %add3A_398 : i32
        %swap3A_400 = arith.index_cast %add3A_399 : i32 to index
        %swap3A_401 = tpu.vector_load %arg15[%swap3A_400] {strides = array<i32>} : memref<10240xf32, #tpu.memory_space<vmem>>, vector<16xf32>,
        tpu.vector_store %arg15[%swap3A_400], %gather3A_366 {strides = array<i32>} : memref<10240xf32, #tpu.memory_space<vmem>>, vector<16xf32>,
        %mul3A_402 = arith.constant 128 : i32
        %mul3A_403 = arith.muli %scan3A_170, %mul3A_402 : i32
        %mul3A_404 = arith.constant 8 : i32
        %mul3A_405 = arith.muli %mul3A_403, %mul3A_404 : i32
        %add3A_406 = arith.constant 384 : i32
        %add3A_407 = arith.addi %mul3A_405, %add3A_406 : i32
        %add3A_408 = arith.constant 32 : i32
        %add3A_409 = arith.addi %add3A_407, %add3A_408 : i32
        %swap3A_410 = arith.index_cast %add3A_409 : i32 to index
        %swap3A_411 = tpu.vector_load %arg15[%swap3A_410] {strides = array<i32>} : memref<10240xf32, #tpu.memory_space<vmem>>, vector<16xf32>,
        tpu.vector_store %arg15[%swap3A_410], %gather3A_367 {strides = array<i32>} : memref<10240xf32, #tpu.memory_space<vmem>>, vector<16xf32>,
        %mul3A_412 = arith.constant 128 : i32
        %mul3A_413 = arith.muli %scan3A_170, %mul3A_412 : i32
        %mul3A_414 = arith.constant 8 : i32
        %mul3A_415 = arith.muli %mul3A_413, %mul3A_414 : i32
        %add3A_416 = arith.constant 512 : i32
        %add3A_417 = arith.addi %mul3A_415, %add3A_416 : i32
        %add3A_418 = arith.constant 32 : i32
        %add3A_419 = arith.addi %add3A_417, %add3A_418 : i32
        %swap3A_420 = arith.index_cast %add3A_419 : i32 to index
        %swap3A_421 = tpu.vector_load %arg15[%swap3A_420] {strides = array<i32>} : memref<10240xf32, #tpu.memory_space<vmem>>, vector<16xf32>,
        tpu.vector_store %arg15[%swap3A_420], %gather3A_368 {strides = array<i32>} : memref<10240xf32, #tpu.memory_space<vmem>>, vector<16xf32>,
        %mul3A_422 = arith.constant 128 : i32
        %mul3A_423 = arith.muli %scan3A_170, %mul3A_422 : i32
        %mul3A_424 = arith.constant 8 : i32
        %mul3A_425 = arith.muli %mul3A_423, %mul3A_424 : i32
        %add3A_426 = arith.constant 640 : i32
        %add3A_427 = arith.addi %mul3A_425, %add3A_426 : i32
        %add3A_428 = arith.constant 32 : i32
        %add3A_429 = arith.addi %add3A_427, %add3A_428 : i32
        %swap3A_430 = arith.index_cast %add3A_429 : i32 to index
        %swap3A_431 = tpu.vector_load %arg15[%swap3A_430] {strides = array<i32>} : memref<10240xf32, #tpu.memory_space<vmem>>, vector<16xf32>,
        tpu.vector_store %arg15[%swap3A_430], %gather3A_369 {strides = array<i32>} : memref<10240xf32, #tpu.memory_space<vmem>>, vector<16xf32>,
        %mul3A_432 = arith.constant 128 : i32
        %mul3A_433 = arith.muli %scan3A_170, %mul3A_432 : i32
        %mul3A_434 = arith.constant 8 : i32
        %mul3A_435 = arith.muli %mul3A_433, %mul3A_434 : i32
        %add3A_436 = arith.constant 768 : i32
        %add3A_437 = arith.addi %mul3A_435, %add3A_436 : i32
        %add3A_438 = arith.constant 32 : i32
        %add3A_439 = arith.addi %add3A_437, %add3A_438 : i32
        %swap3A_440 = arith.index_cast %add3A_439 : i32 to index
        %swap3A_441 = tpu.vector_load %arg15[%swap3A_440] {strides = array<i32>} : memref<10240xf32, #tpu.memory_space<vmem>>, vector<16xf32>,
        tpu.vector_store %arg15[%swap3A_440], %gather3A_370 {strides = array<i32>} : memref<10240xf32, #tpu.memory_space<vmem>>, vector<16xf32>,
        %mul3A_442 = arith.constant 128 : i32
        %mul3A_443 = arith.muli %scan3A_170, %mul3A_442 : i32
        %mul3A_444 = arith.constant 8 : i32
        %mul3A_445 = arith.muli %mul3A_443, %mul3A_444 : i32
        %add3A_446 = arith.constant 896 : i32
        %add3A_447 = arith.addi %mul3A_445, %add3A_446 : i32
        %add3A_448 = arith.constant 32 : i32
        %add3A_449 = arith.addi %add3A_447, %add3A_448 : i32
        %swap3A_450 = arith.index_cast %add3A_449 : i32 to index
        %swap3A_451 = tpu.vector_load %arg15[%swap3A_450] {strides = array<i32>} : memref<10240xf32, #tpu.memory_space<vmem>>, vector<16xf32>,
        tpu.vector_store %arg15[%swap3A_450], %gather3A_371 {strides = array<i32>} : memref<10240xf32, #tpu.memory_space<vmem>>, vector<16xf32>,
        %mul3A_452 = arith.constant 128 : i32
        %mul3A_453 = arith.muli %scan3A_170, %mul3A_452 : i32
        %add3A_454 = arith.constant 48 : i32
        %add3A_455 = arith.addi %mul3A_453, %add3A_454 : i32
        %add3A_456 = vector.broadcast %add3A_455 : i32 to vector<16xi32>
        %add3A_457 = arith.addi %iota3A, %add3A_456 : vector<16xi32>
        %gather3A_458 = tpu.vector_load_idx %arg11[%add3A_457, %broadcast_in_dim3A_3] : memref<1280x8xf32, #tpu.memory_space<vmem>>[vector<16xi32>, vector<16xi32>], vector<16xf32>,
        %gather3A_459 = tpu.vector_load_idx %arg11[%add3A_457, %broadcast_in_dim3A_5] : memref<1280x8xf32, #tpu.memory_space<vmem>>[vector<16xi32>, vector<16xi32>], vector<16xf32>,
        %gather3A_460 = tpu.vector_load_idx %arg11[%add3A_457, %broadcast_in_dim3A_7] : memref<1280x8xf32, #tpu.memory_space<vmem>>[vector<16xi32>, vector<16xi32>], vector<16xf32>,
        %gather3A_461 = tpu.vector_load_idx %arg11[%add3A_457, %broadcast_in_dim3A_9] : memref<1280x8xf32, #tpu.memory_space<vmem>>[vector<16xi32>, vector<16xi32>], vector<16xf32>,
        %gather3A_462 = tpu.vector_load_idx %arg11[%add3A_457, %broadcast_in_dim3A_11] : memref<1280x8xf32, #tpu.memory_space<vmem>>[vector<16xi32>, vector<16xi32>], vector<16xf32>,
        %gather3A_463 = tpu.vector_load_idx %arg11[%add3A_457, %broadcast_in_dim3A_13] : memref<1280x8xf32, #tpu.memory_space<vmem>>[vector<16xi32>, vector<16xi32>], vector<16xf32>,
        %gather3A_464 = tpu.vector_load_idx %arg11[%add3A_457, %broadcast_in_dim3A_15] : memref<1280x8xf32, #tpu.memory_space<vmem>>[vector<16xi32>, vector<16xi32>], vector<16xf32>,
        %gather3A_465 = tpu.vector_load_idx %arg11[%add3A_457, %broadcast_in_dim3A_17] : memref<1280x8xf32, #tpu.memory_space<vmem>>[vector<16xi32>, vector<16xi32>], vector<16xf32>,
        %mul3A_466 = arith.constant 128 : i32
        %mul3A_467 = arith.muli %scan3A_170, %mul3A_466 : i32
        %mul3A_468 = arith.constant 8 : i32
        %mul3A_469 = arith.muli %mul3A_467, %mul3A_468 : i32
        %add3A_470 = arith.constant 0 : i32
        %add3A_471 = arith.addi %mul3A_469, %add3A_470 : i32
        %add3A_472 = arith.constant 48 : i32
        %add3A_473 = arith.addi %add3A_471, %add3A_472 : i32
        %swap3A_474 = arith.index_cast %add3A_473 : i32 to index
        %swap3A_475 = tpu.vector_load %arg15[%swap3A_474] {strides = array<i32>} : memref<10240xf32, #tpu.memory_space<vmem>>, vector<16xf32>,
        tpu.vector_store %arg15[%swap3A_474], %gather3A_458 {strides = array<i32>} : memref<10240xf32, #tpu.memory_space<vmem>>, vector<16xf32>,
        %mul3A_476 = arith.constant 128 : i32
        %mul3A_477 = arith.muli %scan3A_170, %mul3A_476 : i32
        %mul3A_478 = arith.constant 8 : i32
        %mul3A_479 = arith.muli %mul3A_477, %mul3A_478 : i32
        %add3A_480 = arith.constant 128 : i32
        %add3A_481 = arith.addi %mul3A_479, %add3A_480 : i32
        %add3A_482 = arith.constant 48 : i32
        %add3A_483 = arith.addi %add3A_481, %add3A_482 : i32
        %swap3A_484 = arith.index_cast %add3A_483 : i32 to index
        %swap3A_485 = tpu.vector_load %arg15[%swap3A_484] {strides = array<i32>} : memref<10240xf32, #tpu.memory_space<vmem>>, vector<16xf32>,
        tpu.vector_store %arg15[%swap3A_484], %gather3A_459 {strides = array<i32>} : memref<10240xf32, #tpu.memory_space<vmem>>, vector<16xf32>,
        %mul3A_486 = arith.constant 128 : i32
        %mul3A_487 = arith.muli %scan3A_170, %mul3A_486 : i32
        %mul3A_488 = arith.constant 8 : i32
        %mul3A_489 = arith.muli %mul3A_487, %mul3A_488 : i32
        %add3A_490 = arith.constant 256 : i32
        %add3A_491 = arith.addi %mul3A_489, %add3A_490 : i32
        %add3A_492 = arith.constant 48 : i32
        %add3A_493 = arith.addi %add3A_491, %add3A_492 : i32
        %swap3A_494 = arith.index_cast %add3A_493 : i32 to index
        %swap3A_495 = tpu.vector_load %arg15[%swap3A_494] {strides = array<i32>} : memref<10240xf32, #tpu.memory_space<vmem>>, vector<16xf32>,
        tpu.vector_store %arg15[%swap3A_494], %gather3A_460 {strides = array<i32>} : memref<10240xf32, #tpu.memory_space<vmem>>, vector<16xf32>,
        %mul3A_496 = arith.constant 128 : i32
        %mul3A_497 = arith.muli %scan3A_170, %mul3A_496 : i32
        %mul3A_498 = arith.constant 8 : i32
        %mul3A_499 = arith.muli %mul3A_497, %mul3A_498 : i32
        %add3A_500 = arith.constant 384 : i32
        %add3A_501 = arith.addi %mul3A_499, %add3A_500 : i32
        %add3A_502 = arith.constant 48 : i32
        %add3A_503 = arith.addi %add3A_501, %add3A_502 : i32
        %swap3A_504 = arith.index_cast %add3A_503 : i32 to index
        %swap3A_505 = tpu.vector_load %arg15[%swap3A_504] {strides = array<i32>} : memref<10240xf32, #tpu.memory_space<vmem>>, vector<16xf32>,
        tpu.vector_store %arg15[%swap3A_504], %gather3A_461 {strides = array<i32>} : memref<10240xf32, #tpu.memory_space<vmem>>, vector<16xf32>,
        %mul3A_506 = arith.constant 128 : i32
        %mul3A_507 = arith.muli %scan3A_170, %mul3A_506 : i32
        %mul3A_508 = arith.constant 8 : i32
        %mul3A_509 = arith.muli %mul3A_507, %mul3A_508 : i32
        %add3A_510 = arith.constant 512 : i32
        %add3A_511 = arith.addi %mul3A_509, %add3A_510 : i32
        %add3A_512 = arith.constant 48 : i32
        %add3A_513 = arith.addi %add3A_511, %add3A_512 : i32
        %swap3A_514 = arith.index_cast %add3A_513 : i32 to index
        %swap3A_515 = tpu.vector_load %arg15[%swap3A_514] {strides = array<i32>} : memref<10240xf32, #tpu.memory_space<vmem>>, vector<16xf32>,
        tpu.vector_store %arg15[%swap3A_514], %gather3A_462 {strides = array<i32>} : memref<10240xf32, #tpu.memory_space<vmem>>, vector<16xf32>,
        %mul3A_516 = arith.constant 128 : i32
        %mul3A_517 = arith.muli %scan3A_170, %mul3A_516 : i32
        %mul3A_518 = arith.constant 8 : i32
        %mul3A_519 = arith.muli %mul3A_517, %mul3A_518 : i32
        %add3A_520 = arith.constant 640 : i32
        %add3A_521 = arith.addi %mul3A_519, %add3A_520 : i32
        %add3A_522 = arith.constant 48 : i32
        %add3A_523 = arith.addi %add3A_521, %add3A_522 : i32
        %swap3A_524 = arith.index_cast %add3A_523 : i32 to index
        %swap3A_525 = tpu.vector_load %arg15[%swap3A_524] {strides = array<i32>} : memref<10240xf32, #tpu.memory_space<vmem>>, vector<16xf32>,
        tpu.vector_store %arg15[%swap3A_524], %gather3A_463 {strides = array<i32>} : memref<10240xf32, #tpu.memory_space<vmem>>, vector<16xf32>,
        %mul3A_526 = arith.constant 128 : i32
        %mul3A_527 = arith.muli %scan3A_170, %mul3A_526 : i32
        %mul3A_528 = arith.constant 8 : i32
        %mul3A_529 = arith.muli %mul3A_527, %mul3A_528 : i32
        %add3A_530 = arith.constant 768 : i32
        %add3A_531 = arith.addi %mul3A_529, %add3A_530 : i32
        %add3A_532 = arith.constant 48 : i32
        %add3A_533 = arith.addi %add3A_531, %add3A_532 : i32
        %swap3A_534 = arith.index_cast %add3A_533 : i32 to index
        %swap3A_535 = tpu.vector_load %arg15[%swap3A_534] {strides = array<i32>} : memref<10240xf32, #tpu.memory_space<vmem>>, vector<16xf32>,
        tpu.vector_store %arg15[%swap3A_534], %gather3A_464 {strides = array<i32>} : memref<10240xf32, #tpu.memory_space<vmem>>, vector<16xf32>,
        %mul3A_536 = arith.constant 128 : i32
        %mul3A_537 = arith.muli %scan3A_170, %mul3A_536 : i32
        %mul3A_538 = arith.constant 8 : i32
        %mul3A_539 = arith.muli %mul3A_537, %mul3A_538 : i32
        %add3A_540 = arith.constant 896 : i32
        %add3A_541 = arith.addi %mul3A_539, %add3A_540 : i32
        %add3A_542 = arith.constant 48 : i32
        %add3A_543 = arith.addi %add3A_541, %add3A_542 : i32
        %swap3A_544 = arith.index_cast %add3A_543 : i32 to index
        %swap3A_545 = tpu.vector_load %arg15[%swap3A_544] {strides = array<i32>} : memref<10240xf32, #tpu.memory_space<vmem>>, vector<16xf32>,
        tpu.vector_store %arg15[%swap3A_544], %gather3A_465 {strides = array<i32>} : memref<10240xf32, #tpu.memory_space<vmem>>, vector<16xf32>,
        %mul3A_546 = arith.constant 128 : i32
        %mul3A_547 = arith.muli %scan3A_170, %mul3A_546 : i32
        %add3A_548 = arith.constant 64 : i32
        %add3A_549 = arith.addi %mul3A_547, %add3A_548 : i32
        %add3A_550 = vector.broadcast %add3A_549 : i32 to vector<16xi32>
        %add3A_551 = arith.addi %iota3A, %add3A_550 : vector<16xi32>
        %gather3A_552 = tpu.vector_load_idx %arg11[%add3A_551, %broadcast_in_dim3A_3] : memref<1280x8xf32, #tpu.memory_space<vmem>>[vector<16xi32>, vector<16xi32>], vector<16xf32>,
        %gather3A_553 = tpu.vector_load_idx %arg11[%add3A_551, %broadcast_in_dim3A_5] : memref<1280x8xf32, #tpu.memory_space<vmem>>[vector<16xi32>, vector<16xi32>], vector<16xf32>,
        %gather3A_554 = tpu.vector_load_idx %arg11[%add3A_551, %broadcast_in_dim3A_7] : memref<1280x8xf32, #tpu.memory_space<vmem>>[vector<16xi32>, vector<16xi32>], vector<16xf32>,
        %gather3A_555 = tpu.vector_load_idx %arg11[%add3A_551, %broadcast_in_dim3A_9] : memref<1280x8xf32, #tpu.memory_space<vmem>>[vector<16xi32>, vector<16xi32>], vector<16xf32>,
        %gather3A_556 = tpu.vector_load_idx %arg11[%add3A_551, %broadcast_in_dim3A_11] : memref<1280x8xf32, #tpu.memory_space<vmem>>[vector<16xi32>, vector<16xi32>], vector<16xf32>,
        %gather3A_557 = tpu.vector_load_idx %arg11[%add3A_551, %broadcast_in_dim3A_13] : memref<1280x8xf32, #tpu.memory_space<vmem>>[vector<16xi32>, vector<16xi32>], vector<16xf32>,
        %gather3A_558 = tpu.vector_load_idx %arg11[%add3A_551, %broadcast_in_dim3A_15] : memref<1280x8xf32, #tpu.memory_space<vmem>>[vector<16xi32>, vector<16xi32>], vector<16xf32>,
        %gather3A_559 = tpu.vector_load_idx %arg11[%add3A_551, %broadcast_in_dim3A_17] : memref<1280x8xf32, #tpu.memory_space<vmem>>[vector<16xi32>, vector<16xi32>], vector<16xf32>,
        %mul3A_560 = arith.constant 128 : i32
        %mul3A_561 = arith.muli %scan3A_170, %mul3A_560 : i32
        %mul3A_562 = arith.constant 8 : i32
        %mul3A_563 = arith.muli %mul3A_561, %mul3A_562 : i32
        %add3A_564 = arith.constant 0 : i32
        %add3A_565 = arith.addi %mul3A_563, %add3A_564 : i32
        %add3A_566 = arith.constant 64 : i32
        %add3A_567 = arith.addi %add3A_565, %add3A_566 : i32
        %swap3A_568 = arith.index_cast %add3A_567 : i32 to index
        %swap3A_569 = tpu.vector_load %arg15[%swap3A_568] {strides = array<i32>} : memref<10240xf32, #tpu.memory_space<vmem>>, vector<16xf32>,
        tpu.vector_store %arg15[%swap3A_568], %gather3A_552 {strides = array<i32>} : memref<10240xf32, #tpu.memory_space<vmem>>, vector<16xf32>,
        %mul3A_570 = arith.constant 128 : i32
        %mul3A_571 = arith.muli %scan3A_170, %mul3A_570 : i32
        %mul3A_572 = arith.constant 8 : i32
        %mul3A_573 = arith.muli %mul3A_571, %mul3A_572 : i32
        %add3A_574 = arith.constant 128 : i32
        %add3A_575 = arith.addi %mul3A_573, %add3A_574 : i32
        %add3A_576 = arith.constant 64 : i32
        %add3A_577 = arith.addi %add3A_575, %add3A_576 : i32
        %swap3A_578 = arith.index_cast %add3A_577 : i32 to index
        %swap3A_579 = tpu.vector_load %arg15[%swap3A_578] {strides = array<i32>} : memref<10240xf32, #tpu.memory_space<vmem>>, vector<16xf32>,
        tpu.vector_store %arg15[%swap3A_578], %gather3A_553 {strides = array<i32>} : memref<10240xf32, #tpu.memory_space<vmem>>, vector<16xf32>,
        %mul3A_580 = arith.constant 128 : i32
        %mul3A_581 = arith.muli %scan3A_170, %mul3A_580 : i32
        %mul3A_582 = arith.constant 8 : i32
        %mul3A_583 = arith.muli %mul3A_581, %mul3A_582 : i32
        %add3A_584 = arith.constant 256 : i32
        %add3A_585 = arith.addi %mul3A_583, %add3A_584 : i32
        %add3A_586 = arith.constant 64 : i32
        %add3A_587 = arith.addi %add3A_585, %add3A_586 : i32
        %swap3A_588 = arith.index_cast %add3A_587 : i32 to index
        %swap3A_589 = tpu.vector_load %arg15[%swap3A_588] {strides = array<i32>} : memref<10240xf32, #tpu.memory_space<vmem>>, vector<16xf32>,
        tpu.vector_store %arg15[%swap3A_588], %gather3A_554 {strides = array<i32>} : memref<10240xf32, #tpu.memory_space<vmem>>, vector<16xf32>,
        %mul3A_590 = arith.constant 128 : i32
        %mul3A_591 = arith.muli %scan3A_170, %mul3A_590 : i32
        %mul3A_592 = arith.constant 8 : i32
        %mul3A_593 = arith.muli %mul3A_591, %mul3A_592 : i32
        %add3A_594 = arith.constant 384 : i32
        %add3A_595 = arith.addi %mul3A_593, %add3A_594 : i32
        %add3A_596 = arith.constant 64 : i32
        %add3A_597 = arith.addi %add3A_595, %add3A_596 : i32
        %swap3A_598 = arith.index_cast %add3A_597 : i32 to index
        %swap3A_599 = tpu.vector_load %arg15[%swap3A_598] {strides = array<i32>} : memref<10240xf32, #tpu.memory_space<vmem>>, vector<16xf32>,
        tpu.vector_store %arg15[%swap3A_598], %gather3A_555 {strides = array<i32>} : memref<10240xf32, #tpu.memory_space<vmem>>, vector<16xf32>,
        %mul3A_600 = arith.constant 128 : i32
        %mul3A_601 = arith.muli %scan3A_170, %mul3A_600 : i32
        %mul3A_602 = arith.constant 8 : i32
        %mul3A_603 = arith.muli %mul3A_601, %mul3A_602 : i32
        %add3A_604 = arith.constant 512 : i32
        %add3A_605 = arith.addi %mul3A_603, %add3A_604 : i32
        %add3A_606 = arith.constant 64 : i32
        %add3A_607 = arith.addi %add3A_605, %add3A_606 : i32
        %swap3A_608 = arith.index_cast %add3A_607 : i32 to index
        %swap3A_609 = tpu.vector_load %arg15[%swap3A_608] {strides = array<i32>} : memref<10240xf32, #tpu.memory_space<vmem>>, vector<16xf32>,
        tpu.vector_store %arg15[%swap3A_608], %gather3A_556 {strides = array<i32>} : memref<10240xf32, #tpu.memory_space<vmem>>, vector<16xf32>,
        %mul3A_610 = arith.constant 128 : i32
        %mul3A_611 = arith.muli %scan3A_170, %mul3A_610 : i32
        %mul3A_612 = arith.constant 8 : i32
        %mul3A_613 = arith.muli %mul3A_611, %mul3A_612 : i32
        %add3A_614 = arith.constant 640 : i32
        %add3A_615 = arith.addi %mul3A_613, %add3A_614 : i32
        %add3A_616 = arith.constant 64 : i32
        %add3A_617 = arith.addi %add3A_615, %add3A_616 : i32
        %swap3A_618 = arith.index_cast %add3A_617 : i32 to index
        %swap3A_619 = tpu.vector_load %arg15[%swap3A_618] {strides = array<i32>} : memref<10240xf32, #tpu.memory_space<vmem>>, vector<16xf32>,
        tpu.vector_store %arg15[%swap3A_618], %gather3A_557 {strides = array<i32>} : memref<10240xf32, #tpu.memory_space<vmem>>, vector<16xf32>,
        %mul3A_620 = arith.constant 128 : i32
        %mul3A_621 = arith.muli %scan3A_170, %mul3A_620 : i32
        %mul3A_622 = arith.constant 8 : i32
        %mul3A_623 = arith.muli %mul3A_621, %mul3A_622 : i32
        %add3A_624 = arith.constant 768 : i32
        %add3A_625 = arith.addi %mul3A_623, %add3A_624 : i32
        %add3A_626 = arith.constant 64 : i32
        %add3A_627 = arith.addi %add3A_625, %add3A_626 : i32
        %swap3A_628 = arith.index_cast %add3A_627 : i32 to index
        %swap3A_629 = tpu.vector_load %arg15[%swap3A_628] {strides = array<i32>} : memref<10240xf32, #tpu.memory_space<vmem>>, vector<16xf32>,
        tpu.vector_store %arg15[%swap3A_628], %gather3A_558 {strides = array<i32>} : memref<10240xf32, #tpu.memory_space<vmem>>, vector<16xf32>,
        %mul3A_630 = arith.constant 128 : i32
        %mul3A_631 = arith.muli %scan3A_170, %mul3A_630 : i32
        %mul3A_632 = arith.constant 8 : i32
        %mul3A_633 = arith.muli %mul3A_631, %mul3A_632 : i32
        %add3A_634 = arith.constant 896 : i32
        %add3A_635 = arith.addi %mul3A_633, %add3A_634 : i32
        %add3A_636 = arith.constant 64 : i32
        %add3A_637 = arith.addi %add3A_635, %add3A_636 : i32
        %swap3A_638 = arith.index_cast %add3A_637 : i32 to index
        %swap3A_639 = tpu.vector_load %arg15[%swap3A_638] {strides = array<i32>} : memref<10240xf32, #tpu.memory_space<vmem>>, vector<16xf32>,
        tpu.vector_store %arg15[%swap3A_638], %gather3A_559 {strides = array<i32>} : memref<10240xf32, #tpu.memory_space<vmem>>, vector<16xf32>,
        %mul3A_640 = arith.constant 128 : i32
        %mul3A_641 = arith.muli %scan3A_170, %mul3A_640 : i32
        %add3A_642 = arith.constant 80 : i32
        %add3A_643 = arith.addi %mul3A_641, %add3A_642 : i32
        %add3A_644 = vector.broadcast %add3A_643 : i32 to vector<16xi32>
        %add3A_645 = arith.addi %iota3A, %add3A_644 : vector<16xi32>
        %gather3A_646 = tpu.vector_load_idx %arg11[%add3A_645, %broadcast_in_dim3A_3] : memref<1280x8xf32, #tpu.memory_space<vmem>>[vector<16xi32>, vector<16xi32>], vector<16xf32>,
        %gather3A_647 = tpu.vector_load_idx %arg11[%add3A_645, %broadcast_in_dim3A_5] : memref<1280x8xf32, #tpu.memory_space<vmem>>[vector<16xi32>, vector<16xi32>], vector<16xf32>,
        %gather3A_648 = tpu.vector_load_idx %arg11[%add3A_645, %broadcast_in_dim3A_7] : memref<1280x8xf32, #tpu.memory_space<vmem>>[vector<16xi32>, vector<16xi32>], vector<16xf32>,
        %gather3A_649 = tpu.vector_load_idx %arg11[%add3A_645, %broadcast_in_dim3A_9] : memref<1280x8xf32, #tpu.memory_space<vmem>>[vector<16xi32>, vector<16xi32>], vector<16xf32>,
        %gather3A_650 = tpu.vector_load_idx %arg11[%add3A_645, %broadcast_in_dim3A_11] : memref<1280x8xf32, #tpu.memory_space<vmem>>[vector<16xi32>, vector<16xi32>], vector<16xf32>,
        %gather3A_651 = tpu.vector_load_idx %arg11[%add3A_645, %broadcast_in_dim3A_13] : memref<1280x8xf32, #tpu.memory_space<vmem>>[vector<16xi32>, vector<16xi32>], vector<16xf32>,
        %gather3A_652 = tpu.vector_load_idx %arg11[%add3A_645, %broadcast_in_dim3A_15] : memref<1280x8xf32, #tpu.memory_space<vmem>>[vector<16xi32>, vector<16xi32>], vector<16xf32>,
        %gather3A_653 = tpu.vector_load_idx %arg11[%add3A_645, %broadcast_in_dim3A_17] : memref<1280x8xf32, #tpu.memory_space<vmem>>[vector<16xi32>, vector<16xi32>], vector<16xf32>,
        %mul3A_654 = arith.constant 128 : i32
        %mul3A_655 = arith.muli %scan3A_170, %mul3A_654 : i32
        %mul3A_656 = arith.constant 8 : i32
        %mul3A_657 = arith.muli %mul3A_655, %mul3A_656 : i32
        %add3A_658 = arith.constant 0 : i32
        %add3A_659 = arith.addi %mul3A_657, %add3A_658 : i32
        %add3A_660 = arith.constant 80 : i32
        %add3A_661 = arith.addi %add3A_659, %add3A_660 : i32
        %swap3A_662 = arith.index_cast %add3A_661 : i32 to index
        %swap3A_663 = tpu.vector_load %arg15[%swap3A_662] {strides = array<i32>} : memref<10240xf32, #tpu.memory_space<vmem>>, vector<16xf32>,
        tpu.vector_store %arg15[%swap3A_662], %gather3A_646 {strides = array<i32>} : memref<10240xf32, #tpu.memory_space<vmem>>, vector<16xf32>,
        %mul3A_664 = arith.constant 128 : i32
        %mul3A_665 = arith.muli %scan3A_170, %mul3A_664 : i32
        %mul3A_666 = arith.constant 8 : i32
        %mul3A_667 = arith.muli %mul3A_665, %mul3A_666 : i32
        %add3A_668 = arith.constant 128 : i32
        %add3A_669 = arith.addi %mul3A_667, %add3A_668 : i32
        %add3A_670 = arith.constant 80 : i32
        %add3A_671 = arith.addi %add3A_669, %add3A_670 : i32
        %swap3A_672 = arith.index_cast %add3A_671 : i32 to index
        %swap3A_673 = tpu.vector_load %arg15[%swap3A_672] {strides = array<i32>} : memref<10240xf32, #tpu.memory_space<vmem>>, vector<16xf32>,
        tpu.vector_store %arg15[%swap3A_672], %gather3A_647 {strides = array<i32>} : memref<10240xf32, #tpu.memory_space<vmem>>, vector<16xf32>,
        %mul3A_674 = arith.constant 128 : i32
        %mul3A_675 = arith.muli %scan3A_170, %mul3A_674 : i32
        %mul3A_676 = arith.constant 8 : i32
        %mul3A_677 = arith.muli %mul3A_675, %mul3A_676 : i32
        %add3A_678 = arith.constant 256 : i32
        %add3A_679 = arith.addi %mul3A_677, %add3A_678 : i32
        %add3A_680 = arith.constant 80 : i32
        %add3A_681 = arith.addi %add3A_679, %add3A_680 : i32
        %swap3A_682 = arith.index_cast %add3A_681 : i32 to index
        %swap3A_683 = tpu.vector_load %arg15[%swap3A_682] {strides = array<i32>} : memref<10240xf32, #tpu.memory_space<vmem>>, vector<16xf32>,
        tpu.vector_store %arg15[%swap3A_682], %gather3A_648 {strides = array<i32>} : memref<10240xf32, #tpu.memory_space<vmem>>, vector<16xf32>,
        %mul3A_684 = arith.constant 128 : i32
        %mul3A_685 = arith.muli %scan3A_170, %mul3A_684 : i32
        %mul3A_686 = arith.constant 8 : i32
        %mul3A_687 = arith.muli %mul3A_685, %mul3A_686 : i32
        %add3A_688 = arith.constant 384 : i32
        %add3A_689 = arith.addi %mul3A_687, %add3A_688 : i32
        %add3A_690 = arith.constant 80 : i32
        %add3A_691 = arith.addi %add3A_689, %add3A_690 : i32
        %swap3A_692 = arith.index_cast %add3A_691 : i32 to index
        %swap3A_693 = tpu.vector_load %arg15[%swap3A_692] {strides = array<i32>} : memref<10240xf32, #tpu.memory_space<vmem>>, vector<16xf32>,
        tpu.vector_store %arg15[%swap3A_692], %gather3A_649 {strides = array<i32>} : memref<10240xf32, #tpu.memory_space<vmem>>, vector<16xf32>,
        %mul3A_694 = arith.constant 128 : i32
        %mul3A_695 = arith.muli %scan3A_170, %mul3A_694 : i32
        %mul3A_696 = arith.constant 8 : i32
        %mul3A_697 = arith.muli %mul3A_695, %mul3A_696 : i32
        %add3A_698 = arith.constant 512 : i32
        %add3A_699 = arith.addi %mul3A_697, %add3A_698 : i32
        %add3A_700 = arith.constant 80 : i32
        %add3A_701 = arith.addi %add3A_699, %add3A_700 : i32
        %swap3A_702 = arith.index_cast %add3A_701 : i32 to index
        %swap3A_703 = tpu.vector_load %arg15[%swap3A_702] {strides = array<i32>} : memref<10240xf32, #tpu.memory_space<vmem>>, vector<16xf32>,
        tpu.vector_store %arg15[%swap3A_702], %gather3A_650 {strides = array<i32>} : memref<10240xf32, #tpu.memory_space<vmem>>, vector<16xf32>,
        %mul3A_704 = arith.constant 128 : i32
        %mul3A_705 = arith.muli %scan3A_170, %mul3A_704 : i32
        %mul3A_706 = arith.constant 8 : i32
        %mul3A_707 = arith.muli %mul3A_705, %mul3A_706 : i32
        %add3A_708 = arith.constant 640 : i32
        %add3A_709 = arith.addi %mul3A_707, %add3A_708 : i32
        %add3A_710 = arith.constant 80 : i32
        %add3A_711 = arith.addi %add3A_709, %add3A_710 : i32
        %swap3A_712 = arith.index_cast %add3A_711 : i32 to index
        %swap3A_713 = tpu.vector_load %arg15[%swap3A_712] {strides = array<i32>} : memref<10240xf32, #tpu.memory_space<vmem>>, vector<16xf32>,
        tpu.vector_store %arg15[%swap3A_712], %gather3A_651 {strides = array<i32>} : memref<10240xf32, #tpu.memory_space<vmem>>, vector<16xf32>,
        %mul3A_714 = arith.constant 128 : i32
        %mul3A_715 = arith.muli %scan3A_170, %mul3A_714 : i32
        %mul3A_716 = arith.constant 8 : i32
        %mul3A_717 = arith.muli %mul3A_715, %mul3A_716 : i32
        %add3A_718 = arith.constant 768 : i32
        %add3A_719 = arith.addi %mul3A_717, %add3A_718 : i32
        %add3A_720 = arith.constant 80 : i32
        %add3A_721 = arith.addi %add3A_719, %add3A_720 : i32
        %swap3A_722 = arith.index_cast %add3A_721 : i32 to index
        %swap3A_723 = tpu.vector_load %arg15[%swap3A_722] {strides = array<i32>} : memref<10240xf32, #tpu.memory_space<vmem>>, vector<16xf32>,
        tpu.vector_store %arg15[%swap3A_722], %gather3A_652 {strides = array<i32>} : memref<10240xf32, #tpu.memory_space<vmem>>, vector<16xf32>,
        %mul3A_724 = arith.constant 128 : i32
        %mul3A_725 = arith.muli %scan3A_170, %mul3A_724 : i32
        %mul3A_726 = arith.constant 8 : i32
        %mul3A_727 = arith.muli %mul3A_725, %mul3A_726 : i32
        %add3A_728 = arith.constant 896 : i32
        %add3A_729 = arith.addi %mul3A_727, %add3A_728 : i32
        %add3A_730 = arith.constant 80 : i32
        %add3A_731 = arith.addi %add3A_729, %add3A_730 : i32
        %swap3A_732 = arith.index_cast %add3A_731 : i32 to index
        %swap3A_733 = tpu.vector_load %arg15[%swap3A_732] {strides = array<i32>} : memref<10240xf32, #tpu.memory_space<vmem>>, vector<16xf32>,
        tpu.vector_store %arg15[%swap3A_732], %gather3A_653 {strides = array<i32>} : memref<10240xf32, #tpu.memory_space<vmem>>, vector<16xf32>,
        %mul3A_734 = arith.constant 128 : i32
        %mul3A_735 = arith.muli %scan3A_170, %mul3A_734 : i32
        %add3A_736 = arith.constant 96 : i32
        %add3A_737 = arith.addi %mul3A_735, %add3A_736 : i32
        %add3A_738 = vector.broadcast %add3A_737 : i32 to vector<16xi32>
        %add3A_739 = arith.addi %iota3A, %add3A_738 : vector<16xi32>
        %gather3A_740 = tpu.vector_load_idx %arg11[%add3A_739, %broadcast_in_dim3A_3] : memref<1280x8xf32, #tpu.memory_space<vmem>>[vector<16xi32>, vector<16xi32>], vector<16xf32>,
        %gather3A_741 = tpu.vector_load_idx %arg11[%add3A_739, %broadcast_in_dim3A_5] : memref<1280x8xf32, #tpu.memory_space<vmem>>[vector<16xi32>, vector<16xi32>], vector<16xf32>,
        %gather3A_742 = tpu.vector_load_idx %arg11[%add3A_739, %broadcast_in_dim3A_7] : memref<1280x8xf32, #tpu.memory_space<vmem>>[vector<16xi32>, vector<16xi32>], vector<16xf32>,
        %gather3A_743 = tpu.vector_load_idx %arg11[%add3A_739, %broadcast_in_dim3A_9] : memref<1280x8xf32, #tpu.memory_space<vmem>>[vector<16xi32>, vector<16xi32>], vector<16xf32>,
        %gather3A_744 = tpu.vector_load_idx %arg11[%add3A_739, %broadcast_in_dim3A_11] : memref<1280x8xf32, #tpu.memory_space<vmem>>[vector<16xi32>, vector<16xi32>], vector<16xf32>,
        %gather3A_745 = tpu.vector_load_idx %arg11[%add3A_739, %broadcast_in_dim3A_13] : memref<1280x8xf32, #tpu.memory_space<vmem>>[vector<16xi32>, vector<16xi32>], vector<16xf32>,
        %gather3A_746 = tpu.vector_load_idx %arg11[%add3A_739, %broadcast_in_dim3A_15] : memref<1280x8xf32, #tpu.memory_space<vmem>>[vector<16xi32>, vector<16xi32>], vector<16xf32>,
        %gather3A_747 = tpu.vector_load_idx %arg11[%add3A_739, %broadcast_in_dim3A_17] : memref<1280x8xf32, #tpu.memory_space<vmem>>[vector<16xi32>, vector<16xi32>], vector<16xf32>,
        %mul3A_748 = arith.constant 128 : i32
        %mul3A_749 = arith.muli %scan3A_170, %mul3A_748 : i32
        %mul3A_750 = arith.constant 8 : i32
        %mul3A_751 = arith.muli %mul3A_749, %mul3A_750 : i32
        %add3A_752 = arith.constant 0 : i32
        %add3A_753 = arith.addi %mul3A_751, %add3A_752 : i32
        %add3A_754 = arith.constant 96 : i32
        %add3A_755 = arith.addi %add3A_753, %add3A_754 : i32
        %swap3A_756 = arith.index_cast %add3A_755 : i32 to index
        %swap3A_757 = tpu.vector_load %arg15[%swap3A_756] {strides = array<i32>} : memref<10240xf32, #tpu.memory_space<vmem>>, vector<16xf32>,
        tpu.vector_store %arg15[%swap3A_756], %gather3A_740 {strides = array<i32>} : memref<10240xf32, #tpu.memory_space<vmem>>, vector<16xf32>,
        %mul3A_758 = arith.constant 128 : i32
        %mul3A_759 = arith.muli %scan3A_170, %mul3A_758 : i32
        %mul3A_760 = arith.constant 8 : i32
        %mul3A_761 = arith.muli %mul3A_759, %mul3A_760 : i32
        %add3A_762 = arith.constant 128 : i32
        %add3A_763 = arith.addi %mul3A_761, %add3A_762 : i32
        %add3A_764 = arith.constant 96 : i32
        %add3A_765 = arith.addi %add3A_763, %add3A_764 : i32
        %swap3A_766 = arith.index_cast %add3A_765 : i32 to index
        %swap3A_767 = tpu.vector_load %arg15[%swap3A_766] {strides = array<i32>} : memref<10240xf32, #tpu.memory_space<vmem>>, vector<16xf32>,
        tpu.vector_store %arg15[%swap3A_766], %gather3A_741 {strides = array<i32>} : memref<10240xf32, #tpu.memory_space<vmem>>, vector<16xf32>,
        %mul3A_768 = arith.constant 128 : i32
        %mul3A_769 = arith.muli %scan3A_170, %mul3A_768 : i32
        %mul3A_770 = arith.constant 8 : i32
        %mul3A_771 = arith.muli %mul3A_769, %mul3A_770 : i32
        %add3A_772 = arith.constant 256 : i32
        %add3A_773 = arith.addi %mul3A_771, %add3A_772 : i32
        %add3A_774 = arith.constant 96 : i32
        %add3A_775 = arith.addi %add3A_773, %add3A_774 : i32
        %swap3A_776 = arith.index_cast %add3A_775 : i32 to index
        %swap3A_777 = tpu.vector_load %arg15[%swap3A_776] {strides = array<i32>} : memref<10240xf32, #tpu.memory_space<vmem>>, vector<16xf32>,
        tpu.vector_store %arg15[%swap3A_776], %gather3A_742 {strides = array<i32>} : memref<10240xf32, #tpu.memory_space<vmem>>, vector<16xf32>,
        %mul3A_778 = arith.constant 128 : i32
        %mul3A_779 = arith.muli %scan3A_170, %mul3A_778 : i32
        %mul3A_780 = arith.constant 8 : i32
        %mul3A_781 = arith.muli %mul3A_779, %mul3A_780 : i32
        %add3A_782 = arith.constant 384 : i32
        %add3A_783 = arith.addi %mul3A_781, %add3A_782 : i32
        %add3A_784 = arith.constant 96 : i32
        %add3A_785 = arith.addi %add3A_783, %add3A_784 : i32
        %swap3A_786 = arith.index_cast %add3A_785 : i32 to index
        %swap3A_787 = tpu.vector_load %arg15[%swap3A_786] {strides = array<i32>} : memref<10240xf32, #tpu.memory_space<vmem>>, vector<16xf32>,
        tpu.vector_store %arg15[%swap3A_786], %gather3A_743 {strides = array<i32>} : memref<10240xf32, #tpu.memory_space<vmem>>, vector<16xf32>,
        %mul3A_788 = arith.constant 128 : i32
        %mul3A_789 = arith.muli %scan3A_170, %mul3A_788 : i32
        %mul3A_790 = arith.constant 8 : i32
        %mul3A_791 = arith.muli %mul3A_789, %mul3A_790 : i32
        %add3A_792 = arith.constant 512 : i32
        %add3A_793 = arith.addi %mul3A_791, %add3A_792 : i32
        %add3A_794 = arith.constant 96 : i32
        %add3A_795 = arith.addi %add3A_793, %add3A_794 : i32
        %swap3A_796 = arith.index_cast %add3A_795 : i32 to index
        %swap3A_797 = tpu.vector_load %arg15[%swap3A_796] {strides = array<i32>} : memref<10240xf32, #tpu.memory_space<vmem>>, vector<16xf32>,
        tpu.vector_store %arg15[%swap3A_796], %gather3A_744 {strides = array<i32>} : memref<10240xf32, #tpu.memory_space<vmem>>, vector<16xf32>,
        %mul3A_798 = arith.constant 128 : i32
        %mul3A_799 = arith.muli %scan3A_170, %mul3A_798 : i32
        %mul3A_800 = arith.constant 8 : i32
        %mul3A_801 = arith.muli %mul3A_799, %mul3A_800 : i32
        %add3A_802 = arith.constant 640 : i32
        %add3A_803 = arith.addi %mul3A_801, %add3A_802 : i32
        %add3A_804 = arith.constant 96 : i32
        %add3A_805 = arith.addi %add3A_803, %add3A_804 : i32
        %swap3A_806 = arith.index_cast %add3A_805 : i32 to index
        %swap3A_807 = tpu.vector_load %arg15[%swap3A_806] {strides = array<i32>} : memref<10240xf32, #tpu.memory_space<vmem>>, vector<16xf32>,
        tpu.vector_store %arg15[%swap3A_806], %gather3A_745 {strides = array<i32>} : memref<10240xf32, #tpu.memory_space<vmem>>, vector<16xf32>,
        %mul3A_808 = arith.constant 128 : i32
        %mul3A_809 = arith.muli %scan3A_170, %mul3A_808 : i32
        %mul3A_810 = arith.constant 8 : i32
        %mul3A_811 = arith.muli %mul3A_809, %mul3A_810 : i32
        %add3A_812 = arith.constant 768 : i32
        %add3A_813 = arith.addi %mul3A_811, %add3A_812 : i32
        %add3A_814 = arith.constant 96 : i32
        %add3A_815 = arith.addi %add3A_813, %add3A_814 : i32
        %swap3A_816 = arith.index_cast %add3A_815 : i32 to index
        %swap3A_817 = tpu.vector_load %arg15[%swap3A_816] {strides = array<i32>} : memref<10240xf32, #tpu.memory_space<vmem>>, vector<16xf32>,
        tpu.vector_store %arg15[%swap3A_816], %gather3A_746 {strides = array<i32>} : memref<10240xf32, #tpu.memory_space<vmem>>, vector<16xf32>,
        %mul3A_818 = arith.constant 128 : i32
        %mul3A_819 = arith.muli %scan3A_170, %mul3A_818 : i32
        %mul3A_820 = arith.constant 8 : i32
        %mul3A_821 = arith.muli %mul3A_819, %mul3A_820 : i32
        %add3A_822 = arith.constant 896 : i32
        %add3A_823 = arith.addi %mul3A_821, %add3A_822 : i32
        %add3A_824 = arith.constant 96 : i32
        %add3A_825 = arith.addi %add3A_823, %add3A_824 : i32
        %swap3A_826 = arith.index_cast %add3A_825 : i32 to index
        %swap3A_827 = tpu.vector_load %arg15[%swap3A_826] {strides = array<i32>} : memref<10240xf32, #tpu.memory_space<vmem>>, vector<16xf32>,
        tpu.vector_store %arg15[%swap3A_826], %gather3A_747 {strides = array<i32>} : memref<10240xf32, #tpu.memory_space<vmem>>, vector<16xf32>,
        %mul3A_828 = arith.constant 128 : i32
        %mul3A_829 = arith.muli %scan3A_170, %mul3A_828 : i32
        %add3A_830 = arith.constant 112 : i32
        %add3A_831 = arith.addi %mul3A_829, %add3A_830 : i32
        %add3A_832 = vector.broadcast %add3A_831 : i32 to vector<16xi32>
        %add3A_833 = arith.addi %iota3A, %add3A_832 : vector<16xi32>
        %gather3A_834 = tpu.vector_load_idx %arg11[%add3A_833, %broadcast_in_dim3A_3] : memref<1280x8xf32, #tpu.memory_space<vmem>>[vector<16xi32>, vector<16xi32>], vector<16xf32>,
        %gather3A_835 = tpu.vector_load_idx %arg11[%add3A_833, %broadcast_in_dim3A_5] : memref<1280x8xf32, #tpu.memory_space<vmem>>[vector<16xi32>, vector<16xi32>], vector<16xf32>,
        %gather3A_836 = tpu.vector_load_idx %arg11[%add3A_833, %broadcast_in_dim3A_7] : memref<1280x8xf32, #tpu.memory_space<vmem>>[vector<16xi32>, vector<16xi32>], vector<16xf32>,
        %gather3A_837 = tpu.vector_load_idx %arg11[%add3A_833, %broadcast_in_dim3A_9] : memref<1280x8xf32, #tpu.memory_space<vmem>>[vector<16xi32>, vector<16xi32>], vector<16xf32>,
        %gather3A_838 = tpu.vector_load_idx %arg11[%add3A_833, %broadcast_in_dim3A_11] : memref<1280x8xf32, #tpu.memory_space<vmem>>[vector<16xi32>, vector<16xi32>], vector<16xf32>,
        %gather3A_839 = tpu.vector_load_idx %arg11[%add3A_833, %broadcast_in_dim3A_13] : memref<1280x8xf32, #tpu.memory_space<vmem>>[vector<16xi32>, vector<16xi32>], vector<16xf32>,
        %gather3A_840 = tpu.vector_load_idx %arg11[%add3A_833, %broadcast_in_dim3A_15] : memref<1280x8xf32, #tpu.memory_space<vmem>>[vector<16xi32>, vector<16xi32>], vector<16xf32>,
        %gather3A_841 = tpu.vector_load_idx %arg11[%add3A_833, %broadcast_in_dim3A_17] : memref<1280x8xf32, #tpu.memory_space<vmem>>[vector<16xi32>, vector<16xi32>], vector<16xf32>,
        %mul3A_842 = arith.constant 128 : i32
        %mul3A_843 = arith.muli %scan3A_170, %mul3A_842 : i32
        %mul3A_844 = arith.constant 8 : i32
        %mul3A_845 = arith.muli %mul3A_843, %mul3A_844 : i32
        %add3A_846 = arith.constant 0 : i32
        %add3A_847 = arith.addi %mul3A_845, %add3A_846 : i32
        %add3A_848 = arith.constant 112 : i32
        %add3A_849 = arith.addi %add3A_847, %add3A_848 : i32
        %swap3A_850 = arith.index_cast %add3A_849 : i32 to index
        %swap3A_851 = tpu.vector_load %arg15[%swap3A_850] {strides = array<i32>} : memref<10240xf32, #tpu.memory_space<vmem>>, vector<16xf32>,
        tpu.vector_store %arg15[%swap3A_850], %gather3A_834 {strides = array<i32>} : memref<10240xf32, #tpu.memory_space<vmem>>, vector<16xf32>,
        %mul3A_852 = arith.constant 128 : i32
        %mul3A_853 = arith.muli %scan3A_170, %mul3A_852 : i32
        %mul3A_854 = arith.constant 8 : i32
        %mul3A_855 = arith.muli %mul3A_853, %mul3A_854 : i32
        %add3A_856 = arith.constant 128 : i32
        %add3A_857 = arith.addi %mul3A_855, %add3A_856 : i32
        %add3A_858 = arith.constant 112 : i32
        %add3A_859 = arith.addi %add3A_857, %add3A_858 : i32
        %swap3A_860 = arith.index_cast %add3A_859 : i32 to index
        %swap3A_861 = tpu.vector_load %arg15[%swap3A_860] {strides = array<i32>} : memref<10240xf32, #tpu.memory_space<vmem>>, vector<16xf32>,
        tpu.vector_store %arg15[%swap3A_860], %gather3A_835 {strides = array<i32>} : memref<10240xf32, #tpu.memory_space<vmem>>, vector<16xf32>,
        %mul3A_862 = arith.constant 128 : i32
        %mul3A_863 = arith.muli %scan3A_170, %mul3A_862 : i32
        %mul3A_864 = arith.constant 8 : i32
        %mul3A_865 = arith.muli %mul3A_863, %mul3A_864 : i32
        %add3A_866 = arith.constant 256 : i32
        %add3A_867 = arith.addi %mul3A_865, %add3A_866 : i32
        %add3A_868 = arith.constant 112 : i32
        %add3A_869 = arith.addi %add3A_867, %add3A_868 : i32
        %swap3A_870 = arith.index_cast %add3A_869 : i32 to index
        %swap3A_871 = tpu.vector_load %arg15[%swap3A_870] {strides = array<i32>} : memref<10240xf32, #tpu.memory_space<vmem>>, vector<16xf32>,
        tpu.vector_store %arg15[%swap3A_870], %gather3A_836 {strides = array<i32>} : memref<10240xf32, #tpu.memory_space<vmem>>, vector<16xf32>,
        %mul3A_872 = arith.constant 128 : i32
        %mul3A_873 = arith.muli %scan3A_170, %mul3A_872 : i32
        %mul3A_874 = arith.constant 8 : i32
        %mul3A_875 = arith.muli %mul3A_873, %mul3A_874 : i32
        %add3A_876 = arith.constant 384 : i32
        %add3A_877 = arith.addi %mul3A_875, %add3A_876 : i32
        %add3A_878 = arith.constant 112 : i32
        %add3A_879 = arith.addi %add3A_877, %add3A_878 : i32
        %swap3A_880 = arith.index_cast %add3A_879 : i32 to index
        %swap3A_881 = tpu.vector_load %arg15[%swap3A_880] {strides = array<i32>} : memref<10240xf32, #tpu.memory_space<vmem>>, vector<16xf32>,
        tpu.vector_store %arg15[%swap3A_880], %gather3A_837 {strides = array<i32>} : memref<10240xf32, #tpu.memory_space<vmem>>, vector<16xf32>,
        %mul3A_882 = arith.constant 128 : i32
        %mul3A_883 = arith.muli %scan3A_170, %mul3A_882 : i32
        %mul3A_884 = arith.constant 8 : i32
        %mul3A_885 = arith.muli %mul3A_883, %mul3A_884 : i32
        %add3A_886 = arith.constant 512 : i32
        %add3A_887 = arith.addi %mul3A_885, %add3A_886 : i32
        %add3A_888 = arith.constant 112 : i32
        %add3A_889 = arith.addi %add3A_887, %add3A_888 : i32
        %swap3A_890 = arith.index_cast %add3A_889 : i32 to index
        %swap3A_891 = tpu.vector_load %arg15[%swap3A_890] {strides = array<i32>} : memref<10240xf32, #tpu.memory_space<vmem>>, vector<16xf32>,
        tpu.vector_store %arg15[%swap3A_890], %gather3A_838 {strides = array<i32>} : memref<10240xf32, #tpu.memory_space<vmem>>, vector<16xf32>,
        %mul3A_892 = arith.constant 128 : i32
        %mul3A_893 = arith.muli %scan3A_170, %mul3A_892 : i32
        %mul3A_894 = arith.constant 8 : i32
        %mul3A_895 = arith.muli %mul3A_893, %mul3A_894 : i32
        %add3A_896 = arith.constant 640 : i32
        %add3A_897 = arith.addi %mul3A_895, %add3A_896 : i32
        %add3A_898 = arith.constant 112 : i32
        %add3A_899 = arith.addi %add3A_897, %add3A_898 : i32
        %swap3A_900 = arith.index_cast %add3A_899 : i32 to index
        %swap3A_901 = tpu.vector_load %arg15[%swap3A_900] {strides = array<i32>} : memref<10240xf32, #tpu.memory_space<vmem>>, vector<16xf32>,
        tpu.vector_store %arg15[%swap3A_900], %gather3A_839 {strides = array<i32>} : memref<10240xf32, #tpu.memory_space<vmem>>, vector<16xf32>,
        %mul3A_902 = arith.constant 128 : i32
        %mul3A_903 = arith.muli %scan3A_170, %mul3A_902 : i32
        %mul3A_904 = arith.constant 8 : i32
        %mul3A_905 = arith.muli %mul3A_903, %mul3A_904 : i32
        %add3A_906 = arith.constant 768 : i32
        %add3A_907 = arith.addi %mul3A_905, %add3A_906 : i32
        %add3A_908 = arith.constant 112 : i32
        %add3A_909 = arith.addi %add3A_907, %add3A_908 : i32
        %swap3A_910 = arith.index_cast %add3A_909 : i32 to index
        %swap3A_911 = tpu.vector_load %arg15[%swap3A_910] {strides = array<i32>} : memref<10240xf32, #tpu.memory_space<vmem>>, vector<16xf32>,
        tpu.vector_store %arg15[%swap3A_910], %gather3A_840 {strides = array<i32>} : memref<10240xf32, #tpu.memory_space<vmem>>, vector<16xf32>,
        %mul3A_912 = arith.constant 128 : i32
        %mul3A_913 = arith.muli %scan3A_170, %mul3A_912 : i32
        %mul3A_914 = arith.constant 8 : i32
        %mul3A_915 = arith.muli %mul3A_913, %mul3A_914 : i32
        %add3A_916 = arith.constant 896 : i32
        %add3A_917 = arith.addi %mul3A_915, %add3A_916 : i32
        %add3A_918 = arith.constant 112 : i32
        %add3A_919 = arith.addi %add3A_917, %add3A_918 : i32
        %swap3A_920 = arith.index_cast %add3A_919 : i32 to index
        %swap3A_921 = tpu.vector_load %arg15[%swap3A_920] {strides = array<i32>} : memref<10240xf32, #tpu.memory_space<vmem>>, vector<16xf32>,
        tpu.vector_store %arg15[%swap3A_920], %gather3A_841 {strides = array<i32>} : memref<10240xf32, #tpu.memory_space<vmem>>, vector<16xf32>,
        %scan3A_922 = arith.constant 0 : i32
        scf.yield %scan3A_922 : i32
      }
      %scan3A_146 = arith.constant 10 : i32
      %mul3A_147 = arith.constant 128 : i32
      %mul3A_148 = arith.muli %add3A_61, %mul3A_147 : i32
      %mul3A_149 = arith.constant 8 : i32
      %mul3A_150 = arith.muli %mul3A_148, %mul3A_149 : i32
      %dma_start3A_151 = tpu.memref_slice %arg4[%mul3A_150] : memref<26214400xf32, #tpu.memory_space<hbm>> -> memref<10240xf32, #tpu.memory_space<hbm>>
      %dma_start3A_152 = tpu.memref_slice %arg4[%mul3A_150] : memref<26214400xf32, #tpu.memory_space<hbm>> -> memref<10240xf32, #tpu.memory_space<hbm>>
      tpu.enqueue_dma source(%arg15 : memref<10240xf32, #tpu.memory_space<vmem>>) target(%dma_start3A_152 : memref<10240xf32, #tpu.memory_space<hbm>>) target_semaphore(%arg23 : memref<!tpu.dma_semaphore, #tpu.memory_space<semaphore_mem>>)
      %dma_wait3A_153 = arith.constant 0 : i32
      %dma_wait3A_154 = arith.constant 0 : i32
      %dma_wait3A_155 = tpu.memref_slice %arg2[%dma_wait3A_153, %dma_wait3A_154] : memref<1048576x8xf32, #tpu.memory_space<hbm>> -> memref<1048576x8xf32, #tpu.memory_space<hbm>>
      tpu.wait_indirect_dma semaphore(%arg20 : memref<!tpu.dma_semaphore, #tpu.memory_space<semaphore_mem>>) src(%dma_wait3A_155 : memref<1048576x8xf32, #tpu.memory_space<hbm>>) dst(%arg12 : memref<1280x8xf32, #tpu.memory_space<vmem>>)
      %scan3A_156 = arith.constant 0 : i32
      %scan3A_157 = arith.constant 0 : i32
      %scan3A_158 = arith.constant 10 : i32
      %scan3A_159 = arith.addi %scan3A_157, %scan3A_158 : i32
      %scan3A_160 = arith.constant 1 : i32
      %scan3A_161 = scf.for %scan3A_170 = %scan3A_157 to %scan3A_159 step %scan3A_160 iter_args(%scan3A_171 = %scan3A_156) -> (i32)  : i32 {
        %mul3A_172 = arith.constant 128 : i32
        %mul3A_173 = arith.muli %scan3A_170, %mul3A_172 : i32
        %add3A_174 = arith.constant 0 : i32
        %add3A_175 = arith.addi %mul3A_173, %add3A_174 : i32
        %add3A_176 = vector.broadcast %add3A_175 : i32 to vector<16xi32>
        %add3A_177 = arith.addi %iota3A, %add3A_176 : vector<16xi32>
        %gather3A = tpu.vector_load_idx %arg12[%add3A_177, %broadcast_in_dim3A_3] : memref<1280x8xf32, #tpu.memory_space<vmem>>[vector<16xi32>, vector<16xi32>], vector<16xf32>,
        %gather3A_178 = tpu.vector_load_idx %arg12[%add3A_177, %broadcast_in_dim3A_5] : memref<1280x8xf32, #tpu.memory_space<vmem>>[vector<16xi32>, vector<16xi32>], vector<16xf32>,
        %gather3A_179 = tpu.vector_load_idx %arg12[%add3A_177, %broadcast_in_dim3A_7] : memref<1280x8xf32, #tpu.memory_space<vmem>>[vector<16xi32>, vector<16xi32>], vector<16xf32>,
        %gather3A_180 = tpu.vector_load_idx %arg12[%add3A_177, %broadcast_in_dim3A_9] : memref<1280x8xf32, #tpu.memory_space<vmem>>[vector<16xi32>, vector<16xi32>], vector<16xf32>,
        %gather3A_181 = tpu.vector_load_idx %arg12[%add3A_177, %broadcast_in_dim3A_11] : memref<1280x8xf32, #tpu.memory_space<vmem>>[vector<16xi32>, vector<16xi32>], vector<16xf32>,
        %gather3A_182 = tpu.vector_load_idx %arg12[%add3A_177, %broadcast_in_dim3A_13] : memref<1280x8xf32, #tpu.memory_space<vmem>>[vector<16xi32>, vector<16xi32>], vector<16xf32>,
        %gather3A_183 = tpu.vector_load_idx %arg12[%add3A_177, %broadcast_in_dim3A_15] : memref<1280x8xf32, #tpu.memory_space<vmem>>[vector<16xi32>, vector<16xi32>], vector<16xf32>,
        %gather3A_184 = tpu.vector_load_idx %arg12[%add3A_177, %broadcast_in_dim3A_17] : memref<1280x8xf32, #tpu.memory_space<vmem>>[vector<16xi32>, vector<16xi32>], vector<16xf32>,
        %mul3A_185 = arith.constant 128 : i32
        %mul3A_186 = arith.muli %scan3A_170, %mul3A_185 : i32
        %mul3A_187 = arith.constant 8 : i32
        %mul3A_188 = arith.muli %mul3A_186, %mul3A_187 : i32
        %add3A_189 = arith.constant 0 : i32
        %add3A_190 = arith.addi %mul3A_188, %add3A_189 : i32
        %add3A_191 = arith.constant 0 : i32
        %add3A_192 = arith.addi %add3A_190, %add3A_191 : i32
        %swap3A = arith.index_cast %add3A_192 : i32 to index
        %swap3A_193 = tpu.vector_load %arg16[%swap3A] {strides = array<i32>} : memref<10240xf32, #tpu.memory_space<vmem>>, vector<16xf32>,
        tpu.vector_store %arg16[%swap3A], %gather3A {strides = array<i32>} : memref<10240xf32, #tpu.memory_space<vmem>>, vector<16xf32>,
        %mul3A_194 = arith.constant 128 : i32
        %mul3A_195 = arith.muli %scan3A_170, %mul3A_194 : i32
        %mul3A_196 = arith.constant 8 : i32
        %mul3A_197 = arith.muli %mul3A_195, %mul3A_196 : i32
        %add3A_198 = arith.constant 128 : i32
        %add3A_199 = arith.addi %mul3A_197, %add3A_198 : i32
        %add3A_200 = arith.constant 0 : i32
        %add3A_201 = arith.addi %add3A_199, %add3A_200 : i32
        %swap3A_202 = arith.index_cast %add3A_201 : i32 to index
        %swap3A_203 = tpu.vector_load %arg16[%swap3A_202] {strides = array<i32>} : memref<10240xf32, #tpu.memory_space<vmem>>, vector<16xf32>,
        tpu.vector_store %arg16[%swap3A_202], %gather3A_178 {strides = array<i32>} : memref<10240xf32, #tpu.memory_space<vmem>>, vector<16xf32>,
        %mul3A_204 = arith.constant 128 : i32
        %mul3A_205 = arith.muli %scan3A_170, %mul3A_204 : i32
        %mul3A_206 = arith.constant 8 : i32
        %mul3A_207 = arith.muli %mul3A_205, %mul3A_206 : i32
        %add3A_208 = arith.constant 256 : i32
        %add3A_209 = arith.addi %mul3A_207, %add3A_208 : i32
        %add3A_210 = arith.constant 0 : i32
        %add3A_211 = arith.addi %add3A_209, %add3A_210 : i32
        %swap3A_212 = arith.index_cast %add3A_211 : i32 to index
        %swap3A_213 = tpu.vector_load %arg16[%swap3A_212] {strides = array<i32>} : memref<10240xf32, #tpu.memory_space<vmem>>, vector<16xf32>,
        tpu.vector_store %arg16[%swap3A_212], %gather3A_179 {strides = array<i32>} : memref<10240xf32, #tpu.memory_space<vmem>>, vector<16xf32>,
        %mul3A_214 = arith.constant 128 : i32
        %mul3A_215 = arith.muli %scan3A_170, %mul3A_214 : i32
        %mul3A_216 = arith.constant 8 : i32
        %mul3A_217 = arith.muli %mul3A_215, %mul3A_216 : i32
        %add3A_218 = arith.constant 384 : i32
        %add3A_219 = arith.addi %mul3A_217, %add3A_218 : i32
        %add3A_220 = arith.constant 0 : i32
        %add3A_221 = arith.addi %add3A_219, %add3A_220 : i32
        %swap3A_222 = arith.index_cast %add3A_221 : i32 to index
        %swap3A_223 = tpu.vector_load %arg16[%swap3A_222] {strides = array<i32>} : memref<10240xf32, #tpu.memory_space<vmem>>, vector<16xf32>,
        tpu.vector_store %arg16[%swap3A_222], %gather3A_180 {strides = array<i32>} : memref<10240xf32, #tpu.memory_space<vmem>>, vector<16xf32>,
        %mul3A_224 = arith.constant 128 : i32
        %mul3A_225 = arith.muli %scan3A_170, %mul3A_224 : i32
        %mul3A_226 = arith.constant 8 : i32
        %mul3A_227 = arith.muli %mul3A_225, %mul3A_226 : i32
        %add3A_228 = arith.constant 512 : i32
        %add3A_229 = arith.addi %mul3A_227, %add3A_228 : i32
        %add3A_230 = arith.constant 0 : i32
        %add3A_231 = arith.addi %add3A_229, %add3A_230 : i32
        %swap3A_232 = arith.index_cast %add3A_231 : i32 to index
        %swap3A_233 = tpu.vector_load %arg16[%swap3A_232] {strides = array<i32>} : memref<10240xf32, #tpu.memory_space<vmem>>, vector<16xf32>,
        tpu.vector_store %arg16[%swap3A_232], %gather3A_181 {strides = array<i32>} : memref<10240xf32, #tpu.memory_space<vmem>>, vector<16xf32>,
        %mul3A_234 = arith.constant 128 : i32
        %mul3A_235 = arith.muli %scan3A_170, %mul3A_234 : i32
        %mul3A_236 = arith.constant 8 : i32
        %mul3A_237 = arith.muli %mul3A_235, %mul3A_236 : i32
        %add3A_238 = arith.constant 640 : i32
        %add3A_239 = arith.addi %mul3A_237, %add3A_238 : i32
        %add3A_240 = arith.constant 0 : i32
        %add3A_241 = arith.addi %add3A_239, %add3A_240 : i32
        %swap3A_242 = arith.index_cast %add3A_241 : i32 to index
        %swap3A_243 = tpu.vector_load %arg16[%swap3A_242] {strides = array<i32>} : memref<10240xf32, #tpu.memory_space<vmem>>, vector<16xf32>,
        tpu.vector_store %arg16[%swap3A_242], %gather3A_182 {strides = array<i32>} : memref<10240xf32, #tpu.memory_space<vmem>>, vector<16xf32>,
        %mul3A_244 = arith.constant 128 : i32
        %mul3A_245 = arith.muli %scan3A_170, %mul3A_244 : i32
        %mul3A_246 = arith.constant 8 : i32
        %mul3A_247 = arith.muli %mul3A_245, %mul3A_246 : i32
        %add3A_248 = arith.constant 768 : i32
        %add3A_249 = arith.addi %mul3A_247, %add3A_248 : i32
        %add3A_250 = arith.constant 0 : i32
        %add3A_251 = arith.addi %add3A_249, %add3A_250 : i32
        %swap3A_252 = arith.index_cast %add3A_251 : i32 to index
        %swap3A_253 = tpu.vector_load %arg16[%swap3A_252] {strides = array<i32>} : memref<10240xf32, #tpu.memory_space<vmem>>, vector<16xf32>,
        tpu.vector_store %arg16[%swap3A_252], %gather3A_183 {strides = array<i32>} : memref<10240xf32, #tpu.memory_space<vmem>>, vector<16xf32>,
        %mul3A_254 = arith.constant 128 : i32
        %mul3A_255 = arith.muli %scan3A_170, %mul3A_254 : i32
        %mul3A_256 = arith.constant 8 : i32
        %mul3A_257 = arith.muli %mul3A_255, %mul3A_256 : i32
        %add3A_258 = arith.constant 896 : i32
        %add3A_259 = arith.addi %mul3A_257, %add3A_258 : i32
        %add3A_260 = arith.constant 0 : i32
        %add3A_261 = arith.addi %add3A_259, %add3A_260 : i32
        %swap3A_262 = arith.index_cast %add3A_261 : i32 to index
        %swap3A_263 = tpu.vector_load %arg16[%swap3A_262] {strides = array<i32>} : memref<10240xf32, #tpu.memory_space<vmem>>, vector<16xf32>,
        tpu.vector_store %arg16[%swap3A_262], %gather3A_184 {strides = array<i32>} : memref<10240xf32, #tpu.memory_space<vmem>>, vector<16xf32>,
        %mul3A_264 = arith.constant 128 : i32
        %mul3A_265 = arith.muli %scan3A_170, %mul3A_264 : i32
        %add3A_266 = arith.constant 16 : i32
        %add3A_267 = arith.addi %mul3A_265, %add3A_266 : i32
        %add3A_268 = vector.broadcast %add3A_267 : i32 to vector<16xi32>
        %add3A_269 = arith.addi %iota3A, %add3A_268 : vector<16xi32>
        %gather3A_270 = tpu.vector_load_idx %arg12[%add3A_269, %broadcast_in_dim3A_3] : memref<1280x8xf32, #tpu.memory_space<vmem>>[vector<16xi32>, vector<16xi32>], vector<16xf32>,
        %gather3A_271 = tpu.vector_load_idx %arg12[%add3A_269, %broadcast_in_dim3A_5] : memref<1280x8xf32, #tpu.memory_space<vmem>>[vector<16xi32>, vector<16xi32>], vector<16xf32>,
        %gather3A_272 = tpu.vector_load_idx %arg12[%add3A_269, %broadcast_in_dim3A_7] : memref<1280x8xf32, #tpu.memory_space<vmem>>[vector<16xi32>, vector<16xi32>], vector<16xf32>,
        %gather3A_273 = tpu.vector_load_idx %arg12[%add3A_269, %broadcast_in_dim3A_9] : memref<1280x8xf32, #tpu.memory_space<vmem>>[vector<16xi32>, vector<16xi32>], vector<16xf32>,
        %gather3A_274 = tpu.vector_load_idx %arg12[%add3A_269, %broadcast_in_dim3A_11] : memref<1280x8xf32, #tpu.memory_space<vmem>>[vector<16xi32>, vector<16xi32>], vector<16xf32>,
        %gather3A_275 = tpu.vector_load_idx %arg12[%add3A_269, %broadcast_in_dim3A_13] : memref<1280x8xf32, #tpu.memory_space<vmem>>[vector<16xi32>, vector<16xi32>], vector<16xf32>,
        %gather3A_276 = tpu.vector_load_idx %arg12[%add3A_269, %broadcast_in_dim3A_15] : memref<1280x8xf32, #tpu.memory_space<vmem>>[vector<16xi32>, vector<16xi32>], vector<16xf32>,
        %gather3A_277 = tpu.vector_load_idx %arg12[%add3A_269, %broadcast_in_dim3A_17] : memref<1280x8xf32, #tpu.memory_space<vmem>>[vector<16xi32>, vector<16xi32>], vector<16xf32>,
        %mul3A_278 = arith.constant 128 : i32
        %mul3A_279 = arith.muli %scan3A_170, %mul3A_278 : i32
        %mul3A_280 = arith.constant 8 : i32
        %mul3A_281 = arith.muli %mul3A_279, %mul3A_280 : i32
        %add3A_282 = arith.constant 0 : i32
        %add3A_283 = arith.addi %mul3A_281, %add3A_282 : i32
        %add3A_284 = arith.constant 16 : i32
        %add3A_285 = arith.addi %add3A_283, %add3A_284 : i32
        %swap3A_286 = arith.index_cast %add3A_285 : i32 to index
        %swap3A_287 = tpu.vector_load %arg16[%swap3A_286] {strides = array<i32>} : memref<10240xf32, #tpu.memory_space<vmem>>, vector<16xf32>,
        tpu.vector_store %arg16[%swap3A_286], %gather3A_270 {strides = array<i32>} : memref<10240xf32, #tpu.memory_space<vmem>>, vector<16xf32>,
        %mul3A_288 = arith.constant 128 : i32
        %mul3A_289 = arith.muli %scan3A_170, %mul3A_288 : i32
        %mul3A_290 = arith.constant 8 : i32
        %mul3A_291 = arith.muli %mul3A_289, %mul3A_290 : i32
        %add3A_292 = arith.constant 128 : i32
        %add3A_293 = arith.addi %mul3A_291, %add3A_292 : i32
        %add3A_294 = arith.constant 16 : i32
        %add3A_295 = arith.addi %add3A_293, %add3A_294 : i32
        %swap3A_296 = arith.index_cast %add3A_295 : i32 to index
        %swap3A_297 = tpu.vector_load %arg16[%swap3A_296] {strides = array<i32>} : memref<10240xf32, #tpu.memory_space<vmem>>, vector<16xf32>,
        tpu.vector_store %arg16[%swap3A_296], %gather3A_271 {strides = array<i32>} : memref<10240xf32, #tpu.memory_space<vmem>>, vector<16xf32>,
        %mul3A_298 = arith.constant 128 : i32
        %mul3A_299 = arith.muli %scan3A_170, %mul3A_298 : i32
        %mul3A_300 = arith.constant 8 : i32
        %mul3A_301 = arith.muli %mul3A_299, %mul3A_300 : i32
        %add3A_302 = arith.constant 256 : i32
        %add3A_303 = arith.addi %mul3A_301, %add3A_302 : i32
        %add3A_304 = arith.constant 16 : i32
        %add3A_305 = arith.addi %add3A_303, %add3A_304 : i32
        %swap3A_306 = arith.index_cast %add3A_305 : i32 to index
        %swap3A_307 = tpu.vector_load %arg16[%swap3A_306] {strides = array<i32>} : memref<10240xf32, #tpu.memory_space<vmem>>, vector<16xf32>,
        tpu.vector_store %arg16[%swap3A_306], %gather3A_272 {strides = array<i32>} : memref<10240xf32, #tpu.memory_space<vmem>>, vector<16xf32>,
        %mul3A_308 = arith.constant 128 : i32
        %mul3A_309 = arith.muli %scan3A_170, %mul3A_308 : i32
        %mul3A_310 = arith.constant 8 : i32
        %mul3A_311 = arith.muli %mul3A_309, %mul3A_310 : i32
        %add3A_312 = arith.constant 384 : i32
        %add3A_313 = arith.addi %mul3A_311, %add3A_312 : i32
        %add3A_314 = arith.constant 16 : i32
        %add3A_315 = arith.addi %add3A_313, %add3A_314 : i32
        %swap3A_316 = arith.index_cast %add3A_315 : i32 to index
        %swap3A_317 = tpu.vector_load %arg16[%swap3A_316] {strides = array<i32>} : memref<10240xf32, #tpu.memory_space<vmem>>, vector<16xf32>,
        tpu.vector_store %arg16[%swap3A_316], %gather3A_273 {strides = array<i32>} : memref<10240xf32, #tpu.memory_space<vmem>>, vector<16xf32>,
        %mul3A_318 = arith.constant 128 : i32
        %mul3A_319 = arith.muli %scan3A_170, %mul3A_318 : i32
        %mul3A_320 = arith.constant 8 : i32
        %mul3A_321 = arith.muli %mul3A_319, %mul3A_320 : i32
        %add3A_322 = arith.constant 512 : i32
        %add3A_323 = arith.addi %mul3A_321, %add3A_322 : i32
        %add3A_324 = arith.constant 16 : i32
        %add3A_325 = arith.addi %add3A_323, %add3A_324 : i32
        %swap3A_326 = arith.index_cast %add3A_325 : i32 to index
        %swap3A_327 = tpu.vector_load %arg16[%swap3A_326] {strides = array<i32>} : memref<10240xf32, #tpu.memory_space<vmem>>, vector<16xf32>,
        tpu.vector_store %arg16[%swap3A_326], %gather3A_274 {strides = array<i32>} : memref<10240xf32, #tpu.memory_space<vmem>>, vector<16xf32>,
        %mul3A_328 = arith.constant 128 : i32
        %mul3A_329 = arith.muli %scan3A_170, %mul3A_328 : i32
        %mul3A_330 = arith.constant 8 : i32
        %mul3A_331 = arith.muli %mul3A_329, %mul3A_330 : i32
        %add3A_332 = arith.constant 640 : i32
        %add3A_333 = arith.addi %mul3A_331, %add3A_332 : i32
        %add3A_334 = arith.constant 16 : i32
        %add3A_335 = arith.addi %add3A_333, %add3A_334 : i32
        %swap3A_336 = arith.index_cast %add3A_335 : i32 to index
        %swap3A_337 = tpu.vector_load %arg16[%swap3A_336] {strides = array<i32>} : memref<10240xf32, #tpu.memory_space<vmem>>, vector<16xf32>,
        tpu.vector_store %arg16[%swap3A_336], %gather3A_275 {strides = array<i32>} : memref<10240xf32, #tpu.memory_space<vmem>>, vector<16xf32>,
        %mul3A_338 = arith.constant 128 : i32
        %mul3A_339 = arith.muli %scan3A_170, %mul3A_338 : i32
        %mul3A_340 = arith.constant 8 : i32
        %mul3A_341 = arith.muli %mul3A_339, %mul3A_340 : i32
        %add3A_342 = arith.constant 768 : i32
        %add3A_343 = arith.addi %mul3A_341, %add3A_342 : i32
        %add3A_344 = arith.constant 16 : i32
        %add3A_345 = arith.addi %add3A_343, %add3A_344 : i32
        %swap3A_346 = arith.index_cast %add3A_345 : i32 to index
        %swap3A_347 = tpu.vector_load %arg16[%swap3A_346] {strides = array<i32>} : memref<10240xf32, #tpu.memory_space<vmem>>, vector<16xf32>,
        tpu.vector_store %arg16[%swap3A_346], %gather3A_276 {strides = array<i32>} : memref<10240xf32, #tpu.memory_space<vmem>>, vector<16xf32>,
        %mul3A_348 = arith.constant 128 : i32
        %mul3A_349 = arith.muli %scan3A_170, %mul3A_348 : i32
        %mul3A_350 = arith.constant 8 : i32
        %mul3A_351 = arith.muli %mul3A_349, %mul3A_350 : i32
        %add3A_352 = arith.constant 896 : i32
        %add3A_353 = arith.addi %mul3A_351, %add3A_352 : i32
        %add3A_354 = arith.constant 16 : i32
        %add3A_355 = arith.addi %add3A_353, %add3A_354 : i32
        %swap3A_356 = arith.index_cast %add3A_355 : i32 to index
        %swap3A_357 = tpu.vector_load %arg16[%swap3A_356] {strides = array<i32>} : memref<10240xf32, #tpu.memory_space<vmem>>, vector<16xf32>,
        tpu.vector_store %arg16[%swap3A_356], %gather3A_277 {strides = array<i32>} : memref<10240xf32, #tpu.memory_space<vmem>>, vector<16xf32>,
        %mul3A_358 = arith.constant 128 : i32
        %mul3A_359 = arith.muli %scan3A_170, %mul3A_358 : i32
        %add3A_360 = arith.constant 32 : i32
        %add3A_361 = arith.addi %mul3A_359, %add3A_360 : i32
        %add3A_362 = vector.broadcast %add3A_361 : i32 to vector<16xi32>
        %add3A_363 = arith.addi %iota3A, %add3A_362 : vector<16xi32>
        %gather3A_364 = tpu.vector_load_idx %arg12[%add3A_363, %broadcast_in_dim3A_3] : memref<1280x8xf32, #tpu.memory_space<vmem>>[vector<16xi32>, vector<16xi32>], vector<16xf32>,
        %gather3A_365 = tpu.vector_load_idx %arg12[%add3A_363, %broadcast_in_dim3A_5] : memref<1280x8xf32, #tpu.memory_space<vmem>>[vector<16xi32>, vector<16xi32>], vector<16xf32>,
        %gather3A_366 = tpu.vector_load_idx %arg12[%add3A_363, %broadcast_in_dim3A_7] : memref<1280x8xf32, #tpu.memory_space<vmem>>[vector<16xi32>, vector<16xi32>], vector<16xf32>,
        %gather3A_367 = tpu.vector_load_idx %arg12[%add3A_363, %broadcast_in_dim3A_9] : memref<1280x8xf32, #tpu.memory_space<vmem>>[vector<16xi32>, vector<16xi32>], vector<16xf32>,
        %gather3A_368 = tpu.vector_load_idx %arg12[%add3A_363, %broadcast_in_dim3A_11] : memref<1280x8xf32, #tpu.memory_space<vmem>>[vector<16xi32>, vector<16xi32>], vector<16xf32>,
        %gather3A_369 = tpu.vector_load_idx %arg12[%add3A_363, %broadcast_in_dim3A_13] : memref<1280x8xf32, #tpu.memory_space<vmem>>[vector<16xi32>, vector<16xi32>], vector<16xf32>,
        %gather3A_370 = tpu.vector_load_idx %arg12[%add3A_363, %broadcast_in_dim3A_15] : memref<1280x8xf32, #tpu.memory_space<vmem>>[vector<16xi32>, vector<16xi32>], vector<16xf32>,
        %gather3A_371 = tpu.vector_load_idx %arg12[%add3A_363, %broadcast_in_dim3A_17] : memref<1280x8xf32, #tpu.memory_space<vmem>>[vector<16xi32>, vector<16xi32>], vector<16xf32>,
        %mul3A_372 = arith.constant 128 : i32
        %mul3A_373 = arith.muli %scan3A_170, %mul3A_372 : i32
        %mul3A_374 = arith.constant 8 : i32
        %mul3A_375 = arith.muli %mul3A_373, %mul3A_374 : i32
        %add3A_376 = arith.constant 0 : i32
        %add3A_377 = arith.addi %mul3A_375, %add3A_376 : i32
        %add3A_378 = arith.constant 32 : i32
        %add3A_379 = arith.addi %add3A_377, %add3A_378 : i32
        %swap3A_380 = arith.index_cast %add3A_379 : i32 to index
        %swap3A_381 = tpu.vector_load %arg16[%swap3A_380] {strides = array<i32>} : memref<10240xf32, #tpu.memory_space<vmem>>, vector<16xf32>,
        tpu.vector_store %arg16[%swap3A_380], %gather3A_364 {strides = array<i32>} : memref<10240xf32, #tpu.memory_space<vmem>>, vector<16xf32>,
        %mul3A_382 = arith.constant 128 : i32
        %mul3A_383 = arith.muli %scan3A_170, %mul3A_382 : i32
        %mul3A_384 = arith.constant 8 : i32
        %mul3A_385 = arith.muli %mul3A_383, %mul3A_384 : i32
        %add3A_386 = arith.constant 128 : i32
        %add3A_387 = arith.addi %mul3A_385, %add3A_386 : i32
        %add3A_388 = arith.constant 32 : i32
        %add3A_389 = arith.addi %add3A_387, %add3A_388 : i32
        %swap3A_390 = arith.index_cast %add3A_389 : i32 to index
        %swap3A_391 = tpu.vector_load %arg16[%swap3A_390] {strides = array<i32>} : memref<10240xf32, #tpu.memory_space<vmem>>, vector<16xf32>,
        tpu.vector_store %arg16[%swap3A_390], %gather3A_365 {strides = array<i32>} : memref<10240xf32, #tpu.memory_space<vmem>>, vector<16xf32>,
        %mul3A_392 = arith.constant 128 : i32
        %mul3A_393 = arith.muli %scan3A_170, %mul3A_392 : i32
        %mul3A_394 = arith.constant 8 : i32
        %mul3A_395 = arith.muli %mul3A_393, %mul3A_394 : i32
        %add3A_396 = arith.constant 256 : i32
        %add3A_397 = arith.addi %mul3A_395, %add3A_396 : i32
        %add3A_398 = arith.constant 32 : i32
        %add3A_399 = arith.addi %add3A_397, %add3A_398 : i32
        %swap3A_400 = arith.index_cast %add3A_399 : i32 to index
        %swap3A_401 = tpu.vector_load %arg16[%swap3A_400] {strides = array<i32>} : memref<10240xf32, #tpu.memory_space<vmem>>, vector<16xf32>,
        tpu.vector_store %arg16[%swap3A_400], %gather3A_366 {strides = array<i32>} : memref<10240xf32, #tpu.memory_space<vmem>>, vector<16xf32>,
        %mul3A_402 = arith.constant 128 : i32
        %mul3A_403 = arith.muli %scan3A_170, %mul3A_402 : i32
        %mul3A_404 = arith.constant 8 : i32
        %mul3A_405 = arith.muli %mul3A_403, %mul3A_404 : i32
        %add3A_406 = arith.constant 384 : i32
        %add3A_407 = arith.addi %mul3A_405, %add3A_406 : i32
        %add3A_408 = arith.constant 32 : i32
        %add3A_409 = arith.addi %add3A_407, %add3A_408 : i32
        %swap3A_410 = arith.index_cast %add3A_409 : i32 to index
        %swap3A_411 = tpu.vector_load %arg16[%swap3A_410] {strides = array<i32>} : memref<10240xf32, #tpu.memory_space<vmem>>, vector<16xf32>,
        tpu.vector_store %arg16[%swap3A_410], %gather3A_367 {strides = array<i32>} : memref<10240xf32, #tpu.memory_space<vmem>>, vector<16xf32>,
        %mul3A_412 = arith.constant 128 : i32
        %mul3A_413 = arith.muli %scan3A_170, %mul3A_412 : i32
        %mul3A_414 = arith.constant 8 : i32
        %mul3A_415 = arith.muli %mul3A_413, %mul3A_414 : i32
        %add3A_416 = arith.constant 512 : i32
        %add3A_417 = arith.addi %mul3A_415, %add3A_416 : i32
        %add3A_418 = arith.constant 32 : i32
        %add3A_419 = arith.addi %add3A_417, %add3A_418 : i32
        %swap3A_420 = arith.index_cast %add3A_419 : i32 to index
        %swap3A_421 = tpu.vector_load %arg16[%swap3A_420] {strides = array<i32>} : memref<10240xf32, #tpu.memory_space<vmem>>, vector<16xf32>,
        tpu.vector_store %arg16[%swap3A_420], %gather3A_368 {strides = array<i32>} : memref<10240xf32, #tpu.memory_space<vmem>>, vector<16xf32>,
        %mul3A_422 = arith.constant 128 : i32
        %mul3A_423 = arith.muli %scan3A_170, %mul3A_422 : i32
        %mul3A_424 = arith.constant 8 : i32
        %mul3A_425 = arith.muli %mul3A_423, %mul3A_424 : i32
        %add3A_426 = arith.constant 640 : i32
        %add3A_427 = arith.addi %mul3A_425, %add3A_426 : i32
        %add3A_428 = arith.constant 32 : i32
        %add3A_429 = arith.addi %add3A_427, %add3A_428 : i32
        %swap3A_430 = arith.index_cast %add3A_429 : i32 to index
        %swap3A_431 = tpu.vector_load %arg16[%swap3A_430] {strides = array<i32>} : memref<10240xf32, #tpu.memory_space<vmem>>, vector<16xf32>,
        tpu.vector_store %arg16[%swap3A_430], %gather3A_369 {strides = array<i32>} : memref<10240xf32, #tpu.memory_space<vmem>>, vector<16xf32>,
        %mul3A_432 = arith.constant 128 : i32
        %mul3A_433 = arith.muli %scan3A_170, %mul3A_432 : i32
        %mul3A_434 = arith.constant 8 : i32
        %mul3A_435 = arith.muli %mul3A_433, %mul3A_434 : i32
        %add3A_436 = arith.constant 768 : i32
        %add3A_437 = arith.addi %mul3A_435, %add3A_436 : i32
        %add3A_438 = arith.constant 32 : i32
        %add3A_439 = arith.addi %add3A_437, %add3A_438 : i32
        %swap3A_440 = arith.index_cast %add3A_439 : i32 to index
        %swap3A_441 = tpu.vector_load %arg16[%swap3A_440] {strides = array<i32>} : memref<10240xf32, #tpu.memory_space<vmem>>, vector<16xf32>,
        tpu.vector_store %arg16[%swap3A_440], %gather3A_370 {strides = array<i32>} : memref<10240xf32, #tpu.memory_space<vmem>>, vector<16xf32>,
        %mul3A_442 = arith.constant 128 : i32
        %mul3A_443 = arith.muli %scan3A_170, %mul3A_442 : i32
        %mul3A_444 = arith.constant 8 : i32
        %mul3A_445 = arith.muli %mul3A_443, %mul3A_444 : i32
        %add3A_446 = arith.constant 896 : i32
        %add3A_447 = arith.addi %mul3A_445, %add3A_446 : i32
        %add3A_448 = arith.constant 32 : i32
        %add3A_449 = arith.addi %add3A_447, %add3A_448 : i32
        %swap3A_450 = arith.index_cast %add3A_449 : i32 to index
        %swap3A_451 = tpu.vector_load %arg16[%swap3A_450] {strides = array<i32>} : memref<10240xf32, #tpu.memory_space<vmem>>, vector<16xf32>,
        tpu.vector_store %arg16[%swap3A_450], %gather3A_371 {strides = array<i32>} : memref<10240xf32, #tpu.memory_space<vmem>>, vector<16xf32>,
        %mul3A_452 = arith.constant 128 : i32
        %mul3A_453 = arith.muli %scan3A_170, %mul3A_452 : i32
        %add3A_454 = arith.constant 48 : i32
        %add3A_455 = arith.addi %mul3A_453, %add3A_454 : i32
        %add3A_456 = vector.broadcast %add3A_455 : i32 to vector<16xi32>
        %add3A_457 = arith.addi %iota3A, %add3A_456 : vector<16xi32>
        %gather3A_458 = tpu.vector_load_idx %arg12[%add3A_457, %broadcast_in_dim3A_3] : memref<1280x8xf32, #tpu.memory_space<vmem>>[vector<16xi32>, vector<16xi32>], vector<16xf32>,
        %gather3A_459 = tpu.vector_load_idx %arg12[%add3A_457, %broadcast_in_dim3A_5] : memref<1280x8xf32, #tpu.memory_space<vmem>>[vector<16xi32>, vector<16xi32>], vector<16xf32>,
        %gather3A_460 = tpu.vector_load_idx %arg12[%add3A_457, %broadcast_in_dim3A_7] : memref<1280x8xf32, #tpu.memory_space<vmem>>[vector<16xi32>, vector<16xi32>], vector<16xf32>,
        %gather3A_461 = tpu.vector_load_idx %arg12[%add3A_457, %broadcast_in_dim3A_9] : memref<1280x8xf32, #tpu.memory_space<vmem>>[vector<16xi32>, vector<16xi32>], vector<16xf32>,
        %gather3A_462 = tpu.vector_load_idx %arg12[%add3A_457, %broadcast_in_dim3A_11] : memref<1280x8xf32, #tpu.memory_space<vmem>>[vector<16xi32>, vector<16xi32>], vector<16xf32>,
        %gather3A_463 = tpu.vector_load_idx %arg12[%add3A_457, %broadcast_in_dim3A_13] : memref<1280x8xf32, #tpu.memory_space<vmem>>[vector<16xi32>, vector<16xi32>], vector<16xf32>,
        %gather3A_464 = tpu.vector_load_idx %arg12[%add3A_457, %broadcast_in_dim3A_15] : memref<1280x8xf32, #tpu.memory_space<vmem>>[vector<16xi32>, vector<16xi32>], vector<16xf32>,
        %gather3A_465 = tpu.vector_load_idx %arg12[%add3A_457, %broadcast_in_dim3A_17] : memref<1280x8xf32, #tpu.memory_space<vmem>>[vector<16xi32>, vector<16xi32>], vector<16xf32>,
        %mul3A_466 = arith.constant 128 : i32
        %mul3A_467 = arith.muli %scan3A_170, %mul3A_466 : i32
        %mul3A_468 = arith.constant 8 : i32
        %mul3A_469 = arith.muli %mul3A_467, %mul3A_468 : i32
        %add3A_470 = arith.constant 0 : i32
        %add3A_471 = arith.addi %mul3A_469, %add3A_470 : i32
        %add3A_472 = arith.constant 48 : i32
        %add3A_473 = arith.addi %add3A_471, %add3A_472 : i32
        %swap3A_474 = arith.index_cast %add3A_473 : i32 to index
        %swap3A_475 = tpu.vector_load %arg16[%swap3A_474] {strides = array<i32>} : memref<10240xf32, #tpu.memory_space<vmem>>, vector<16xf32>,
        tpu.vector_store %arg16[%swap3A_474], %gather3A_458 {strides = array<i32>} : memref<10240xf32, #tpu.memory_space<vmem>>, vector<16xf32>,
        %mul3A_476 = arith.constant 128 : i32
        %mul3A_477 = arith.muli %scan3A_170, %mul3A_476 : i32
        %mul3A_478 = arith.constant 8 : i32
        %mul3A_479 = arith.muli %mul3A_477, %mul3A_478 : i32
        %add3A_480 = arith.constant 128 : i32
        %add3A_481 = arith.addi %mul3A_479, %add3A_480 : i32
        %add3A_482 = arith.constant 48 : i32
        %add3A_483 = arith.addi %add3A_481, %add3A_482 : i32
        %swap3A_484 = arith.index_cast %add3A_483 : i32 to index
        %swap3A_485 = tpu.vector_load %arg16[%swap3A_484] {strides = array<i32>} : memref<10240xf32, #tpu.memory_space<vmem>>, vector<16xf32>,
        tpu.vector_store %arg16[%swap3A_484], %gather3A_459 {strides = array<i32>} : memref<10240xf32, #tpu.memory_space<vmem>>, vector<16xf32>,
        %mul3A_486 = arith.constant 128 : i32
        %mul3A_487 = arith.muli %scan3A_170, %mul3A_486 : i32
        %mul3A_488 = arith.constant 8 : i32
        %mul3A_489 = arith.muli %mul3A_487, %mul3A_488 : i32
        %add3A_490 = arith.constant 256 : i32
        %add3A_491 = arith.addi %mul3A_489, %add3A_490 : i32
        %add3A_492 = arith.constant 48 : i32
        %add3A_493 = arith.addi %add3A_491, %add3A_492 : i32
        %swap3A_494 = arith.index_cast %add3A_493 : i32 to index
        %swap3A_495 = tpu.vector_load %arg16[%swap3A_494] {strides = array<i32>} : memref<10240xf32, #tpu.memory_space<vmem>>, vector<16xf32>,
        tpu.vector_store %arg16[%swap3A_494], %gather3A_460 {strides = array<i32>} : memref<10240xf32, #tpu.memory_space<vmem>>, vector<16xf32>,
        %mul3A_496 = arith.constant 128 : i32
        %mul3A_497 = arith.muli %scan3A_170, %mul3A_496 : i32
        %mul3A_498 = arith.constant 8 : i32
        %mul3A_499 = arith.muli %mul3A_497, %mul3A_498 : i32
        %add3A_500 = arith.constant 384 : i32
        %add3A_501 = arith.addi %mul3A_499, %add3A_500 : i32
        %add3A_502 = arith.constant 48 : i32
        %add3A_503 = arith.addi %add3A_501, %add3A_502 : i32
        %swap3A_504 = arith.index_cast %add3A_503 : i32 to index
        %swap3A_505 = tpu.vector_load %arg16[%swap3A_504] {strides = array<i32>} : memref<10240xf32, #tpu.memory_space<vmem>>, vector<16xf32>,
        tpu.vector_store %arg16[%swap3A_504], %gather3A_461 {strides = array<i32>} : memref<10240xf32, #tpu.memory_space<vmem>>, vector<16xf32>,
        %mul3A_506 = arith.constant 128 : i32
        %mul3A_507 = arith.muli %scan3A_170, %mul3A_506 : i32
        %mul3A_508 = arith.constant 8 : i32
        %mul3A_509 = arith.muli %mul3A_507, %mul3A_508 : i32
        %add3A_510 = arith.constant 512 : i32
        %add3A_511 = arith.addi %mul3A_509, %add3A_510 : i32
        %add3A_512 = arith.constant 48 : i32
        %add3A_513 = arith.addi %add3A_511, %add3A_512 : i32
        %swap3A_514 = arith.index_cast %add3A_513 : i32 to index
        %swap3A_515 = tpu.vector_load %arg16[%swap3A_514] {strides = array<i32>} : memref<10240xf32, #tpu.memory_space<vmem>>, vector<16xf32>,
        tpu.vector_store %arg16[%swap3A_514], %gather3A_462 {strides = array<i32>} : memref<10240xf32, #tpu.memory_space<vmem>>, vector<16xf32>,
        %mul3A_516 = arith.constant 128 : i32
        %mul3A_517 = arith.muli %scan3A_170, %mul3A_516 : i32
        %mul3A_518 = arith.constant 8 : i32
        %mul3A_519 = arith.muli %mul3A_517, %mul3A_518 : i32
        %add3A_520 = arith.constant 640 : i32
        %add3A_521 = arith.addi %mul3A_519, %add3A_520 : i32
        %add3A_522 = arith.constant 48 : i32
        %add3A_523 = arith.addi %add3A_521, %add3A_522 : i32
        %swap3A_524 = arith.index_cast %add3A_523 : i32 to index
        %swap3A_525 = tpu.vector_load %arg16[%swap3A_524] {strides = array<i32>} : memref<10240xf32, #tpu.memory_space<vmem>>, vector<16xf32>,
        tpu.vector_store %arg16[%swap3A_524], %gather3A_463 {strides = array<i32>} : memref<10240xf32, #tpu.memory_space<vmem>>, vector<16xf32>,
        %mul3A_526 = arith.constant 128 : i32
        %mul3A_527 = arith.muli %scan3A_170, %mul3A_526 : i32
        %mul3A_528 = arith.constant 8 : i32
        %mul3A_529 = arith.muli %mul3A_527, %mul3A_528 : i32
        %add3A_530 = arith.constant 768 : i32
        %add3A_531 = arith.addi %mul3A_529, %add3A_530 : i32
        %add3A_532 = arith.constant 48 : i32
        %add3A_533 = arith.addi %add3A_531, %add3A_532 : i32
        %swap3A_534 = arith.index_cast %add3A_533 : i32 to index
        %swap3A_535 = tpu.vector_load %arg16[%swap3A_534] {strides = array<i32>} : memref<10240xf32, #tpu.memory_space<vmem>>, vector<16xf32>,
        tpu.vector_store %arg16[%swap3A_534], %gather3A_464 {strides = array<i32>} : memref<10240xf32, #tpu.memory_space<vmem>>, vector<16xf32>,
        %mul3A_536 = arith.constant 128 : i32
        %mul3A_537 = arith.muli %scan3A_170, %mul3A_536 : i32
        %mul3A_538 = arith.constant 8 : i32
        %mul3A_539 = arith.muli %mul3A_537, %mul3A_538 : i32
        %add3A_540 = arith.constant 896 : i32
        %add3A_541 = arith.addi %mul3A_539, %add3A_540 : i32
        %add3A_542 = arith.constant 48 : i32
        %add3A_543 = arith.addi %add3A_541, %add3A_542 : i32
        %swap3A_544 = arith.index_cast %add3A_543 : i32 to index
        %swap3A_545 = tpu.vector_load %arg16[%swap3A_544] {strides = array<i32>} : memref<10240xf32, #tpu.memory_space<vmem>>, vector<16xf32>,
        tpu.vector_store %arg16[%swap3A_544], %gather3A_465 {strides = array<i32>} : memref<10240xf32, #tpu.memory_space<vmem>>, vector<16xf32>,
        %mul3A_546 = arith.constant 128 : i32
        %mul3A_547 = arith.muli %scan3A_170, %mul3A_546 : i32
        %add3A_548 = arith.constant 64 : i32
        %add3A_549 = arith.addi %mul3A_547, %add3A_548 : i32
        %add3A_550 = vector.broadcast %add3A_549 : i32 to vector<16xi32>
        %add3A_551 = arith.addi %iota3A, %add3A_550 : vector<16xi32>
        %gather3A_552 = tpu.vector_load_idx %arg12[%add3A_551, %broadcast_in_dim3A_3] : memref<1280x8xf32, #tpu.memory_space<vmem>>[vector<16xi32>, vector<16xi32>], vector<16xf32>,
        %gather3A_553 = tpu.vector_load_idx %arg12[%add3A_551, %broadcast_in_dim3A_5] : memref<1280x8xf32, #tpu.memory_space<vmem>>[vector<16xi32>, vector<16xi32>], vector<16xf32>,
        %gather3A_554 = tpu.vector_load_idx %arg12[%add3A_551, %broadcast_in_dim3A_7] : memref<1280x8xf32, #tpu.memory_space<vmem>>[vector<16xi32>, vector<16xi32>], vector<16xf32>,
        %gather3A_555 = tpu.vector_load_idx %arg12[%add3A_551, %broadcast_in_dim3A_9] : memref<1280x8xf32, #tpu.memory_space<vmem>>[vector<16xi32>, vector<16xi32>], vector<16xf32>,
        %gather3A_556 = tpu.vector_load_idx %arg12[%add3A_551, %broadcast_in_dim3A_11] : memref<1280x8xf32, #tpu.memory_space<vmem>>[vector<16xi32>, vector<16xi32>], vector<16xf32>,
        %gather3A_557 = tpu.vector_load_idx %arg12[%add3A_551, %broadcast_in_dim3A_13] : memref<1280x8xf32, #tpu.memory_space<vmem>>[vector<16xi32>, vector<16xi32>], vector<16xf32>,
        %gather3A_558 = tpu.vector_load_idx %arg12[%add3A_551, %broadcast_in_dim3A_15] : memref<1280x8xf32, #tpu.memory_space<vmem>>[vector<16xi32>, vector<16xi32>], vector<16xf32>,
        %gather3A_559 = tpu.vector_load_idx %arg12[%add3A_551, %broadcast_in_dim3A_17] : memref<1280x8xf32, #tpu.memory_space<vmem>>[vector<16xi32>, vector<16xi32>], vector<16xf32>,
        %mul3A_560 = arith.constant 128 : i32
        %mul3A_561 = arith.muli %scan3A_170, %mul3A_560 : i32
        %mul3A_562 = arith.constant 8 : i32
        %mul3A_563 = arith.muli %mul3A_561, %mul3A_562 : i32
        %add3A_564 = arith.constant 0 : i32
        %add3A_565 = arith.addi %mul3A_563, %add3A_564 : i32
        %add3A_566 = arith.constant 64 : i32
        %add3A_567 = arith.addi %add3A_565, %add3A_566 : i32
        %swap3A_568 = arith.index_cast %add3A_567 : i32 to index
        %swap3A_569 = tpu.vector_load %arg16[%swap3A_568] {strides = array<i32>} : memref<10240xf32, #tpu.memory_space<vmem>>, vector<16xf32>,
        tpu.vector_store %arg16[%swap3A_568], %gather3A_552 {strides = array<i32>} : memref<10240xf32, #tpu.memory_space<vmem>>, vector<16xf32>,
        %mul3A_570 = arith.constant 128 : i32
        %mul3A_571 = arith.muli %scan3A_170, %mul3A_570 : i32
        %mul3A_572 = arith.constant 8 : i32
        %mul3A_573 = arith.muli %mul3A_571, %mul3A_572 : i32
        %add3A_574 = arith.constant 128 : i32
        %add3A_575 = arith.addi %mul3A_573, %add3A_574 : i32
        %add3A_576 = arith.constant 64 : i32
        %add3A_577 = arith.addi %add3A_575, %add3A_576 : i32
        %swap3A_578 = arith.index_cast %add3A_577 : i32 to index
        %swap3A_579 = tpu.vector_load %arg16[%swap3A_578] {strides = array<i32>} : memref<10240xf32, #tpu.memory_space<vmem>>, vector<16xf32>,
        tpu.vector_store %arg16[%swap3A_578], %gather3A_553 {strides = array<i32>} : memref<10240xf32, #tpu.memory_space<vmem>>, vector<16xf32>,
        %mul3A_580 = arith.constant 128 : i32
        %mul3A_581 = arith.muli %scan3A_170, %mul3A_580 : i32
        %mul3A_582 = arith.constant 8 : i32
        %mul3A_583 = arith.muli %mul3A_581, %mul3A_582 : i32
        %add3A_584 = arith.constant 256 : i32
        %add3A_585 = arith.addi %mul3A_583, %add3A_584 : i32
        %add3A_586 = arith.constant 64 : i32
        %add3A_587 = arith.addi %add3A_585, %add3A_586 : i32
        %swap3A_588 = arith.index_cast %add3A_587 : i32 to index
        %swap3A_589 = tpu.vector_load %arg16[%swap3A_588] {strides = array<i32>} : memref<10240xf32, #tpu.memory_space<vmem>>, vector<16xf32>,
        tpu.vector_store %arg16[%swap3A_588], %gather3A_554 {strides = array<i32>} : memref<10240xf32, #tpu.memory_space<vmem>>, vector<16xf32>,
        %mul3A_590 = arith.constant 128 : i32
        %mul3A_591 = arith.muli %scan3A_170, %mul3A_590 : i32
        %mul3A_592 = arith.constant 8 : i32
        %mul3A_593 = arith.muli %mul3A_591, %mul3A_592 : i32
        %add3A_594 = arith.constant 384 : i32
        %add3A_595 = arith.addi %mul3A_593, %add3A_594 : i32
        %add3A_596 = arith.constant 64 : i32
        %add3A_597 = arith.addi %add3A_595, %add3A_596 : i32
        %swap3A_598 = arith.index_cast %add3A_597 : i32 to index
        %swap3A_599 = tpu.vector_load %arg16[%swap3A_598] {strides = array<i32>} : memref<10240xf32, #tpu.memory_space<vmem>>, vector<16xf32>,
        tpu.vector_store %arg16[%swap3A_598], %gather3A_555 {strides = array<i32>} : memref<10240xf32, #tpu.memory_space<vmem>>, vector<16xf32>,
        %mul3A_600 = arith.constant 128 : i32
        %mul3A_601 = arith.muli %scan3A_170, %mul3A_600 : i32
        %mul3A_602 = arith.constant 8 : i32
        %mul3A_603 = arith.muli %mul3A_601, %mul3A_602 : i32
        %add3A_604 = arith.constant 512 : i32
        %add3A_605 = arith.addi %mul3A_603, %add3A_604 : i32
        %add3A_606 = arith.constant 64 : i32
        %add3A_607 = arith.addi %add3A_605, %add3A_606 : i32
        %swap3A_608 = arith.index_cast %add3A_607 : i32 to index
        %swap3A_609 = tpu.vector_load %arg16[%swap3A_608] {strides = array<i32>} : memref<10240xf32, #tpu.memory_space<vmem>>, vector<16xf32>,
        tpu.vector_store %arg16[%swap3A_608], %gather3A_556 {strides = array<i32>} : memref<10240xf32, #tpu.memory_space<vmem>>, vector<16xf32>,
        %mul3A_610 = arith.constant 128 : i32
        %mul3A_611 = arith.muli %scan3A_170, %mul3A_610 : i32
        %mul3A_612 = arith.constant 8 : i32
        %mul3A_613 = arith.muli %mul3A_611, %mul3A_612 : i32
        %add3A_614 = arith.constant 640 : i32
        %add3A_615 = arith.addi %mul3A_613, %add3A_614 : i32
        %add3A_616 = arith.constant 64 : i32
        %add3A_617 = arith.addi %add3A_615, %add3A_616 : i32
        %swap3A_618 = arith.index_cast %add3A_617 : i32 to index
        %swap3A_619 = tpu.vector_load %arg16[%swap3A_618] {strides = array<i32>} : memref<10240xf32, #tpu.memory_space<vmem>>, vector<16xf32>,
        tpu.vector_store %arg16[%swap3A_618], %gather3A_557 {strides = array<i32>} : memref<10240xf32, #tpu.memory_space<vmem>>, vector<16xf32>,
        %mul3A_620 = arith.constant 128 : i32
        %mul3A_621 = arith.muli %scan3A_170, %mul3A_620 : i32
        %mul3A_622 = arith.constant 8 : i32
        %mul3A_623 = arith.muli %mul3A_621, %mul3A_622 : i32
        %add3A_624 = arith.constant 768 : i32
        %add3A_625 = arith.addi %mul3A_623, %add3A_624 : i32
        %add3A_626 = arith.constant 64 : i32
        %add3A_627 = arith.addi %add3A_625, %add3A_626 : i32
        %swap3A_628 = arith.index_cast %add3A_627 : i32 to index
        %swap3A_629 = tpu.vector_load %arg16[%swap3A_628] {strides = array<i32>} : memref<10240xf32, #tpu.memory_space<vmem>>, vector<16xf32>,
        tpu.vector_store %arg16[%swap3A_628], %gather3A_558 {strides = array<i32>} : memref<10240xf32, #tpu.memory_space<vmem>>, vector<16xf32>,
        %mul3A_630 = arith.constant 128 : i32
        %mul3A_631 = arith.muli %scan3A_170, %mul3A_630 : i32
        %mul3A_632 = arith.constant 8 : i32
        %mul3A_633 = arith.muli %mul3A_631, %mul3A_632 : i32
        %add3A_634 = arith.constant 896 : i32
        %add3A_635 = arith.addi %mul3A_633, %add3A_634 : i32
        %add3A_636 = arith.constant 64 : i32
        %add3A_637 = arith.addi %add3A_635, %add3A_636 : i32
        %swap3A_638 = arith.index_cast %add3A_637 : i32 to index
        %swap3A_639 = tpu.vector_load %arg16[%swap3A_638] {strides = array<i32>} : memref<10240xf32, #tpu.memory_space<vmem>>, vector<16xf32>,
        tpu.vector_store %arg16[%swap3A_638], %gather3A_559 {strides = array<i32>} : memref<10240xf32, #tpu.memory_space<vmem>>, vector<16xf32>,
        %mul3A_640 = arith.constant 128 : i32
        %mul3A_641 = arith.muli %scan3A_170, %mul3A_640 : i32
        %add3A_642 = arith.constant 80 : i32
        %add3A_643 = arith.addi %mul3A_641, %add3A_642 : i32
        %add3A_644 = vector.broadcast %add3A_643 : i32 to vector<16xi32>
        %add3A_645 = arith.addi %iota3A, %add3A_644 : vector<16xi32>
        %gather3A_646 = tpu.vector_load_idx %arg12[%add3A_645, %broadcast_in_dim3A_3] : memref<1280x8xf32, #tpu.memory_space<vmem>>[vector<16xi32>, vector<16xi32>], vector<16xf32>,
        %gather3A_647 = tpu.vector_load_idx %arg12[%add3A_645, %broadcast_in_dim3A_5] : memref<1280x8xf32, #tpu.memory_space<vmem>>[vector<16xi32>, vector<16xi32>], vector<16xf32>,
        %gather3A_648 = tpu.vector_load_idx %arg12[%add3A_645, %broadcast_in_dim3A_7] : memref<1280x8xf32, #tpu.memory_space<vmem>>[vector<16xi32>, vector<16xi32>], vector<16xf32>,
        %gather3A_649 = tpu.vector_load_idx %arg12[%add3A_645, %broadcast_in_dim3A_9] : memref<1280x8xf32, #tpu.memory_space<vmem>>[vector<16xi32>, vector<16xi32>], vector<16xf32>,
        %gather3A_650 = tpu.vector_load_idx %arg12[%add3A_645, %broadcast_in_dim3A_11] : memref<1280x8xf32, #tpu.memory_space<vmem>>[vector<16xi32>, vector<16xi32>], vector<16xf32>,
        %gather3A_651 = tpu.vector_load_idx %arg12[%add3A_645, %broadcast_in_dim3A_13] : memref<1280x8xf32, #tpu.memory_space<vmem>>[vector<16xi32>, vector<16xi32>], vector<16xf32>,
        %gather3A_652 = tpu.vector_load_idx %arg12[%add3A_645, %broadcast_in_dim3A_15] : memref<1280x8xf32, #tpu.memory_space<vmem>>[vector<16xi32>, vector<16xi32>], vector<16xf32>,
        %gather3A_653 = tpu.vector_load_idx %arg12[%add3A_645, %broadcast_in_dim3A_17] : memref<1280x8xf32, #tpu.memory_space<vmem>>[vector<16xi32>, vector<16xi32>], vector<16xf32>,
        %mul3A_654 = arith.constant 128 : i32
        %mul3A_655 = arith.muli %scan3A_170, %mul3A_654 : i32
        %mul3A_656 = arith.constant 8 : i32
        %mul3A_657 = arith.muli %mul3A_655, %mul3A_656 : i32
        %add3A_658 = arith.constant 0 : i32
        %add3A_659 = arith.addi %mul3A_657, %add3A_658 : i32
        %add3A_660 = arith.constant 80 : i32
        %add3A_661 = arith.addi %add3A_659, %add3A_660 : i32
        %swap3A_662 = arith.index_cast %add3A_661 : i32 to index
        %swap3A_663 = tpu.vector_load %arg16[%swap3A_662] {strides = array<i32>} : memref<10240xf32, #tpu.memory_space<vmem>>, vector<16xf32>,
        tpu.vector_store %arg16[%swap3A_662], %gather3A_646 {strides = array<i32>} : memref<10240xf32, #tpu.memory_space<vmem>>, vector<16xf32>,
        %mul3A_664 = arith.constant 128 : i32
        %mul3A_665 = arith.muli %scan3A_170, %mul3A_664 : i32
        %mul3A_666 = arith.constant 8 : i32
        %mul3A_667 = arith.muli %mul3A_665, %mul3A_666 : i32
        %add3A_668 = arith.constant 128 : i32
        %add3A_669 = arith.addi %mul3A_667, %add3A_668 : i32
        %add3A_670 = arith.constant 80 : i32
        %add3A_671 = arith.addi %add3A_669, %add3A_670 : i32
        %swap3A_672 = arith.index_cast %add3A_671 : i32 to index
        %swap3A_673 = tpu.vector_load %arg16[%swap3A_672] {strides = array<i32>} : memref<10240xf32, #tpu.memory_space<vmem>>, vector<16xf32>,
        tpu.vector_store %arg16[%swap3A_672], %gather3A_647 {strides = array<i32>} : memref<10240xf32, #tpu.memory_space<vmem>>, vector<16xf32>,
        %mul3A_674 = arith.constant 128 : i32
        %mul3A_675 = arith.muli %scan3A_170, %mul3A_674 : i32
        %mul3A_676 = arith.constant 8 : i32
        %mul3A_677 = arith.muli %mul3A_675, %mul3A_676 : i32
        %add3A_678 = arith.constant 256 : i32
        %add3A_679 = arith.addi %mul3A_677, %add3A_678 : i32
        %add3A_680 = arith.constant 80 : i32
        %add3A_681 = arith.addi %add3A_679, %add3A_680 : i32
        %swap3A_682 = arith.index_cast %add3A_681 : i32 to index
        %swap3A_683 = tpu.vector_load %arg16[%swap3A_682] {strides = array<i32>} : memref<10240xf32, #tpu.memory_space<vmem>>, vector<16xf32>,
        tpu.vector_store %arg16[%swap3A_682], %gather3A_648 {strides = array<i32>} : memref<10240xf32, #tpu.memory_space<vmem>>, vector<16xf32>,
        %mul3A_684 = arith.constant 128 : i32
        %mul3A_685 = arith.muli %scan3A_170, %mul3A_684 : i32
        %mul3A_686 = arith.constant 8 : i32
        %mul3A_687 = arith.muli %mul3A_685, %mul3A_686 : i32
        %add3A_688 = arith.constant 384 : i32
        %add3A_689 = arith.addi %mul3A_687, %add3A_688 : i32
        %add3A_690 = arith.constant 80 : i32
        %add3A_691 = arith.addi %add3A_689, %add3A_690 : i32
        %swap3A_692 = arith.index_cast %add3A_691 : i32 to index
        %swap3A_693 = tpu.vector_load %arg16[%swap3A_692] {strides = array<i32>} : memref<10240xf32, #tpu.memory_space<vmem>>, vector<16xf32>,
        tpu.vector_store %arg16[%swap3A_692], %gather3A_649 {strides = array<i32>} : memref<10240xf32, #tpu.memory_space<vmem>>, vector<16xf32>,
        %mul3A_694 = arith.constant 128 : i32
        %mul3A_695 = arith.muli %scan3A_170, %mul3A_694 : i32
        %mul3A_696 = arith.constant 8 : i32
        %mul3A_697 = arith.muli %mul3A_695, %mul3A_696 : i32
        %add3A_698 = arith.constant 512 : i32
        %add3A_699 = arith.addi %mul3A_697, %add3A_698 : i32
        %add3A_700 = arith.constant 80 : i32
        %add3A_701 = arith.addi %add3A_699, %add3A_700 : i32
        %swap3A_702 = arith.index_cast %add3A_701 : i32 to index
        %swap3A_703 = tpu.vector_load %arg16[%swap3A_702] {strides = array<i32>} : memref<10240xf32, #tpu.memory_space<vmem>>, vector<16xf32>,
        tpu.vector_store %arg16[%swap3A_702], %gather3A_650 {strides = array<i32>} : memref<10240xf32, #tpu.memory_space<vmem>>, vector<16xf32>,
        %mul3A_704 = arith.constant 128 : i32
        %mul3A_705 = arith.muli %scan3A_170, %mul3A_704 : i32
        %mul3A_706 = arith.constant 8 : i32
        %mul3A_707 = arith.muli %mul3A_705, %mul3A_706 : i32
        %add3A_708 = arith.constant 640 : i32
        %add3A_709 = arith.addi %mul3A_707, %add3A_708 : i32
        %add3A_710 = arith.constant 80 : i32
        %add3A_711 = arith.addi %add3A_709, %add3A_710 : i32
        %swap3A_712 = arith.index_cast %add3A_711 : i32 to index
        %swap3A_713 = tpu.vector_load %arg16[%swap3A_712] {strides = array<i32>} : memref<10240xf32, #tpu.memory_space<vmem>>, vector<16xf32>,
        tpu.vector_store %arg16[%swap3A_712], %gather3A_651 {strides = array<i32>} : memref<10240xf32, #tpu.memory_space<vmem>>, vector<16xf32>,
        %mul3A_714 = arith.constant 128 : i32
        %mul3A_715 = arith.muli %scan3A_170, %mul3A_714 : i32
        %mul3A_716 = arith.constant 8 : i32
        %mul3A_717 = arith.muli %mul3A_715, %mul3A_716 : i32
        %add3A_718 = arith.constant 768 : i32
        %add3A_719 = arith.addi %mul3A_717, %add3A_718 : i32
        %add3A_720 = arith.constant 80 : i32
        %add3A_721 = arith.addi %add3A_719, %add3A_720 : i32
        %swap3A_722 = arith.index_cast %add3A_721 : i32 to index
        %swap3A_723 = tpu.vector_load %arg16[%swap3A_722] {strides = array<i32>} : memref<10240xf32, #tpu.memory_space<vmem>>, vector<16xf32>,
        tpu.vector_store %arg16[%swap3A_722], %gather3A_652 {strides = array<i32>} : memref<10240xf32, #tpu.memory_space<vmem>>, vector<16xf32>,
        %mul3A_724 = arith.constant 128 : i32
        %mul3A_725 = arith.muli %scan3A_170, %mul3A_724 : i32
        %mul3A_726 = arith.constant 8 : i32
        %mul3A_727 = arith.muli %mul3A_725, %mul3A_726 : i32
        %add3A_728 = arith.constant 896 : i32
        %add3A_729 = arith.addi %mul3A_727, %add3A_728 : i32
        %add3A_730 = arith.constant 80 : i32
        %add3A_731 = arith.addi %add3A_729, %add3A_730 : i32
        %swap3A_732 = arith.index_cast %add3A_731 : i32 to index
        %swap3A_733 = tpu.vector_load %arg16[%swap3A_732] {strides = array<i32>} : memref<10240xf32, #tpu.memory_space<vmem>>, vector<16xf32>,
        tpu.vector_store %arg16[%swap3A_732], %gather3A_653 {strides = array<i32>} : memref<10240xf32, #tpu.memory_space<vmem>>, vector<16xf32>,
        %mul3A_734 = arith.constant 128 : i32
        %mul3A_735 = arith.muli %scan3A_170, %mul3A_734 : i32
        %add3A_736 = arith.constant 96 : i32
        %add3A_737 = arith.addi %mul3A_735, %add3A_736 : i32
        %add3A_738 = vector.broadcast %add3A_737 : i32 to vector<16xi32>
        %add3A_739 = arith.addi %iota3A, %add3A_738 : vector<16xi32>
        %gather3A_740 = tpu.vector_load_idx %arg12[%add3A_739, %broadcast_in_dim3A_3] : memref<1280x8xf32, #tpu.memory_space<vmem>>[vector<16xi32>, vector<16xi32>], vector<16xf32>,
        %gather3A_741 = tpu.vector_load_idx %arg12[%add3A_739, %broadcast_in_dim3A_5] : memref<1280x8xf32, #tpu.memory_space<vmem>>[vector<16xi32>, vector<16xi32>], vector<16xf32>,
        %gather3A_742 = tpu.vector_load_idx %arg12[%add3A_739, %broadcast_in_dim3A_7] : memref<1280x8xf32, #tpu.memory_space<vmem>>[vector<16xi32>, vector<16xi32>], vector<16xf32>,
        %gather3A_743 = tpu.vector_load_idx %arg12[%add3A_739, %broadcast_in_dim3A_9] : memref<1280x8xf32, #tpu.memory_space<vmem>>[vector<16xi32>, vector<16xi32>], vector<16xf32>,
        %gather3A_744 = tpu.vector_load_idx %arg12[%add3A_739, %broadcast_in_dim3A_11] : memref<1280x8xf32, #tpu.memory_space<vmem>>[vector<16xi32>, vector<16xi32>], vector<16xf32>,
        %gather3A_745 = tpu.vector_load_idx %arg12[%add3A_739, %broadcast_in_dim3A_13] : memref<1280x8xf32, #tpu.memory_space<vmem>>[vector<16xi32>, vector<16xi32>], vector<16xf32>,
        %gather3A_746 = tpu.vector_load_idx %arg12[%add3A_739, %broadcast_in_dim3A_15] : memref<1280x8xf32, #tpu.memory_space<vmem>>[vector<16xi32>, vector<16xi32>], vector<16xf32>,
        %gather3A_747 = tpu.vector_load_idx %arg12[%add3A_739, %broadcast_in_dim3A_17] : memref<1280x8xf32, #tpu.memory_space<vmem>>[vector<16xi32>, vector<16xi32>], vector<16xf32>,
        %mul3A_748 = arith.constant 128 : i32
        %mul3A_749 = arith.muli %scan3A_170, %mul3A_748 : i32
        %mul3A_750 = arith.constant 8 : i32
        %mul3A_751 = arith.muli %mul3A_749, %mul3A_750 : i32
        %add3A_752 = arith.constant 0 : i32
        %add3A_753 = arith.addi %mul3A_751, %add3A_752 : i32
        %add3A_754 = arith.constant 96 : i32
        %add3A_755 = arith.addi %add3A_753, %add3A_754 : i32
        %swap3A_756 = arith.index_cast %add3A_755 : i32 to index
        %swap3A_757 = tpu.vector_load %arg16[%swap3A_756] {strides = array<i32>} : memref<10240xf32, #tpu.memory_space<vmem>>, vector<16xf32>,
        tpu.vector_store %arg16[%swap3A_756], %gather3A_740 {strides = array<i32>} : memref<10240xf32, #tpu.memory_space<vmem>>, vector<16xf32>,
        %mul3A_758 = arith.constant 128 : i32
        %mul3A_759 = arith.muli %scan3A_170, %mul3A_758 : i32
        %mul3A_760 = arith.constant 8 : i32
        %mul3A_761 = arith.muli %mul3A_759, %mul3A_760 : i32
        %add3A_762 = arith.constant 128 : i32
        %add3A_763 = arith.addi %mul3A_761, %add3A_762 : i32
        %add3A_764 = arith.constant 96 : i32
        %add3A_765 = arith.addi %add3A_763, %add3A_764 : i32
        %swap3A_766 = arith.index_cast %add3A_765 : i32 to index
        %swap3A_767 = tpu.vector_load %arg16[%swap3A_766] {strides = array<i32>} : memref<10240xf32, #tpu.memory_space<vmem>>, vector<16xf32>,
        tpu.vector_store %arg16[%swap3A_766], %gather3A_741 {strides = array<i32>} : memref<10240xf32, #tpu.memory_space<vmem>>, vector<16xf32>,
        %mul3A_768 = arith.constant 128 : i32
        %mul3A_769 = arith.muli %scan3A_170, %mul3A_768 : i32
        %mul3A_770 = arith.constant 8 : i32
        %mul3A_771 = arith.muli %mul3A_769, %mul3A_770 : i32
        %add3A_772 = arith.constant 256 : i32
        %add3A_773 = arith.addi %mul3A_771, %add3A_772 : i32
        %add3A_774 = arith.constant 96 : i32
        %add3A_775 = arith.addi %add3A_773, %add3A_774 : i32
        %swap3A_776 = arith.index_cast %add3A_775 : i32 to index
        %swap3A_777 = tpu.vector_load %arg16[%swap3A_776] {strides = array<i32>} : memref<10240xf32, #tpu.memory_space<vmem>>, vector<16xf32>,
        tpu.vector_store %arg16[%swap3A_776], %gather3A_742 {strides = array<i32>} : memref<10240xf32, #tpu.memory_space<vmem>>, vector<16xf32>,
        %mul3A_778 = arith.constant 128 : i32
        %mul3A_779 = arith.muli %scan3A_170, %mul3A_778 : i32
        %mul3A_780 = arith.constant 8 : i32
        %mul3A_781 = arith.muli %mul3A_779, %mul3A_780 : i32
        %add3A_782 = arith.constant 384 : i32
        %add3A_783 = arith.addi %mul3A_781, %add3A_782 : i32
        %add3A_784 = arith.constant 96 : i32
        %add3A_785 = arith.addi %add3A_783, %add3A_784 : i32
        %swap3A_786 = arith.index_cast %add3A_785 : i32 to index
        %swap3A_787 = tpu.vector_load %arg16[%swap3A_786] {strides = array<i32>} : memref<10240xf32, #tpu.memory_space<vmem>>, vector<16xf32>,
        tpu.vector_store %arg16[%swap3A_786], %gather3A_743 {strides = array<i32>} : memref<10240xf32, #tpu.memory_space<vmem>>, vector<16xf32>,
        %mul3A_788 = arith.constant 128 : i32
        %mul3A_789 = arith.muli %scan3A_170, %mul3A_788 : i32
        %mul3A_790 = arith.constant 8 : i32
        %mul3A_791 = arith.muli %mul3A_789, %mul3A_790 : i32
        %add3A_792 = arith.constant 512 : i32
        %add3A_793 = arith.addi %mul3A_791, %add3A_792 : i32
        %add3A_794 = arith.constant 96 : i32
        %add3A_795 = arith.addi %add3A_793, %add3A_794 : i32
        %swap3A_796 = arith.index_cast %add3A_795 : i32 to index
        %swap3A_797 = tpu.vector_load %arg16[%swap3A_796] {strides = array<i32>} : memref<10240xf32, #tpu.memory_space<vmem>>, vector<16xf32>,
        tpu.vector_store %arg16[%swap3A_796], %gather3A_744 {strides = array<i32>} : memref<10240xf32, #tpu.memory_space<vmem>>, vector<16xf32>,
        %mul3A_798 = arith.constant 128 : i32
        %mul3A_799 = arith.muli %scan3A_170, %mul3A_798 : i32
        %mul3A_800 = arith.constant 8 : i32
        %mul3A_801 = arith.muli %mul3A_799, %mul3A_800 : i32
        %add3A_802 = arith.constant 640 : i32
        %add3A_803 = arith.addi %mul3A_801, %add3A_802 : i32
        %add3A_804 = arith.constant 96 : i32
        %add3A_805 = arith.addi %add3A_803, %add3A_804 : i32
        %swap3A_806 = arith.index_cast %add3A_805 : i32 to index
        %swap3A_807 = tpu.vector_load %arg16[%swap3A_806] {strides = array<i32>} : memref<10240xf32, #tpu.memory_space<vmem>>, vector<16xf32>,
        tpu.vector_store %arg16[%swap3A_806], %gather3A_745 {strides = array<i32>} : memref<10240xf32, #tpu.memory_space<vmem>>, vector<16xf32>,
        %mul3A_808 = arith.constant 128 : i32
        %mul3A_809 = arith.muli %scan3A_170, %mul3A_808 : i32
        %mul3A_810 = arith.constant 8 : i32
        %mul3A_811 = arith.muli %mul3A_809, %mul3A_810 : i32
        %add3A_812 = arith.constant 768 : i32
        %add3A_813 = arith.addi %mul3A_811, %add3A_812 : i32
        %add3A_814 = arith.constant 96 : i32
        %add3A_815 = arith.addi %add3A_813, %add3A_814 : i32
        %swap3A_816 = arith.index_cast %add3A_815 : i32 to index
        %swap3A_817 = tpu.vector_load %arg16[%swap3A_816] {strides = array<i32>} : memref<10240xf32, #tpu.memory_space<vmem>>, vector<16xf32>,
        tpu.vector_store %arg16[%swap3A_816], %gather3A_746 {strides = array<i32>} : memref<10240xf32, #tpu.memory_space<vmem>>, vector<16xf32>,
        %mul3A_818 = arith.constant 128 : i32
        %mul3A_819 = arith.muli %scan3A_170, %mul3A_818 : i32
        %mul3A_820 = arith.constant 8 : i32
        %mul3A_821 = arith.muli %mul3A_819, %mul3A_820 : i32
        %add3A_822 = arith.constant 896 : i32
        %add3A_823 = arith.addi %mul3A_821, %add3A_822 : i32
        %add3A_824 = arith.constant 96 : i32
        %add3A_825 = arith.addi %add3A_823, %add3A_824 : i32
        %swap3A_826 = arith.index_cast %add3A_825 : i32 to index
        %swap3A_827 = tpu.vector_load %arg16[%swap3A_826] {strides = array<i32>} : memref<10240xf32, #tpu.memory_space<vmem>>, vector<16xf32>,
        tpu.vector_store %arg16[%swap3A_826], %gather3A_747 {strides = array<i32>} : memref<10240xf32, #tpu.memory_space<vmem>>, vector<16xf32>,
        %mul3A_828 = arith.constant 128 : i32
        %mul3A_829 = arith.muli %scan3A_170, %mul3A_828 : i32
        %add3A_830 = arith.constant 112 : i32
        %add3A_831 = arith.addi %mul3A_829, %add3A_830 : i32
        %add3A_832 = vector.broadcast %add3A_831 : i32 to vector<16xi32>
        %add3A_833 = arith.addi %iota3A, %add3A_832 : vector<16xi32>
        %gather3A_834 = tpu.vector_load_idx %arg12[%add3A_833, %broadcast_in_dim3A_3] : memref<1280x8xf32, #tpu.memory_space<vmem>>[vector<16xi32>, vector<16xi32>], vector<16xf32>,
        %gather3A_835 = tpu.vector_load_idx %arg12[%add3A_833, %broadcast_in_dim3A_5] : memref<1280x8xf32, #tpu.memory_space<vmem>>[vector<16xi32>, vector<16xi32>], vector<16xf32>,
        %gather3A_836 = tpu.vector_load_idx %arg12[%add3A_833, %broadcast_in_dim3A_7] : memref<1280x8xf32, #tpu.memory_space<vmem>>[vector<16xi32>, vector<16xi32>], vector<16xf32>,
        %gather3A_837 = tpu.vector_load_idx %arg12[%add3A_833, %broadcast_in_dim3A_9] : memref<1280x8xf32, #tpu.memory_space<vmem>>[vector<16xi32>, vector<16xi32>], vector<16xf32>,
        %gather3A_838 = tpu.vector_load_idx %arg12[%add3A_833, %broadcast_in_dim3A_11] : memref<1280x8xf32, #tpu.memory_space<vmem>>[vector<16xi32>, vector<16xi32>], vector<16xf32>,
        %gather3A_839 = tpu.vector_load_idx %arg12[%add3A_833, %broadcast_in_dim3A_13] : memref<1280x8xf32, #tpu.memory_space<vmem>>[vector<16xi32>, vector<16xi32>], vector<16xf32>,
        %gather3A_840 = tpu.vector_load_idx %arg12[%add3A_833, %broadcast_in_dim3A_15] : memref<1280x8xf32, #tpu.memory_space<vmem>>[vector<16xi32>, vector<16xi32>], vector<16xf32>,
        %gather3A_841 = tpu.vector_load_idx %arg12[%add3A_833, %broadcast_in_dim3A_17] : memref<1280x8xf32, #tpu.memory_space<vmem>>[vector<16xi32>, vector<16xi32>], vector<16xf32>,
        %mul3A_842 = arith.constant 128 : i32
        %mul3A_843 = arith.muli %scan3A_170, %mul3A_842 : i32
        %mul3A_844 = arith.constant 8 : i32
        %mul3A_845 = arith.muli %mul3A_843, %mul3A_844 : i32
        %add3A_846 = arith.constant 0 : i32
        %add3A_847 = arith.addi %mul3A_845, %add3A_846 : i32
        %add3A_848 = arith.constant 112 : i32
        %add3A_849 = arith.addi %add3A_847, %add3A_848 : i32
        %swap3A_850 = arith.index_cast %add3A_849 : i32 to index
        %swap3A_851 = tpu.vector_load %arg16[%swap3A_850] {strides = array<i32>} : memref<10240xf32, #tpu.memory_space<vmem>>, vector<16xf32>,
        tpu.vector_store %arg16[%swap3A_850], %gather3A_834 {strides = array<i32>} : memref<10240xf32, #tpu.memory_space<vmem>>, vector<16xf32>,
        %mul3A_852 = arith.constant 128 : i32
        %mul3A_853 = arith.muli %scan3A_170, %mul3A_852 : i32
        %mul3A_854 = arith.constant 8 : i32
        %mul3A_855 = arith.muli %mul3A_853, %mul3A_854 : i32
        %add3A_856 = arith.constant 128 : i32
        %add3A_857 = arith.addi %mul3A_855, %add3A_856 : i32
        %add3A_858 = arith.constant 112 : i32
        %add3A_859 = arith.addi %add3A_857, %add3A_858 : i32
        %swap3A_860 = arith.index_cast %add3A_859 : i32 to index
        %swap3A_861 = tpu.vector_load %arg16[%swap3A_860] {strides = array<i32>} : memref<10240xf32, #tpu.memory_space<vmem>>, vector<16xf32>,
        tpu.vector_store %arg16[%swap3A_860], %gather3A_835 {strides = array<i32>} : memref<10240xf32, #tpu.memory_space<vmem>>, vector<16xf32>,
        %mul3A_862 = arith.constant 128 : i32
        %mul3A_863 = arith.muli %scan3A_170, %mul3A_862 : i32
        %mul3A_864 = arith.constant 8 : i32
        %mul3A_865 = arith.muli %mul3A_863, %mul3A_864 : i32
        %add3A_866 = arith.constant 256 : i32
        %add3A_867 = arith.addi %mul3A_865, %add3A_866 : i32
        %add3A_868 = arith.constant 112 : i32
        %add3A_869 = arith.addi %add3A_867, %add3A_868 : i32
        %swap3A_870 = arith.index_cast %add3A_869 : i32 to index
        %swap3A_871 = tpu.vector_load %arg16[%swap3A_870] {strides = array<i32>} : memref<10240xf32, #tpu.memory_space<vmem>>, vector<16xf32>,
        tpu.vector_store %arg16[%swap3A_870], %gather3A_836 {strides = array<i32>} : memref<10240xf32, #tpu.memory_space<vmem>>, vector<16xf32>,
        %mul3A_872 = arith.constant 128 : i32
        %mul3A_873 = arith.muli %scan3A_170, %mul3A_872 : i32
        %mul3A_874 = arith.constant 8 : i32
        %mul3A_875 = arith.muli %mul3A_873, %mul3A_874 : i32
        %add3A_876 = arith.constant 384 : i32
        %add3A_877 = arith.addi %mul3A_875, %add3A_876 : i32
        %add3A_878 = arith.constant 112 : i32
        %add3A_879 = arith.addi %add3A_877, %add3A_878 : i32
        %swap3A_880 = arith.index_cast %add3A_879 : i32 to index
        %swap3A_881 = tpu.vector_load %arg16[%swap3A_880] {strides = array<i32>} : memref<10240xf32, #tpu.memory_space<vmem>>, vector<16xf32>,
        tpu.vector_store %arg16[%swap3A_880], %gather3A_837 {strides = array<i32>} : memref<10240xf32, #tpu.memory_space<vmem>>, vector<16xf32>,
        %mul3A_882 = arith.constant 128 : i32
        %mul3A_883 = arith.muli %scan3A_170, %mul3A_882 : i32
        %mul3A_884 = arith.constant 8 : i32
        %mul3A_885 = arith.muli %mul3A_883, %mul3A_884 : i32
        %add3A_886 = arith.constant 512 : i32
        %add3A_887 = arith.addi %mul3A_885, %add3A_886 : i32
        %add3A_888 = arith.constant 112 : i32
        %add3A_889 = arith.addi %add3A_887, %add3A_888 : i32
        %swap3A_890 = arith.index_cast %add3A_889 : i32 to index
        %swap3A_891 = tpu.vector_load %arg16[%swap3A_890] {strides = array<i32>} : memref<10240xf32, #tpu.memory_space<vmem>>, vector<16xf32>,
        tpu.vector_store %arg16[%swap3A_890], %gather3A_838 {strides = array<i32>} : memref<10240xf32, #tpu.memory_space<vmem>>, vector<16xf32>,
        %mul3A_892 = arith.constant 128 : i32
        %mul3A_893 = arith.muli %scan3A_170, %mul3A_892 : i32
        %mul3A_894 = arith.constant 8 : i32
        %mul3A_895 = arith.muli %mul3A_893, %mul3A_894 : i32
        %add3A_896 = arith.constant 640 : i32
        %add3A_897 = arith.addi %mul3A_895, %add3A_896 : i32
        %add3A_898 = arith.constant 112 : i32
        %add3A_899 = arith.addi %add3A_897, %add3A_898 : i32
        %swap3A_900 = arith.index_cast %add3A_899 : i32 to index
        %swap3A_901 = tpu.vector_load %arg16[%swap3A_900] {strides = array<i32>} : memref<10240xf32, #tpu.memory_space<vmem>>, vector<16xf32>,
        tpu.vector_store %arg16[%swap3A_900], %gather3A_839 {strides = array<i32>} : memref<10240xf32, #tpu.memory_space<vmem>>, vector<16xf32>,
        %mul3A_902 = arith.constant 128 : i32
        %mul3A_903 = arith.muli %scan3A_170, %mul3A_902 : i32
        %mul3A_904 = arith.constant 8 : i32
        %mul3A_905 = arith.muli %mul3A_903, %mul3A_904 : i32
        %add3A_906 = arith.constant 768 : i32
        %add3A_907 = arith.addi %mul3A_905, %add3A_906 : i32
        %add3A_908 = arith.constant 112 : i32
        %add3A_909 = arith.addi %add3A_907, %add3A_908 : i32
        %swap3A_910 = arith.index_cast %add3A_909 : i32 to index
        %swap3A_911 = tpu.vector_load %arg16[%swap3A_910] {strides = array<i32>} : memref<10240xf32, #tpu.memory_space<vmem>>, vector<16xf32>,
        tpu.vector_store %arg16[%swap3A_910], %gather3A_840 {strides = array<i32>} : memref<10240xf32, #tpu.memory_space<vmem>>, vector<16xf32>,
        %mul3A_912 = arith.constant 128 : i32
        %mul3A_913 = arith.muli %scan3A_170, %mul3A_912 : i32
        %mul3A_914 = arith.constant 8 : i32
        %mul3A_915 = arith.muli %mul3A_913, %mul3A_914 : i32
        %add3A_916 = arith.constant 896 : i32
        %add3A_917 = arith.addi %mul3A_915, %add3A_916 : i32
        %add3A_918 = arith.constant 112 : i32
        %add3A_919 = arith.addi %add3A_917, %add3A_918 : i32
        %swap3A_920 = arith.index_cast %add3A_919 : i32 to index
        %swap3A_921 = tpu.vector_load %arg16[%swap3A_920] {strides = array<i32>} : memref<10240xf32, #tpu.memory_space<vmem>>, vector<16xf32>,
        tpu.vector_store %arg16[%swap3A_920], %gather3A_841 {strides = array<i32>} : memref<10240xf32, #tpu.memory_space<vmem>>, vector<16xf32>,
        %scan3A_922 = arith.constant 0 : i32
        scf.yield %scan3A_922 : i32
      }
      %scan3A_162 = arith.constant 10 : i32
      %mul3A_163 = arith.constant 128 : i32
      %mul3A_164 = arith.muli %add3A_68, %mul3A_163 : i32
      %mul3A_165 = arith.constant 8 : i32
      %mul3A_166 = arith.muli %mul3A_164, %mul3A_165 : i32
      %dma_start3A_167 = tpu.memref_slice %arg4[%mul3A_166] : memref<26214400xf32, #tpu.memory_space<hbm>> -> memref<10240xf32, #tpu.memory_space<hbm>>
      %dma_start3A_168 = tpu.memref_slice %arg4[%mul3A_166] : memref<26214400xf32, #tpu.memory_space<hbm>> -> memref<10240xf32, #tpu.memory_space<hbm>>
      tpu.enqueue_dma source(%arg16 : memref<10240xf32, #tpu.memory_space<vmem>>) target(%dma_start3A_168 : memref<10240xf32, #tpu.memory_space<hbm>>) target_semaphore(%arg24 : memref<!tpu.dma_semaphore, #tpu.memory_space<semaphore_mem>>)
      %scan3A_169 = arith.constant 0 : i32
      scf.yield %scan3A_169 : i32
    }
    %scan3A_23 = arith.constant 20 : i32
    %dma_wait3A = arith.constant 0 : i32
    %dma_wait3A_24 = tpu.memref_slice %arg4[%dma_wait3A] : memref<26214400xf32, #tpu.memory_space<hbm>> -> memref<10240xf32, #tpu.memory_space<hbm>>
    %dma_wait3A_25 = arith.constant 0 : i32
    %dma_wait3A_26 = tpu.memref_slice %arg4[%dma_wait3A_25] : memref<26214400xf32, #tpu.memory_space<hbm>> -> memref<10240xf32, #tpu.memory_space<hbm>>
    tpu.wait_dma2 semaphore(%arg21 : memref<!tpu.dma_semaphore, #tpu.memory_space<semaphore_mem>>) src(%arg13 : memref<10240xf32, #tpu.memory_space<vmem>>) dst(%dma_wait3A_26 : memref<10240xf32, #tpu.memory_space<hbm>>)
    %dma_wait3A_27 = arith.constant 0 : i32
    %dma_wait3A_28 = tpu.memref_slice %arg4[%dma_wait3A_27] : memref<26214400xf32, #tpu.memory_space<hbm>> -> memref<10240xf32, #tpu.memory_space<hbm>>
    %dma_wait3A_29 = arith.constant 0 : i32
    %dma_wait3A_30 = tpu.memref_slice %arg4[%dma_wait3A_29] : memref<26214400xf32, #tpu.memory_space<hbm>> -> memref<10240xf32, #tpu.memory_space<hbm>>
    tpu.wait_dma2 semaphore(%arg22 : memref<!tpu.dma_semaphore, #tpu.memory_space<semaphore_mem>>) src(%arg14 : memref<10240xf32, #tpu.memory_space<vmem>>) dst(%dma_wait3A_30 : memref<10240xf32, #tpu.memory_space<hbm>>)
    %dma_wait3A_31 = arith.constant 0 : i32
    %dma_wait3A_32 = tpu.memref_slice %arg4[%dma_wait3A_31] : memref<26214400xf32, #tpu.memory_space<hbm>> -> memref<10240xf32, #tpu.memory_space<hbm>>
    %dma_wait3A_33 = arith.constant 0 : i32
    %dma_wait3A_34 = tpu.memref_slice %arg4[%dma_wait3A_33] : memref<26214400xf32, #tpu.memory_space<hbm>> -> memref<10240xf32, #tpu.memory_space<hbm>>
    tpu.wait_dma2 semaphore(%arg23 : memref<!tpu.dma_semaphore, #tpu.memory_space<semaphore_mem>>) src(%arg15 : memref<10240xf32, #tpu.memory_space<vmem>>) dst(%dma_wait3A_34 : memref<10240xf32, #tpu.memory_space<hbm>>)
    %dma_wait3A_35 = arith.constant 0 : i32
    %dma_wait3A_36 = tpu.memref_slice %arg4[%dma_wait3A_35] : memref<26214400xf32, #tpu.memory_space<hbm>> -> memref<10240xf32, #tpu.memory_space<hbm>>
    %dma_wait3A_37 = arith.constant 0 : i32
    %dma_wait3A_38 = tpu.memref_slice %arg4[%dma_wait3A_37] : memref<26214400xf32, #tpu.memory_space<hbm>> -> memref<10240xf32, #tpu.memory_space<hbm>>
    tpu.wait_dma2 semaphore(%arg24 : memref<!tpu.dma_semaphore, #tpu.memory_space<semaphore_mem>>) src(%arg16 : memref<10240xf32, #tpu.memory_space<vmem>>) dst(%dma_wait3A_38 : memref<10240xf32, #tpu.memory_space<hbm>>)
    return
  }
}

</mosaic_0001>

<sc_bundles>
// kernel: kernel.4.cloned.1.call-start
scs
__scs_entry_jumppad:
0x0: {  	(pc) =	sbr.rel $0x88, $3  }
0x1: {  	(tag) =	ssettag $0x0;
	lr =	simm.s32 $0x1  }
0x2: {  	[smem:$0x3F9F] =	sst lr;
	_ =	strace $0xD0000000  }
0x3: {  	_ = 	snop  }
0x4: {  	_ = 	snop  }
0x5: {  	_ = 	snop  }
0x6: {  	_ = 	snop  }
0x7: {  	_ = 	snop  }
__scs_overlays_trampoline_lowered:
0x8: {  	[smem:$0x3FAE] =	sst s0  }
0x9: {  	[smem:$0x3FAF] =	sst s1  }
0xa: {  	[smem:$0x3FB0] =	sst s2  }
0xb: {  	[smem:$0x3FB1] =	sst s3  }
0xc: {  	[smem:$0x3FB2] =	sst s4  }
0xd: {  	[smem:$0x3FB3] =	sst s5  }
0xe: {  	[smem:$0x3FB4] =	sst s6  }
0xf: {  	[smem:$0x3FB5] =	sst s7  }
0x10: {  	[smem:$0x3FB6] =	sst s8  }
0x11: {  	[smem:$0x3FB7] =	sst s9;
	s0 =	simm.s32 @!p0 $0x0  }
0x12: {  	s1 =	sld [smem:$0x3F9D];
	s0 =	simm.s32 @p0 $0x1  }
0x13: {  	[smem:$0x3FB8] =	sst s0;
	s0 =	simm.s32 @!p1 $0x0  }
0x14: {  	s2 =	sld [smem:$0x3F9C];
	s0 =	simm.s32 @p1 $0x1  }
0x15: {  	[smem:$0x3FB9] =	sst s0;
	s0 =	simm.s32 @!p2 $0x0  }
0x16: {  	s3 =	sld [smem:$0x3FDB];
	s0 =	simm.s32 @p2 $0x1  }
0x17: {  	s4 =	simm.s32 $0x1BF5;
	[smem:$0x3FBB] =	sst s0  }
0x18: {  	s0 =	sld [smem:$0x3F9E];
	_ =	swait.ge [sflag:s4], $0x0  }
0x19: {  	s7 =	sld [smem:$0x3F9F]  }
0x1a: {  	s8 =	sadd.s32 $0xFFFFE003, lr  }
0x1b: {  	s9 =	sadd.s32 $0xFFFFFEF7, lr;
	s5 =	simm.s32 $0xFFFFFFFF;
	p2 =	slt.u32 s8, $0xFFFFF086  }
0x1c: {  	p1 =	slt.u32 s9, $0xF7A;
	s5 =	simm.s32 @!p2 $0x0  }
0x1d: {  	s5 =	simm.s32 @p1 $0x1;
	p0 =	seq.s32 s7, s2  }
0x1e: {  	s7 =	smul.u32 @!p0 $0xF7A, s2;
	p2 =	seq.s32 @!p0 s5, $0x0  }
0x1f: {  	s9 =	smul.u32 $0xF7A, s1;
	s8 =	simm.s32 @!p0 $0x1BF5;
	p2 =	por !p2, p0  }
0x20: {  	[sflag:s8] =	ssyncset.s32 @!p0 $0xFFFFF086;
	s6 =	sadd.s32 @!p0 s3, s7;
	s7 =	simm.s32 @!p0 $0x108  }
0x21: {  	s3 =	sadd.s32 s3, s9;
	s6 =	sadd.s32 @!p0 $0x88, s6;
	s7 =	simm.s32 @p2 $0x1082  }
0x22: {  	[simem:s7], [sflag:s8] =	dma.local @!p0 [hbm:s6], $0xF7A  }
0x23: {  	s9 =	sor.u32 $0xD0000000, s2;
	s6 =	simm.s32 $0x108;
	_ =	swait.ge @!p0 [sflag:s8], $0x0  }
0x24: {  	s3 =	sadd.s32 $0x88, s3;
	s6 =	simm.s32 @!p1 $0x1082;
	[sflag:s4] =	ssyncset.s32 $0xFFFFF086  }
0x25: {  	[simem:s6], [sflag:s4] =	dma.local [hbm:s3], $0xF7A  }
0x26: {  	[smem:$0x3F9F] =	sst s1;
	(tag) =	ssettag s2;
	_ =	strace s9  }
0x27: {  	s1 =	sld [smem:$0x3FAF]  }
0x28: {  	s2 =	sld [smem:$0x3FB0]  }
0x29: {  	s4 =	sld [smem:$0x3FB2]  }
0x2a: {  	p0 =	seq.s32 s5, $0x0;
	s5 =	sld [smem:$0x3FB3]  }
0x2b: {  	s6 =	sld [smem:$0x3FB4]  }
0x2c: {  	s7 =	sld [smem:$0x3FB5]  }
0x2d: {  	s3 =	simm.s32 $0x108;
	s8 =	sld [smem:$0x3FB6]  }
0x2e: {  	s3 =	simm.s32 @!p0 $0x1082;
	s9 =	sld [smem:$0x3FB7]  }
0x2f: {  	lr =	sadd.s32 s0, s3;
	s0 =	sld [smem:$0x3FAE]  }
0x30: {  	s3 =	sld [smem:$0x3FB1]  }
0x31: {  	[smem:$0x3FBA] =	sst s10  }
0x32: {  	s10 =	sld [smem:$0x3FB8];
	_ =	sdelay $0x3  }
0x33: {  	p0 =	seq.s32 s10, $0x1;
	s10 =	sld [smem:$0x3FBA];
	_ =	sdelay $0x3  }
0x34: {  	[smem:$0x3FBA] =	sst s10  }
0x35: {  	s10 =	sld [smem:$0x3FB9];
	_ =	sdelay $0x3  }
0x36: {  	p1 =	seq.s32 s10, $0x1;
	s10 =	sld [smem:$0x3FBA];
	_ =	sdelay $0x3  }
0x37: {  	[smem:$0x3FBA] =	sst s10  }
0x38: {  	s10 =	sld [smem:$0x3FBB]  }
0x39: {  	_ = 	snop;
	(pc) =	sbr.ind lr, $3  }
0x3a: {  	_ = 	snop  }
0x3b: {  	_ = 	snop  }
0x3c: {  	p2 =	seq.s32 s10, $0x1;
	s10 =	sld [smem:$0x3FBA]  }
0x3d: {  	_ =	shalt  }
0x3e: {  	_ =	shalt  }
0x3f: {  	_ =	shalt  }
0x40: {  	_ =	shalt  }
0x41: {  	_ =	shalt  }
0x42: {  	_ =	shalt  }
0x43: {  	_ =	shalt  }
0x44: {  	_ =	shalt  }
0x45: {  	_ =	shalt  }
0x46: {  	_ =	shalt  }
0x47: {  	_ =	shalt  }
0x48: {  	_ =	shalt  }
0x49: {  	_ =	shalt  }
0x4a: {  	_ =	shalt  }
0x4b: {  	_ =	shalt  }
0x4c: {  	_ =	shalt  }
0x4d: {  	_ =	shalt  }
0x4e: {  	_ =	shalt  }
0x4f: {  	_ =	shalt  }
0x50: {  	_ =	shalt  }
0x51: {  	_ =	shalt  }
0x52: {  	_ =	shalt  }
0x53: {  	_ =	shalt  }
0x54: {  	_ =	shalt  }
0x55: {  	_ =	shalt  }
0x56: {  	_ =	shalt  }
0x57: {  	_ =	shalt  }
0x58: {  	_ =	shalt  }
0x59: {  	_ =	shalt  }
0x5a: {  	_ =	shalt  }
0x5b: {  	_ =	shalt  }
0x5c: {  	_ =	shalt  }
0x5d: {  	_ =	shalt  }
0x5e: {  	_ =	shalt  }
0x5f: {  	_ =	shalt  }
0x60: {  	_ =	shalt  }
0x61: {  	_ =	shalt  }
0x62: {  	_ =	shalt  }
0x63: {  	_ =	shalt  }
0x64: {  	_ =	shalt  }
0x65: {  	_ =	shalt  }
0x66: {  	_ =	shalt  }
0x67: {  	_ =	shalt  }
0x68: {  	_ =	shalt  }
0x69: {  	_ =	shalt  }
0x6a: {  	_ =	shalt  }
0x6b: {  	_ =	shalt  }
0x6c: {  	_ =	shalt  }
0x6d: {  	_ =	shalt  }
0x6e: {  	_ =	shalt  }
0x6f: {  	_ =	shalt  }
0x70: {  	_ =	shalt  }
0x71: {  	_ =	shalt  }
0x72: {  	_ =	shalt  }
0x73: {  	_ =	shalt  }
0x74: {  	_ =	shalt  }
0x75: {  	_ =	shalt  }
0x76: {  	_ =	shalt  }
0x77: {  	_ =	shalt  }
0x78: {  	_ =	shalt  }
0x79: {  	_ =	shalt  }
0x7a: {  	_ =	shalt  }
0x7b: {  	_ =	shalt  }
0x7c: {  	_ =	shalt  }
0x7d: {  	_ =	shalt  }
0x7e: {  	_ =	shalt  }
0x7f: {  	_ =	shalt  }
0x80: {  	_ =	shalt  }
0x81: {  	_ =	shalt  }
0x82: {  	_ =	shalt  }
0x83: {  	_ =	shalt  }
0x84: {  	_ =	shalt  }
0x85: {  	_ =	shalt  }
0x86: {  	_ =	shalt  }
0x87: {  	_ =	shalt  }
.Lfunc_end0:
.L_simem_size_0:
called_computation_lowered:
.L_overlay_start_0:
0x88: {  	s2 =	sld [smem:$0x3FD9]  }
0x89: {  	s3 =	sld [smem:$0x3FFE];
	_ =	sdelay $0x1  }
0x8a: {  	s1 =	srdreg.scid  }
0x8b: {  	s0 =	sand.u32 $0x1, s1  }
0x8c: {  	s17 =	sshll.u32 s0, $0xA;
	s2 =	sadd.s32 s3, s2  }
0x8d: {  	s2 =	sadd.s32 s2, s17  }
0x8e: {  	[smem:$0x3FC6] =	sst s2  }
0x8f: {  	_ = 	snop  }
0x90: {  	s2 =	sld [smem:$0x3FD0];
	(tm) =	ssettm $0x1  }
0x91: {  	s18 =	sld [smem:$0x3FFB];
	_ =	sdelay $0x3  }
0x92: {  	_ =	strace s18  }
0x93: {  	s3 =	sld [smem:$0x3FFC];
	_ =	sdelay $0x3  }
0x94: {  	_ =	strace s3  }
0x95: {  	s3 =	sld [smem:$0x3FFD];
	_ =	sdelay $0x3  }
0x96: {  	_ =	strace s3  }
0x97: {  	_ =	strace $0x8FFFFFFF  }
0x98: {  	s19 =	sld [smem:$0x3FDB];
	_ =	sdelay $0x1  }
0x99: {  	s4 =	simm.s32 $_scs_section_size  }
0x9a: {  	s5 =	simm.s32 $_size__tile_overlayer_lowered;
	s6 =	simm.s32 $_tile_overlayer_lowered  }
0x9b: {  	s22 =	simm.s32 $0x1BFF;
	s21 =	sshll.u32 s6, $0x1;
	s3 =	sadd.s32 s4, s19  }
0x9c: {  	s7 =	simm.s32 $0x0;
	s20 =	sshll.u32 s5, $0x1;
	s5 =	sadd.s32 s21, s3  }
0x9d: {  	[timem:s7], [sflag:s22] =	dma.local [hbm:s5], s20  }
0x9e: {  	_ =	swait.ge [sflag:s22], s20  }
0x9f: {  	s4 =	ssub.s32 $0x0, s20;
	[sflag:s22] =	ssyncset.done $0x0  }
0xa0: {  	[sflag:s22] =	ssyncadd.s32 s4;
	_ =	sdelay $0x1  }
0xa1: {  	s23 =	simm.s32 $0x1B8B  }
0xa2: {  	_ =	swait.ge [sflag:s23], $0x1  }
0xa3: {  	[sflag:s23] =	ssyncset.done $0x0  }
0xa4: {  	s25 =	simm.s32 $0x1B8E;
	s24 =	sld [smem:$0x3FFE];
	[sflag:s23] =	ssyncadd.s32 $0xFFFFFFFF  }
0xa5: {  	s26 =	simm.s32 $execute0_lowered;
	[smem:$0x3FD2] =	sst s25  }
0xa6: {  	s5 =	sshll.u32 s26, $0x1;
	_ =	strace $0x80000046;
	[dreg:$0x1] =	wrdreg $0xFFFFFFFF  }
0xa7: {  	s28 =	simm.s32 $_size_execute0_lowered;
	s3 =	sadd.s32 s3, s5;
	[dreg:$0x0] =	wrdreg $0x0  }
0xa8: {  	s5 =	sshll.u32 s28, $0x1;
	[dreg:$0x2] =	wrdreg s3  }
0xa9: {  	[dreg:$0x3] =	wrdreg s5  }
0xaa: {  	[dreg:$0x4] =	wrdreg $0xC0  }
0xab: {  	_ =	task [dreg:s7], $0x5FFFF  }
0xac: {  	[dreg:$0x1] =	wrdreg $0xFFFFFFFF  }
0xad: {  	[dreg:$0x0] =	wrdreg $0x60  }
0xae: {  	[dreg:$0x2] =	wrdreg s2  }
0xaf: {  	[dreg:$0x3] =	wrdreg s24  }
0xb0: {  	[dreg:$0x4] =	wrdreg $0x9  }
0xb1: {  	_ =	task.clear_ibuf [dreg:s7], $0x5FFFF;
	_ =	strace $0x90000046  }
0xb2: {  	s29 =	simm.s32 $0x9;
	_ =	strace $0x80000048  }
0xb3: {  	_ =	swait.ge [sflag:s29], $0x1  }
0xb4: {  	[sflag:s29] =	ssyncadd.s32 $0xFFFFFFFF  }
0xb5: {  	_ =	strace $0x90000048  }
0xb6: {  	_ =	sfence  }
0xb7: {  	s30 =	sld [smem:$0x0];
	_ =	sdelay $0x2  }
0xb8: {  	s31 =	sshll.u32 s1, $0xD;
	s1 =	sshrl.u32 s1, $0x2  }
0xb9: {  	s3 =	sand.u32 $0x4000, s31;
	s1 =	sadd.s32 s1, s30  }
0xba: {  	s0 =	sor.u32 s3, s0;
	s1 =	sshll.u32 s1, $0x11  }
0xbb: {  	s0 =	sor.u32 s1, s0  }
0xbc: {  	s0 =	sadd.s32 $0x8F2B, s0  }
0xbd: {  	[sflag:s0] =	ssyncadd.remote.s32 $0x1  }
0xbe: {  	_ =	sfence.sel $0xFFFF  }
0xbf: {  	[dreg:$0x0] =	wrdreg $0xFFFFFFFF;
	(pc) =	sbr.abs _section_cstart, $3  }
0xc0: {  	[dreg:$0x1] =	wrdreg $0xFFFFFFFF  }
0xc1: {  	_ =	task.clear_ibuf [dreg:s7], $0x2FFFF;
	_ =	strace $0x9FFFFFFF  }
0xc2: {  	(tm) =	ssettm $0x7FFFFFFF  }
0xc3: {  	_ =	shalt  }
tec
execute0_lowered:
.L_overlay_start_1:
0x0: {  	(tag) =	ssettag $0x1  }
0x1: {  	s1 =	rddreg [dreg:$0x0]  }
0x2: {  	s4 =	rddreg [dreg:$0x1]  }
0x3: {  	s3 =	srdreg.scid;
	s0 =	rddreg [dreg:$0x2];
	s2 =	simm.s32 $0x0  }
0x4: {  	s8 =	simm.s32 $0x4000;
	s9 =	simm.s32 $0x1;
	s10 =	simm.s32 $0x8000  }
0x5: {  	v0 =	vlaneseq.u32;
	s11 =	simm.s32 $0x2;
	s12 =	simm.s32 $0xC000;
	s13 =	simm.s32 $0x3  }
0x6: {  	s14 =	simm.s32 $0x4;
	s15 =	simm.s32 $0x0;
	s5 =	sand.u32 $0x1, s3;
	v0 =	vmul.u32 $0x8, v0  }
0x7: {  	[smem:$0x7FF] =	sst s2;
	s3 =	stileid.u32;
	s6 =	ssub.s32 $0x2, s5  }
0x8: {  	s31 =	sshll.u32 s3, $0x10;
	s5 =	sshll.u32 s5, $0xF;
	s7 =	sshrl.u32 s6, $0x1;
	v1 =	vor.u32 $0x1, v0  }
0x9: {  	s4 =	sadd.s32 $0x1800, s4;
	s5 =	sor.u32 s5, s31;
	v2 =	vor.u32 $0x2, v0;
	v3 =	vor.u32 $0x3, v0;
	v4 =	vor.u32 $0x4, v0;
	s6 =	ssub.s32 s6, s7  }
0xa: {  	_ =	strace $0x80000047;
	v5 =	vor.u32 $0x5, v0;
	v6 =	vor.u32 $0x6, v0;
	v7 =	vor.u32 $0x7, v0;
	s7 =	sor.u32 $0x800, s5;
	s6 =	smax.u32 s6, $0x1  }
.LBB2_1:
0xb: {  	s16 =	simm.s32 $0x0  }
.LBB2_2:
0xc: {  	p0 =	seq.s32 s16, $0x0  }
0xd: {  	s17 =	simm.s32 @!p0 $0x3  }
0xe: {  	s19 =	sshll.u32 s16, $0xC;
	_ =	swait.ge @!p0 [sflag:s17], $0x4000  }
0xf: {  	s18 =	sadd.s32 s5, s19;
	[sflag:s17] =	ssyncset.done @!p0 $0x0  }
0x10: {  	s20 =	simm.s32 @!p0 $0x4;
	s31 =	sadd.s32 s1, s18;
	[sflag:s17] =	ssyncadd.s32 @!p0 $0xFFFFC000  }
0x11: {  	[tilespmem:s2], [sflag:$0x1] =	stream.linear.gather [hbm4b:s31+s2], $0x4000, $0x38;
	[tilespmem:$0x10000] =	vst v63  }
0x12: {  	_ =	swait.ge @!p0 [sflag:s20], $0x4000  }
0x13: {  	s17 =	sadd.s32 s7, s19;
	[sflag:s20] =	ssyncset.done @!p0 $0x0  }
0x14: {  	s19 =	sadd.s32 s1, s17;
	[sflag:s20] =	ssyncadd.s32 @!p0 $0xFFFFC000  }
0x15: {  	[tilespmem:s8], [sflag:$0x2] =	stream.linear.gather [hbm4b:s19+s2], $0x4000, $0x38;
	[tilespmem:$0x10000] =	vst v63  }
0x16: {  	_ =	swait.ge [sflag:s9], $0x4000  }
0x17: {  	[sflag:s9] =	ssyncset.done $0x0  }
0x18: {  	s20 =	simm.s32 $0x200;
	s19 =	simm.s32 $0x387;
	[sflag:s9] =	ssyncadd.s32 $0xFFFFC000  }
.LBB2_3:
0x19: {  	v8 =	vld [tilespmem:s20+$0xFFFFFE00]  }
0x1a: {  	v9 =	vld [tilespmem:s20+$0xFFFFFE10];
	s21 =	sadd.s32 $0xFFFFFC79, s19  }
0x1b: {  	v10 =	vld [tilespmem:s20+$0xFFFFFE20];
	s22 =	sadd.s32 $0xFFFFFCF9, s19;
	v12 =	vor.u32 s21, v0  }
0x1c: {  	v11 =	vld [tilespmem:s20+$0xFFFFFE30];
	s25 =	sadd.s32 $0xFFFFFD79, s19;
	v14 =	vor.u32 s22, v0  }
0x1d: {  	v13 =	vld [tilespmem:s20+$0xFFFFFE40];
	s26 =	sadd.s32 $0xFFFFFDF9, s19;
	v16 =	vor.u32 s25, v0  }
0x1e: {  	v15 =	vld [tilespmem:s20+$0xFFFFFE50];
	s28 =	sadd.s32 $0xFFFFFE79, s19;
	v18 =	vor.u32 s26, v0  }
0x1f: {  	v17 =	vld [tilespmem:s20+$0xFFFFFE60];
	s29 =	sadd.s32 $0xFFFFFEF9, s19;
	v20 =	vor.u32 s28, v0  }
0x20: {  	v19 =	vld [tilespmem:s20+$0xFFFFFE70];
	s30 =	sadd.s32 $0xFFFFFF79, s19;
	[tilespmem:v12+s10+$0x0] =	vst.idx.msk $0xffff, v8;
	v8 =	vor.u32 s29, v0  }
0x21: {  	s31 =	sadd.s32 $0xFFFFFFF9, s19;
	v53 =	vor.u32 s30, v0;
	[tilespmem:v14+s10+$0x0] =	vst.idx.msk $0xffff, v9  }
0x22: {  	v54 =	vor.u32 s31, v0;
	[tilespmem:v16+s10+$0x0] =	vst.idx.msk $0xffff, v10  }
0x23: {  	[tilespmem:v18+s10+$0x0] =	vst.idx.msk $0xffff, v11  }
0x24: {  	[tilespmem:v20+s10+$0x0] =	vst.idx.msk $0xffff, v13  }
0x25: {  	[tilespmem:v8+s10+$0x0] =	vst.idx.msk $0xffff, v15  }
0x26: {  	[tilespmem:v53+s10+$0x0] =	vst.idx.msk $0xffff, v17  }
0x27: {  	[tilespmem:v54+s10+$0x0] =	vst.idx.msk $0xffff, v19  }
0x28: {  	v8 =	vld [tilespmem:s20+$0xFFFFFE80]  }
0x29: {  	v9 =	vld [tilespmem:s20+$0xFFFFFE90]  }
0x2a: {  	s23 =	sadd.s32 $0xFFFFFCFA, s19;
	v55 =	vor.u32 s21, v1;
	v10 =	vld [tilespmem:s20+$0xFFFFFEA0]  }
0x2b: {  	s24 =	sadd.s32 $0xFFFFFD7A, s19;
	v56 =	vor.u32 s23, v1;
	v11 =	vld [tilespmem:s20+$0xFFFFFEB0]  }
0x2c: {  	v57 =	vor.u32 s24, v1;
	s25 =	sadd.s32 $0xFFFFFDFA, s19;
	v13 =	vld [tilespmem:s20+$0xFFFFFEC0]  }
0x2d: {  	s26 =	sadd.s32 $0xFFFFFE7A, s19;
	v58 =	vor.u32 s25, v1;
	v15 =	vld [tilespmem:s20+$0xFFFFFED0]  }
0x2e: {  	s28 =	sadd.s32 $0xFFFFFEFA, s19;
	v59 =	vor.u32 s26, v1;
	v17 =	vld [tilespmem:s20+$0xFFFFFEE0]  }
0x2f: {  	s29 =	sadd.s32 $0xFFFFFF7A, s19;
	v19 =	vld [tilespmem:s20+$0xFFFFFEF0];
	[tilespmem:v55+s10+$0x0] =	vst.idx.msk $0xffff, v8;
	v8 =	vor.u32 s28, v1  }
0x30: {  	s30 =	sadd.s32 $0xFFFFFFFA, s19;
	v60 =	vor.u32 s29, v1;
	[tilespmem:v56+s10+$0x0] =	vst.idx.msk $0xffff, v9  }
0x31: {  	v61 =	vor.u32 s30, v1;
	[tilespmem:v57+s10+$0x0] =	vst.idx.msk $0xffff, v10  }
0x32: {  	[tilespmem:v58+s10+$0x0] =	vst.idx.msk $0xffff, v11  }
0x33: {  	[tilespmem:v59+s10+$0x0] =	vst.idx.msk $0xffff, v13  }
0x34: {  	[tilespmem:v8+s10+$0x0] =	vst.idx.msk $0xffff, v15  }
0x35: {  	[tilespmem:v60+s10+$0x0] =	vst.idx.msk $0xffff, v17  }
0x36: {  	[tilespmem:v61+s10+$0x0] =	vst.idx.msk $0xffff, v19  }
0x37: {  	v8 =	vld [tilespmem:s20+$0xFFFFFF00]  }
0x38: {  	v9 =	vld [tilespmem:s20+$0xFFFFFF10]  }
0x39: {  	v62 =	vor.u32 s21, v2;
	s31 =	sadd.s32 $0xFFFFFCFB, s19;
	v10 =	vld [tilespmem:s20+$0xFFFFFF20]  }
0x3a: {  	s23 =	sadd.s32 $0xFFFFFD7B, s19;
	v63 =	vor.u32 s31, v2;
	v11 =	vld [tilespmem:s20+$0xFFFFFF30]  }
0x3b: {  	s24 =	sadd.s32 $0xFFFFFDFB, s19;
	v24 =	vor.u32 s23, v2;
	v13 =	vld [tilespmem:s20+$0xFFFFFF40]  }
0x3c: {  	v25 =	vor.u32 s24, v2;
	s25 =	sadd.s32 $0xFFFFFE7B, s19;
	v15 =	vld [tilespmem:s20+$0xFFFFFF50]  }
0x3d: {  	s26 =	sadd.s32 $0xFFFFFEFB, s19;
	v26 =	vor.u32 s25, v2;
	v17 =	vld [tilespmem:s20+$0xFFFFFF60]  }
0x3e: {  	s28 =	sadd.s32 $0xFFFFFF7B, s19;
	v19 =	vld [tilespmem:s20+$0xFFFFFF70];
	[tilespmem:v62+s10+$0x0] =	vst.idx.msk $0xffff, v8;
	v8 =	vor.u32 s26, v2  }
0x3f: {  	s29 =	sadd.s32 $0xFFFFFFFB, s19;
	v27 =	vor.u32 s28, v2;
	[tilespmem:v63+s10+$0x0] =	vst.idx.msk $0xffff, v9  }
0x40: {  	v28 =	vor.u32 s29, v2;
	[tilespmem:v24+s10+$0x0] =	vst.idx.msk $0xffff, v10  }
0x41: {  	[tilespmem:v25+s10+$0x0] =	vst.idx.msk $0xffff, v11  }
0x42: {  	[tilespmem:v26+s10+$0x0] =	vst.idx.msk $0xffff, v13  }
0x43: {  	[tilespmem:v8+s10+$0x0] =	vst.idx.msk $0xffff, v15  }
0x44: {  	[tilespmem:v27+s10+$0x0] =	vst.idx.msk $0xffff, v17  }
0x45: {  	[tilespmem:v28+s10+$0x0] =	vst.idx.msk $0xffff, v19  }
0x46: {  	v8 =	vld [tilespmem:s20+$0xFFFFFF80]  }
0x47: {  	v9 =	vld [tilespmem:s20+$0xFFFFFF90]  }
0x48: {  	v29 =	vor.u32 s21, v3;
	s30 =	sadd.s32 $0xFFFFFCFC, s19;
	v10 =	vld [tilespmem:s20+$0xFFFFFFA0]  }
0x49: {  	s31 =	sadd.s32 $0xFFFFFD7C, s19;
	v30 =	vor.u32 s30, v3;
	v11 =	vld [tilespmem:s20+$0xFFFFFFB0]  }
0x4a: {  	s23 =	sadd.s32 $0xFFFFFDFC, s19;
	v31 =	vor.u32 s31, v3;
	v13 =	vld [tilespmem:s20+$0xFFFFFFC0]  }
0x4b: {  	s24 =	sadd.s32 $0xFFFFFE7C, s19;
	v32 =	vor.u32 s23, v3;
	v15 =	vld [tilespmem:s20+$0xFFFFFFD0]  }
0x4c: {  	v33 =	vor.u32 s24, v3;
	s25 =	sadd.s32 $0xFFFFFEFC, s19;
	v17 =	vld [tilespmem:s20+$0xFFFFFFE0]  }
0x4d: {  	s26 =	sadd.s32 $0xFFFFFF7C, s19;
	v19 =	vld [tilespmem:s20+$0xFFFFFFF0];
	[tilespmem:v29+s10+$0x0] =	vst.idx.msk $0xffff, v8;
	v8 =	vor.u32 s25, v3  }
0x4e: {  	s28 =	sadd.s32 $0xFFFFFFFC, s19;
	v34 =	vor.u32 s26, v3;
	[tilespmem:v30+s10+$0x0] =	vst.idx.msk $0xffff, v9  }
0x4f: {  	v35 =	vor.u32 s28, v3;
	[tilespmem:v31+s10+$0x0] =	vst.idx.msk $0xffff, v10  }
0x50: {  	[tilespmem:v32+s10+$0x0] =	vst.idx.msk $0xffff, v11  }
0x51: {  	[tilespmem:v33+s10+$0x0] =	vst.idx.msk $0xffff, v13  }
0x52: {  	[tilespmem:v8+s10+$0x0] =	vst.idx.msk $0xffff, v15  }
0x53: {  	[tilespmem:v34+s10+$0x0] =	vst.idx.msk $0xffff, v17  }
0x54: {  	[tilespmem:v35+s10+$0x0] =	vst.idx.msk $0xffff, v19  }
0x55: {  	v8 =	vld [tilespmem:s20+$0x0]  }
0x56: {  	v9 =	vld [tilespmem:s20+$0x10]  }
0x57: {  	v36 =	vor.u32 s21, v4;
	s29 =	sadd.s32 $0xFFFFFCFD, s19;
	v10 =	vld [tilespmem:s20+$0x20]  }
0x58: {  	s30 =	sadd.s32 $0xFFFFFD7D, s19;
	v37 =	vor.u32 s29, v4;
	v11 =	vld [tilespmem:s20+$0x30]  }
0x59: {  	s31 =	sadd.s32 $0xFFFFFDFD, s19;
	v38 =	vor.u32 s30, v4;
	v13 =	vld [tilespmem:s20+$0x40]  }
0x5a: {  	s23 =	sadd.s32 $0xFFFFFE7D, s19;
	v39 =	vor.u32 s31, v4;
	v15 =	vld [tilespmem:s20+$0x50]  }
0x5b: {  	s24 =	sadd.s32 $0xFFFFFEFD, s19;
	v40 =	vor.u32 s23, v4;
	v17 =	vld [tilespmem:s20+$0x60]  }
0x5c: {  	s25 =	sadd.s32 $0xFFFFFF7D, s19;
	v19 =	vld [tilespmem:s20+$0x70];
	[tilespmem:v36+s10+$0x0] =	vst.idx.msk $0xffff, v8;
	v8 =	vor.u32 s24, v4  }
0x5d: {  	s26 =	sadd.s32 $0xFFFFFFFD, s19;
	v41 =	vor.u32 s25, v4;
	[tilespmem:v37+s10+$0x0] =	vst.idx.msk $0xffff, v9  }
0x5e: {  	v42 =	vor.u32 s26, v4;
	[tilespmem:v38+s10+$0x0] =	vst.idx.msk $0xffff, v10  }
0x5f: {  	[tilespmem:v39+s10+$0x0] =	vst.idx.msk $0xffff, v11  }
0x60: {  	[tilespmem:v40+s10+$0x0] =	vst.idx.msk $0xffff, v13  }
0x61: {  	[tilespmem:v8+s10+$0x0] =	vst.idx.msk $0xffff, v15  }
0x62: {  	[tilespmem:v41+s10+$0x0] =	vst.idx.msk $0xffff, v17  }
0x63: {  	[tilespmem:v42+s10+$0x0] =	vst.idx.msk $0xffff, v19  }
0x64: {  	v8 =	vld [tilespmem:s20+$0x80]  }
0x65: {  	v9 =	vld [tilespmem:s20+$0x90]  }
0x66: {  	v43 =	vor.u32 s21, v5;
	s28 =	sadd.s32 $0xFFFFFCFE, s19;
	v10 =	vld [tilespmem:s20+$0xA0]  }
0x67: {  	s29 =	sadd.s32 $0xFFFFFD7E, s19;
	v44 =	vor.u32 s28, v5;
	v11 =	vld [tilespmem:s20+$0xB0]  }
0x68: {  	s30 =	sadd.s32 $0xFFFFFDFE, s19;
	v45 =	vor.u32 s29, v5;
	v13 =	vld [tilespmem:s20+$0xC0]  }
0x69: {  	s31 =	sadd.s32 $0xFFFFFE7E, s19;
	v46 =	vor.u32 s30, v5;
	v15 =	vld [tilespmem:s20+$0xD0]  }
0x6a: {  	s23 =	sadd.s32 $0xFFFFFEFE, s19;
	v47 =	vor.u32 s31, v5;
	v17 =	vld [tilespmem:s20+$0xE0]  }
0x6b: {  	s24 =	sadd.s32 $0xFFFFFF7E, s19;
	v19 =	vld [tilespmem:s20+$0xF0];
	[tilespmem:v43+s10+$0x0] =	vst.idx.msk $0xffff, v8;
	v8 =	vor.u32 s23, v5  }
0x6c: {  	s25 =	sadd.s32 $0xFFFFFFFE, s19;
	v48 =	vor.u32 s24, v5;
	[tilespmem:v44+s10+$0x0] =	vst.idx.msk $0xffff, v9  }
0x6d: {  	v49 =	vor.u32 s25, v5;
	[tilespmem:v45+s10+$0x0] =	vst.idx.msk $0xffff, v10  }
0x6e: {  	[tilespmem:v46+s10+$0x0] =	vst.idx.msk $0xffff, v11  }
0x6f: {  	[tilespmem:v47+s10+$0x0] =	vst.idx.msk $0xffff, v13  }
0x70: {  	[tilespmem:v8+s10+$0x0] =	vst.idx.msk $0xffff, v15  }
0x71: {  	[tilespmem:v48+s10+$0x0] =	vst.idx.msk $0xffff, v17  }
0x72: {  	[tilespmem:v49+s10+$0x0] =	vst.idx.msk $0xffff, v19  }
0x73: {  	v8 =	vld [tilespmem:s20+$0x100]  }
0x74: {  	v9 =	vld [tilespmem:s20+$0x110]  }
0x75: {  	v50 =	vor.u32 s21, v6;
	s26 =	sadd.s32 $0xFFFFFCFF, s19;
	v10 =	vld [tilespmem:s20+$0x120]  }
0x76: {  	s28 =	sadd.s32 $0xFFFFFD7F, s19;
	v51 =	vor.u32 s26, v6;
	v11 =	vld [tilespmem:s20+$0x130]  }
0x77: {  	s29 =	sadd.s32 $0xFFFFFDFF, s19;
	v52 =	vor.u32 s28, v6;
	v13 =	vld [tilespmem:s20+$0x140]  }
0x78: {  	s30 =	sadd.s32 $0xFFFFFE7F, s19;
	v53 =	vor.u32 s29, v6;
	v15 =	vld [tilespmem:s20+$0x150]  }
0x79: {  	s31 =	sadd.s32 $0xFFFFFEFF, s19;
	v54 =	vor.u32 s30, v6;
	v17 =	vld [tilespmem:s20+$0x160]  }
0x7a: {  	s23 =	sadd.s32 $0xFFFFFF7F, s19;
	v19 =	vld [tilespmem:s20+$0x170];
	[tilespmem:v50+s10+$0x0] =	vst.idx.msk $0xffff, v8;
	v8 =	vor.u32 s31, v6  }
0x7b: {  	s24 =	sadd.s32 $0xFFFFFFFF, s19;
	v55 =	vor.u32 s23, v6;
	[tilespmem:v51+s10+$0x0] =	vst.idx.msk $0xffff, v9  }
0x7c: {  	v56 =	vor.u32 s24, v6;
	[tilespmem:v52+s10+$0x0] =	vst.idx.msk $0xffff, v10  }
0x7d: {  	[tilespmem:v53+s10+$0x0] =	vst.idx.msk $0xffff, v11  }
0x7e: {  	[tilespmem:v54+s10+$0x0] =	vst.idx.msk $0xffff, v13  }
0x7f: {  	[tilespmem:v8+s10+$0x0] =	vst.idx.msk $0xffff, v15  }
0x80: {  	[tilespmem:v55+s10+$0x0] =	vst.idx.msk $0xffff, v17  }
0x81: {  	[tilespmem:v56+s10+$0x0] =	vst.idx.msk $0xffff, v19  }
0x82: {  	v8 =	vld [tilespmem:s20+$0x180]  }
0x83: {  	v9 =	vld [tilespmem:s20+$0x190]  }
0x84: {  	v57 =	vor.u32 s21, v7;
	s25 =	sadd.s32 $0xFFFFFD00, s19;
	v10 =	vld [tilespmem:s20+$0x1A0]  }
0x85: {  	s26 =	sadd.s32 $0xFFFFFD80, s19;
	v58 =	vor.u32 s25, v7;
	v11 =	vld [tilespmem:s20+$0x1B0]  }
0x86: {  	s28 =	sadd.s32 $0xFFFFFE00, s19;
	v59 =	vor.u32 s26, v7;
	v13 =	vld [tilespmem:s20+$0x1C0]  }
0x87: {  	s29 =	sadd.s32 $0xFFFFFE80, s19;
	v60 =	vor.u32 s28, v7;
	v15 =	vld [tilespmem:s20+$0x1D0]  }
0x88: {  	s30 =	sadd.s32 $0xFFFFFF00, s19;
	v61 =	vor.u32 s29, v7;
	v17 =	vld [tilespmem:s20+$0x1E0]  }
0x89: {  	s31 =	sadd.s32 $0xFFFFFF80, s19;
	v19 =	vld [tilespmem:s20+$0x1F0];
	[tilespmem:v57+s10+$0x0] =	vst.idx.msk $0xffff, v8;
	v8 =	vor.u32 s30, v7  }
0x8a: {  	v62 =	vor.u32 s31, v7;
	[tilespmem:v58+s10+$0x0] =	vst.idx.msk $0xffff, v9  }
0x8b: {  	p0 =	sne.s32 s19, $0x3F87;
	v63 =	vor.u32 s19, v7;
	[tilespmem:v59+s10+$0x0] =	vst.idx.msk $0xffff, v10  }
.Ltmp0:
0x8c: {  	[tilespmem:v60+s10+$0x0] =	vst.idx.msk $0xffff, v11;
	(pc) =	sbr.rel @p0 .LBB2_3-.Ltmp0, $4  }
0x8d: {  	[tilespmem:v61+s10+$0x0] =	vst.idx.msk $0xffff, v13  }
0x8e: {  	[tilespmem:v8+s10+$0x0] =	vst.idx.msk $0xffff, v15  }
0x8f: {  	[tilespmem:v62+s10+$0x0] =	vst.idx.msk $0xffff, v17  }
0x90: {  	s19 =	sadd.s32 $0x400, s19;
	s20 =	sadd.s32 $0x400, s20;
	[tilespmem:v63+s10+$0x0] =	vst.idx.msk $0xffff, v19  }
0x91: {  	s18 =	sadd.s32 s4, s18  }
0x92: {  	[hbm4b:s18+s2] =	stream.linear.scatter [tilespmem:s10], [sflag:$0x3], $0x4000, $0x38;
	[tilespmem:$0x10000] =	vst v63  }
0x93: {  	_ =	swait.ge [sflag:s11], $0x4000  }
0x94: {  	[sflag:s11] =	ssyncset.done $0x0  }
0x95: {  	s19 =	simm.s32 $0x4200;
	s18 =	simm.s32 $0x387;
	[sflag:s11] =	ssyncadd.s32 $0xFFFFC000  }
.LBB2_5:
0x96: {  	v8 =	vld [tilespmem:s19+$0xFFFFFE00]  }
0x97: {  	v9 =	vld [tilespmem:s19+$0xFFFFFE10];
	s20 =	sadd.s32 $0xFFFFFC79, s18  }
0x98: {  	v10 =	vld [tilespmem:s19+$0xFFFFFE20];
	s21 =	sadd.s32 $0xFFFFFCF9, s18;
	v12 =	vor.u32 s20, v0  }
0x99: {  	v11 =	vld [tilespmem:s19+$0xFFFFFE30];
	s22 =	sadd.s32 $0xFFFFFD79, s18;
	v14 =	vor.u32 s21, v0  }
0x9a: {  	v13 =	vld [tilespmem:s19+$0xFFFFFE40];
	s23 =	sadd.s32 $0xFFFFFDF9, s18;
	v16 =	vor.u32 s22, v0  }
0x9b: {  	v15 =	vld [tilespmem:s19+$0xFFFFFE50];
	s24 =	sadd.s32 $0xFFFFFE79, s18;
	v18 =	vor.u32 s23, v0  }
0x9c: {  	v17 =	vld [tilespmem:s19+$0xFFFFFE60];
	s25 =	sadd.s32 $0xFFFFFEF9, s18;
	v20 =	vor.u32 s24, v0  }
0x9d: {  	v19 =	vld [tilespmem:s19+$0xFFFFFE70];
	s26 =	sadd.s32 $0xFFFFFF79, s18;
	[tilespmem:v12+s12+$0x0] =	vst.idx.msk $0xffff, v8;
	v8 =	vor.u32 s25, v0  }
0x9e: {  	s28 =	sadd.s32 $0xFFFFFFF9, s18;
	v53 =	vor.u32 s26, v0;
	[tilespmem:v14+s12+$0x0] =	vst.idx.msk $0xffff, v9  }
0x9f: {  	v54 =	vor.u32 s28, v0;
	[tilespmem:v16+s12+$0x0] =	vst.idx.msk $0xffff, v10  }
0xa0: {  	[tilespmem:v18+s12+$0x0] =	vst.idx.msk $0xffff, v11  }
0xa1: {  	[tilespmem:v20+s12+$0x0] =	vst.idx.msk $0xffff, v13  }
0xa2: {  	[tilespmem:v8+s12+$0x0] =	vst.idx.msk $0xffff, v15  }
0xa3: {  	[tilespmem:v53+s12+$0x0] =	vst.idx.msk $0xffff, v17  }
0xa4: {  	[tilespmem:v54+s12+$0x0] =	vst.idx.msk $0xffff, v19  }
0xa5: {  	v8 =	vld [tilespmem:s19+$0xFFFFFE80]  }
0xa6: {  	v9 =	vld [tilespmem:s19+$0xFFFFFE90]  }
0xa7: {  	s29 =	sadd.s32 $0xFFFFFCFA, s18;
	v55 =	vor.u32 s20, v1;
	v10 =	vld [tilespmem:s19+$0xFFFFFEA0]  }
0xa8: {  	s30 =	sadd.s32 $0xFFFFFD7A, s18;
	v56 =	vor.u32 s29, v1;
	v11 =	vld [tilespmem:s19+$0xFFFFFEB0]  }
0xa9: {  	s31 =	sadd.s32 $0xFFFFFDFA, s18;
	v57 =	vor.u32 s30, v1;
	v13 =	vld [tilespmem:s19+$0xFFFFFEC0]  }
0xaa: {  	v58 =	vor.u32 s31, v1;
	s22 =	sadd.s32 $0xFFFFFE7A, s18;
	v15 =	vld [tilespmem:s19+$0xFFFFFED0]  }
0xab: {  	s23 =	sadd.s32 $0xFFFFFEFA, s18;
	v59 =	vor.u32 s22, v1;
	v17 =	vld [tilespmem:s19+$0xFFFFFEE0]  }
0xac: {  	s24 =	sadd.s32 $0xFFFFFF7A, s18;
	v19 =	vld [tilespmem:s19+$0xFFFFFEF0];
	[tilespmem:v55+s12+$0x0] =	vst.idx.msk $0xffff, v8;
	v8 =	vor.u32 s23, v1  }
0xad: {  	v60 =	vor.u32 s24, v1;
	s25 =	sadd.s32 $0xFFFFFFFA, s18;
	[tilespmem:v56+s12+$0x0] =	vst.idx.msk $0xffff, v9  }
0xae: {  	v61 =	vor.u32 s25, v1;
	[tilespmem:v57+s12+$0x0] =	vst.idx.msk $0xffff, v10  }
0xaf: {  	[tilespmem:v58+s12+$0x0] =	vst.idx.msk $0xffff, v11  }
0xb0: {  	[tilespmem:v59+s12+$0x0] =	vst.idx.msk $0xffff, v13  }
0xb1: {  	[tilespmem:v8+s12+$0x0] =	vst.idx.msk $0xffff, v15  }
0xb2: {  	[tilespmem:v60+s12+$0x0] =	vst.idx.msk $0xffff, v17  }
0xb3: {  	[tilespmem:v61+s12+$0x0] =	vst.idx.msk $0xffff, v19  }
0xb4: {  	v8 =	vld [tilespmem:s19+$0xFFFFFF00]  }
0xb5: {  	v9 =	vld [tilespmem:s19+$0xFFFFFF10]  }
0xb6: {  	v62 =	vor.u32 s20, v2;
	s26 =	sadd.s32 $0xFFFFFCFB, s18;
	v10 =	vld [tilespmem:s19+$0xFFFFFF20]  }
0xb7: {  	s28 =	sadd.s32 $0xFFFFFD7B, s18;
	v63 =	vor.u32 s26, v2;
	v11 =	vld [tilespmem:s19+$0xFFFFFF30]  }
0xb8: {  	s29 =	sadd.s32 $0xFFFFFDFB, s18;
	v24 =	vor.u32 s28, v2;
	v13 =	vld [tilespmem:s19+$0xFFFFFF40]  }
0xb9: {  	s30 =	sadd.s32 $0xFFFFFE7B, s18;
	v25 =	vor.u32 s29, v2;
	v15 =	vld [tilespmem:s19+$0xFFFFFF50]  }
0xba: {  	s31 =	sadd.s32 $0xFFFFFEFB, s18;
	v26 =	vor.u32 s30, v2;
	v17 =	vld [tilespmem:s19+$0xFFFFFF60]  }
0xbb: {  	s22 =	sadd.s32 $0xFFFFFF7B, s18;
	v19 =	vld [tilespmem:s19+$0xFFFFFF70];
	[tilespmem:v62+s12+$0x0] =	vst.idx.msk $0xffff, v8;
	v8 =	vor.u32 s31, v2  }
0xbc: {  	v27 =	vor.u32 s22, v2;
	s23 =	sadd.s32 $0xFFFFFFFB, s18;
	[tilespmem:v63+s12+$0x0] =	vst.idx.msk $0xffff, v9  }
0xbd: {  	v28 =	vor.u32 s23, v2;
	[tilespmem:v24+s12+$0x0] =	vst.idx.msk $0xffff, v10  }
0xbe: {  	[tilespmem:v25+s12+$0x0] =	vst.idx.msk $0xffff, v11  }
0xbf: {  	[tilespmem:v26+s12+$0x0] =	vst.idx.msk $0xffff, v13  }
0xc0: {  	[tilespmem:v8+s12+$0x0] =	vst.idx.msk $0xffff, v15  }
0xc1: {  	[tilespmem:v27+s12+$0x0] =	vst.idx.msk $0xffff, v17  }
0xc2: {  	[tilespmem:v28+s12+$0x0] =	vst.idx.msk $0xffff, v19  }
0xc3: {  	v8 =	vld [tilespmem:s19+$0xFFFFFF80]  }
0xc4: {  	v9 =	vld [tilespmem:s19+$0xFFFFFF90]  }
0xc5: {  	v29 =	vor.u32 s20, v3;
	s24 =	sadd.s32 $0xFFFFFCFC, s18;
	v10 =	vld [tilespmem:s19+$0xFFFFFFA0]  }
0xc6: {  	v30 =	vor.u32 s24, v3;
	s25 =	sadd.s32 $0xFFFFFD7C, s18;
	v11 =	vld [tilespmem:s19+$0xFFFFFFB0]  }
0xc7: {  	s26 =	sadd.s32 $0xFFFFFDFC, s18;
	v31 =	vor.u32 s25, v3;
	v13 =	vld [tilespmem:s19+$0xFFFFFFC0]  }
0xc8: {  	s28 =	sadd.s32 $0xFFFFFE7C, s18;
	v32 =	vor.u32 s26, v3;
	v15 =	vld [tilespmem:s19+$0xFFFFFFD0]  }
0xc9: {  	s29 =	sadd.s32 $0xFFFFFEFC, s18;
	v33 =	vor.u32 s28, v3;
	v17 =	vld [tilespmem:s19+$0xFFFFFFE0]  }
0xca: {  	s30 =	sadd.s32 $0xFFFFFF7C, s18;
	v19 =	vld [tilespmem:s19+$0xFFFFFFF0];
	[tilespmem:v29+s12+$0x0] =	vst.idx.msk $0xffff, v8;
	v8 =	vor.u32 s29, v3  }
0xcb: {  	v34 =	vor.u32 s30, v3;
	s31 =	sadd.s32 $0xFFFFFFFC, s18;
	[tilespmem:v30+s12+$0x0] =	vst.idx.msk $0xffff, v9  }
0xcc: {  	v35 =	vor.u32 s31, v3;
	[tilespmem:v31+s12+$0x0] =	vst.idx.msk $0xffff, v10  }
0xcd: {  	[tilespmem:v32+s12+$0x0] =	vst.idx.msk $0xffff, v11  }
0xce: {  	[tilespmem:v33+s12+$0x0] =	vst.idx.msk $0xffff, v13  }
0xcf: {  	[tilespmem:v8+s12+$0x0] =	vst.idx.msk $0xffff, v15  }
0xd0: {  	[tilespmem:v34+s12+$0x0] =	vst.idx.msk $0xffff, v17  }
0xd1: {  	[tilespmem:v35+s12+$0x0] =	vst.idx.msk $0xffff, v19  }
0xd2: {  	v8 =	vld [tilespmem:s19+$0x0]  }
0xd3: {  	v9 =	vld [tilespmem:s19+$0x10]  }
0xd4: {  	v36 =	vor.u32 s20, v4;
	s22 =	sadd.s32 $0xFFFFFCFD, s18;
	v10 =	vld [tilespmem:s19+$0x20]  }
0xd5: {  	v37 =	vor.u32 s22, v4;
	s23 =	sadd.s32 $0xFFFFFD7D, s18;
	v11 =	vld [tilespmem:s19+$0x30]  }
0xd6: {  	s24 =	sadd.s32 $0xFFFFFDFD, s18;
	v38 =	vor.u32 s23, v4;
	v13 =	vld [tilespmem:s19+$0x40]  }
0xd7: {  	v39 =	vor.u32 s24, v4;
	s25 =	sadd.s32 $0xFFFFFE7D, s18;
	v15 =	vld [tilespmem:s19+$0x50]  }
0xd8: {  	s26 =	sadd.s32 $0xFFFFFEFD, s18;
	v40 =	vor.u32 s25, v4;
	v17 =	vld [tilespmem:s19+$0x60]  }
0xd9: {  	s28 =	sadd.s32 $0xFFFFFF7D, s18;
	v19 =	vld [tilespmem:s19+$0x70];
	[tilespmem:v36+s12+$0x0] =	vst.idx.msk $0xffff, v8;
	v8 =	vor.u32 s26, v4  }
0xda: {  	v41 =	vor.u32 s28, v4;
	s29 =	sadd.s32 $0xFFFFFFFD, s18;
	[tilespmem:v37+s12+$0x0] =	vst.idx.msk $0xffff, v9  }
0xdb: {  	v42 =	vor.u32 s29, v4;
	[tilespmem:v38+s12+$0x0] =	vst.idx.msk $0xffff, v10  }
0xdc: {  	[tilespmem:v39+s12+$0x0] =	vst.idx.msk $0xffff, v11  }
0xdd: {  	[tilespmem:v40+s12+$0x0] =	vst.idx.msk $0xffff, v13  }
0xde: {  	[tilespmem:v8+s12+$0x0] =	vst.idx.msk $0xffff, v15  }
0xdf: {  	[tilespmem:v41+s12+$0x0] =	vst.idx.msk $0xffff, v17  }
0xe0: {  	[tilespmem:v42+s12+$0x0] =	vst.idx.msk $0xffff, v19  }
0xe1: {  	v8 =	vld [tilespmem:s19+$0x80]  }
0xe2: {  	v9 =	vld [tilespmem:s19+$0x90]  }
0xe3: {  	v43 =	vor.u32 s20, v5;
	s30 =	sadd.s32 $0xFFFFFCFE, s18;
	v10 =	vld [tilespmem:s19+$0xA0]  }
0xe4: {  	v44 =	vor.u32 s30, v5;
	s31 =	sadd.s32 $0xFFFFFD7E, s18;
	v11 =	vld [tilespmem:s19+$0xB0]  }
0xe5: {  	s22 =	sadd.s32 $0xFFFFFDFE, s18;
	v45 =	vor.u32 s31, v5;
	v13 =	vld [tilespmem:s19+$0xC0]  }
0xe6: {  	v46 =	vor.u32 s22, v5;
	s23 =	sadd.s32 $0xFFFFFE7E, s18;
	v15 =	vld [tilespmem:s19+$0xD0]  }
0xe7: {  	s24 =	sadd.s32 $0xFFFFFEFE, s18;
	v47 =	vor.u32 s23, v5;
	v17 =	vld [tilespmem:s19+$0xE0]  }
0xe8: {  	s25 =	sadd.s32 $0xFFFFFF7E, s18;
	v19 =	vld [tilespmem:s19+$0xF0];
	[tilespmem:v43+s12+$0x0] =	vst.idx.msk $0xffff, v8;
	v8 =	vor.u32 s24, v5  }
0xe9: {  	v48 =	vor.u32 s25, v5;
	s26 =	sadd.s32 $0xFFFFFFFE, s18;
	[tilespmem:v44+s12+$0x0] =	vst.idx.msk $0xffff, v9  }
0xea: {  	v49 =	vor.u32 s26, v5;
	[tilespmem:v45+s12+$0x0] =	vst.idx.msk $0xffff, v10  }
0xeb: {  	[tilespmem:v46+s12+$0x0] =	vst.idx.msk $0xffff, v11  }
0xec: {  	[tilespmem:v47+s12+$0x0] =	vst.idx.msk $0xffff, v13  }
0xed: {  	[tilespmem:v8+s12+$0x0] =	vst.idx.msk $0xffff, v15  }
0xee: {  	[tilespmem:v48+s12+$0x0] =	vst.idx.msk $0xffff, v17  }
0xef: {  	[tilespmem:v49+s12+$0x0] =	vst.idx.msk $0xffff, v19  }
0xf0: {  	v8 =	vld [tilespmem:s19+$0x100]  }
0xf1: {  	v9 =	vld [tilespmem:s19+$0x110]  }
0xf2: {  	v50 =	vor.u32 s20, v6;
	s28 =	sadd.s32 $0xFFFFFCFF, s18;
	v10 =	vld [tilespmem:s19+$0x120]  }
0xf3: {  	v51 =	vor.u32 s28, v6;
	s29 =	sadd.s32 $0xFFFFFD7F, s18;
	v11 =	vld [tilespmem:s19+$0x130]  }
0xf4: {  	s30 =	sadd.s32 $0xFFFFFDFF, s18;
	v52 =	vor.u32 s29, v6;
	v13 =	vld [tilespmem:s19+$0x140]  }
0xf5: {  	v53 =	vor.u32 s30, v6;
	s31 =	sadd.s32 $0xFFFFFE7F, s18;
	v15 =	vld [tilespmem:s19+$0x150]  }
0xf6: {  	s22 =	sadd.s32 $0xFFFFFEFF, s18;
	v54 =	vor.u32 s31, v6;
	v17 =	vld [tilespmem:s19+$0x160]  }
0xf7: {  	s23 =	sadd.s32 $0xFFFFFF7F, s18;
	v19 =	vld [tilespmem:s19+$0x170];
	[tilespmem:v50+s12+$0x0] =	vst.idx.msk $0xffff, v8;
	v8 =	vor.u32 s22, v6  }
0xf8: {  	v55 =	vor.u32 s23, v6;
	s24 =	sadd.s32 $0xFFFFFFFF, s18;
	[tilespmem:v51+s12+$0x0] =	vst.idx.msk $0xffff, v9  }
0xf9: {  	v56 =	vor.u32 s24, v6;
	[tilespmem:v52+s12+$0x0] =	vst.idx.msk $0xffff, v10  }
0xfa: {  	[tilespmem:v53+s12+$0x0] =	vst.idx.msk $0xffff, v11  }
0xfb: {  	[tilespmem:v54+s12+$0x0] =	vst.idx.msk $0xffff, v13  }
0xfc: {  	[tilespmem:v8+s12+$0x0] =	vst.idx.msk $0xffff, v15  }
0xfd: {  	[tilespmem:v55+s12+$0x0] =	vst.idx.msk $0xffff, v17  }
0xfe: {  	[tilespmem:v56+s12+$0x0] =	vst.idx.msk $0xffff, v19  }
0xff: {  	v8 =	vld [tilespmem:s19+$0x180]  }
0x100: {  	v9 =	vld [tilespmem:s19+$0x190]  }
0x101: {  	s25 =	sadd.s32 $0xFFFFFD00, s18;
	v57 =	vor.u32 s20, v7;
	v10 =	vld [tilespmem:s19+$0x1A0]  }
0x102: {  	v58 =	vor.u32 s25, v7;
	s26 =	sadd.s32 $0xFFFFFD80, s18;
	v11 =	vld [tilespmem:s19+$0x1B0]  }
0x103: {  	s28 =	sadd.s32 $0xFFFFFE00, s18;
	v59 =	vor.u32 s26, v7;
	v13 =	vld [tilespmem:s19+$0x1C0]  }
0x104: {  	v60 =	vor.u32 s28, v7;
	s29 =	sadd.s32 $0xFFFFFE80, s18;
	v15 =	vld [tilespmem:s19+$0x1D0]  }
0x105: {  	s30 =	sadd.s32 $0xFFFFFF00, s18;
	v61 =	vor.u32 s29, v7;
	v17 =	vld [tilespmem:s19+$0x1E0]  }
0x106: {  	s31 =	sadd.s32 $0xFFFFFF80, s18;
	v19 =	vld [tilespmem:s19+$0x1F0];
	[tilespmem:v57+s12+$0x0] =	vst.idx.msk $0xffff, v8;
	v8 =	vor.u32 s30, v7  }
0x107: {  	v62 =	vor.u32 s31, v7;
	[tilespmem:v58+s12+$0x0] =	vst.idx.msk $0xffff, v9  }
0x108: {  	p0 =	sne.s32 s18, $0x3F87;
	v63 =	vor.u32 s18, v7;
	[tilespmem:v59+s12+$0x0] =	vst.idx.msk $0xffff, v10  }
.Ltmp1:
0x109: {  	[tilespmem:v60+s12+$0x0] =	vst.idx.msk $0xffff, v11;
	(pc) =	sbr.rel @p0 .LBB2_5-.Ltmp1, $4  }
0x10a: {  	[tilespmem:v61+s12+$0x0] =	vst.idx.msk $0xffff, v13  }
0x10b: {  	[tilespmem:v8+s12+$0x0] =	vst.idx.msk $0xffff, v15  }
0x10c: {  	[tilespmem:v62+s12+$0x0] =	vst.idx.msk $0xffff, v17  }
0x10d: {  	s18 =	sadd.s32 $0x400, s18;
	s19 =	sadd.s32 $0x400, s19;
	[tilespmem:v63+s12+$0x0] =	vst.idx.msk $0xffff, v19  }
0x10e: {  	s16 =	sadd.s32 $0x1, s16  }
0x10f: {  	p0 =	sne.s32 s16, $0x8  }
.Ltmp2:
0x110: {  	_ = 	snop;
	(pc) =	sbr.rel @p0 .LBB2_2-.Ltmp2, $3  }
0x111: {  	_ =	sdelay $0x1  }
0x112: {  	s17 =	sadd.s32 s4, s17  }
0x113: {  	[hbm4b:s17+s2] =	stream.linear.scatter [tilespmem:s12], [sflag:$0x4], $0x4000, $0x38;
	[tilespmem:$0x10000] =	vst v63  }
0x114: {  	s15 =	sadd.s32 $0x1, s15  }
0x115: {  	_ =	swait.ge [sflag:s13], $0x4000;
	p0 =	sne.s32 s15, s6  }
.Ltmp3:
0x116: {  	[sflag:s13] =	ssyncset.done $0x0;
	(pc) =	sbr.rel @p0 .LBB2_1-.Ltmp3, $4  }
0x117: {  	[sflag:s13] =	ssyncadd.s32 $0xFFFFC000  }
0x118: {  	_ =	swait.ge [sflag:s14], $0x4000  }
0x119: {  	[sflag:s14] =	ssyncset.done $0x0  }
0x11a: {  	[sflag:s14] =	ssyncadd.s32 $0xFFFFC000  }
0x11b: {  	_ =	sfence.sel $0x180000  }
0x11c: {  	[bflag:$0x0] =	sbarrier.arrive $0xFFFF  }
0x11d: {  	p0 =	sne.s32 s3, $0x0;
	_ =	strace $0x90000047  }
0x11e: {  	s0 =	sadd.s32 @!p0 $0x100000, s0;
	[bflag:$0x2] =	sbarrier.arrive $0xFFFF  }
0x11f: {  	[sflag:s0] =	ssyncadd.tile.s32 @!p0 $0x1;
	_ =	shalt  }
.Lfunc_end2:
_tile_overlayer_lowered:
.L_overlay_start_2:
0x120: {  	(tag) =	ssettag $0x2  }
0x121: {  	s0 =	rddreg [dreg:$0x0];
	s2 =	stileid.u32  }
0x122: {  	s1 =	rddreg [dreg:$0x1];
	p0 =	sne.s32 s2, $0x0  }
0x123: {  	s3 =	rddreg [dreg:$0x2];
	[bflag:$0x3] =	sbarrier.arrive $0xFFFF;
	s2 =	simm.s32 @!p0 $0x1C05  }
0x124: {  	[timem:s3], [sflag:s2] =	dma.local @!p0 [hbm:s0], s1  }
0x125: {  	s0 =	simm.s32 @!p0 $0x5  }
0x126: {  	_ =	swait.ge @!p0 [sflag:s0], s1  }
0x127: {  	s1 =	ssub.s32 @!p0 $0x0, s1;
	[sflag:s0] =	ssyncset.done @!p0 $0x0  }
0x128: {  	[sflag:s0] =	ssyncadd.s32 @!p0 s1  }
0x129: {  	[bflag:$0x3] =	sbarrier.arrive $0xFFFF  }
0x12a: {  	_ =	shalt  }

// kernel: kernel.7.cloned.1.call-start
scs
__scs_entry_jumppad:
0x0: {  	(pc) =	sbr.rel $0x88, $3  }
0x1: {  	(tag) =	ssettag $0x0;
	lr =	simm.s32 $0x1  }
0x2: {  	[smem:$0x3F9F] =	sst lr;
	_ =	strace $0xD0000000  }
0x3: {  	_ = 	snop  }
0x4: {  	_ = 	snop  }
0x5: {  	_ = 	snop  }
0x6: {  	_ = 	snop  }
0x7: {  	_ = 	snop  }
__scs_overlays_trampoline_lowered:
0x8: {  	[smem:$0x3FAE] =	sst s0  }
0x9: {  	[smem:$0x3FAF] =	sst s1  }
0xa: {  	[smem:$0x3FB0] =	sst s2  }
0xb: {  	[smem:$0x3FB1] =	sst s3  }
0xc: {  	[smem:$0x3FB2] =	sst s4  }
0xd: {  	[smem:$0x3FB3] =	sst s5  }
0xe: {  	[smem:$0x3FB4] =	sst s6  }
0xf: {  	[smem:$0x3FB5] =	sst s7  }
0x10: {  	[smem:$0x3FB6] =	sst s8  }
0x11: {  	[smem:$0x3FB7] =	sst s9;
	s0 =	simm.s32 @!p0 $0x0  }
0x12: {  	s1 =	sld [smem:$0x3F9D];
	s0 =	simm.s32 @p0 $0x1  }
0x13: {  	[smem:$0x3FB8] =	sst s0;
	s0 =	simm.s32 @!p1 $0x0  }
0x14: {  	s2 =	sld [smem:$0x3F9C];
	s0 =	simm.s32 @p1 $0x1  }
0x15: {  	[smem:$0x3FB9] =	sst s0;
	s0 =	simm.s32 @!p2 $0x0  }
0x16: {  	s3 =	sld [smem:$0x3FDB];
	s0 =	simm.s32 @p2 $0x1  }
0x17: {  	s4 =	simm.s32 $0x1BF5;
	[smem:$0x3FBB] =	sst s0  }
0x18: {  	s0 =	sld [smem:$0x3F9E];
	_ =	swait.ge [sflag:s4], $0x0  }
0x19: {  	s7 =	sld [smem:$0x3F9F]  }
0x1a: {  	s8 =	sadd.s32 $0xFFFFE003, lr  }
0x1b: {  	s9 =	sadd.s32 $0xFFFFFEF7, lr;
	s5 =	simm.s32 $0xFFFFFFFF;
	p2 =	slt.u32 s8, $0xFFFFF086  }
0x1c: {  	p1 =	slt.u32 s9, $0xF7A;
	s5 =	simm.s32 @!p2 $0x0  }
0x1d: {  	s5 =	simm.s32 @p1 $0x1;
	p0 =	seq.s32 s7, s2  }
0x1e: {  	s7 =	smul.u32 @!p0 $0xF7A, s2;
	p2 =	seq.s32 @!p0 s5, $0x0  }
0x1f: {  	s9 =	smul.u32 $0xF7A, s1;
	s8 =	simm.s32 @!p0 $0x1BF5;
	p2 =	por !p2, p0  }
0x20: {  	[sflag:s8] =	ssyncset.s32 @!p0 $0xFFFFF086;
	s6 =	sadd.s32 @!p0 s3, s7;
	s7 =	simm.s32 @!p0 $0x108  }
0x21: {  	s3 =	sadd.s32 s3, s9;
	s6 =	sadd.s32 @!p0 $0x88, s6;
	s7 =	simm.s32 @p2 $0x1082  }
0x22: {  	[simem:s7], [sflag:s8] =	dma.local @!p0 [hbm:s6], $0xF7A  }
0x23: {  	s9 =	sor.u32 $0xD0000000, s2;
	s6 =	simm.s32 $0x108;
	_ =	swait.ge @!p0 [sflag:s8], $0x0  }
0x24: {  	s3 =	sadd.s32 $0x88, s3;
	s6 =	simm.s32 @!p1 $0x1082;
	[sflag:s4] =	ssyncset.s32 $0xFFFFF086  }
0x25: {  	[simem:s6], [sflag:s4] =	dma.local [hbm:s3], $0xF7A  }
0x26: {  	[smem:$0x3F9F] =	sst s1;
	(tag) =	ssettag s2;
	_ =	strace s9  }
0x27: {  	s1 =	sld [smem:$0x3FAF]  }
0x28: {  	s2 =	sld [smem:$0x3FB0]  }
0x29: {  	s4 =	sld [smem:$0x3FB2]  }
0x2a: {  	p0 =	seq.s32 s5, $0x0;
	s5 =	sld [smem:$0x3FB3]  }
0x2b: {  	s6 =	sld [smem:$0x3FB4]  }
0x2c: {  	s7 =	sld [smem:$0x3FB5]  }
0x2d: {  	s3 =	simm.s32 $0x108;
	s8 =	sld [smem:$0x3FB6]  }
0x2e: {  	s3 =	simm.s32 @!p0 $0x1082;
	s9 =	sld [smem:$0x3FB7]  }
0x2f: {  	lr =	sadd.s32 s0, s3;
	s0 =	sld [smem:$0x3FAE]  }
0x30: {  	s3 =	sld [smem:$0x3FB1]  }
0x31: {  	[smem:$0x3FBA] =	sst s10  }
0x32: {  	s10 =	sld [smem:$0x3FB8];
	_ =	sdelay $0x3  }
0x33: {  	p0 =	seq.s32 s10, $0x1;
	s10 =	sld [smem:$0x3FBA];
	_ =	sdelay $0x3  }
0x34: {  	[smem:$0x3FBA] =	sst s10  }
0x35: {  	s10 =	sld [smem:$0x3FB9];
	_ =	sdelay $0x3  }
0x36: {  	p1 =	seq.s32 s10, $0x1;
	s10 =	sld [smem:$0x3FBA];
	_ =	sdelay $0x3  }
0x37: {  	[smem:$0x3FBA] =	sst s10  }
0x38: {  	s10 =	sld [smem:$0x3FBB]  }
0x39: {  	_ = 	snop;
	(pc) =	sbr.ind lr, $3  }
0x3a: {  	_ = 	snop  }
0x3b: {  	_ = 	snop  }
0x3c: {  	p2 =	seq.s32 s10, $0x1;
	s10 =	sld [smem:$0x3FBA]  }
0x3d: {  	_ =	shalt  }
0x3e: {  	_ =	shalt  }
0x3f: {  	_ =	shalt  }
0x40: {  	_ =	shalt  }
0x41: {  	_ =	shalt  }
0x42: {  	_ =	shalt  }
0x43: {  	_ =	shalt  }
0x44: {  	_ =	shalt  }
0x45: {  	_ =	shalt  }
0x46: {  	_ =	shalt  }
0x47: {  	_ =	shalt  }
0x48: {  	_ =	shalt  }
0x49: {  	_ =	shalt  }
0x4a: {  	_ =	shalt  }
0x4b: {  	_ =	shalt  }
0x4c: {  	_ =	shalt  }
0x4d: {  	_ =	shalt  }
0x4e: {  	_ =	shalt  }
0x4f: {  	_ =	shalt  }
0x50: {  	_ =	shalt  }
0x51: {  	_ =	shalt  }
0x52: {  	_ =	shalt  }
0x53: {  	_ =	shalt  }
0x54: {  	_ =	shalt  }
0x55: {  	_ =	shalt  }
0x56: {  	_ =	shalt  }
0x57: {  	_ =	shalt  }
0x58: {  	_ =	shalt  }
0x59: {  	_ =	shalt  }
0x5a: {  	_ =	shalt  }
0x5b: {  	_ =	shalt  }
0x5c: {  	_ =	shalt  }
0x5d: {  	_ =	shalt  }
0x5e: {  	_ =	shalt  }
0x5f: {  	_ =	shalt  }
0x60: {  	_ =	shalt  }
0x61: {  	_ =	shalt  }
0x62: {  	_ =	shalt  }
0x63: {  	_ =	shalt  }
0x64: {  	_ =	shalt  }
0x65: {  	_ =	shalt  }
0x66: {  	_ =	shalt  }
0x67: {  	_ =	shalt  }
0x68: {  	_ =	shalt  }
0x69: {  	_ =	shalt  }
0x6a: {  	_ =	shalt  }
0x6b: {  	_ =	shalt  }
0x6c: {  	_ =	shalt  }
0x6d: {  	_ =	shalt  }
0x6e: {  	_ =	shalt  }
0x6f: {  	_ =	shalt  }
0x70: {  	_ =	shalt  }
0x71: {  	_ =	shalt  }
0x72: {  	_ =	shalt  }
0x73: {  	_ =	shalt  }
0x74: {  	_ =	shalt  }
0x75: {  	_ =	shalt  }
0x76: {  	_ =	shalt  }
0x77: {  	_ =	shalt  }
0x78: {  	_ =	shalt  }
0x79: {  	_ =	shalt  }
0x7a: {  	_ =	shalt  }
0x7b: {  	_ =	shalt  }
0x7c: {  	_ =	shalt  }
0x7d: {  	_ =	shalt  }
0x7e: {  	_ =	shalt  }
0x7f: {  	_ =	shalt  }
0x80: {  	_ =	shalt  }
0x81: {  	_ =	shalt  }
0x82: {  	_ =	shalt  }
0x83: {  	_ =	shalt  }
0x84: {  	_ =	shalt  }
0x85: {  	_ =	shalt  }
0x86: {  	_ =	shalt  }
0x87: {  	_ =	shalt  }
.Lfunc_end0:
.L_simem_size_0:
called_computation.1_lowered:
.L_overlay_start_0:
0x88: {  	s2 =	sld [smem:$0x3FD9]  }
0x89: {  	s3 =	sld [smem:$0x3FFE];
	_ =	sdelay $0x1  }
0x8a: {  	s1 =	srdreg.scid  }
0x8b: {  	s0 =	sand.u32 $0x1, s1  }
0x8c: {  	s17 =	sshll.u32 s0, $0xA;
	s2 =	sadd.s32 s3, s2  }
0x8d: {  	s2 =	sadd.s32 s2, s17  }
0x8e: {  	[smem:$0x3FC6] =	sst s2  }
0x8f: {  	_ = 	snop  }
0x90: {  	s2 =	sld [smem:$0x3FD0];
	(tm) =	ssettm $0x1  }
0x91: {  	s18 =	sld [smem:$0x3FFB];
	_ =	sdelay $0x3  }
0x92: {  	_ =	strace s18  }
0x93: {  	s3 =	sld [smem:$0x3FFC];
	_ =	sdelay $0x3  }
0x94: {  	_ =	strace s3  }
0x95: {  	s3 =	sld [smem:$0x3FFD];
	_ =	sdelay $0x3  }
0x96: {  	_ =	strace s3  }
0x97: {  	_ =	strace $0x8FFFFFFF  }
0x98: {  	s19 =	sld [smem:$0x3FDB];
	_ =	sdelay $0x1  }
0x99: {  	s4 =	simm.s32 $_scs_section_size  }
0x9a: {  	s5 =	simm.s32 $_size__tile_overlayer_lowered;
	s6 =	simm.s32 $_tile_overlayer_lowered  }
0x9b: {  	s22 =	simm.s32 $0x1BFF;
	s21 =	sshll.u32 s6, $0x1;
	s3 =	sadd.s32 s4, s19  }
0x9c: {  	s7 =	simm.s32 $0x0;
	s20 =	sshll.u32 s5, $0x1;
	s5 =	sadd.s32 s21, s3  }
0x9d: {  	[timem:s7], [sflag:s22] =	dma.local [hbm:s5], s20  }
0x9e: {  	_ =	swait.ge [sflag:s22], s20  }
0x9f: {  	s4 =	ssub.s32 $0x0, s20;
	[sflag:s22] =	ssyncset.done $0x0  }
0xa0: {  	[sflag:s22] =	ssyncadd.s32 s4;
	_ =	sdelay $0x1  }
0xa1: {  	s23 =	simm.s32 $0x1B8B  }
0xa2: {  	_ =	swait.ge [sflag:s23], $0x1  }
0xa3: {  	[sflag:s23] =	ssyncset.done $0x0  }
0xa4: {  	s25 =	simm.s32 $0x1B8E;
	s24 =	sld [smem:$0x3FFE];
	[sflag:s23] =	ssyncadd.s32 $0xFFFFFFFF  }
0xa5: {  	s26 =	simm.s32 $execute0_lowered;
	[smem:$0x3FD2] =	sst s25  }
0xa6: {  	s5 =	sshll.u32 s26, $0x1;
	_ =	strace $0x80000049;
	[dreg:$0x1] =	wrdreg $0xFFFFFFFF  }
0xa7: {  	s28 =	simm.s32 $_size_execute0_lowered;
	s3 =	sadd.s32 s3, s5;
	[dreg:$0x0] =	wrdreg $0x0  }
0xa8: {  	s5 =	sshll.u32 s28, $0x1;
	[dreg:$0x2] =	wrdreg s3  }
0xa9: {  	[dreg:$0x3] =	wrdreg s5  }
0xaa: {  	[dreg:$0x4] =	wrdreg $0xC0  }
0xab: {  	_ =	task [dreg:s7], $0x5FFFF  }
0xac: {  	[dreg:$0x1] =	wrdreg $0xFFFFFFFF  }
0xad: {  	[dreg:$0x0] =	wrdreg $0x60  }
0xae: {  	[dreg:$0x2] =	wrdreg s24  }
0xaf: {  	[dreg:$0x3] =	wrdreg s2  }
0xb0: {  	[dreg:$0x4] =	wrdreg $0x9  }
0xb1: {  	_ =	task.clear_ibuf [dreg:s7], $0x5FFFF;
	_ =	strace $0x90000049  }
0xb2: {  	s29 =	simm.s32 $0x9;
	_ =	strace $0x8000004B  }
0xb3: {  	_ =	swait.ge [sflag:s29], $0x1  }
0xb4: {  	[sflag:s29] =	ssyncadd.s32 $0xFFFFFFFF  }
0xb5: {  	_ =	strace $0x9000004B  }
0xb6: {  	_ =	sfence  }
0xb7: {  	s30 =	sld [smem:$0x0];
	_ =	sdelay $0x2  }
0xb8: {  	s31 =	sshll.u32 s1, $0xD;
	s1 =	sshrl.u32 s1, $0x2  }
0xb9: {  	s3 =	sand.u32 $0x4000, s31;
	s1 =	sadd.s32 s1, s30  }
0xba: {  	s0 =	sor.u32 s3, s0;
	s1 =	sshll.u32 s1, $0x11  }
0xbb: {  	s0 =	sor.u32 s1, s0  }
0xbc: {  	s0 =	sadd.s32 $0x8F2B, s0  }
0xbd: {  	[sflag:s0] =	ssyncadd.remote.s32 $0x1  }
0xbe: {  	_ =	sfence.sel $0xFFFF  }
0xbf: {  	[dreg:$0x0] =	wrdreg $0xFFFFFFFF;
	(pc) =	sbr.abs _section_cstart, $3  }
0xc0: {  	[dreg:$0x1] =	wrdreg $0xFFFFFFFF  }
0xc1: {  	_ =	task.clear_ibuf [dreg:s7], $0x2FFFF;
	_ =	strace $0x9FFFFFFF  }
0xc2: {  	(tm) =	ssettm $0x7FFFFFFF  }
0xc3: {  	_ =	shalt  }
tec
execute0_lowered:
.L_overlay_start_1:
0x0: {  	(tag) =	ssettag $0x1  }
0x1: {  	s0 =	rddreg [dreg:$0x0];
	s1 =	srdreg.scid  }
0x2: {  	s3 =	stileid.u32;
	s2 =	rddreg [dreg:$0x1]  }
0x3: {  	s11 =	simm.s32 $0x9;
	s12 =	simm.s32 $0x500;
	s13 =	simm.s32 $0x1400  }
0x4: {  	s14 =	simm.s32 $0x3C00;
	s15 =	simm.s32 $0xA00;
	s16 =	simm.s32 $0x6400  }
0x5: {  	s17 =	simm.s32 $0xF00;
	s18 =	simm.s32 $0x8C00;
	s19 =	simm.s32 $0x1  }
0x6: {  	s21 =	simm.s32 $0x2;
	s22 =	simm.s32 $0xDC00;
	s23 =	simm.s32 $0x3  }
0x7: {  	s24 =	simm.s32 $0x10400;
	s25 =	simm.s32 $0x4;
	s26 =	simm.s32 $0x12C00  }
0x8: {  	s10 =	simm.s32 $0x0;
	s1 =	sand.u32 $0x1, s1;
	s4 =	sshll.u32 s3, $0x1  }
0x9: {  	s3 =	simm.s32 $0x0;
	s4 =	sor.u32 s1, s4;
	s1 =	ssub.s32 $0x2, s1  }
0xa: {  	s5 =	sadd.s32 $0x1800, s0;
	s4 =	smul.u32 $0x320, s4;
	s7 =	sshrl.u32 s1, $0x1  }
0xb: {  	s6 =	sadd.s32 $0x101800, s0;
	[smem:$0x7FF] =	sst s3;
	s31 =	ssub.s32 s1, s7  }
0xc: {  	v0 =	vlaneseq.u32;
	_ =	strace $0x8000004A;
	s7 =	sor.u32 $0xA, s4;
	s0 =	smax.u32 s31, $0x1  }
0xd: {  	v0 =	vmul.u32 $0x8, v0;
	s8 =	sor.u32 $0x14, s4;
	s9 =	sor.u32 $0x1E, s4;
	[dreg:$0x3] =	wrdreg s0  }
.LBB2_1:
0xe: {  	[dreg:$0x4] =	wrdreg s10;
	s0 =	simm.s32 $0x0  }
.LBB2_2:
0xf: {  	s1 =	smul.u32 $0x28, s0;
	p0 =	seq.s32 s0, $0x0  }
0x10: {  	s10 =	simm.s32 @!p0 $0x5  }
0x11: {  	s30 =	sadd.s32 s4, s1;
	_ =	swait.ge @!p0 [sflag:s10], $0x2800  }
0x12: {  	[sflag:s10] =	ssyncset.done @!p0 $0x0;
	s28 =	sshll.u32 s30, $0x4  }
0x13: {  	[sflag:s10] =	ssyncadd.s32 @!p0 $0xFFFFD800;
	s20 =	sadd.s32 s6, s28  }
0x14: {  	[tilespmem:s3], [sflag:$0x9] =	stream.linear.gather [hbm4b:s20+s3], $0x500, $0x38;
	[tilespmem:$0x15400] =	vst v63  }
0x15: {  	_ =	swait.ge [sflag:s11], $0x500  }
0x16: {  	[sflag:s11] =	ssyncset.done $0x0  }
0x17: {  	s29 =	sadd.s32 s1, s7;
	s10 =	simm.s32 @!p0 $0x6;
	[sflag:s11] =	ssyncadd.s32 $0xFFFFFB00  }
0x18: {  	[tilespmem:s13], [sflag:$0x1] =	stream.indirect.gather [hbm4b:s5+s12], $0x8, s3, s12, $0xb8;
	[tilespmem:$0x15400] =	vst v63  }
0x19: {  	s28 =	sshll.u32 s29, $0x4;
	_ =	swait.ge @!p0 [sflag:s10], $0x2800  }
0x1a: {  	s28 =	sand.u32 $0x1FFFFFA0, s28;
	[sflag:s10] =	ssyncset.done @!p0 $0x0  }
0x1b: {  	s20 =	sadd.s32 s6, s28;
	[sflag:s10] =	ssyncadd.s32 @!p0 $0xFFFFD800  }
0x1c: {  	[tilespmem:s12], [sflag:$0x9] =	stream.linear.gather [hbm4b:s20+s3], $0x500, $0x38;
	[tilespmem:$0x15400] =	vst v63  }
0x1d: {  	_ =	swait.ge [sflag:s11], $0x500  }
0x1e: {  	[sflag:s11] =	ssyncset.done $0x0  }
0x1f: {  	s28 =	sadd.s32 s1, s8;
	s10 =	simm.s32 @!p0 $0x7;
	[sflag:s11] =	ssyncadd.s32 $0xFFFFFB00  }
0x20: {  	[tilespmem:s14], [sflag:$0x2] =	stream.indirect.gather [hbm4b:s5+s12], $0x8, s12, s12, $0xb8;
	[tilespmem:$0x15400] =	vst v63  }
0x21: {  	s31 =	sshll.u32 s28, $0x4;
	_ =	swait.ge @!p0 [sflag:s10], $0x2800  }
0x22: {  	s31 =	sand.u32 $0x1FFFFFC0, s31;
	[sflag:s10] =	ssyncset.done @!p0 $0x0  }
0x23: {  	s20 =	sadd.s32 s6, s31;
	[sflag:s10] =	ssyncadd.s32 @!p0 $0xFFFFD800  }
0x24: {  	[tilespmem:s15], [sflag:$0x9] =	stream.linear.gather [hbm4b:s20+s3], $0x500, $0x38;
	[tilespmem:$0x15400] =	vst v63  }
0x25: {  	_ =	swait.ge [sflag:s11], $0x500  }
0x26: {  	[sflag:s11] =	ssyncset.done $0x0  }
0x27: {  	s10 =	sadd.s32 s1, s9;
	s1 =	simm.s32 @!p0 $0x8;
	[sflag:s11] =	ssyncadd.s32 $0xFFFFFB00  }
0x28: {  	[tilespmem:s16], [sflag:$0x3] =	stream.indirect.gather [hbm4b:s5+s12], $0x8, s15, s12, $0xb8;
	[tilespmem:$0x15400] =	vst v63  }
0x29: {  	s31 =	sshll.u32 s10, $0x4;
	_ =	swait.ge @!p0 [sflag:s1], $0x2800  }
0x2a: {  	s31 =	sand.u32 $0x1FFFFFE0, s31;
	[sflag:s1] =	ssyncset.done @!p0 $0x0  }
0x2b: {  	s20 =	sadd.s32 s6, s31;
	[sflag:s1] =	ssyncadd.s32 @!p0 $0xFFFFD800  }
0x2c: {  	[tilespmem:s17], [sflag:$0x9] =	stream.linear.gather [hbm4b:s20+s3], $0x500, $0x38;
	[tilespmem:$0x15400] =	vst v63  }
0x2d: {  	_ =	swait.ge [sflag:s11], $0x500  }
0x2e: {  	[sflag:s11] =	ssyncset.done $0x0  }
0x2f: {  	[sflag:s11] =	ssyncadd.s32 $0xFFFFFB00  }
0x30: {  	[tilespmem:s18], [sflag:$0x4] =	stream.indirect.gather [hbm4b:s5+s12], $0x8, s17, s12, $0xb8;
	[tilespmem:$0x15400] =	vst v63  }
0x31: {  	_ =	swait.ge [sflag:s19], $0x2800  }
0x32: {  	[sflag:s19] =	ssyncset.done $0x0  }
0x33: {  	s31 =	simm.s32 $0x70;
	s1 =	simm.s32 $0xB600;
	[sflag:s19] =	ssyncadd.s32 $0xFFFFD800  }
.LBB2_3:
0x34: {  	s20 =	sadd.s32 $0xFFFFFF90, s31  }
0x35: {  	v1 =	vmov s20  }
0x36: {  	v1 =	vshll.u32 v1, $0x3  }
0x37: {  	v1 =	vor.u32 v0, v1  }
0x38: {  	v2 =	vor.u32 $0x1, v1  }
0x39: {  	v3 =	vor.u32 $0x2, v1  }
0x3a: {  	v4 =	vor.u32 $0x3, v1  }
0x3b: {  	v5 =	vor.u32 $0x4, v1  }
0x3c: {  	v7 =	vor.u32 $0x5, v1;
	v6 =	vld.idx.msk [tilespmem:v1+s13+$0x0], $0xffff  }
0x3d: {  	v8 =	vor.u32 $0x6, v1;
	v2 =	vld.idx.msk [tilespmem:v2+s13+$0x0], $0xffff  }
0x3e: {  	v1 =	vor.u32 $0x7, v1;
	v3 =	vld.idx.msk [tilespmem:v3+s13+$0x0], $0xffff  }
0x3f: {  	v4 =	vld.idx.msk [tilespmem:v4+s13+$0x0], $0xffff  }
0x40: {  	v5 =	vld.idx.msk [tilespmem:v5+s13+$0x0], $0xffff  }
0x41: {  	v7 =	vld.idx.msk [tilespmem:v7+s13+$0x0], $0xffff  }
0x42: {  	v8 =	vld.idx.msk [tilespmem:v8+s13+$0x0], $0xffff  }
0x43: {  	s20 =	sadd.s32 $0xFFFFFFA0, s31;
	v1 =	vld.idx.msk [tilespmem:v1+s13+$0x0], $0xffff;
	[tilespmem:s1+$0xFFFFFE00] =	vst v6  }
0x44: {  	[tilespmem:s1+$0xFFFFFE80] =	vst v2;
	v2 =	vmov s20  }
0x45: {  	[tilespmem:s1+$0xFFFFFF00] =	vst v3;
	v2 =	vshll.u32 v2, $0x3  }
0x46: {  	[tilespmem:s1+$0xFFFFFF80] =	vst v4;
	v2 =	vor.u32 v0, v2  }
0x47: {  	[tilespmem:s1+$0x0] =	vst v5;
	v3 =	vor.u32 $0x1, v2  }
0x48: {  	[tilespmem:s1+$0x80] =	vst v7;
	v36 =	vor.u32 $0x2, v2  }
0x49: {  	[tilespmem:s1+$0x100] =	vst v8;
	v37 =	vor.u32 $0x3, v2  }
0x4a: {  	v38 =	vor.u32 $0x5, v2;
	[tilespmem:s1+$0x180] =	vst v1  }
0x4b: {  	v39 =	vor.u32 $0x6, v2;
	v6 =	vld.idx.msk [tilespmem:v2+s13+$0x0], $0xffff  }
0x4c: {  	v1 =	vor.u32 $0x4, v2;
	v3 =	vld.idx.msk [tilespmem:v3+s13+$0x0], $0xffff  }
0x4d: {  	v2 =	vor.u32 $0x7, v2;
	v4 =	vld.idx.msk [tilespmem:v36+s13+$0x0], $0xffff  }
0x4e: {  	v5 =	vld.idx.msk [tilespmem:v37+s13+$0x0], $0xffff  }
0x4f: {  	v7 =	vld.idx.msk [tilespmem:v38+s13+$0x0], $0xffff  }
0x50: {  	v8 =	vld.idx.msk [tilespmem:v39+s13+$0x0], $0xffff  }
0x51: {  	v1 =	vld.idx.msk [tilespmem:v1+s13+$0x0], $0xffff  }
0x52: {  	s20 =	sadd.s32 $0xFFFFFFB0, s31;
	v2 =	vld.idx.msk [tilespmem:v2+s13+$0x0], $0xffff;
	[tilespmem:s1+$0xFFFFFE10] =	vst v6  }
0x53: {  	[tilespmem:s1+$0xFFFFFE90] =	vst v3;
	v3 =	vmov s20  }
0x54: {  	[tilespmem:s1+$0xFFFFFF10] =	vst v4;
	v3 =	vshll.u32 v3, $0x3  }
0x55: {  	[tilespmem:s1+$0xFFFFFF90] =	vst v5;
	v3 =	vor.u32 v0, v3  }
0x56: {  	[tilespmem:s1+$0x10] =	vst v1;
	v1 =	vor.u32 $0x1, v3  }
0x57: {  	[tilespmem:s1+$0x90] =	vst v7;
	v40 =	vor.u32 $0x2, v3  }
0x58: {  	[tilespmem:s1+$0x110] =	vst v8;
	v41 =	vor.u32 $0x3, v3  }
0x59: {  	v42 =	vor.u32 $0x5, v3;
	[tilespmem:s1+$0x190] =	vst v2  }
0x5a: {  	v43 =	vor.u32 $0x6, v3;
	v6 =	vld.idx.msk [tilespmem:v3+s13+$0x0], $0xffff  }
0x5b: {  	v2 =	vor.u32 $0x4, v3;
	v1 =	vld.idx.msk [tilespmem:v1+s13+$0x0], $0xffff  }
0x5c: {  	v3 =	vor.u32 $0x7, v3;
	v4 =	vld.idx.msk [tilespmem:v40+s13+$0x0], $0xffff  }
0x5d: {  	v5 =	vld.idx.msk [tilespmem:v41+s13+$0x0], $0xffff  }
0x5e: {  	v7 =	vld.idx.msk [tilespmem:v42+s13+$0x0], $0xffff  }
0x5f: {  	v8 =	vld.idx.msk [tilespmem:v43+s13+$0x0], $0xffff  }
0x60: {  	v2 =	vld.idx.msk [tilespmem:v2+s13+$0x0], $0xffff  }
0x61: {  	s20 =	sadd.s32 $0xFFFFFFC0, s31;
	v3 =	vld.idx.msk [tilespmem:v3+s13+$0x0], $0xffff;
	[tilespmem:s1+$0xFFFFFE20] =	vst v6  }
0x62: {  	[tilespmem:s1+$0xFFFFFEA0] =	vst v1;
	v1 =	vmov s20  }
0x63: {  	[tilespmem:s1+$0xFFFFFF20] =	vst v4;
	v1 =	vshll.u32 v1, $0x3  }
0x64: {  	[tilespmem:s1+$0xFFFFFFA0] =	vst v5;
	v1 =	vor.u32 v0, v1  }
0x65: {  	[tilespmem:s1+$0x20] =	vst v2;
	v2 =	vor.u32 $0x1, v1  }
0x66: {  	[tilespmem:s1+$0xA0] =	vst v7;
	v44 =	vor.u32 $0x2, v1  }
0x67: {  	[tilespmem:s1+$0x120] =	vst v8;
	v45 =	vor.u32 $0x3, v1  }
0x68: {  	v46 =	vor.u32 $0x5, v1;
	[tilespmem:s1+$0x1A0] =	vst v3  }
0x69: {  	v47 =	vor.u32 $0x6, v1;
	v6 =	vld.idx.msk [tilespmem:v1+s13+$0x0], $0xffff  }
0x6a: {  	v3 =	vor.u32 $0x4, v1;
	v2 =	vld.idx.msk [tilespmem:v2+s13+$0x0], $0xffff  }
0x6b: {  	v1 =	vor.u32 $0x7, v1;
	v4 =	vld.idx.msk [tilespmem:v44+s13+$0x0], $0xffff  }
0x6c: {  	v5 =	vld.idx.msk [tilespmem:v45+s13+$0x0], $0xffff  }
0x6d: {  	v7 =	vld.idx.msk [tilespmem:v46+s13+$0x0], $0xffff  }
0x6e: {  	v8 =	vld.idx.msk [tilespmem:v47+s13+$0x0], $0xffff  }
0x6f: {  	v3 =	vld.idx.msk [tilespmem:v3+s13+$0x0], $0xffff  }
0x70: {  	s20 =	sadd.s32 $0xFFFFFFD0, s31;
	v1 =	vld.idx.msk [tilespmem:v1+s13+$0x0], $0xffff;
	[tilespmem:s1+$0xFFFFFE30] =	vst v6  }
0x71: {  	[tilespmem:s1+$0xFFFFFEB0] =	vst v2;
	v2 =	vmov s20  }
0x72: {  	[tilespmem:s1+$0xFFFFFF30] =	vst v4;
	v2 =	vshll.u32 v2, $0x3  }
0x73: {  	[tilespmem:s1+$0xFFFFFFB0] =	vst v5;
	v2 =	vor.u32 v0, v2  }
0x74: {  	[tilespmem:s1+$0x30] =	vst v3;
	v3 =	vor.u32 $0x1, v2  }
0x75: {  	[tilespmem:s1+$0xB0] =	vst v7;
	v48 =	vor.u32 $0x2, v2  }
0x76: {  	[tilespmem:s1+$0x130] =	vst v8;
	v49 =	vor.u32 $0x3, v2  }
0x77: {  	v50 =	vor.u32 $0x5, v2;
	[tilespmem:s1+$0x1B0] =	vst v1  }
0x78: {  	v51 =	vor.u32 $0x6, v2;
	v6 =	vld.idx.msk [tilespmem:v2+s13+$0x0], $0xffff  }
0x79: {  	v1 =	vor.u32 $0x4, v2;
	v3 =	vld.idx.msk [tilespmem:v3+s13+$0x0], $0xffff  }
0x7a: {  	v2 =	vor.u32 $0x7, v2;
	v4 =	vld.idx.msk [tilespmem:v48+s13+$0x0], $0xffff  }
0x7b: {  	v5 =	vld.idx.msk [tilespmem:v49+s13+$0x0], $0xffff  }
0x7c: {  	v7 =	vld.idx.msk [tilespmem:v50+s13+$0x0], $0xffff  }
0x7d: {  	v8 =	vld.idx.msk [tilespmem:v51+s13+$0x0], $0xffff  }
0x7e: {  	v1 =	vld.idx.msk [tilespmem:v1+s13+$0x0], $0xffff  }
0x7f: {  	s20 =	sadd.s32 $0xFFFFFFE0, s31;
	v2 =	vld.idx.msk [tilespmem:v2+s13+$0x0], $0xffff;
	[tilespmem:s1+$0xFFFFFE40] =	vst v6  }
0x80: {  	[tilespmem:s1+$0xFFFFFEC0] =	vst v3;
	v3 =	vmov s20  }
0x81: {  	[tilespmem:s1+$0xFFFFFF40] =	vst v4;
	v3 =	vshll.u32 v3, $0x3  }
0x82: {  	[tilespmem:s1+$0xFFFFFFC0] =	vst v5;
	v3 =	vor.u32 v0, v3  }
0x83: {  	[tilespmem:s1+$0x40] =	vst v1;
	v1 =	vor.u32 $0x1, v3  }
0x84: {  	[tilespmem:s1+$0xC0] =	vst v7;
	v52 =	vor.u32 $0x2, v3  }
0x85: {  	[tilespmem:s1+$0x140] =	vst v8;
	v53 =	vor.u32 $0x3, v3  }
0x86: {  	v54 =	vor.u32 $0x5, v3;
	[tilespmem:s1+$0x1C0] =	vst v2  }
0x87: {  	v55 =	vor.u32 $0x6, v3;
	v6 =	vld.idx.msk [tilespmem:v3+s13+$0x0], $0xffff  }
0x88: {  	v2 =	vor.u32 $0x4, v3;
	v1 =	vld.idx.msk [tilespmem:v1+s13+$0x0], $0xffff  }
0x89: {  	v3 =	vor.u32 $0x7, v3;
	v4 =	vld.idx.msk [tilespmem:v52+s13+$0x0], $0xffff  }
0x8a: {  	v5 =	vld.idx.msk [tilespmem:v53+s13+$0x0], $0xffff  }
0x8b: {  	v7 =	vld.idx.msk [tilespmem:v54+s13+$0x0], $0xffff  }
0x8c: {  	v8 =	vld.idx.msk [tilespmem:v55+s13+$0x0], $0xffff  }
0x8d: {  	v2 =	vld.idx.msk [tilespmem:v2+s13+$0x0], $0xffff  }
0x8e: {  	s20 =	sadd.s32 $0xFFFFFFF0, s31;
	v3 =	vld.idx.msk [tilespmem:v3+s13+$0x0], $0xffff;
	[tilespmem:s1+$0xFFFFFE50] =	vst v6  }
0x8f: {  	[tilespmem:s1+$0xFFFFFED0] =	vst v1;
	v1 =	vmov s20  }
0x90: {  	[tilespmem:s1+$0xFFFFFF50] =	vst v4;
	v1 =	vshll.u32 v1, $0x3  }
0x91: {  	[tilespmem:s1+$0xFFFFFFD0] =	vst v5;
	v1 =	vor.u32 v0, v1  }
0x92: {  	[tilespmem:s1+$0x50] =	vst v2;
	v2 =	vor.u32 $0x1, v1  }
0x93: {  	[tilespmem:s1+$0xD0] =	vst v7;
	v56 =	vor.u32 $0x2, v1  }
0x94: {  	[tilespmem:s1+$0x150] =	vst v8;
	v57 =	vor.u32 $0x3, v1  }
0x95: {  	v58 =	vor.u32 $0x5, v1;
	[tilespmem:s1+$0x1D0] =	vst v3  }
0x96: {  	v59 =	vor.u32 $0x6, v1;
	v6 =	vld.idx.msk [tilespmem:v1+s13+$0x0], $0xffff  }
0x97: {  	v3 =	vor.u32 $0x4, v1;
	v2 =	vld.idx.msk [tilespmem:v2+s13+$0x0], $0xffff  }
0x98: {  	v1 =	vor.u32 $0x7, v1;
	v4 =	vld.idx.msk [tilespmem:v56+s13+$0x0], $0xffff  }
0x99: {  	v5 =	vld.idx.msk [tilespmem:v57+s13+$0x0], $0xffff  }
0x9a: {  	v7 =	vld.idx.msk [tilespmem:v58+s13+$0x0], $0xffff  }
0x9b: {  	v8 =	vld.idx.msk [tilespmem:v59+s13+$0x0], $0xffff  }
0x9c: {  	v3 =	vld.idx.msk [tilespmem:v3+s13+$0x0], $0xffff  }
0x9d: {  	v1 =	vld.idx.msk [tilespmem:v1+s13+$0x0], $0xffff;
	[tilespmem:s1+$0xFFFFFE60] =	vst v6  }
0x9e: {  	[tilespmem:s1+$0xFFFFFEE0] =	vst v2;
	v2 =	vmov s31  }
0x9f: {  	[tilespmem:s1+$0xFFFFFF60] =	vst v4;
	v2 =	vshll.u32 v2, $0x3  }
0xa0: {  	[tilespmem:s1+$0xFFFFFFE0] =	vst v5;
	v2 =	vor.u32 v0, v2  }
0xa1: {  	[tilespmem:s1+$0x60] =	vst v3;
	v3 =	vor.u32 $0x1, v2  }
0xa2: {  	[tilespmem:s1+$0xE0] =	vst v7;
	v60 =	vor.u32 $0x2, v2  }
0xa3: {  	[tilespmem:s1+$0x160] =	vst v8;
	v61 =	vor.u32 $0x3, v2  }
0xa4: {  	v62 =	vor.u32 $0x5, v2;
	[tilespmem:s1+$0x1E0] =	vst v1  }
0xa5: {  	v63 =	vor.u32 $0x6, v2;
	v6 =	vld.idx.msk [tilespmem:v2+s13+$0x0], $0xffff  }
0xa6: {  	v1 =	vor.u32 $0x4, v2;
	v3 =	vld.idx.msk [tilespmem:v3+s13+$0x0], $0xffff  }
0xa7: {  	v2 =	vor.u32 $0x7, v2;
	v4 =	vld.idx.msk [tilespmem:v60+s13+$0x0], $0xffff  }
0xa8: {  	v5 =	vld.idx.msk [tilespmem:v61+s13+$0x0], $0xffff  }
0xa9: {  	v7 =	vld.idx.msk [tilespmem:v62+s13+$0x0], $0xffff  }
0xaa: {  	v8 =	vld.idx.msk [tilespmem:v63+s13+$0x0], $0xffff  }
0xab: {  	v1 =	vld.idx.msk [tilespmem:v1+s13+$0x0], $0xffff  }
0xac: {  	v2 =	vld.idx.msk [tilespmem:v2+s13+$0x0], $0xffff;
	[tilespmem:s1+$0xFFFFFE70] =	vst v6  }
0xad: {  	[tilespmem:s1+$0xFFFFFEF0] =	vst v3  }
0xae: {  	p0 =	sne.s32 s31, $0x4F0;
	[tilespmem:s1+$0xFFFFFF70] =	vst v4  }
.Ltmp0:
0xaf: {  	[tilespmem:s1+$0xFFFFFFF0] =	vst v5;
	(pc) =	sbr.rel @p0 .LBB2_3-.Ltmp0, $4  }
0xb0: {  	[tilespmem:s1+$0xF0] =	vst v7  }
0xb1: {  	[tilespmem:s1+$0x170] =	vst v8  }
0xb2: {  	[tilespmem:s1+$0x70] =	vst v1  }
0xb3: {  	s31 =	sadd.s32 $0x80, s31;
	[tilespmem:s1+$0x1F0] =	vst v2;
	s1 =	sadd.s32 $0x400, s1  }
0xb4: {  	s1 =	sshll.u32 s30, $0x7  }
0xb5: {  	s20 =	simm.s32 $0xB400;
	s1 =	sadd.s32 s2, s1  }
0xb6: {  	[hbm4b:s1+s3] =	stream.linear.scatter [tilespmem:s20], [sflag:$0x5], $0x2800, $0x38;
	[tilespmem:$0x15400] =	vst v63  }
0xb7: {  	_ =	swait.ge [sflag:s21], $0x2800  }
0xb8: {  	[sflag:s21] =	ssyncset.done $0x0  }
0xb9: {  	s30 =	simm.s32 $0x70;
	s1 =	simm.s32 $0xDE00;
	[sflag:s21] =	ssyncadd.s32 $0xFFFFD800  }
.LBB2_5:
0xba: {  	s20 =	sadd.s32 $0xFFFFFF90, s30  }
0xbb: {  	v1 =	vmov s20  }
0xbc: {  	v1 =	vshll.u32 v1, $0x3  }
0xbd: {  	v1 =	vor.u32 v0, v1  }
0xbe: {  	v2 =	vor.u32 $0x1, v1  }
0xbf: {  	v3 =	vor.u32 $0x2, v1  }
0xc0: {  	v4 =	vor.u32 $0x3, v1  }
0xc1: {  	v5 =	vor.u32 $0x4, v1  }
0xc2: {  	v7 =	vor.u32 $0x5, v1;
	v6 =	vld.idx.msk [tilespmem:v1+s14+$0x0], $0xffff  }
0xc3: {  	v8 =	vor.u32 $0x6, v1;
	v2 =	vld.idx.msk [tilespmem:v2+s14+$0x0], $0xffff  }
0xc4: {  	v1 =	vor.u32 $0x7, v1;
	v3 =	vld.idx.msk [tilespmem:v3+s14+$0x0], $0xffff  }
0xc5: {  	v4 =	vld.idx.msk [tilespmem:v4+s14+$0x0], $0xffff  }
0xc6: {  	v5 =	vld.idx.msk [tilespmem:v5+s14+$0x0], $0xffff  }
0xc7: {  	v7 =	vld.idx.msk [tilespmem:v7+s14+$0x0], $0xffff  }
0xc8: {  	v8 =	vld.idx.msk [tilespmem:v8+s14+$0x0], $0xffff  }
0xc9: {  	s31 =	sadd.s32 $0xFFFFFFA0, s30;
	v1 =	vld.idx.msk [tilespmem:v1+s14+$0x0], $0xffff;
	[tilespmem:s1+$0xFFFFFE00] =	vst v6  }
0xca: {  	[tilespmem:s1+$0xFFFFFE80] =	vst v2;
	v2 =	vmov s31  }
0xcb: {  	[tilespmem:s1+$0xFFFFFF00] =	vst v3;
	v2 =	vshll.u32 v2, $0x3  }
0xcc: {  	[tilespmem:s1+$0xFFFFFF80] =	vst v4;
	v2 =	vor.u32 v0, v2  }
0xcd: {  	[tilespmem:s1+$0x0] =	vst v5;
	v3 =	vor.u32 $0x1, v2  }
0xce: {  	[tilespmem:s1+$0x80] =	vst v7;
	v36 =	vor.u32 $0x2, v2  }
0xcf: {  	[tilespmem:s1+$0x100] =	vst v8;
	v37 =	vor.u32 $0x3, v2  }
0xd0: {  	v38 =	vor.u32 $0x5, v2;
	[tilespmem:s1+$0x180] =	vst v1  }
0xd1: {  	v39 =	vor.u32 $0x6, v2;
	v6 =	vld.idx.msk [tilespmem:v2+s14+$0x0], $0xffff  }
0xd2: {  	v1 =	vor.u32 $0x4, v2;
	v3 =	vld.idx.msk [tilespmem:v3+s14+$0x0], $0xffff  }
0xd3: {  	v2 =	vor.u32 $0x7, v2;
	v4 =	vld.idx.msk [tilespmem:v36+s14+$0x0], $0xffff  }
0xd4: {  	v5 =	vld.idx.msk [tilespmem:v37+s14+$0x0], $0xffff  }
0xd5: {  	v7 =	vld.idx.msk [tilespmem:v38+s14+$0x0], $0xffff  }
0xd6: {  	v8 =	vld.idx.msk [tilespmem:v39+s14+$0x0], $0xffff  }
0xd7: {  	v1 =	vld.idx.msk [tilespmem:v1+s14+$0x0], $0xffff  }
0xd8: {  	s31 =	sadd.s32 $0xFFFFFFB0, s30;
	v2 =	vld.idx.msk [tilespmem:v2+s14+$0x0], $0xffff;
	[tilespmem:s1+$0xFFFFFE10] =	vst v6  }
0xd9: {  	[tilespmem:s1+$0xFFFFFE90] =	vst v3;
	v3 =	vmov s31  }
0xda: {  	[tilespmem:s1+$0xFFFFFF10] =	vst v4;
	v3 =	vshll.u32 v3, $0x3  }
0xdb: {  	[tilespmem:s1+$0xFFFFFF90] =	vst v5;
	v3 =	vor.u32 v0, v3  }
0xdc: {  	[tilespmem:s1+$0x10] =	vst v1;
	v1 =	vor.u32 $0x1, v3  }
0xdd: {  	[tilespmem:s1+$0x90] =	vst v7;
	v40 =	vor.u32 $0x2, v3  }
0xde: {  	[tilespmem:s1+$0x110] =	vst v8;
	v41 =	vor.u32 $0x3, v3  }
0xdf: {  	v42 =	vor.u32 $0x5, v3;
	[tilespmem:s1+$0x190] =	vst v2  }
0xe0: {  	v43 =	vor.u32 $0x6, v3;
	v6 =	vld.idx.msk [tilespmem:v3+s14+$0x0], $0xffff  }
0xe1: {  	v2 =	vor.u32 $0x4, v3;
	v1 =	vld.idx.msk [tilespmem:v1+s14+$0x0], $0xffff  }
0xe2: {  	v3 =	vor.u32 $0x7, v3;
	v4 =	vld.idx.msk [tilespmem:v40+s14+$0x0], $0xffff  }
0xe3: {  	v5 =	vld.idx.msk [tilespmem:v41+s14+$0x0], $0xffff  }
0xe4: {  	v7 =	vld.idx.msk [tilespmem:v42+s14+$0x0], $0xffff  }
0xe5: {  	v8 =	vld.idx.msk [tilespmem:v43+s14+$0x0], $0xffff  }
0xe6: {  	v2 =	vld.idx.msk [tilespmem:v2+s14+$0x0], $0xffff  }
0xe7: {  	s31 =	sadd.s32 $0xFFFFFFC0, s30;
	v3 =	vld.idx.msk [tilespmem:v3+s14+$0x0], $0xffff;
	[tilespmem:s1+$0xFFFFFE20] =	vst v6  }
0xe8: {  	[tilespmem:s1+$0xFFFFFEA0] =	vst v1;
	v1 =	vmov s31  }
0xe9: {  	[tilespmem:s1+$0xFFFFFF20] =	vst v4;
	v1 =	vshll.u32 v1, $0x3  }
0xea: {  	[tilespmem:s1+$0xFFFFFFA0] =	vst v5;
	v1 =	vor.u32 v0, v1  }
0xeb: {  	[tilespmem:s1+$0x20] =	vst v2;
	v2 =	vor.u32 $0x1, v1  }
0xec: {  	[tilespmem:s1+$0xA0] =	vst v7;
	v44 =	vor.u32 $0x2, v1  }
0xed: {  	[tilespmem:s1+$0x120] =	vst v8;
	v45 =	vor.u32 $0x3, v1  }
0xee: {  	v46 =	vor.u32 $0x5, v1;
	[tilespmem:s1+$0x1A0] =	vst v3  }
0xef: {  	v47 =	vor.u32 $0x6, v1;
	v6 =	vld.idx.msk [tilespmem:v1+s14+$0x0], $0xffff  }
0xf0: {  	v3 =	vor.u32 $0x4, v1;
	v2 =	vld.idx.msk [tilespmem:v2+s14+$0x0], $0xffff  }
0xf1: {  	v1 =	vor.u32 $0x7, v1;
	v4 =	vld.idx.msk [tilespmem:v44+s14+$0x0], $0xffff  }
0xf2: {  	v5 =	vld.idx.msk [tilespmem:v45+s14+$0x0], $0xffff  }
0xf3: {  	v7 =	vld.idx.msk [tilespmem:v46+s14+$0x0], $0xffff  }
0xf4: {  	v8 =	vld.idx.msk [tilespmem:v47+s14+$0x0], $0xffff  }
0xf5: {  	v3 =	vld.idx.msk [tilespmem:v3+s14+$0x0], $0xffff  }
0xf6: {  	s31 =	sadd.s32 $0xFFFFFFD0, s30;
	v1 =	vld.idx.msk [tilespmem:v1+s14+$0x0], $0xffff;
	[tilespmem:s1+$0xFFFFFE30] =	vst v6  }
0xf7: {  	[tilespmem:s1+$0xFFFFFEB0] =	vst v2;
	v2 =	vmov s31  }
0xf8: {  	[tilespmem:s1+$0xFFFFFF30] =	vst v4;
	v2 =	vshll.u32 v2, $0x3  }
0xf9: {  	[tilespmem:s1+$0xFFFFFFB0] =	vst v5;
	v2 =	vor.u32 v0, v2  }
0xfa: {  	[tilespmem:s1+$0x30] =	vst v3;
	v3 =	vor.u32 $0x1, v2  }
0xfb: {  	[tilespmem:s1+$0xB0] =	vst v7;
	v48 =	vor.u32 $0x2, v2  }
0xfc: {  	[tilespmem:s1+$0x130] =	vst v8;
	v49 =	vor.u32 $0x3, v2  }
0xfd: {  	v50 =	vor.u32 $0x5, v2;
	[tilespmem:s1+$0x1B0] =	vst v1  }
0xfe: {  	v51 =	vor.u32 $0x6, v2;
	v6 =	vld.idx.msk [tilespmem:v2+s14+$0x0], $0xffff  }
0xff: {  	v1 =	vor.u32 $0x4, v2;
	v3 =	vld.idx.msk [tilespmem:v3+s14+$0x0], $0xffff  }
0x100: {  	v2 =	vor.u32 $0x7, v2;
	v4 =	vld.idx.msk [tilespmem:v48+s14+$0x0], $0xffff  }
0x101: {  	v5 =	vld.idx.msk [tilespmem:v49+s14+$0x0], $0xffff  }
0x102: {  	v7 =	vld.idx.msk [tilespmem:v50+s14+$0x0], $0xffff  }
0x103: {  	v8 =	vld.idx.msk [tilespmem:v51+s14+$0x0], $0xffff  }
0x104: {  	v1 =	vld.idx.msk [tilespmem:v1+s14+$0x0], $0xffff  }
0x105: {  	s31 =	sadd.s32 $0xFFFFFFE0, s30;
	v2 =	vld.idx.msk [tilespmem:v2+s14+$0x0], $0xffff;
	[tilespmem:s1+$0xFFFFFE40] =	vst v6  }
0x106: {  	[tilespmem:s1+$0xFFFFFEC0] =	vst v3;
	v3 =	vmov s31  }
0x107: {  	[tilespmem:s1+$0xFFFFFF40] =	vst v4;
	v3 =	vshll.u32 v3, $0x3  }
0x108: {  	[tilespmem:s1+$0xFFFFFFC0] =	vst v5;
	v3 =	vor.u32 v0, v3  }
0x109: {  	[tilespmem:s1+$0x40] =	vst v1;
	v1 =	vor.u32 $0x1, v3  }
0x10a: {  	[tilespmem:s1+$0xC0] =	vst v7;
	v52 =	vor.u32 $0x2, v3  }
0x10b: {  	[tilespmem:s1+$0x140] =	vst v8;
	v53 =	vor.u32 $0x3, v3  }
0x10c: {  	v54 =	vor.u32 $0x5, v3;
	[tilespmem:s1+$0x1C0] =	vst v2  }
0x10d: {  	v55 =	vor.u32 $0x6, v3;
	v6 =	vld.idx.msk [tilespmem:v3+s14+$0x0], $0xffff  }
0x10e: {  	v2 =	vor.u32 $0x4, v3;
	v1 =	vld.idx.msk [tilespmem:v1+s14+$0x0], $0xffff  }
0x10f: {  	v3 =	vor.u32 $0x7, v3;
	v4 =	vld.idx.msk [tilespmem:v52+s14+$0x0], $0xffff  }
0x110: {  	v5 =	vld.idx.msk [tilespmem:v53+s14+$0x0], $0xffff  }
0x111: {  	v7 =	vld.idx.msk [tilespmem:v54+s14+$0x0], $0xffff  }
0x112: {  	v8 =	vld.idx.msk [tilespmem:v55+s14+$0x0], $0xffff  }
0x113: {  	v2 =	vld.idx.msk [tilespmem:v2+s14+$0x0], $0xffff  }
0x114: {  	s31 =	sadd.s32 $0xFFFFFFF0, s30;
	v3 =	vld.idx.msk [tilespmem:v3+s14+$0x0], $0xffff;
	[tilespmem:s1+$0xFFFFFE50] =	vst v6  }
0x115: {  	[tilespmem:s1+$0xFFFFFED0] =	vst v1;
	v1 =	vmov s31  }
0x116: {  	[tilespmem:s1+$0xFFFFFF50] =	vst v4;
	v1 =	vshll.u32 v1, $0x3  }
0x117: {  	[tilespmem:s1+$0xFFFFFFD0] =	vst v5;
	v1 =	vor.u32 v0, v1  }
0x118: {  	[tilespmem:s1+$0x50] =	vst v2;
	v2 =	vor.u32 $0x1, v1  }
0x119: {  	[tilespmem:s1+$0xD0] =	vst v7;
	v56 =	vor.u32 $0x2, v1  }
0x11a: {  	[tilespmem:s1+$0x150] =	vst v8;
	v57 =	vor.u32 $0x3, v1  }
0x11b: {  	v58 =	vor.u32 $0x5, v1;
	[tilespmem:s1+$0x1D0] =	vst v3  }
0x11c: {  	v59 =	vor.u32 $0x6, v1;
	v6 =	vld.idx.msk [tilespmem:v1+s14+$0x0], $0xffff  }
0x11d: {  	v3 =	vor.u32 $0x4, v1;
	v2 =	vld.idx.msk [tilespmem:v2+s14+$0x0], $0xffff  }
0x11e: {  	v1 =	vor.u32 $0x7, v1;
	v4 =	vld.idx.msk [tilespmem:v56+s14+$0x0], $0xffff  }
0x11f: {  	v5 =	vld.idx.msk [tilespmem:v57+s14+$0x0], $0xffff  }
0x120: {  	v7 =	vld.idx.msk [tilespmem:v58+s14+$0x0], $0xffff  }
0x121: {  	v8 =	vld.idx.msk [tilespmem:v59+s14+$0x0], $0xffff  }
0x122: {  	v3 =	vld.idx.msk [tilespmem:v3+s14+$0x0], $0xffff  }
0x123: {  	v1 =	vld.idx.msk [tilespmem:v1+s14+$0x0], $0xffff;
	[tilespmem:s1+$0xFFFFFE60] =	vst v6  }
0x124: {  	[tilespmem:s1+$0xFFFFFEE0] =	vst v2;
	v2 =	vmov s30  }
0x125: {  	[tilespmem:s1+$0xFFFFFF60] =	vst v4;
	v2 =	vshll.u32 v2, $0x3  }
0x126: {  	[tilespmem:s1+$0xFFFFFFE0] =	vst v5;
	v2 =	vor.u32 v0, v2  }
0x127: {  	[tilespmem:s1+$0x60] =	vst v3;
	v3 =	vor.u32 $0x1, v2  }
0x128: {  	[tilespmem:s1+$0xE0] =	vst v7;
	v60 =	vor.u32 $0x2, v2  }
0x129: {  	[tilespmem:s1+$0x160] =	vst v8;
	v61 =	vor.u32 $0x3, v2  }
0x12a: {  	v62 =	vor.u32 $0x5, v2;
	[tilespmem:s1+$0x1E0] =	vst v1  }
0x12b: {  	v63 =	vor.u32 $0x6, v2;
	v6 =	vld.idx.msk [tilespmem:v2+s14+$0x0], $0xffff  }
0x12c: {  	v1 =	vor.u32 $0x4, v2;
	v3 =	vld.idx.msk [tilespmem:v3+s14+$0x0], $0xffff  }
0x12d: {  	v2 =	vor.u32 $0x7, v2;
	v4 =	vld.idx.msk [tilespmem:v60+s14+$0x0], $0xffff  }
0x12e: {  	v5 =	vld.idx.msk [tilespmem:v61+s14+$0x0], $0xffff  }
0x12f: {  	v7 =	vld.idx.msk [tilespmem:v62+s14+$0x0], $0xffff  }
0x130: {  	v8 =	vld.idx.msk [tilespmem:v63+s14+$0x0], $0xffff  }
0x131: {  	v1 =	vld.idx.msk [tilespmem:v1+s14+$0x0], $0xffff  }
0x132: {  	v2 =	vld.idx.msk [tilespmem:v2+s14+$0x0], $0xffff;
	[tilespmem:s1+$0xFFFFFE70] =	vst v6  }
0x133: {  	[tilespmem:s1+$0xFFFFFEF0] =	vst v3  }
0x134: {  	p0 =	sne.s32 s30, $0x4F0;
	[tilespmem:s1+$0xFFFFFF70] =	vst v4  }
.Ltmp1:
0x135: {  	[tilespmem:s1+$0xFFFFFFF0] =	vst v5;
	(pc) =	sbr.rel @p0 .LBB2_5-.Ltmp1, $4  }
0x136: {  	[tilespmem:s1+$0xF0] =	vst v7  }
0x137: {  	[tilespmem:s1+$0x170] =	vst v8  }
0x138: {  	[tilespmem:s1+$0x70] =	vst v1  }
0x139: {  	s30 =	sadd.s32 $0x80, s30;
	[tilespmem:s1+$0x1F0] =	vst v2;
	s1 =	sadd.s32 $0x400, s1  }
0x13a: {  	s1 =	sshll.u32 s29, $0x7  }
0x13b: {  	s1 =	sand.u32 $0x1FFFFD00, s1  }
0x13c: {  	s1 =	sadd.s32 s2, s1  }
0x13d: {  	[hbm4b:s1+s3] =	stream.linear.scatter [tilespmem:s22], [sflag:$0x6], $0x2800, $0x38;
	[tilespmem:$0x15400] =	vst v63  }
0x13e: {  	_ =	swait.ge [sflag:s23], $0x2800  }
0x13f: {  	[sflag:s23] =	ssyncset.done $0x0  }
0x140: {  	s29 =	simm.s32 $0x70;
	s1 =	simm.s32 $0x10600;
	[sflag:s23] =	ssyncadd.s32 $0xFFFFD800  }
.LBB2_7:
0x141: {  	s20 =	sadd.s32 $0xFFFFFF90, s29  }
0x142: {  	v1 =	vmov s20  }
0x143: {  	v1 =	vshll.u32 v1, $0x3  }
0x144: {  	v1 =	vor.u32 v0, v1  }
0x145: {  	v2 =	vor.u32 $0x1, v1  }
0x146: {  	v3 =	vor.u32 $0x2, v1  }
0x147: {  	v4 =	vor.u32 $0x3, v1  }
0x148: {  	v5 =	vor.u32 $0x4, v1  }
0x149: {  	v7 =	vor.u32 $0x5, v1;
	v6 =	vld.idx.msk [tilespmem:v1+s16+$0x0], $0xffff  }
0x14a: {  	v8 =	vor.u32 $0x6, v1;
	v2 =	vld.idx.msk [tilespmem:v2+s16+$0x0], $0xffff  }
0x14b: {  	v1 =	vor.u32 $0x7, v1;
	v3 =	vld.idx.msk [tilespmem:v3+s16+$0x0], $0xffff  }
0x14c: {  	v4 =	vld.idx.msk [tilespmem:v4+s16+$0x0], $0xffff  }
0x14d: {  	v5 =	vld.idx.msk [tilespmem:v5+s16+$0x0], $0xffff  }
0x14e: {  	v7 =	vld.idx.msk [tilespmem:v7+s16+$0x0], $0xffff  }
0x14f: {  	v8 =	vld.idx.msk [tilespmem:v8+s16+$0x0], $0xffff  }
0x150: {  	s30 =	sadd.s32 $0xFFFFFFA0, s29;
	v1 =	vld.idx.msk [tilespmem:v1+s16+$0x0], $0xffff;
	[tilespmem:s1+$0xFFFFFE00] =	vst v6  }
0x151: {  	[tilespmem:s1+$0xFFFFFE80] =	vst v2;
	v2 =	vmov s30  }
0x152: {  	[tilespmem:s1+$0xFFFFFF00] =	vst v3;
	v2 =	vshll.u32 v2, $0x3  }
0x153: {  	[tilespmem:s1+$0xFFFFFF80] =	vst v4;
	v2 =	vor.u32 v0, v2  }
0x154: {  	[tilespmem:s1+$0x0] =	vst v5;
	v3 =	vor.u32 $0x1, v2  }
0x155: {  	[tilespmem:s1+$0x80] =	vst v7;
	v36 =	vor.u32 $0x2, v2  }
0x156: {  	[tilespmem:s1+$0x100] =	vst v8;
	v37 =	vor.u32 $0x3, v2  }
0x157: {  	v38 =	vor.u32 $0x5, v2;
	[tilespmem:s1+$0x180] =	vst v1  }
0x158: {  	v39 =	vor.u32 $0x6, v2;
	v6 =	vld.idx.msk [tilespmem:v2+s16+$0x0], $0xffff  }
0x159: {  	v1 =	vor.u32 $0x4, v2;
	v3 =	vld.idx.msk [tilespmem:v3+s16+$0x0], $0xffff  }
0x15a: {  	v2 =	vor.u32 $0x7, v2;
	v4 =	vld.idx.msk [tilespmem:v36+s16+$0x0], $0xffff  }
0x15b: {  	v5 =	vld.idx.msk [tilespmem:v37+s16+$0x0], $0xffff  }
0x15c: {  	v7 =	vld.idx.msk [tilespmem:v38+s16+$0x0], $0xffff  }
0x15d: {  	v8 =	vld.idx.msk [tilespmem:v39+s16+$0x0], $0xffff  }
0x15e: {  	v1 =	vld.idx.msk [tilespmem:v1+s16+$0x0], $0xffff  }
0x15f: {  	s31 =	sadd.s32 $0xFFFFFFB0, s29;
	v2 =	vld.idx.msk [tilespmem:v2+s16+$0x0], $0xffff;
	[tilespmem:s1+$0xFFFFFE10] =	vst v6  }
0x160: {  	[tilespmem:s1+$0xFFFFFE90] =	vst v3;
	v3 =	vmov s31  }
0x161: {  	[tilespmem:s1+$0xFFFFFF10] =	vst v4;
	v3 =	vshll.u32 v3, $0x3  }
0x162: {  	[tilespmem:s1+$0xFFFFFF90] =	vst v5;
	v3 =	vor.u32 v0, v3  }
0x163: {  	[tilespmem:s1+$0x10] =	vst v1;
	v1 =	vor.u32 $0x1, v3  }
0x164: {  	[tilespmem:s1+$0x90] =	vst v7;
	v40 =	vor.u32 $0x2, v3  }
0x165: {  	[tilespmem:s1+$0x110] =	vst v8;
	v41 =	vor.u32 $0x3, v3  }
0x166: {  	v42 =	vor.u32 $0x5, v3;
	[tilespmem:s1+$0x190] =	vst v2  }
0x167: {  	v43 =	vor.u32 $0x6, v3;
	v6 =	vld.idx.msk [tilespmem:v3+s16+$0x0], $0xffff  }
0x168: {  	v2 =	vor.u32 $0x4, v3;
	v1 =	vld.idx.msk [tilespmem:v1+s16+$0x0], $0xffff  }
0x169: {  	v3 =	vor.u32 $0x7, v3;
	v4 =	vld.idx.msk [tilespmem:v40+s16+$0x0], $0xffff  }
0x16a: {  	v5 =	vld.idx.msk [tilespmem:v41+s16+$0x0], $0xffff  }
0x16b: {  	v7 =	vld.idx.msk [tilespmem:v42+s16+$0x0], $0xffff  }
0x16c: {  	v8 =	vld.idx.msk [tilespmem:v43+s16+$0x0], $0xffff  }
0x16d: {  	v2 =	vld.idx.msk [tilespmem:v2+s16+$0x0], $0xffff  }
0x16e: {  	s30 =	sadd.s32 $0xFFFFFFC0, s29;
	v3 =	vld.idx.msk [tilespmem:v3+s16+$0x0], $0xffff;
	[tilespmem:s1+$0xFFFFFE20] =	vst v6  }
0x16f: {  	[tilespmem:s1+$0xFFFFFEA0] =	vst v1;
	v1 =	vmov s30  }
0x170: {  	[tilespmem:s1+$0xFFFFFF20] =	vst v4;
	v1 =	vshll.u32 v1, $0x3  }
0x171: {  	[tilespmem:s1+$0xFFFFFFA0] =	vst v5;
	v1 =	vor.u32 v0, v1  }
0x172: {  	[tilespmem:s1+$0x20] =	vst v2;
	v2 =	vor.u32 $0x1, v1  }
0x173: {  	[tilespmem:s1+$0xA0] =	vst v7;
	v44 =	vor.u32 $0x2, v1  }
0x174: {  	[tilespmem:s1+$0x120] =	vst v8;
	v45 =	vor.u32 $0x3, v1  }
0x175: {  	v46 =	vor.u32 $0x5, v1;
	[tilespmem:s1+$0x1A0] =	vst v3  }
0x176: {  	v47 =	vor.u32 $0x6, v1;
	v6 =	vld.idx.msk [tilespmem:v1+s16+$0x0], $0xffff  }
0x177: {  	v3 =	vor.u32 $0x4, v1;
	v2 =	vld.idx.msk [tilespmem:v2+s16+$0x0], $0xffff  }
0x178: {  	v1 =	vor.u32 $0x7, v1;
	v4 =	vld.idx.msk [tilespmem:v44+s16+$0x0], $0xffff  }
0x179: {  	v5 =	vld.idx.msk [tilespmem:v45+s16+$0x0], $0xffff  }
0x17a: {  	v7 =	vld.idx.msk [tilespmem:v46+s16+$0x0], $0xffff  }
0x17b: {  	v8 =	vld.idx.msk [tilespmem:v47+s16+$0x0], $0xffff  }
0x17c: {  	v3 =	vld.idx.msk [tilespmem:v3+s16+$0x0], $0xffff  }
0x17d: {  	s31 =	sadd.s32 $0xFFFFFFD0, s29;
	v1 =	vld.idx.msk [tilespmem:v1+s16+$0x0], $0xffff;
	[tilespmem:s1+$0xFFFFFE30] =	vst v6  }
0x17e: {  	[tilespmem:s1+$0xFFFFFEB0] =	vst v2;
	v2 =	vmov s31  }
0x17f: {  	[tilespmem:s1+$0xFFFFFF30] =	vst v4;
	v2 =	vshll.u32 v2, $0x3  }
0x180: {  	[tilespmem:s1+$0xFFFFFFB0] =	vst v5;
	v2 =	vor.u32 v0, v2  }
0x181: {  	[tilespmem:s1+$0x30] =	vst v3;
	v3 =	vor.u32 $0x1, v2  }
0x182: {  	[tilespmem:s1+$0xB0] =	vst v7;
	v48 =	vor.u32 $0x2, v2  }
0x183: {  	[tilespmem:s1+$0x130] =	vst v8;
	v49 =	vor.u32 $0x3, v2  }
0x184: {  	v50 =	vor.u32 $0x5, v2;
	[tilespmem:s1+$0x1B0] =	vst v1  }
0x185: {  	v51 =	vor.u32 $0x6, v2;
	v6 =	vld.idx.msk [tilespmem:v2+s16+$0x0], $0xffff  }
0x186: {  	v1 =	vor.u32 $0x4, v2;
	v3 =	vld.idx.msk [tilespmem:v3+s16+$0x0], $0xffff  }
0x187: {  	v2 =	vor.u32 $0x7, v2;
	v4 =	vld.idx.msk [tilespmem:v48+s16+$0x0], $0xffff  }
0x188: {  	v5 =	vld.idx.msk [tilespmem:v49+s16+$0x0], $0xffff  }
0x189: {  	v7 =	vld.idx.msk [tilespmem:v50+s16+$0x0], $0xffff  }
0x18a: {  	v8 =	vld.idx.msk [tilespmem:v51+s16+$0x0], $0xffff  }
0x18b: {  	v1 =	vld.idx.msk [tilespmem:v1+s16+$0x0], $0xffff  }
0x18c: {  	s30 =	sadd.s32 $0xFFFFFFE0, s29;
	v2 =	vld.idx.msk [tilespmem:v2+s16+$0x0], $0xffff;
	[tilespmem:s1+$0xFFFFFE40] =	vst v6  }
0x18d: {  	[tilespmem:s1+$0xFFFFFEC0] =	vst v3;
	v3 =	vmov s30  }
0x18e: {  	[tilespmem:s1+$0xFFFFFF40] =	vst v4;
	v3 =	vshll.u32 v3, $0x3  }
0x18f: {  	[tilespmem:s1+$0xFFFFFFC0] =	vst v5;
	v3 =	vor.u32 v0, v3  }
0x190: {  	[tilespmem:s1+$0x40] =	vst v1;
	v1 =	vor.u32 $0x1, v3  }
0x191: {  	[tilespmem:s1+$0xC0] =	vst v7;
	v52 =	vor.u32 $0x2, v3  }
0x192: {  	[tilespmem:s1+$0x140] =	vst v8;
	v53 =	vor.u32 $0x3, v3  }
0x193: {  	v54 =	vor.u32 $0x5, v3;
	[tilespmem:s1+$0x1C0] =	vst v2  }
0x194: {  	v55 =	vor.u32 $0x6, v3;
	v6 =	vld.idx.msk [tilespmem:v3+s16+$0x0], $0xffff  }
0x195: {  	v2 =	vor.u32 $0x4, v3;
	v1 =	vld.idx.msk [tilespmem:v1+s16+$0x0], $0xffff  }
0x196: {  	v3 =	vor.u32 $0x7, v3;
	v4 =	vld.idx.msk [tilespmem:v52+s16+$0x0], $0xffff  }
0x197: {  	v5 =	vld.idx.msk [tilespmem:v53+s16+$0x0], $0xffff  }
0x198: {  	v7 =	vld.idx.msk [tilespmem:v54+s16+$0x0], $0xffff  }
0x199: {  	v8 =	vld.idx.msk [tilespmem:v55+s16+$0x0], $0xffff  }
0x19a: {  	v2 =	vld.idx.msk [tilespmem:v2+s16+$0x0], $0xffff  }
0x19b: {  	s31 =	sadd.s32 $0xFFFFFFF0, s29;
	v3 =	vld.idx.msk [tilespmem:v3+s16+$0x0], $0xffff;
	[tilespmem:s1+$0xFFFFFE50] =	vst v6  }
0x19c: {  	[tilespmem:s1+$0xFFFFFED0] =	vst v1;
	v1 =	vmov s31  }
0x19d: {  	[tilespmem:s1+$0xFFFFFF50] =	vst v4;
	v1 =	vshll.u32 v1, $0x3  }
0x19e: {  	[tilespmem:s1+$0xFFFFFFD0] =	vst v5;
	v1 =	vor.u32 v0, v1  }
0x19f: {  	[tilespmem:s1+$0x50] =	vst v2;
	v2 =	vor.u32 $0x1, v1  }
0x1a0: {  	[tilespmem:s1+$0xD0] =	vst v7;
	v56 =	vor.u32 $0x2, v1  }
0x1a1: {  	[tilespmem:s1+$0x150] =	vst v8;
	v57 =	vor.u32 $0x3, v1  }
0x1a2: {  	v58 =	vor.u32 $0x5, v1;
	[tilespmem:s1+$0x1D0] =	vst v3  }
0x1a3: {  	v59 =	vor.u32 $0x6, v1;
	v6 =	vld.idx.msk [tilespmem:v1+s16+$0x0], $0xffff  }
0x1a4: {  	v3 =	vor.u32 $0x4, v1;
	v2 =	vld.idx.msk [tilespmem:v2+s16+$0x0], $0xffff  }
0x1a5: {  	v1 =	vor.u32 $0x7, v1;
	v4 =	vld.idx.msk [tilespmem:v56+s16+$0x0], $0xffff  }
0x1a6: {  	v5 =	vld.idx.msk [tilespmem:v57+s16+$0x0], $0xffff  }
0x1a7: {  	v7 =	vld.idx.msk [tilespmem:v58+s16+$0x0], $0xffff  }
0x1a8: {  	v8 =	vld.idx.msk [tilespmem:v59+s16+$0x0], $0xffff  }
0x1a9: {  	v3 =	vld.idx.msk [tilespmem:v3+s16+$0x0], $0xffff  }
0x1aa: {  	v1 =	vld.idx.msk [tilespmem:v1+s16+$0x0], $0xffff;
	[tilespmem:s1+$0xFFFFFE60] =	vst v6  }
0x1ab: {  	[tilespmem:s1+$0xFFFFFEE0] =	vst v2;
	v2 =	vmov s29  }
0x1ac: {  	[tilespmem:s1+$0xFFFFFF60] =	vst v4;
	v2 =	vshll.u32 v2, $0x3  }
0x1ad: {  	[tilespmem:s1+$0xFFFFFFE0] =	vst v5;
	v2 =	vor.u32 v0, v2  }
0x1ae: {  	[tilespmem:s1+$0x60] =	vst v3;
	v3 =	vor.u32 $0x1, v2  }
0x1af: {  	[tilespmem:s1+$0xE0] =	vst v7;
	v60 =	vor.u32 $0x2, v2  }
0x1b0: {  	[tilespmem:s1+$0x160] =	vst v8;
	v61 =	vor.u32 $0x3, v2  }
0x1b1: {  	v62 =	vor.u32 $0x5, v2;
	[tilespmem:s1+$0x1E0] =	vst v1  }
0x1b2: {  	v63 =	vor.u32 $0x6, v2;
	v6 =	vld.idx.msk [tilespmem:v2+s16+$0x0], $0xffff  }
0x1b3: {  	v1 =	vor.u32 $0x4, v2;
	v3 =	vld.idx.msk [tilespmem:v3+s16+$0x0], $0xffff  }
0x1b4: {  	v2 =	vor.u32 $0x7, v2;
	v4 =	vld.idx.msk [tilespmem:v60+s16+$0x0], $0xffff  }
0x1b5: {  	v5 =	vld.idx.msk [tilespmem:v61+s16+$0x0], $0xffff  }
0x1b6: {  	v7 =	vld.idx.msk [tilespmem:v62+s16+$0x0], $0xffff  }
0x1b7: {  	v8 =	vld.idx.msk [tilespmem:v63+s16+$0x0], $0xffff  }
0x1b8: {  	v1 =	vld.idx.msk [tilespmem:v1+s16+$0x0], $0xffff  }
0x1b9: {  	v2 =	vld.idx.msk [tilespmem:v2+s16+$0x0], $0xffff;
	[tilespmem:s1+$0xFFFFFE70] =	vst v6  }
0x1ba: {  	[tilespmem:s1+$0xFFFFFEF0] =	vst v3  }
0x1bb: {  	p0 =	sne.s32 s29, $0x4F0;
	[tilespmem:s1+$0xFFFFFF70] =	vst v4  }
.Ltmp2:
0x1bc: {  	[tilespmem:s1+$0xFFFFFFF0] =	vst v5;
	(pc) =	sbr.rel @p0 .LBB2_7-.Ltmp2, $4  }
0x1bd: {  	[tilespmem:s1+$0xF0] =	vst v7  }
0x1be: {  	[tilespmem:s1+$0x170] =	vst v8  }
0x1bf: {  	[tilespmem:s1+$0x70] =	vst v1  }
0x1c0: {  	s29 =	sadd.s32 $0x80, s29;
	[tilespmem:s1+$0x1F0] =	vst v2;
	s1 =	sadd.s32 $0x400, s1  }
0x1c1: {  	s1 =	sshll.u32 s28, $0x7  }
0x1c2: {  	s1 =	sand.u32 $0x1FFFFE00, s1  }
0x1c3: {  	s1 =	sadd.s32 s2, s1  }
0x1c4: {  	[hbm4b:s1+s3] =	stream.linear.scatter [tilespmem:s24], [sflag:$0x7], $0x2800, $0x38;
	[tilespmem:$0x15400] =	vst v63  }
0x1c5: {  	_ =	swait.ge [sflag:s25], $0x2800  }
0x1c6: {  	[sflag:s25] =	ssyncset.done $0x0  }
0x1c7: {  	s28 =	simm.s32 $0x70;
	s1 =	simm.s32 $0x12E00;
	[sflag:s25] =	ssyncadd.s32 $0xFFFFD800  }
.LBB2_9:
0x1c8: {  	s20 =	sadd.s32 $0xFFFFFF90, s28  }
0x1c9: {  	v1 =	vmov s20  }
0x1ca: {  	v1 =	vshll.u32 v1, $0x3  }
0x1cb: {  	v1 =	vor.u32 v0, v1  }
0x1cc: {  	v2 =	vor.u32 $0x1, v1  }
0x1cd: {  	v3 =	vor.u32 $0x2, v1  }
0x1ce: {  	v4 =	vor.u32 $0x3, v1  }
0x1cf: {  	v5 =	vor.u32 $0x4, v1  }
0x1d0: {  	v7 =	vor.u32 $0x5, v1;
	v6 =	vld.idx.msk [tilespmem:v1+s18+$0x0], $0xffff  }
0x1d1: {  	v8 =	vor.u32 $0x6, v1;
	v2 =	vld.idx.msk [tilespmem:v2+s18+$0x0], $0xffff  }
0x1d2: {  	v1 =	vor.u32 $0x7, v1;
	v3 =	vld.idx.msk [tilespmem:v3+s18+$0x0], $0xffff  }
0x1d3: {  	v4 =	vld.idx.msk [tilespmem:v4+s18+$0x0], $0xffff  }
0x1d4: {  	v5 =	vld.idx.msk [tilespmem:v5+s18+$0x0], $0xffff  }
0x1d5: {  	v7 =	vld.idx.msk [tilespmem:v7+s18+$0x0], $0xffff  }
0x1d6: {  	v8 =	vld.idx.msk [tilespmem:v8+s18+$0x0], $0xffff  }
0x1d7: {  	s29 =	sadd.s32 $0xFFFFFFA0, s28;
	v1 =	vld.idx.msk [tilespmem:v1+s18+$0x0], $0xffff;
	[tilespmem:s1+$0xFFFFFE00] =	vst v6  }
0x1d8: {  	[tilespmem:s1+$0xFFFFFE80] =	vst v2;
	v2 =	vmov s29  }
0x1d9: {  	[tilespmem:s1+$0xFFFFFF00] =	vst v3;
	v2 =	vshll.u32 v2, $0x3  }
0x1da: {  	[tilespmem:s1+$0xFFFFFF80] =	vst v4;
	v2 =	vor.u32 v0, v2  }
0x1db: {  	[tilespmem:s1+$0x0] =	vst v5;
	v3 =	vor.u32 $0x1, v2  }
0x1dc: {  	[tilespmem:s1+$0x80] =	vst v7;
	v36 =	vor.u32 $0x2, v2  }
0x1dd: {  	[tilespmem:s1+$0x100] =	vst v8;
	v37 =	vor.u32 $0x3, v2  }
0x1de: {  	v38 =	vor.u32 $0x5, v2;
	[tilespmem:s1+$0x180] =	vst v1  }
0x1df: {  	v39 =	vor.u32 $0x6, v2;
	v6 =	vld.idx.msk [tilespmem:v2+s18+$0x0], $0xffff  }
0x1e0: {  	v1 =	vor.u32 $0x4, v2;
	v3 =	vld.idx.msk [tilespmem:v3+s18+$0x0], $0xffff  }
0x1e1: {  	v2 =	vor.u32 $0x7, v2;
	v4 =	vld.idx.msk [tilespmem:v36+s18+$0x0], $0xffff  }
0x1e2: {  	v5 =	vld.idx.msk [tilespmem:v37+s18+$0x0], $0xffff  }
0x1e3: {  	v7 =	vld.idx.msk [tilespmem:v38+s18+$0x0], $0xffff  }
0x1e4: {  	v8 =	vld.idx.msk [tilespmem:v39+s18+$0x0], $0xffff  }
0x1e5: {  	v1 =	vld.idx.msk [tilespmem:v1+s18+$0x0], $0xffff  }
0x1e6: {  	s30 =	sadd.s32 $0xFFFFFFB0, s28;
	v2 =	vld.idx.msk [tilespmem:v2+s18+$0x0], $0xffff;
	[tilespmem:s1+$0xFFFFFE10] =	vst v6  }
0x1e7: {  	[tilespmem:s1+$0xFFFFFE90] =	vst v3;
	v3 =	vmov s30  }
0x1e8: {  	[tilespmem:s1+$0xFFFFFF10] =	vst v4;
	v3 =	vshll.u32 v3, $0x3  }
0x1e9: {  	[tilespmem:s1+$0xFFFFFF90] =	vst v5;
	v3 =	vor.u32 v0, v3  }
0x1ea: {  	[tilespmem:s1+$0x10] =	vst v1;
	v1 =	vor.u32 $0x1, v3  }
0x1eb: {  	[tilespmem:s1+$0x90] =	vst v7;
	v40 =	vor.u32 $0x2, v3  }
0x1ec: {  	[tilespmem:s1+$0x110] =	vst v8;
	v41 =	vor.u32 $0x3, v3  }
0x1ed: {  	v42 =	vor.u32 $0x5, v3;
	[tilespmem:s1+$0x190] =	vst v2  }
0x1ee: {  	v43 =	vor.u32 $0x6, v3;
	v6 =	vld.idx.msk [tilespmem:v3+s18+$0x0], $0xffff  }
0x1ef: {  	v2 =	vor.u32 $0x4, v3;
	v1 =	vld.idx.msk [tilespmem:v1+s18+$0x0], $0xffff  }
0x1f0: {  	v3 =	vor.u32 $0x7, v3;
	v4 =	vld.idx.msk [tilespmem:v40+s18+$0x0], $0xffff  }
0x1f1: {  	v5 =	vld.idx.msk [tilespmem:v41+s18+$0x0], $0xffff  }
0x1f2: {  	v7 =	vld.idx.msk [tilespmem:v42+s18+$0x0], $0xffff  }
0x1f3: {  	v8 =	vld.idx.msk [tilespmem:v43+s18+$0x0], $0xffff  }
0x1f4: {  	v2 =	vld.idx.msk [tilespmem:v2+s18+$0x0], $0xffff  }
0x1f5: {  	s31 =	sadd.s32 $0xFFFFFFC0, s28;
	v3 =	vld.idx.msk [tilespmem:v3+s18+$0x0], $0xffff;
	[tilespmem:s1+$0xFFFFFE20] =	vst v6  }
0x1f6: {  	[tilespmem:s1+$0xFFFFFEA0] =	vst v1;
	v1 =	vmov s31  }
0x1f7: {  	[tilespmem:s1+$0xFFFFFF20] =	vst v4;
	v1 =	vshll.u32 v1, $0x3  }
0x1f8: {  	[tilespmem:s1+$0xFFFFFFA0] =	vst v5;
	v1 =	vor.u32 v0, v1  }
0x1f9: {  	[tilespmem:s1+$0x20] =	vst v2;
	v2 =	vor.u32 $0x1, v1  }
0x1fa: {  	[tilespmem:s1+$0xA0] =	vst v7;
	v44 =	vor.u32 $0x2, v1  }
0x1fb: {  	[tilespmem:s1+$0x120] =	vst v8;
	v45 =	vor.u32 $0x3, v1  }
0x1fc: {  	v46 =	vor.u32 $0x5, v1;
	[tilespmem:s1+$0x1A0] =	vst v3  }
0x1fd: {  	v47 =	vor.u32 $0x6, v1;
	v6 =	vld.idx.msk [tilespmem:v1+s18+$0x0], $0xffff  }
0x1fe: {  	v3 =	vor.u32 $0x4, v1;
	v2 =	vld.idx.msk [tilespmem:v2+s18+$0x0], $0xffff  }
0x1ff: {  	v1 =	vor.u32 $0x7, v1;
	v4 =	vld.idx.msk [tilespmem:v44+s18+$0x0], $0xffff  }
0x200: {  	v5 =	vld.idx.msk [tilespmem:v45+s18+$0x0], $0xffff  }
0x201: {  	v7 =	vld.idx.msk [tilespmem:v46+s18+$0x0], $0xffff  }
0x202: {  	v8 =	vld.idx.msk [tilespmem:v47+s18+$0x0], $0xffff  }
0x203: {  	v3 =	vld.idx.msk [tilespmem:v3+s18+$0x0], $0xffff  }
0x204: {  	s29 =	sadd.s32 $0xFFFFFFD0, s28;
	v1 =	vld.idx.msk [tilespmem:v1+s18+$0x0], $0xffff;
	[tilespmem:s1+$0xFFFFFE30] =	vst v6  }
0x205: {  	[tilespmem:s1+$0xFFFFFEB0] =	vst v2;
	v2 =	vmov s29  }
0x206: {  	[tilespmem:s1+$0xFFFFFF30] =	vst v4;
	v2 =	vshll.u32 v2, $0x3  }
0x207: {  	[tilespmem:s1+$0xFFFFFFB0] =	vst v5;
	v2 =	vor.u32 v0, v2  }
0x208: {  	[tilespmem:s1+$0x30] =	vst v3;
	v3 =	vor.u32 $0x1, v2  }
0x209: {  	[tilespmem:s1+$0xB0] =	vst v7;
	v48 =	vor.u32 $0x2, v2  }
0x20a: {  	[tilespmem:s1+$0x130] =	vst v8;
	v49 =	vor.u32 $0x3, v2  }
0x20b: {  	v50 =	vor.u32 $0x5, v2;
	[tilespmem:s1+$0x1B0] =	vst v1  }
0x20c: {  	v51 =	vor.u32 $0x6, v2;
	v6 =	vld.idx.msk [tilespmem:v2+s18+$0x0], $0xffff  }
0x20d: {  	v1 =	vor.u32 $0x4, v2;
	v3 =	vld.idx.msk [tilespmem:v3+s18+$0x0], $0xffff  }
0x20e: {  	v2 =	vor.u32 $0x7, v2;
	v4 =	vld.idx.msk [tilespmem:v48+s18+$0x0], $0xffff  }
0x20f: {  	v5 =	vld.idx.msk [tilespmem:v49+s18+$0x0], $0xffff  }
0x210: {  	v7 =	vld.idx.msk [tilespmem:v50+s18+$0x0], $0xffff  }
0x211: {  	v8 =	vld.idx.msk [tilespmem:v51+s18+$0x0], $0xffff  }
0x212: {  	v1 =	vld.idx.msk [tilespmem:v1+s18+$0x0], $0xffff  }
0x213: {  	s30 =	sadd.s32 $0xFFFFFFE0, s28;
	v2 =	vld.idx.msk [tilespmem:v2+s18+$0x0], $0xffff;
	[tilespmem:s1+$0xFFFFFE40] =	vst v6  }
0x214: {  	[tilespmem:s1+$0xFFFFFEC0] =	vst v3;
	v3 =	vmov s30  }
0x215: {  	[tilespmem:s1+$0xFFFFFF40] =	vst v4;
	v3 =	vshll.u32 v3, $0x3  }
0x216: {  	[tilespmem:s1+$0xFFFFFFC0] =	vst v5;
	v3 =	vor.u32 v0, v3  }
0x217: {  	[tilespmem:s1+$0x40] =	vst v1;
	v1 =	vor.u32 $0x1, v3  }
0x218: {  	[tilespmem:s1+$0xC0] =	vst v7;
	v52 =	vor.u32 $0x2, v3  }
0x219: {  	[tilespmem:s1+$0x140] =	vst v8;
	v53 =	vor.u32 $0x3, v3  }
0x21a: {  	v54 =	vor.u32 $0x5, v3;
	[tilespmem:s1+$0x1C0] =	vst v2  }
0x21b: {  	v55 =	vor.u32 $0x6, v3;
	v6 =	vld.idx.msk [tilespmem:v3+s18+$0x0], $0xffff  }
0x21c: {  	v2 =	vor.u32 $0x4, v3;
	v1 =	vld.idx.msk [tilespmem:v1+s18+$0x0], $0xffff  }
0x21d: {  	v3 =	vor.u32 $0x7, v3;
	v4 =	vld.idx.msk [tilespmem:v52+s18+$0x0], $0xffff  }
0x21e: {  	v5 =	vld.idx.msk [tilespmem:v53+s18+$0x0], $0xffff  }
0x21f: {  	v7 =	vld.idx.msk [tilespmem:v54+s18+$0x0], $0xffff  }
0x220: {  	v8 =	vld.idx.msk [tilespmem:v55+s18+$0x0], $0xffff  }
0x221: {  	v2 =	vld.idx.msk [tilespmem:v2+s18+$0x0], $0xffff  }
0x222: {  	s31 =	sadd.s32 $0xFFFFFFF0, s28;
	v3 =	vld.idx.msk [tilespmem:v3+s18+$0x0], $0xffff;
	[tilespmem:s1+$0xFFFFFE50] =	vst v6  }
0x223: {  	[tilespmem:s1+$0xFFFFFED0] =	vst v1;
	v1 =	vmov s31  }
0x224: {  	[tilespmem:s1+$0xFFFFFF50] =	vst v4;
	v1 =	vshll.u32 v1, $0x3  }
0x225: {  	[tilespmem:s1+$0xFFFFFFD0] =	vst v5;
	v1 =	vor.u32 v0, v1  }
0x226: {  	[tilespmem:s1+$0x50] =	vst v2;
	v2 =	vor.u32 $0x1, v1  }
0x227: {  	[tilespmem:s1+$0xD0] =	vst v7;
	v56 =	vor.u32 $0x2, v1  }
0x228: {  	[tilespmem:s1+$0x150] =	vst v8;
	v57 =	vor.u32 $0x3, v1  }
0x229: {  	v58 =	vor.u32 $0x5, v1;
	[tilespmem:s1+$0x1D0] =	vst v3  }
0x22a: {  	v59 =	vor.u32 $0x6, v1;
	v6 =	vld.idx.msk [tilespmem:v1+s18+$0x0], $0xffff  }
0x22b: {  	v3 =	vor.u32 $0x4, v1;
	v2 =	vld.idx.msk [tilespmem:v2+s18+$0x0], $0xffff  }
0x22c: {  	v1 =	vor.u32 $0x7, v1;
	v4 =	vld.idx.msk [tilespmem:v56+s18+$0x0], $0xffff  }
0x22d: {  	v5 =	vld.idx.msk [tilespmem:v57+s18+$0x0], $0xffff  }
0x22e: {  	v7 =	vld.idx.msk [tilespmem:v58+s18+$0x0], $0xffff  }
0x22f: {  	v8 =	vld.idx.msk [tilespmem:v59+s18+$0x0], $0xffff  }
0x230: {  	v3 =	vld.idx.msk [tilespmem:v3+s18+$0x0], $0xffff  }
0x231: {  	v1 =	vld.idx.msk [tilespmem:v1+s18+$0x0], $0xffff;
	[tilespmem:s1+$0xFFFFFE60] =	vst v6  }
0x232: {  	[tilespmem:s1+$0xFFFFFEE0] =	vst v2;
	v2 =	vmov s28  }
0x233: {  	[tilespmem:s1+$0xFFFFFF60] =	vst v4;
	v2 =	vshll.u32 v2, $0x3  }
0x234: {  	[tilespmem:s1+$0xFFFFFFE0] =	vst v5;
	v2 =	vor.u32 v0, v2  }
0x235: {  	[tilespmem:s1+$0x60] =	vst v3;
	v3 =	vor.u32 $0x1, v2  }
0x236: {  	[tilespmem:s1+$0xE0] =	vst v7;
	v60 =	vor.u32 $0x2, v2  }
0x237: {  	[tilespmem:s1+$0x160] =	vst v8;
	v61 =	vor.u32 $0x3, v2  }
0x238: {  	v62 =	vor.u32 $0x5, v2;
	[tilespmem:s1+$0x1E0] =	vst v1  }
0x239: {  	v63 =	vor.u32 $0x6, v2;
	v6 =	vld.idx.msk [tilespmem:v2+s18+$0x0], $0xffff  }
0x23a: {  	v1 =	vor.u32 $0x4, v2;
	v3 =	vld.idx.msk [tilespmem:v3+s18+$0x0], $0xffff  }
0x23b: {  	v2 =	vor.u32 $0x7, v2;
	v4 =	vld.idx.msk [tilespmem:v60+s18+$0x0], $0xffff  }
0x23c: {  	v5 =	vld.idx.msk [tilespmem:v61+s18+$0x0], $0xffff  }
0x23d: {  	v7 =	vld.idx.msk [tilespmem:v62+s18+$0x0], $0xffff  }
0x23e: {  	v8 =	vld.idx.msk [tilespmem:v63+s18+$0x0], $0xffff  }
0x23f: {  	v1 =	vld.idx.msk [tilespmem:v1+s18+$0x0], $0xffff  }
0x240: {  	v2 =	vld.idx.msk [tilespmem:v2+s18+$0x0], $0xffff;
	[tilespmem:s1+$0xFFFFFE70] =	vst v6  }
0x241: {  	[tilespmem:s1+$0xFFFFFEF0] =	vst v3  }
0x242: {  	p0 =	sne.s32 s28, $0x4F0;
	[tilespmem:s1+$0xFFFFFF70] =	vst v4  }
.Ltmp3:
0x243: {  	[tilespmem:s1+$0xFFFFFFF0] =	vst v5;
	(pc) =	sbr.rel @p0 .LBB2_9-.Ltmp3, $4  }
0x244: {  	[tilespmem:s1+$0xF0] =	vst v7  }
0x245: {  	[tilespmem:s1+$0x170] =	vst v8  }
0x246: {  	[tilespmem:s1+$0x70] =	vst v1  }
0x247: {  	s28 =	sadd.s32 $0x80, s28;
	[tilespmem:s1+$0x1F0] =	vst v2;
	s1 =	sadd.s32 $0x400, s1  }
0x248: {  	s0 =	sadd.s32 $0x1, s0  }
0x249: {  	p0 =	sne.s32 s0, $0x14  }
.Ltmp4:
0x24a: {  	_ = 	snop;
	(pc) =	sbr.rel @p0 .LBB2_2-.Ltmp4, $4  }
0x24b: {  	s1 =	sshll.u32 s10, $0x7  }
0x24c: {  	s1 =	sand.u32 $0x1FFFFF00, s1  }
0x24d: {  	s1 =	sadd.s32 s2, s1  }
0x24e: {  	[hbm4b:s1+s3] =	stream.linear.scatter [tilespmem:s26], [sflag:$0x8], $0x2800, $0x38;
	[tilespmem:$0x15400] =	vst v63  }
0x24f: {  	s0 =	simm.s32 $0x5  }
0x250: {  	_ =	swait.ge [sflag:s0], $0x2800  }
0x251: {  	[sflag:s0] =	ssyncset.done $0x0  }
0x252: {  	s29 =	simm.s32 $0x6;
	[sflag:s0] =	ssyncadd.s32 $0xFFFFD800  }
0x253: {  	_ =	swait.ge [sflag:s29], $0x2800  }
0x254: {  	[sflag:s29] =	ssyncset.done $0x0  }
0x255: {  	s30 =	simm.s32 $0x7;
	[sflag:s29] =	ssyncadd.s32 $0xFFFFD800  }
0x256: {  	_ =	swait.ge [sflag:s30], $0x2800  }
0x257: {  	[sflag:s30] =	ssyncset.done $0x0  }
0x258: {  	s1 =	simm.s32 $0x8;
	[sflag:s30] =	ssyncadd.s32 $0xFFFFD800  }
0x259: {  	_ =	swait.ge [sflag:s1], $0x2800  }
0x25a: {  	s10 =	rddreg [dreg:$0x4]  }
0x25b: {  	s31 =	rddreg [dreg:$0x3];
	s10 =	sadd.s32 $0x1, s10  }
0x25c: {  	p0 =	sne.s32 s10, s31  }
.Ltmp5:
0x25d: {  	_ = 	snop;
	(pc) =	sbr.rel @p0 .LBB2_1-.Ltmp5, $3  }
0x25e: {  	_ =	sdelay $0x1  }
0x25f: {  	[sflag:s1] =	ssyncset.done $0x0  }
0x260: {  	[sflag:s1] =	ssyncadd.s32 $0xFFFFD800  }
0x261: {  	_ =	sfence.sel $0x180000  }
0x262: {  	[bflag:$0x0] =	sbarrier.arrive $0xFFFF  }
0x263: {  	_ =	strace $0x9000004A  }
0x264: {  	s0 =	stileid.u32;
	[bflag:$0x2] =	sbarrier.arrive $0xFFFF  }
0x265: {  	p0 =	sne.s32 s0, $0x0;
	s0 =	rddreg [dreg:$0x2]  }
0x266: {  	s0 =	sadd.s32 @!p0 $0x100000, s0  }
0x267: {  	[sflag:s0] =	ssyncadd.tile.s32 @!p0 $0x1;
	_ =	shalt  }
.Lfunc_end2:
_tile_overlayer_lowered:
.L_overlay_start_2:
0x268: {  	(tag) =	ssettag $0x2  }
0x269: {  	s0 =	rddreg [dreg:$0x0];
	s2 =	stileid.u32  }
0x26a: {  	s1 =	rddreg [dreg:$0x1];
	p0 =	sne.s32 s2, $0x0  }
0x26b: {  	s3 =	rddreg [dreg:$0x2];
	[bflag:$0x3] =	sbarrier.arrive $0xFFFF;
	s2 =	simm.s32 @!p0 $0x1C09  }
0x26c: {  	[timem:s3], [sflag:s2] =	dma.local @!p0 [hbm:s0], s1  }
0x26d: {  	s0 =	simm.s32 @!p0 $0x9  }
0x26e: {  	_ =	swait.ge @!p0 [sflag:s0], s1  }
0x26f: {  	s1 =	ssub.s32 @!p0 $0x0, s1;
	[sflag:s0] =	ssyncset.done @!p0 $0x0  }
0x270: {  	[sflag:s0] =	ssyncadd.s32 @!p0 s1  }
0x271: {  	[bflag:$0x3] =	sbarrier.arrive $0xFFFF  }
0x272: {  	_ =	shalt  }

</sc_bundles>
